<compile_context>
chip_gen: v7x
topology: tpu7x:2x2x1
jax: 0.10.2.dev20260603
libtpu: 0.0.44.dev20260713+nightly
codegen_flags: <defaults>
</compile_context>

<pallas_src>
import functools

import jax
import jax.numpy as jnp
from jax import lax
from jax.experimental import pallas as pl
from jax.experimental.pallas import tpu as pltpu
from jax.experimental.pallas import tpu_sc as plsc

NUM_EXPERTS = 64
TOP_K = 8
N_GROUP = 8
TOPK_GROUP = 4
EPG = NUM_EXPERTS // N_GROUP
HIDDEN = 2048
TOKENS = 8192
SCALING = 2.5

NC, NS, L = 2, 16, 16
NW = NC * NS
TPW = TOKENS // NW
NB = TPW // L

TB = 1024


def _score_body(w_ref, h_ref, b_ref, o_ref, brep_ref):
    logits = lax.dot_general(
        w_ref[...],
        h_ref[...],
        (((1,), (1,)), ((), ())),
        preferred_element_type=jnp.float32,
    )
    o_ref[...] = jax.nn.sigmoid(logits) + b_ref[...]
    brep_ref[...] = jnp.broadcast_to(b_ref[...], (NUM_EXPERTS, L))


def _scores(hidden_states, weight, bias_col):
    return pl.pallas_call(
        _score_body,
        grid=(TOKENS // TB,),
        in_specs=[
            pl.BlockSpec((NUM_EXPERTS, HIDDEN), lambda i: (0, 0)),
            pl.BlockSpec((TB, HIDDEN), lambda i: (i, 0)),
            pl.BlockSpec((NUM_EXPERTS, 1), lambda i: (0, 0)),
        ],
        out_specs=[
            pl.BlockSpec((NUM_EXPERTS, TB), lambda i: (0, i)),
            pl.BlockSpec((NUM_EXPERTS, L), lambda i: (0, 0)),
        ],
        out_shape=[
            jax.ShapeDtypeStruct((NUM_EXPERTS, TOKENS), jnp.float32),
            jax.ShapeDtypeStruct((NUM_EXPERTS, L), jnp.float32),
        ],
    )(weight, hidden_states, bias_col)


_mesh = plsc.VectorSubcoreMesh(
    core_axis_name="c", subcore_axis_name="s", num_cores=NC, num_subcores=NS
)


def _merge(av, ai, bv, bi):
    gt = bv > av
    return jnp.where(gt, bv, av), jnp.where(gt, bi, ai)


def _tournament8(vals, idxs):
    m01 = _merge(vals[0], idxs[0], vals[1], idxs[1])
    m23 = _merge(vals[2], idxs[2], vals[3], idxs[3])
    m45 = _merge(vals[4], idxs[4], vals[5], idxs[5])
    m67 = _merge(vals[6], idxs[6], vals[7], idxs[7])
    ma = _merge(*m01, *m23)
    mb = _merge(*m45, *m67)
    return _merge(*ma, *mb)


@functools.partial(
    pl.kernel,
    out_type=(
        jax.ShapeDtypeStruct((TOP_K, TOKENS), jnp.float32),
        jax.ShapeDtypeStruct((TOP_K, TOKENS), jnp.int32),
    ),
    mesh=_mesh,
    compiler_params=pltpu.CompilerParams(needs_layout_passes=False),
    scratch_types=[
        pltpu.VMEM((NUM_EXPERTS, TPW), jnp.float32),
        pltpu.VMEM((NUM_EXPERTS, L), jnp.float32),
        pltpu.VMEM((NB * N_GROUP * L,), jnp.float32),
        pltpu.VMEM((TOP_K, TPW), jnp.float32),
        pltpu.VMEM((TOP_K, TPW), jnp.int32),
    ],
)
def _route(corr_hbm, bias_hbm, rw_hbm, se_hbm, corr_v, bias_v, mask_v, rw_v, se_v):
    wid = lax.axis_index("s") * NC + lax.axis_index("c")
    base = wid * TPW
    pltpu.sync_copy(corr_hbm.at[:, pl.ds(base, TPW)], corr_v)
    pltpu.sync_copy(bias_hbm, bias_v)
    iota = lax.iota(jnp.int32, L)
    neg = jnp.full((L,), -jnp.inf, jnp.float32)
    zero_i = jnp.zeros((L,), jnp.int32)

    @plsc.parallel_loop(0, NB, 1, unroll=2)
    def batch(b):
        t0 = b * L
        tloc = t0 + iota
        moff = b * (N_GROUP * L)

        top1 = []
        idx1 = []
        gs = []
        v0s = []
        for g in range(N_GROUP):
            t1 = neg
            t2 = neg
            i1 = zero_i
            for j in range(EPG):
                e = g * EPG + j
                v = corr_v[e, pl.ds(t0, L)]
                if j == 0:
                    v0s.append(v)
                gt = v > t1
                t2 = jnp.where(gt, t1, jnp.maximum(t2, v))
                i1 = jnp.where(gt, jnp.int32(e), i1)
                t1 = jnp.where(gt, v, t1)
            top1.append(t1)
            idx1.append(i1)
            gs.append(t1 + t2)

        gmask = [jnp.zeros((L,), jnp.float32) for _ in range(N_GROUP)]
        gidx = [zero_i + g for g in range(N_GROUP)]
        for _ in range(TOPK_GROUP):
            _, bestg = _tournament8(gs, gidx)
            for g in range(N_GROUP):
                sel = bestg == g
                gmask[g] = jnp.where(sel, 1.0, gmask[g])
                gs[g] = jnp.where(sel, neg, gs[g])

        gmax = []
        gae = []
        for g in range(N_GROUP):
            z = v0s[g] * jnp.float32(0.0)
            sel = gmask[g] > 0.0
            gmax.append(jnp.where(sel, top1[g], z))
            gae.append(jnp.where(sel, idx1[g], jnp.int32(g * EPG)))
            mask_v[pl.ds(moff + g * L, L)] = gmask[g]

        tot = None
        rws = []
        for k in range(TOP_K):
            pv, pe = _tournament8(gmax, gae)
            se_v[k, pl.ds(t0, L)] = pe
            cv = plsc.load_gather(corr_v, [pe, tloc])
            bv = plsc.load_gather(bias_v, [pe, iota])
            w = cv - bv
            rws.append(w)
            tot = w if tot is None else tot + w
            bestg = lax.shift_right_logical(pe, 3)
            msel = plsc.load_gather(mask_v, [moff + lax.shift_left(bestg, 4) + iota])
            eb = lax.shift_left(bestg, 3)
            cands = []
            eidx = []
            for j in range(EPG):
                ej = eb + j
                vm = plsc.load_gather(corr_v, [ej, tloc]) * msel
                lt = (vm < pv) | ((vm == pv) & (ej > pe))
                cands.append(jnp.where(lt, vm, neg))
                eidx.append(ej)
            gm, ga = _tournament8(cands, eidx)
            for g in range(N_GROUP):
                sel = bestg == g
                gmax[g] = jnp.where(sel, gm, gmax[g])
                gae[g] = jnp.where(sel, ga, gae[g])

        scale = jnp.float32(SCALING) / (tot + jnp.float32(1e-20))
        for k in range(TOP_K):
            rw_v[k, pl.ds(t0, L)] = rws[k] * scale

    pltpu.sync_copy(rw_v, rw_hbm.at[:, pl.ds(base, TPW)])
    pltpu.sync_copy(se_v, se_hbm.at[:, pl.ds(base, TPW)])


def kernel(hidden_states, weight, e_score_correction_bias):
    corrected_t, bias_rep = _scores(
        hidden_states, weight, e_score_correction_bias[:, None]
    )
    rw_t, se_t = _route(corrected_t, bias_rep)
    return rw_t.T, se_t.T

# --- scband reference (transcript-rebuilt; emitter-appended) ---
"""Pipeline reference for scband-deep-seek-mo-egate-44341242364161 (READ-ONLY COPY).

The authoritative reference and input builder live on the scoring server;
editing this copy changes nothing except your own understanding.
"""

import jax, jax.numpy as jnp
import numpy as np

NUM_EXPERTS = 64
TOP_K = 8
N_GROUP = 8
TOPK_GROUP = 4
HIDDEN = 2048
TOKENS = 8192
ROUTED_SCALING_FACTOR = 2.5
NORM_TOPK_PROB = True
EXPERTS_PER_GROUP = NUM_EXPERTS // N_GROUP


def setup_inputs(seed: int = 0) -> dict:
    key = jax.random.key(seed)
    k1, k2, k3 = jax.random.split(key, 3)
    hidden_states = jax.random.normal(k1, (TOKENS, HIDDEN), dtype=jnp.float32)
    weight = jax.random.normal(k2, (NUM_EXPERTS, HIDDEN), dtype=jnp.float32) * 0.02
    e_score_correction_bias = jax.random.normal(k3, (NUM_EXPERTS,), dtype=jnp.float32) * 0.01
    return {
        "hidden_states": hidden_states,
        "weight": weight,
        "e_score_correction_bias": e_score_correction_bias,
    }


def reference(hidden_states, weight, e_score_correction_bias):
    # router logits: [T, E]
    router_logits = hidden_states.astype(jnp.float32) @ weight.T
    # sigmoid scoring (DeepSeek-V3 noaux_tc)
    scores = jax.nn.sigmoid(router_logits)
    scores_for_choice = scores + e_score_correction_bias[None, :]
    T = scores_for_choice.shape[0]
    # group-limited topk selection
    scores_grouped = scores_for_choice.reshape(T, N_GROUP, EXPERTS_PER_GROUP)
    group_top2, _ = jax.lax.top_k(scores_grouped, 2)
    group_scores = jnp.sum(group_top2, axis=-1)  # [T, n_group]
    _, group_indices = jax.lax.top_k(group_scores, TOPK_GROUP)  # [T, topk_group]
    group_mask = jnp.max(jax.nn.one_hot(group_indices, N_GROUP, dtype=scores.dtype), axis=1)  # [T, n_group]
    expert_mask = jnp.broadcast_to(
        group_mask[:, :, None], (T, N_GROUP, EXPERTS_PER_GROUP)
    ).reshape(T, NUM_EXPERTS)
    masked_scores = scores_for_choice * expert_mask
    # topk expert selection on masked corrected scores
    _, selected_experts = jax.lax.top_k(masked_scores, TOP_K)  # [T, top_k]
    # gather ORIGINAL (uncorrected) scores for routing weights
    routing_weights = jnp.take_along_axis(scores, selected_experts, axis=-1)
    if NORM_TOPK_PROB:
        denom = jnp.sum(routing_weights, axis=-1, keepdims=True) + 1e-20
        routing_weights = routing_weights / denom
    routing_weights = routing_weights * ROUTED_SCALING_FACTOR
    return routing_weights, selected_experts

if __name__ == "__main__":
    import jax
    _d = setup_inputs()
    print(jax.jit(kernel)(*tuple(_d.values())))

</pallas_src>

<mosaic_0001>
#map = affine_map<(d0, d1) -> (0, 0)>
module attributes {stable_mosaic.version = 14 : i64} {
  func.func @_route(%arg0: i32, %arg1: i32, %arg2: memref<64x8192xf32, #tpu.memory_space<hbm>>, %arg3: memref<64x16xf32, #tpu.memory_space<hbm>>, %arg4: memref<8x8192xf32, #tpu.memory_space<hbm>>, %arg5: memref<8x8192xi32, #tpu.memory_space<hbm>>, %arg6: memref<64x256xf32, #tpu.memory_space<vmem>>, %arg7: memref<64x16xf32, #tpu.memory_space<vmem>>, %arg8: memref<2048xf32, #tpu.memory_space<vmem>>, %arg9: memref<8x256xf32, #tpu.memory_space<vmem>>, %arg10: memref<8x256xi32, #tpu.memory_space<vmem>>) attributes {dimension_semantics = [#tpu.dimension_semantics<core_parallel>, #tpu.dimension_semantics<subcore_parallel>], iteration_bounds = array<i64: 2, 16>, scalar_prefetch = 0 : i64, scratch_operands = 5 : i64, tpu.core_type = #tpu.core_type<sc_vector_subcore>, window_params = [{transform_indices = #map}, {transform_indices = #map}, {transform_indices = #map}, {transform_indices = #map}]} {
    %mul3A = arith.constant 2 : i32
    %mul3A_0 = arith.muli %arg1, %mul3A : i32
    %add3A = arith.addi %mul3A_0, %arg0 : i32
    %mul3A_1 = arith.constant 256 : i32
    %mul3A_2 = arith.muli %add3A, %mul3A_1 : i32
    "tpu.region"() ({
      %run_scoped3A = tpu.sem_alloc : memref<!tpu.dma_semaphore, #tpu.memory_space<semaphore_mem>>
      %dma_start3A = arith.constant 0 : i32
      %dma_start3A_8 = tpu.memref_slice %arg2[%dma_start3A, %mul3A_2] : memref<64x8192xf32, #tpu.memory_space<hbm>> -> memref<64x256xf32, #tpu.memory_space<hbm>>
      %dma_start3A_9 = arith.constant 0 : i32
      %dma_start3A_10 = tpu.memref_slice %arg2[%dma_start3A_9, %mul3A_2] : memref<64x8192xf32, #tpu.memory_space<hbm>> -> memref<64x256xf32, #tpu.memory_space<hbm>>
      tpu.enqueue_dma source(%dma_start3A_10 : memref<64x256xf32, #tpu.memory_space<hbm>>) target(%arg6 : memref<64x256xf32, #tpu.memory_space<vmem>>) target_semaphore(%run_scoped3A : memref<!tpu.dma_semaphore, #tpu.memory_space<semaphore_mem>>)
      %dma_wait3A = arith.constant 0 : i32
      %dma_wait3A_11 = tpu.memref_slice %arg2[%dma_wait3A, %mul3A_2] : memref<64x8192xf32, #tpu.memory_space<hbm>> -> memref<64x256xf32, #tpu.memory_space<hbm>>
      %dma_wait3A_12 = arith.constant 0 : i32
      %dma_wait3A_13 = tpu.memref_slice %arg2[%dma_wait3A_12, %mul3A_2] : memref<64x8192xf32, #tpu.memory_space<hbm>> -> memref<64x256xf32, #tpu.memory_space<hbm>>
      tpu.wait_dma2 semaphore(%run_scoped3A : memref<!tpu.dma_semaphore, #tpu.memory_space<semaphore_mem>>) src(%dma_wait3A_13 : memref<64x256xf32, #tpu.memory_space<hbm>>) dst(%arg6 : memref<64x256xf32, #tpu.memory_space<vmem>>)
      tpu.yield
    }) : () -> ()
    "tpu.region"() ({
      %run_scoped3A = tpu.sem_alloc : memref<!tpu.dma_semaphore, #tpu.memory_space<semaphore_mem>>
      tpu.enqueue_dma source(%arg3 : memref<64x16xf32, #tpu.memory_space<hbm>>) target(%arg7 : memref<64x16xf32, #tpu.memory_space<vmem>>) target_semaphore(%run_scoped3A : memref<!tpu.dma_semaphore, #tpu.memory_space<semaphore_mem>>)
      tpu.wait_dma2 semaphore(%run_scoped3A : memref<!tpu.dma_semaphore, #tpu.memory_space<semaphore_mem>>) src(%arg3 : memref<64x16xf32, #tpu.memory_space<hbm>>) dst(%arg7 : memref<64x16xf32, #tpu.memory_space<vmem>>)
      tpu.yield
    }) : () -> ()
    %iota3A = tpu.iota {dimensions = array<i32: 0>} : vector<16xi32>
    %broadcast_in_dim3A = arith.constant 0xFF800000 : f32
    %broadcast_in_dim3A_3 = vector.broadcast %broadcast_in_dim3A : f32 to vector<16xf32>
    %broadcast_in_dim3A_4 = arith.constant 0 : i32
    %broadcast_in_dim3A_5 = vector.broadcast %broadcast_in_dim3A_4 : i32 to vector<16xi32>
    %parallel_loop3A = arith.constant 0 : i32
    %parallel_loop3A_6 = arith.constant 16 : i32
    %parallel_loop3A_7 = arith.constant 1 : i32
    scf.for %parallel_loop3A_8 = %parallel_loop3A to %parallel_loop3A_6 step %parallel_loop3A_7  : i32 {
      %parallel_loop3A_9 = arith.constant 16 : i32
      %parallel_loop3A_10 = arith.muli %parallel_loop3A_8, %parallel_loop3A_9 : i32
      %parallel_loop3A_11 = vector.broadcast %parallel_loop3A_10 : i32 to vector<16xi32>
      %parallel_loop3A_12 = arith.addi %parallel_loop3A_11, %iota3A : vector<16xi32>
      %parallel_loop3A_13 = arith.constant 128 : i32
      %parallel_loop3A_14 = arith.muli %parallel_loop3A_8, %parallel_loop3A_13 : i32
      %parallel_loop3A_15 = arith.constant 0 : i32
      %parallel_loop3A_16 = arith.index_cast %parallel_loop3A_15 : i32 to index
      %parallel_loop3A_17 = arith.index_cast %parallel_loop3A_10 : i32 to index
      %parallel_loop3A_18 = tpu.vector_load %arg6[%parallel_loop3A_16, %parallel_loop3A_17] {strides = array<i32>} : memref<64x256xf32, #tpu.memory_space<vmem>>, vector<16xf32>,
      %parallel_loop3A_19 = arith.cmpf ogt, %parallel_loop3A_18, %broadcast_in_dim3A_3 : vector<16xf32>
      %parallel_loop3A_20 = arith.maximumf %broadcast_in_dim3A_3, %parallel_loop3A_18 : vector<16xf32>
      %parallel_loop3A_21 = arith.select %parallel_loop3A_19, %broadcast_in_dim3A_3, %parallel_loop3A_20 : vector<16xi1>, vector<16xf32>
      %parallel_loop3A_22 = arith.constant 0 : i32
      %parallel_loop3A_23 = vector.broadcast %parallel_loop3A_22 : i32 to vector<16xi32>
      %parallel_loop3A_24 = arith.select %parallel_loop3A_19, %parallel_loop3A_23, %broadcast_in_dim3A_5 : vector<16xi1>, vector<16xi32>
      %parallel_loop3A_25 = arith.select %parallel_loop3A_19, %parallel_loop3A_18, %broadcast_in_dim3A_3 : vector<16xi1>, vector<16xf32>
      %parallel_loop3A_26 = arith.constant 1 : i32
      %parallel_loop3A_27 = arith.index_cast %parallel_loop3A_26 : i32 to index
      %parallel_loop3A_28 = arith.index_cast %parallel_loop3A_10 : i32 to index
      %parallel_loop3A_29 = tpu.vector_load %arg6[%parallel_loop3A_27, %parallel_loop3A_28] {strides = array<i32>} : memref<64x256xf32, #tpu.memory_space<vmem>>, vector<16xf32>,
      %parallel_loop3A_30 = arith.cmpf ogt, %parallel_loop3A_29, %parallel_loop3A_25 : vector<16xf32>
      %parallel_loop3A_31 = arith.maximumf %parallel_loop3A_21, %parallel_loop3A_29 : vector<16xf32>
      %parallel_loop3A_32 = arith.select %parallel_loop3A_30, %parallel_loop3A_25, %parallel_loop3A_31 : vector<16xi1>, vector<16xf32>
      %parallel_loop3A_33 = arith.constant 1 : i32
      %parallel_loop3A_34 = vector.broadcast %parallel_loop3A_33 : i32 to vector<16xi32>
      %parallel_loop3A_35 = arith.select %parallel_loop3A_30, %parallel_loop3A_34, %parallel_loop3A_24 : vector<16xi1>, vector<16xi32>
      %parallel_loop3A_36 = arith.select %parallel_loop3A_30, %parallel_loop3A_29, %parallel_loop3A_25 : vector<16xi1>, vector<16xf32>
      %parallel_loop3A_37 = arith.constant 2 : i32
      %parallel_loop3A_38 = arith.index_cast %parallel_loop3A_37 : i32 to index
      %parallel_loop3A_39 = arith.index_cast %parallel_loop3A_10 : i32 to index
      %parallel_loop3A_40 = tpu.vector_load %arg6[%parallel_loop3A_38, %parallel_loop3A_39] {strides = array<i32>} : memref<64x256xf32, #tpu.memory_space<vmem>>, vector<16xf32>,
      %parallel_loop3A_41 = arith.cmpf ogt, %parallel_loop3A_40, %parallel_loop3A_36 : vector<16xf32>
      %parallel_loop3A_42 = arith.maximumf %parallel_loop3A_32, %parallel_loop3A_40 : vector<16xf32>
      %parallel_loop3A_43 = arith.select %parallel_loop3A_41, %parallel_loop3A_36, %parallel_loop3A_42 : vector<16xi1>, vector<16xf32>
      %parallel_loop3A_44 = arith.constant 2 : i32
      %parallel_loop3A_45 = vector.broadcast %parallel_loop3A_44 : i32 to vector<16xi32>
      %parallel_loop3A_46 = arith.select %parallel_loop3A_41, %parallel_loop3A_45, %parallel_loop3A_35 : vector<16xi1>, vector<16xi32>
      %parallel_loop3A_47 = arith.select %parallel_loop3A_41, %parallel_loop3A_40, %parallel_loop3A_36 : vector<16xi1>, vector<16xf32>
      %parallel_loop3A_48 = arith.constant 3 : i32
      %parallel_loop3A_49 = arith.index_cast %parallel_loop3A_48 : i32 to index
      %parallel_loop3A_50 = arith.index_cast %parallel_loop3A_10 : i32 to index
      %parallel_loop3A_51 = tpu.vector_load %arg6[%parallel_loop3A_49, %parallel_loop3A_50] {strides = array<i32>} : memref<64x256xf32, #tpu.memory_space<vmem>>, vector<16xf32>,
      %parallel_loop3A_52 = arith.cmpf ogt, %parallel_loop3A_51, %parallel_loop3A_47 : vector<16xf32>
      %parallel_loop3A_53 = arith.maximumf %parallel_loop3A_43, %parallel_loop3A_51 : vector<16xf32>
      %parallel_loop3A_54 = arith.select %parallel_loop3A_52, %parallel_loop3A_47, %parallel_loop3A_53 : vector<16xi1>, vector<16xf32>
      %parallel_loop3A_55 = arith.constant 3 : i32
      %parallel_loop3A_56 = vector.broadcast %parallel_loop3A_55 : i32 to vector<16xi32>
      %parallel_loop3A_57 = arith.select %parallel_loop3A_52, %parallel_loop3A_56, %parallel_loop3A_46 : vector<16xi1>, vector<16xi32>
      %parallel_loop3A_58 = arith.select %parallel_loop3A_52, %parallel_loop3A_51, %parallel_loop3A_47 : vector<16xi1>, vector<16xf32>
      %parallel_loop3A_59 = arith.constant 4 : i32
      %parallel_loop3A_60 = arith.index_cast %parallel_loop3A_59 : i32 to index
      %parallel_loop3A_61 = arith.index_cast %parallel_loop3A_10 : i32 to index
      %parallel_loop3A_62 = tpu.vector_load %arg6[%parallel_loop3A_60, %parallel_loop3A_61] {strides = array<i32>} : memref<64x256xf32, #tpu.memory_space<vmem>>, vector<16xf32>,
      %parallel_loop3A_63 = arith.cmpf ogt, %parallel_loop3A_62, %parallel_loop3A_58 : vector<16xf32>
      %parallel_loop3A_64 = arith.maximumf %parallel_loop3A_54, %parallel_loop3A_62 : vector<16xf32>
      %parallel_loop3A_65 = arith.select %parallel_loop3A_63, %parallel_loop3A_58, %parallel_loop3A_64 : vector<16xi1>, vector<16xf32>
      %parallel_loop3A_66 = arith.constant 4 : i32
      %parallel_loop3A_67 = vector.broadcast %parallel_loop3A_66 : i32 to vector<16xi32>
      %parallel_loop3A_68 = arith.select %parallel_loop3A_63, %parallel_loop3A_67, %parallel_loop3A_57 : vector<16xi1>, vector<16xi32>
      %parallel_loop3A_69 = arith.select %parallel_loop3A_63, %parallel_loop3A_62, %parallel_loop3A_58 : vector<16xi1>, vector<16xf32>
      %parallel_loop3A_70 = arith.constant 5 : i32
      %parallel_loop3A_71 = arith.index_cast %parallel_loop3A_70 : i32 to index
      %parallel_loop3A_72 = arith.index_cast %parallel_loop3A_10 : i32 to index
      %parallel_loop3A_73 = tpu.vector_load %arg6[%parallel_loop3A_71, %parallel_loop3A_72] {strides = array<i32>} : memref<64x256xf32, #tpu.memory_space<vmem>>, vector<16xf32>,
      %parallel_loop3A_74 = arith.cmpf ogt, %parallel_loop3A_73, %parallel_loop3A_69 : vector<16xf32>
      %parallel_loop3A_75 = arith.maximumf %parallel_loop3A_65, %parallel_loop3A_73 : vector<16xf32>
      %parallel_loop3A_76 = arith.select %parallel_loop3A_74, %parallel_loop3A_69, %parallel_loop3A_75 : vector<16xi1>, vector<16xf32>
      %parallel_loop3A_77 = arith.constant 5 : i32
      %parallel_loop3A_78 = vector.broadcast %parallel_loop3A_77 : i32 to vector<16xi32>
      %parallel_loop3A_79 = arith.select %parallel_loop3A_74, %parallel_loop3A_78, %parallel_loop3A_68 : vector<16xi1>, vector<16xi32>
      %parallel_loop3A_80 = arith.select %parallel_loop3A_74, %parallel_loop3A_73, %parallel_loop3A_69 : vector<16xi1>, vector<16xf32>
      %parallel_loop3A_81 = arith.constant 6 : i32
      %parallel_loop3A_82 = arith.index_cast %parallel_loop3A_81 : i32 to index
      %parallel_loop3A_83 = arith.index_cast %parallel_loop3A_10 : i32 to index
      %parallel_loop3A_84 = tpu.vector_load %arg6[%parallel_loop3A_82, %parallel_loop3A_83] {strides = array<i32>} : memref<64x256xf32, #tpu.memory_space<vmem>>, vector<16xf32>,
      %parallel_loop3A_85 = arith.cmpf ogt, %parallel_loop3A_84, %parallel_loop3A_80 : vector<16xf32>
      %parallel_loop3A_86 = arith.maximumf %parallel_loop3A_76, %parallel_loop3A_84 : vector<16xf32>
      %parallel_loop3A_87 = arith.select %parallel_loop3A_85, %parallel_loop3A_80, %parallel_loop3A_86 : vector<16xi1>, vector<16xf32>
      %parallel_loop3A_88 = arith.constant 6 : i32
      %parallel_loop3A_89 = vector.broadcast %parallel_loop3A_88 : i32 to vector<16xi32>
      %parallel_loop3A_90 = arith.select %parallel_loop3A_85, %parallel_loop3A_89, %parallel_loop3A_79 : vector<16xi1>, vector<16xi32>
      %parallel_loop3A_91 = arith.select %parallel_loop3A_85, %parallel_loop3A_84, %parallel_loop3A_80 : vector<16xi1>, vector<16xf32>
      %parallel_loop3A_92 = arith.constant 7 : i32
      %parallel_loop3A_93 = arith.index_cast %parallel_loop3A_92 : i32 to index
      %parallel_loop3A_94 = arith.index_cast %parallel_loop3A_10 : i32 to index
      %parallel_loop3A_95 = tpu.vector_load %arg6[%parallel_loop3A_93, %parallel_loop3A_94] {strides = array<i32>} : memref<64x256xf32, #tpu.memory_space<vmem>>, vector<16xf32>,
      %parallel_loop3A_96 = arith.cmpf ogt, %parallel_loop3A_95, %parallel_loop3A_91 : vector<16xf32>
      %parallel_loop3A_97 = arith.maximumf %parallel_loop3A_87, %parallel_loop3A_95 : vector<16xf32>
      %parallel_loop3A_98 = arith.select %parallel_loop3A_96, %parallel_loop3A_91, %parallel_loop3A_97 : vector<16xi1>, vector<16xf32>
      %parallel_loop3A_99 = arith.constant 7 : i32
      %parallel_loop3A_100 = vector.broadcast %parallel_loop3A_99 : i32 to vector<16xi32>
      %parallel_loop3A_101 = arith.select %parallel_loop3A_96, %parallel_loop3A_100, %parallel_loop3A_90 : vector<16xi1>, vector<16xi32>
      %parallel_loop3A_102 = arith.select %parallel_loop3A_96, %parallel_loop3A_95, %parallel_loop3A_91 : vector<16xi1>, vector<16xf32>
      %parallel_loop3A_103 = arith.addf %parallel_loop3A_102, %parallel_loop3A_98 : vector<16xf32>
      %parallel_loop3A_104 = arith.constant 8 : i32
      %parallel_loop3A_105 = arith.index_cast %parallel_loop3A_104 : i32 to index
      %parallel_loop3A_106 = arith.index_cast %parallel_loop3A_10 : i32 to index
      %parallel_loop3A_107 = tpu.vector_load %arg6[%parallel_loop3A_105, %parallel_loop3A_106] {strides = array<i32>} : memref<64x256xf32, #tpu.memory_space<vmem>>, vector<16xf32>,
      %parallel_loop3A_108 = arith.cmpf ogt, %parallel_loop3A_107, %broadcast_in_dim3A_3 : vector<16xf32>
      %parallel_loop3A_109 = arith.maximumf %broadcast_in_dim3A_3, %parallel_loop3A_107 : vector<16xf32>
      %parallel_loop3A_110 = arith.select %parallel_loop3A_108, %broadcast_in_dim3A_3, %parallel_loop3A_109 : vector<16xi1>, vector<16xf32>
      %parallel_loop3A_111 = arith.constant 8 : i32
      %parallel_loop3A_112 = vector.broadcast %parallel_loop3A_111 : i32 to vector<16xi32>
      %parallel_loop3A_113 = arith.select %parallel_loop3A_108, %parallel_loop3A_112, %broadcast_in_dim3A_5 : vector<16xi1>, vector<16xi32>
      %parallel_loop3A_114 = arith.select %parallel_loop3A_108, %parallel_loop3A_107, %broadcast_in_dim3A_3 : vector<16xi1>, vector<16xf32>
      %parallel_loop3A_115 = arith.constant 9 : i32
      %parallel_loop3A_116 = arith.index_cast %parallel_loop3A_115 : i32 to index
      %parallel_loop3A_117 = arith.index_cast %parallel_loop3A_10 : i32 to index
      %parallel_loop3A_118 = tpu.vector_load %arg6[%parallel_loop3A_116, %parallel_loop3A_117] {strides = array<i32>} : memref<64x256xf32, #tpu.memory_space<vmem>>, vector<16xf32>,
      %parallel_loop3A_119 = arith.cmpf ogt, %parallel_loop3A_118, %parallel_loop3A_114 : vector<16xf32>
      %parallel_loop3A_120 = arith.maximumf %parallel_loop3A_110, %parallel_loop3A_118 : vector<16xf32>
      %parallel_loop3A_121 = arith.select %parallel_loop3A_119, %parallel_loop3A_114, %parallel_loop3A_120 : vector<16xi1>, vector<16xf32>
      %parallel_loop3A_122 = arith.constant 9 : i32
      %parallel_loop3A_123 = vector.broadcast %parallel_loop3A_122 : i32 to vector<16xi32>
      %parallel_loop3A_124 = arith.select %parallel_loop3A_119, %parallel_loop3A_123, %parallel_loop3A_113 : vector<16xi1>, vector<16xi32>
      %parallel_loop3A_125 = arith.select %parallel_loop3A_119, %parallel_loop3A_118, %parallel_loop3A_114 : vector<16xi1>, vector<16xf32>
      %parallel_loop3A_126 = arith.constant 10 : i32
      %parallel_loop3A_127 = arith.index_cast %parallel_loop3A_126 : i32 to index
      %parallel_loop3A_128 = arith.index_cast %parallel_loop3A_10 : i32 to index
      %parallel_loop3A_129 = tpu.vector_load %arg6[%parallel_loop3A_127, %parallel_loop3A_128] {strides = array<i32>} : memref<64x256xf32, #tpu.memory_space<vmem>>, vector<16xf32>,
      %parallel_loop3A_130 = arith.cmpf ogt, %parallel_loop3A_129, %parallel_loop3A_125 : vector<16xf32>
      %parallel_loop3A_131 = arith.maximumf %parallel_loop3A_121, %parallel_loop3A_129 : vector<16xf32>
      %parallel_loop3A_132 = arith.select %parallel_loop3A_130, %parallel_loop3A_125, %parallel_loop3A_131 : vector<16xi1>, vector<16xf32>
      %parallel_loop3A_133 = arith.constant 10 : i32
      %parallel_loop3A_134 = vector.broadcast %parallel_loop3A_133 : i32 to vector<16xi32>
      %parallel_loop3A_135 = arith.select %parallel_loop3A_130, %parallel_loop3A_134, %parallel_loop3A_124 : vector<16xi1>, vector<16xi32>
      %parallel_loop3A_136 = arith.select %parallel_loop3A_130, %parallel_loop3A_129, %parallel_loop3A_125 : vector<16xi1>, vector<16xf32>
      %parallel_loop3A_137 = arith.constant 11 : i32
      %parallel_loop3A_138 = arith.index_cast %parallel_loop3A_137 : i32 to index
      %parallel_loop3A_139 = arith.index_cast %parallel_loop3A_10 : i32 to index
      %parallel_loop3A_140 = tpu.vector_load %arg6[%parallel_loop3A_138, %parallel_loop3A_139] {strides = array<i32>} : memref<64x256xf32, #tpu.memory_space<vmem>>, vector<16xf32>,
      %parallel_loop3A_141 = arith.cmpf ogt, %parallel_loop3A_140, %parallel_loop3A_136 : vector<16xf32>
      %parallel_loop3A_142 = arith.maximumf %parallel_loop3A_132, %parallel_loop3A_140 : vector<16xf32>
      %parallel_loop3A_143 = arith.select %parallel_loop3A_141, %parallel_loop3A_136, %parallel_loop3A_142 : vector<16xi1>, vector<16xf32>
      %parallel_loop3A_144 = arith.constant 11 : i32
      %parallel_loop3A_145 = vector.broadcast %parallel_loop3A_144 : i32 to vector<16xi32>
      %parallel_loop3A_146 = arith.select %parallel_loop3A_141, %parallel_loop3A_145, %parallel_loop3A_135 : vector<16xi1>, vector<16xi32>
      %parallel_loop3A_147 = arith.select %parallel_loop3A_141, %parallel_loop3A_140, %parallel_loop3A_136 : vector<16xi1>, vector<16xf32>
      %parallel_loop3A_148 = arith.constant 12 : i32
      %parallel_loop3A_149 = arith.index_cast %parallel_loop3A_148 : i32 to index
      %parallel_loop3A_150 = arith.index_cast %parallel_loop3A_10 : i32 to index
      %parallel_loop3A_151 = tpu.vector_load %arg6[%parallel_loop3A_149, %parallel_loop3A_150] {strides = array<i32>} : memref<64x256xf32, #tpu.memory_space<vmem>>, vector<16xf32>,
      %parallel_loop3A_152 = arith.cmpf ogt, %parallel_loop3A_151, %parallel_loop3A_147 : vector<16xf32>
      %parallel_loop3A_153 = arith.maximumf %parallel_loop3A_143, %parallel_loop3A_151 : vector<16xf32>
      %parallel_loop3A_154 = arith.select %parallel_loop3A_152, %parallel_loop3A_147, %parallel_loop3A_153 : vector<16xi1>, vector<16xf32>
      %parallel_loop3A_155 = arith.constant 12 : i32
      %parallel_loop3A_156 = vector.broadcast %parallel_loop3A_155 : i32 to vector<16xi32>
      %parallel_loop3A_157 = arith.select %parallel_loop3A_152, %parallel_loop3A_156, %parallel_loop3A_146 : vector<16xi1>, vector<16xi32>
      %parallel_loop3A_158 = arith.select %parallel_loop3A_152, %parallel_loop3A_151, %parallel_loop3A_147 : vector<16xi1>, vector<16xf32>
      %parallel_loop3A_159 = arith.constant 13 : i32
      %parallel_loop3A_160 = arith.index_cast %parallel_loop3A_159 : i32 to index
      %parallel_loop3A_161 = arith.index_cast %parallel_loop3A_10 : i32 to index
      %parallel_loop3A_162 = tpu.vector_load %arg6[%parallel_loop3A_160, %parallel_loop3A_161] {strides = array<i32>} : memref<64x256xf32, #tpu.memory_space<vmem>>, vector<16xf32>,
      %parallel_loop3A_163 = arith.cmpf ogt, %parallel_loop3A_162, %parallel_loop3A_158 : vector<16xf32>
      %parallel_loop3A_164 = arith.maximumf %parallel_loop3A_154, %parallel_loop3A_162 : vector<16xf32>
      %parallel_loop3A_165 = arith.select %parallel_loop3A_163, %parallel_loop3A_158, %parallel_loop3A_164 : vector<16xi1>, vector<16xf32>
      %parallel_loop3A_166 = arith.constant 13 : i32
      %parallel_loop3A_167 = vector.broadcast %parallel_loop3A_166 : i32 to vector<16xi32>
      %parallel_loop3A_168 = arith.select %parallel_loop3A_163, %parallel_loop3A_167, %parallel_loop3A_157 : vector<16xi1>, vector<16xi32>
      %parallel_loop3A_169 = arith.select %parallel_loop3A_163, %parallel_loop3A_162, %parallel_loop3A_158 : vector<16xi1>, vector<16xf32>
      %parallel_loop3A_170 = arith.constant 14 : i32
      %parallel_loop3A_171 = arith.index_cast %parallel_loop3A_170 : i32 to index
      %parallel_loop3A_172 = arith.index_cast %parallel_loop3A_10 : i32 to index
      %parallel_loop3A_173 = tpu.vector_load %arg6[%parallel_loop3A_171, %parallel_loop3A_172] {strides = array<i32>} : memref<64x256xf32, #tpu.memory_space<vmem>>, vector<16xf32>,
      %parallel_loop3A_174 = arith.cmpf ogt, %parallel_loop3A_173, %parallel_loop3A_169 : vector<16xf32>
      %parallel_loop3A_175 = arith.maximumf %parallel_loop3A_165, %parallel_loop3A_173 : vector<16xf32>
      %parallel_loop3A_176 = arith.select %parallel_loop3A_174, %parallel_loop3A_169, %parallel_loop3A_175 : vector<16xi1>, vector<16xf32>
      %parallel_loop3A_177 = arith.constant 14 : i32
      %parallel_loop3A_178 = vector.broadcast %parallel_loop3A_177 : i32 to vector<16xi32>
      %parallel_loop3A_179 = arith.select %parallel_loop3A_174, %parallel_loop3A_178, %parallel_loop3A_168 : vector<16xi1>, vector<16xi32>
      %parallel_loop3A_180 = arith.select %parallel_loop3A_174, %parallel_loop3A_173, %parallel_loop3A_169 : vector<16xi1>, vector<16xf32>
      %parallel_loop3A_181 = arith.constant 15 : i32
      %parallel_loop3A_182 = arith.index_cast %parallel_loop3A_181 : i32 to index
      %parallel_loop3A_183 = arith.index_cast %parallel_loop3A_10 : i32 to index
      %parallel_loop3A_184 = tpu.vector_load %arg6[%parallel_loop3A_182, %parallel_loop3A_183] {strides = array<i32>} : memref<64x256xf32, #tpu.memory_space<vmem>>, vector<16xf32>,
      %parallel_loop3A_185 = arith.cmpf ogt, %parallel_loop3A_184, %parallel_loop3A_180 : vector<16xf32>
      %parallel_loop3A_186 = arith.maximumf %parallel_loop3A_176, %parallel_loop3A_184 : vector<16xf32>
      %parallel_loop3A_187 = arith.select %parallel_loop3A_185, %parallel_loop3A_180, %parallel_loop3A_186 : vector<16xi1>, vector<16xf32>
      %parallel_loop3A_188 = arith.constant 15 : i32
      %parallel_loop3A_189 = vector.broadcast %parallel_loop3A_188 : i32 to vector<16xi32>
      %parallel_loop3A_190 = arith.select %parallel_loop3A_185, %parallel_loop3A_189, %parallel_loop3A_179 : vector<16xi1>, vector<16xi32>
      %parallel_loop3A_191 = arith.select %parallel_loop3A_185, %parallel_loop3A_184, %parallel_loop3A_180 : vector<16xi1>, vector<16xf32>
      %parallel_loop3A_192 = arith.addf %parallel_loop3A_191, %parallel_loop3A_187 : vector<16xf32>
      %parallel_loop3A_193 = arith.constant 16 : i32
      %parallel_loop3A_194 = arith.index_cast %parallel_loop3A_193 : i32 to index
      %parallel_loop3A_195 = arith.index_cast %parallel_loop3A_10 : i32 to index
      %parallel_loop3A_196 = tpu.vector_load %arg6[%parallel_loop3A_194, %parallel_loop3A_195] {strides = array<i32>} : memref<64x256xf32, #tpu.memory_space<vmem>>, vector<16xf32>,
      %parallel_loop3A_197 = arith.cmpf ogt, %parallel_loop3A_196, %broadcast_in_dim3A_3 : vector<16xf32>
      %parallel_loop3A_198 = arith.maximumf %broadcast_in_dim3A_3, %parallel_loop3A_196 : vector<16xf32>
      %parallel_loop3A_199 = arith.select %parallel_loop3A_197, %broadcast_in_dim3A_3, %parallel_loop3A_198 : vector<16xi1>, vector<16xf32>
      %parallel_loop3A_200 = arith.constant 16 : i32
      %parallel_loop3A_201 = vector.broadcast %parallel_loop3A_200 : i32 to vector<16xi32>
      %parallel_loop3A_202 = arith.select %parallel_loop3A_197, %parallel_loop3A_201, %broadcast_in_dim3A_5 : vector<16xi1>, vector<16xi32>
      %parallel_loop3A_203 = arith.select %parallel_loop3A_197, %parallel_loop3A_196, %broadcast_in_dim3A_3 : vector<16xi1>, vector<16xf32>
      %parallel_loop3A_204 = arith.constant 17 : i32
      %parallel_loop3A_205 = arith.index_cast %parallel_loop3A_204 : i32 to index
      %parallel_loop3A_206 = arith.index_cast %parallel_loop3A_10 : i32 to index
      %parallel_loop3A_207 = tpu.vector_load %arg6[%parallel_loop3A_205, %parallel_loop3A_206] {strides = array<i32>} : memref<64x256xf32, #tpu.memory_space<vmem>>, vector<16xf32>,
      %parallel_loop3A_208 = arith.cmpf ogt, %parallel_loop3A_207, %parallel_loop3A_203 : vector<16xf32>
      %parallel_loop3A_209 = arith.maximumf %parallel_loop3A_199, %parallel_loop3A_207 : vector<16xf32>
      %parallel_loop3A_210 = arith.select %parallel_loop3A_208, %parallel_loop3A_203, %parallel_loop3A_209 : vector<16xi1>, vector<16xf32>
      %parallel_loop3A_211 = arith.constant 17 : i32
      %parallel_loop3A_212 = vector.broadcast %parallel_loop3A_211 : i32 to vector<16xi32>
      %parallel_loop3A_213 = arith.select %parallel_loop3A_208, %parallel_loop3A_212, %parallel_loop3A_202 : vector<16xi1>, vector<16xi32>
      %parallel_loop3A_214 = arith.select %parallel_loop3A_208, %parallel_loop3A_207, %parallel_loop3A_203 : vector<16xi1>, vector<16xf32>
      %parallel_loop3A_215 = arith.constant 18 : i32
      %parallel_loop3A_216 = arith.index_cast %parallel_loop3A_215 : i32 to index
      %parallel_loop3A_217 = arith.index_cast %parallel_loop3A_10 : i32 to index
      %parallel_loop3A_218 = tpu.vector_load %arg6[%parallel_loop3A_216, %parallel_loop3A_217] {strides = array<i32>} : memref<64x256xf32, #tpu.memory_space<vmem>>, vector<16xf32>,
      %parallel_loop3A_219 = arith.cmpf ogt, %parallel_loop3A_218, %parallel_loop3A_214 : vector<16xf32>
      %parallel_loop3A_220 = arith.maximumf %parallel_loop3A_210, %parallel_loop3A_218 : vector<16xf32>
      %parallel_loop3A_221 = arith.select %parallel_loop3A_219, %parallel_loop3A_214, %parallel_loop3A_220 : vector<16xi1>, vector<16xf32>
      %parallel_loop3A_222 = arith.constant 18 : i32
      %parallel_loop3A_223 = vector.broadcast %parallel_loop3A_222 : i32 to vector<16xi32>
      %parallel_loop3A_224 = arith.select %parallel_loop3A_219, %parallel_loop3A_223, %parallel_loop3A_213 : vector<16xi1>, vector<16xi32>
      %parallel_loop3A_225 = arith.select %parallel_loop3A_219, %parallel_loop3A_218, %parallel_loop3A_214 : vector<16xi1>, vector<16xf32>
      %parallel_loop3A_226 = arith.constant 19 : i32
      %parallel_loop3A_227 = arith.index_cast %parallel_loop3A_226 : i32 to index
      %parallel_loop3A_228 = arith.index_cast %parallel_loop3A_10 : i32 to index
      %parallel_loop3A_229 = tpu.vector_load %arg6[%parallel_loop3A_227, %parallel_loop3A_228] {strides = array<i32>} : memref<64x256xf32, #tpu.memory_space<vmem>>, vector<16xf32>,
      %parallel_loop3A_230 = arith.cmpf ogt, %parallel_loop3A_229, %parallel_loop3A_225 : vector<16xf32>
      %parallel_loop3A_231 = arith.maximumf %parallel_loop3A_221, %parallel_loop3A_229 : vector<16xf32>
      %parallel_loop3A_232 = arith.select %parallel_loop3A_230, %parallel_loop3A_225, %parallel_loop3A_231 : vector<16xi1>, vector<16xf32>
      %parallel_loop3A_233 = arith.constant 19 : i32
      %parallel_loop3A_234 = vector.broadcast %parallel_loop3A_233 : i32 to vector<16xi32>
      %parallel_loop3A_235 = arith.select %parallel_loop3A_230, %parallel_loop3A_234, %parallel_loop3A_224 : vector<16xi1>, vector<16xi32>
      %parallel_loop3A_236 = arith.select %parallel_loop3A_230, %parallel_loop3A_229, %parallel_loop3A_225 : vector<16xi1>, vector<16xf32>
      %parallel_loop3A_237 = arith.constant 20 : i32
      %parallel_loop3A_238 = arith.index_cast %parallel_loop3A_237 : i32 to index
      %parallel_loop3A_239 = arith.index_cast %parallel_loop3A_10 : i32 to index
      %parallel_loop3A_240 = tpu.vector_load %arg6[%parallel_loop3A_238, %parallel_loop3A_239] {strides = array<i32>} : memref<64x256xf32, #tpu.memory_space<vmem>>, vector<16xf32>,
      %parallel_loop3A_241 = arith.cmpf ogt, %parallel_loop3A_240, %parallel_loop3A_236 : vector<16xf32>
      %parallel_loop3A_242 = arith.maximumf %parallel_loop3A_232, %parallel_loop3A_240 : vector<16xf32>
      %parallel_loop3A_243 = arith.select %parallel_loop3A_241, %parallel_loop3A_236, %parallel_loop3A_242 : vector<16xi1>, vector<16xf32>
      %parallel_loop3A_244 = arith.constant 20 : i32
      %parallel_loop3A_245 = vector.broadcast %parallel_loop3A_244 : i32 to vector<16xi32>
      %parallel_loop3A_246 = arith.select %parallel_loop3A_241, %parallel_loop3A_245, %parallel_loop3A_235 : vector<16xi1>, vector<16xi32>
      %parallel_loop3A_247 = arith.select %parallel_loop3A_241, %parallel_loop3A_240, %parallel_loop3A_236 : vector<16xi1>, vector<16xf32>
      %parallel_loop3A_248 = arith.constant 21 : i32
      %parallel_loop3A_249 = arith.index_cast %parallel_loop3A_248 : i32 to index
      %parallel_loop3A_250 = arith.index_cast %parallel_loop3A_10 : i32 to index
      %parallel_loop3A_251 = tpu.vector_load %arg6[%parallel_loop3A_249, %parallel_loop3A_250] {strides = array<i32>} : memref<64x256xf32, #tpu.memory_space<vmem>>, vector<16xf32>,
      %parallel_loop3A_252 = arith.cmpf ogt, %parallel_loop3A_251, %parallel_loop3A_247 : vector<16xf32>
      %parallel_loop3A_253 = arith.maximumf %parallel_loop3A_243, %parallel_loop3A_251 : vector<16xf32>
      %parallel_loop3A_254 = arith.select %parallel_loop3A_252, %parallel_loop3A_247, %parallel_loop3A_253 : vector<16xi1>, vector<16xf32>
      %parallel_loop3A_255 = arith.constant 21 : i32
      %parallel_loop3A_256 = vector.broadcast %parallel_loop3A_255 : i32 to vector<16xi32>
      %parallel_loop3A_257 = arith.select %parallel_loop3A_252, %parallel_loop3A_256, %parallel_loop3A_246 : vector<16xi1>, vector<16xi32>
      %parallel_loop3A_258 = arith.select %parallel_loop3A_252, %parallel_loop3A_251, %parallel_loop3A_247 : vector<16xi1>, vector<16xf32>
      %parallel_loop3A_259 = arith.constant 22 : i32
      %parallel_loop3A_260 = arith.index_cast %parallel_loop3A_259 : i32 to index
      %parallel_loop3A_261 = arith.index_cast %parallel_loop3A_10 : i32 to index
      %parallel_loop3A_262 = tpu.vector_load %arg6[%parallel_loop3A_260, %parallel_loop3A_261] {strides = array<i32>} : memref<64x256xf32, #tpu.memory_space<vmem>>, vector<16xf32>,
      %parallel_loop3A_263 = arith.cmpf ogt, %parallel_loop3A_262, %parallel_loop3A_258 : vector<16xf32>
      %parallel_loop3A_264 = arith.maximumf %parallel_loop3A_254, %parallel_loop3A_262 : vector<16xf32>
      %parallel_loop3A_265 = arith.select %parallel_loop3A_263, %parallel_loop3A_258, %parallel_loop3A_264 : vector<16xi1>, vector<16xf32>
      %parallel_loop3A_266 = arith.constant 22 : i32
      %parallel_loop3A_267 = vector.broadcast %parallel_loop3A_266 : i32 to vector<16xi32>
      %parallel_loop3A_268 = arith.select %parallel_loop3A_263, %parallel_loop3A_267, %parallel_loop3A_257 : vector<16xi1>, vector<16xi32>
      %parallel_loop3A_269 = arith.select %parallel_loop3A_263, %parallel_loop3A_262, %parallel_loop3A_258 : vector<16xi1>, vector<16xf32>
      %parallel_loop3A_270 = arith.constant 23 : i32
      %parallel_loop3A_271 = arith.index_cast %parallel_loop3A_270 : i32 to index
      %parallel_loop3A_272 = arith.index_cast %parallel_loop3A_10 : i32 to index
      %parallel_loop3A_273 = tpu.vector_load %arg6[%parallel_loop3A_271, %parallel_loop3A_272] {strides = array<i32>} : memref<64x256xf32, #tpu.memory_space<vmem>>, vector<16xf32>,
      %parallel_loop3A_274 = arith.cmpf ogt, %parallel_loop3A_273, %parallel_loop3A_269 : vector<16xf32>
      %parallel_loop3A_275 = arith.maximumf %parallel_loop3A_265, %parallel_loop3A_273 : vector<16xf32>
      %parallel_loop3A_276 = arith.select %parallel_loop3A_274, %parallel_loop3A_269, %parallel_loop3A_275 : vector<16xi1>, vector<16xf32>
      %parallel_loop3A_277 = arith.constant 23 : i32
      %parallel_loop3A_278 = vector.broadcast %parallel_loop3A_277 : i32 to vector<16xi32>
      %parallel_loop3A_279 = arith.select %parallel_loop3A_274, %parallel_loop3A_278, %parallel_loop3A_268 : vector<16xi1>, vector<16xi32>
      %parallel_loop3A_280 = arith.select %parallel_loop3A_274, %parallel_loop3A_273, %parallel_loop3A_269 : vector<16xi1>, vector<16xf32>
      %parallel_loop3A_281 = arith.addf %parallel_loop3A_280, %parallel_loop3A_276 : vector<16xf32>
      %parallel_loop3A_282 = arith.constant 24 : i32
      %parallel_loop3A_283 = arith.index_cast %parallel_loop3A_282 : i32 to index
      %parallel_loop3A_284 = arith.index_cast %parallel_loop3A_10 : i32 to index
      %parallel_loop3A_285 = tpu.vector_load %arg6[%parallel_loop3A_283, %parallel_loop3A_284] {strides = array<i32>} : memref<64x256xf32, #tpu.memory_space<vmem>>, vector<16xf32>,
      %parallel_loop3A_286 = arith.cmpf ogt, %parallel_loop3A_285, %broadcast_in_dim3A_3 : vector<16xf32>
      %parallel_loop3A_287 = arith.maximumf %broadcast_in_dim3A_3, %parallel_loop3A_285 : vector<16xf32>
      %parallel_loop3A_288 = arith.select %parallel_loop3A_286, %broadcast_in_dim3A_3, %parallel_loop3A_287 : vector<16xi1>, vector<16xf32>
      %parallel_loop3A_289 = arith.constant 24 : i32
      %parallel_loop3A_290 = vector.broadcast %parallel_loop3A_289 : i32 to vector<16xi32>
      %parallel_loop3A_291 = arith.select %parallel_loop3A_286, %parallel_loop3A_290, %broadcast_in_dim3A_5 : vector<16xi1>, vector<16xi32>
      %parallel_loop3A_292 = arith.select %parallel_loop3A_286, %parallel_loop3A_285, %broadcast_in_dim3A_3 : vector<16xi1>, vector<16xf32>
      %parallel_loop3A_293 = arith.constant 25 : i32
      %parallel_loop3A_294 = arith.index_cast %parallel_loop3A_293 : i32 to index
      %parallel_loop3A_295 = arith.index_cast %parallel_loop3A_10 : i32 to index
      %parallel_loop3A_296 = tpu.vector_load %arg6[%parallel_loop3A_294, %parallel_loop3A_295] {strides = array<i32>} : memref<64x256xf32, #tpu.memory_space<vmem>>, vector<16xf32>,
      %parallel_loop3A_297 = arith.cmpf ogt, %parallel_loop3A_296, %parallel_loop3A_292 : vector<16xf32>
      %parallel_loop3A_298 = arith.maximumf %parallel_loop3A_288, %parallel_loop3A_296 : vector<16xf32>
      %parallel_loop3A_299 = arith.select %parallel_loop3A_297, %parallel_loop3A_292, %parallel_loop3A_298 : vector<16xi1>, vector<16xf32>
      %parallel_loop3A_300 = arith.constant 25 : i32
      %parallel_loop3A_301 = vector.broadcast %parallel_loop3A_300 : i32 to vector<16xi32>
      %parallel_loop3A_302 = arith.select %parallel_loop3A_297, %parallel_loop3A_301, %parallel_loop3A_291 : vector<16xi1>, vector<16xi32>
      %parallel_loop3A_303 = arith.select %parallel_loop3A_297, %parallel_loop3A_296, %parallel_loop3A_292 : vector<16xi1>, vector<16xf32>
      %parallel_loop3A_304 = arith.constant 26 : i32
      %parallel_loop3A_305 = arith.index_cast %parallel_loop3A_304 : i32 to index
      %parallel_loop3A_306 = arith.index_cast %parallel_loop3A_10 : i32 to index
      %parallel_loop3A_307 = tpu.vector_load %arg6[%parallel_loop3A_305, %parallel_loop3A_306] {strides = array<i32>} : memref<64x256xf32, #tpu.memory_space<vmem>>, vector<16xf32>,
      %parallel_loop3A_308 = arith.cmpf ogt, %parallel_loop3A_307, %parallel_loop3A_303 : vector<16xf32>
      %parallel_loop3A_309 = arith.maximumf %parallel_loop3A_299, %parallel_loop3A_307 : vector<16xf32>
      %parallel_loop3A_310 = arith.select %parallel_loop3A_308, %parallel_loop3A_303, %parallel_loop3A_309 : vector<16xi1>, vector<16xf32>
      %parallel_loop3A_311 = arith.constant 26 : i32
      %parallel_loop3A_312 = vector.broadcast %parallel_loop3A_311 : i32 to vector<16xi32>
      %parallel_loop3A_313 = arith.select %parallel_loop3A_308, %parallel_loop3A_312, %parallel_loop3A_302 : vector<16xi1>, vector<16xi32>
      %parallel_loop3A_314 = arith.select %parallel_loop3A_308, %parallel_loop3A_307, %parallel_loop3A_303 : vector<16xi1>, vector<16xf32>
      %parallel_loop3A_315 = arith.constant 27 : i32
      %parallel_loop3A_316 = arith.index_cast %parallel_loop3A_315 : i32 to index
      %parallel_loop3A_317 = arith.index_cast %parallel_loop3A_10 : i32 to index
      %parallel_loop3A_318 = tpu.vector_load %arg6[%parallel_loop3A_316, %parallel_loop3A_317] {strides = array<i32>} : memref<64x256xf32, #tpu.memory_space<vmem>>, vector<16xf32>,
      %parallel_loop3A_319 = arith.cmpf ogt, %parallel_loop3A_318, %parallel_loop3A_314 : vector<16xf32>
      %parallel_loop3A_320 = arith.maximumf %parallel_loop3A_310, %parallel_loop3A_318 : vector<16xf32>
      %parallel_loop3A_321 = arith.select %parallel_loop3A_319, %parallel_loop3A_314, %parallel_loop3A_320 : vector<16xi1>, vector<16xf32>
      %parallel_loop3A_322 = arith.constant 27 : i32
      %parallel_loop3A_323 = vector.broadcast %parallel_loop3A_322 : i32 to vector<16xi32>
      %parallel_loop3A_324 = arith.select %parallel_loop3A_319, %parallel_loop3A_323, %parallel_loop3A_313 : vector<16xi1>, vector<16xi32>
      %parallel_loop3A_325 = arith.select %parallel_loop3A_319, %parallel_loop3A_318, %parallel_loop3A_314 : vector<16xi1>, vector<16xf32>
      %parallel_loop3A_326 = arith.constant 28 : i32
      %parallel_loop3A_327 = arith.index_cast %parallel_loop3A_326 : i32 to index
      %parallel_loop3A_328 = arith.index_cast %parallel_loop3A_10 : i32 to index
      %parallel_loop3A_329 = tpu.vector_load %arg6[%parallel_loop3A_327, %parallel_loop3A_328] {strides = array<i32>} : memref<64x256xf32, #tpu.memory_space<vmem>>, vector<16xf32>,
      %parallel_loop3A_330 = arith.cmpf ogt, %parallel_loop3A_329, %parallel_loop3A_325 : vector<16xf32>
      %parallel_loop3A_331 = arith.maximumf %parallel_loop3A_321, %parallel_loop3A_329 : vector<16xf32>
      %parallel_loop3A_332 = arith.select %parallel_loop3A_330, %parallel_loop3A_325, %parallel_loop3A_331 : vector<16xi1>, vector<16xf32>
      %parallel_loop3A_333 = arith.constant 28 : i32
      %parallel_loop3A_334 = vector.broadcast %parallel_loop3A_333 : i32 to vector<16xi32>
      %parallel_loop3A_335 = arith.select %parallel_loop3A_330, %parallel_loop3A_334, %parallel_loop3A_324 : vector<16xi1>, vector<16xi32>
      %parallel_loop3A_336 = arith.select %parallel_loop3A_330, %parallel_loop3A_329, %parallel_loop3A_325 : vector<16xi1>, vector<16xf32>
      %parallel_loop3A_337 = arith.constant 29 : i32
      %parallel_loop3A_338 = arith.index_cast %parallel_loop3A_337 : i32 to index
      %parallel_loop3A_339 = arith.index_cast %parallel_loop3A_10 : i32 to index
      %parallel_loop3A_340 = tpu.vector_load %arg6[%parallel_loop3A_338, %parallel_loop3A_339] {strides = array<i32>} : memref<64x256xf32, #tpu.memory_space<vmem>>, vector<16xf32>,
      %parallel_loop3A_341 = arith.cmpf ogt, %parallel_loop3A_340, %parallel_loop3A_336 : vector<16xf32>
      %parallel_loop3A_342 = arith.maximumf %parallel_loop3A_332, %parallel_loop3A_340 : vector<16xf32>
      %parallel_loop3A_343 = arith.select %parallel_loop3A_341, %parallel_loop3A_336, %parallel_loop3A_342 : vector<16xi1>, vector<16xf32>
      %parallel_loop3A_344 = arith.constant 29 : i32
      %parallel_loop3A_345 = vector.broadcast %parallel_loop3A_344 : i32 to vector<16xi32>
      %parallel_loop3A_346 = arith.select %parallel_loop3A_341, %parallel_loop3A_345, %parallel_loop3A_335 : vector<16xi1>, vector<16xi32>
      %parallel_loop3A_347 = arith.select %parallel_loop3A_341, %parallel_loop3A_340, %parallel_loop3A_336 : vector<16xi1>, vector<16xf32>
      %parallel_loop3A_348 = arith.constant 30 : i32
      %parallel_loop3A_349 = arith.index_cast %parallel_loop3A_348 : i32 to index
      %parallel_loop3A_350 = arith.index_cast %parallel_loop3A_10 : i32 to index
      %parallel_loop3A_351 = tpu.vector_load %arg6[%parallel_loop3A_349, %parallel_loop3A_350] {strides = array<i32>} : memref<64x256xf32, #tpu.memory_space<vmem>>, vector<16xf32>,
      %parallel_loop3A_352 = arith.cmpf ogt, %parallel_loop3A_351, %parallel_loop3A_347 : vector<16xf32>
      %parallel_loop3A_353 = arith.maximumf %parallel_loop3A_343, %parallel_loop3A_351 : vector<16xf32>
      %parallel_loop3A_354 = arith.select %parallel_loop3A_352, %parallel_loop3A_347, %parallel_loop3A_353 : vector<16xi1>, vector<16xf32>
      %parallel_loop3A_355 = arith.constant 30 : i32
      %parallel_loop3A_356 = vector.broadcast %parallel_loop3A_355 : i32 to vector<16xi32>
      %parallel_loop3A_357 = arith.select %parallel_loop3A_352, %parallel_loop3A_356, %parallel_loop3A_346 : vector<16xi1>, vector<16xi32>
      %parallel_loop3A_358 = arith.select %parallel_loop3A_352, %parallel_loop3A_351, %parallel_loop3A_347 : vector<16xi1>, vector<16xf32>
      %parallel_loop3A_359 = arith.constant 31 : i32
      %parallel_loop3A_360 = arith.index_cast %parallel_loop3A_359 : i32 to index
      %parallel_loop3A_361 = arith.index_cast %parallel_loop3A_10 : i32 to index
      %parallel_loop3A_362 = tpu.vector_load %arg6[%parallel_loop3A_360, %parallel_loop3A_361] {strides = array<i32>} : memref<64x256xf32, #tpu.memory_space<vmem>>, vector<16xf32>,
      %parallel_loop3A_363 = arith.cmpf ogt, %parallel_loop3A_362, %parallel_loop3A_358 : vector<16xf32>
      %parallel_loop3A_364 = arith.maximumf %parallel_loop3A_354, %parallel_loop3A_362 : vector<16xf32>
      %parallel_loop3A_365 = arith.select %parallel_loop3A_363, %parallel_loop3A_358, %parallel_loop3A_364 : vector<16xi1>, vector<16xf32>
      %parallel_loop3A_366 = arith.constant 31 : i32
      %parallel_loop3A_367 = vector.broadcast %parallel_loop3A_366 : i32 to vector<16xi32>
      %parallel_loop3A_368 = arith.select %parallel_loop3A_363, %parallel_loop3A_367, %parallel_loop3A_357 : vector<16xi1>, vector<16xi32>
      %parallel_loop3A_369 = arith.select %parallel_loop3A_363, %parallel_loop3A_362, %parallel_loop3A_358 : vector<16xi1>, vector<16xf32>
      %parallel_loop3A_370 = arith.addf %parallel_loop3A_369, %parallel_loop3A_365 : vector<16xf32>
      %parallel_loop3A_371 = arith.constant 32 : i32
      %parallel_loop3A_372 = arith.index_cast %parallel_loop3A_371 : i32 to index
      %parallel_loop3A_373 = arith.index_cast %parallel_loop3A_10 : i32 to index
      %parallel_loop3A_374 = tpu.vector_load %arg6[%parallel_loop3A_372, %parallel_loop3A_373] {strides = array<i32>} : memref<64x256xf32, #tpu.memory_space<vmem>>, vector<16xf32>,
      %parallel_loop3A_375 = arith.cmpf ogt, %parallel_loop3A_374, %broadcast_in_dim3A_3 : vector<16xf32>
      %parallel_loop3A_376 = arith.maximumf %broadcast_in_dim3A_3, %parallel_loop3A_374 : vector<16xf32>
      %parallel_loop3A_377 = arith.select %parallel_loop3A_375, %broadcast_in_dim3A_3, %parallel_loop3A_376 : vector<16xi1>, vector<16xf32>
      %parallel_loop3A_378 = arith.constant 32 : i32
      %parallel_loop3A_379 = vector.broadcast %parallel_loop3A_378 : i32 to vector<16xi32>
      %parallel_loop3A_380 = arith.select %parallel_loop3A_375, %parallel_loop3A_379, %broadcast_in_dim3A_5 : vector<16xi1>, vector<16xi32>
      %parallel_loop3A_381 = arith.select %parallel_loop3A_375, %parallel_loop3A_374, %broadcast_in_dim3A_3 : vector<16xi1>, vector<16xf32>
      %parallel_loop3A_382 = arith.constant 33 : i32
      %parallel_loop3A_383 = arith.index_cast %parallel_loop3A_382 : i32 to index
      %parallel_loop3A_384 = arith.index_cast %parallel_loop3A_10 : i32 to index
      %parallel_loop3A_385 = tpu.vector_load %arg6[%parallel_loop3A_383, %parallel_loop3A_384] {strides = array<i32>} : memref<64x256xf32, #tpu.memory_space<vmem>>, vector<16xf32>,
      %parallel_loop3A_386 = arith.cmpf ogt, %parallel_loop3A_385, %parallel_loop3A_381 : vector<16xf32>
      %parallel_loop3A_387 = arith.maximumf %parallel_loop3A_377, %parallel_loop3A_385 : vector<16xf32>
      %parallel_loop3A_388 = arith.select %parallel_loop3A_386, %parallel_loop3A_381, %parallel_loop3A_387 : vector<16xi1>, vector<16xf32>
      %parallel_loop3A_389 = arith.constant 33 : i32
      %parallel_loop3A_390 = vector.broadcast %parallel_loop3A_389 : i32 to vector<16xi32>
      %parallel_loop3A_391 = arith.select %parallel_loop3A_386, %parallel_loop3A_390, %parallel_loop3A_380 : vector<16xi1>, vector<16xi32>
      %parallel_loop3A_392 = arith.select %parallel_loop3A_386, %parallel_loop3A_385, %parallel_loop3A_381 : vector<16xi1>, vector<16xf32>
      %parallel_loop3A_393 = arith.constant 34 : i32
      %parallel_loop3A_394 = arith.index_cast %parallel_loop3A_393 : i32 to index
      %parallel_loop3A_395 = arith.index_cast %parallel_loop3A_10 : i32 to index
      %parallel_loop3A_396 = tpu.vector_load %arg6[%parallel_loop3A_394, %parallel_loop3A_395] {strides = array<i32>} : memref<64x256xf32, #tpu.memory_space<vmem>>, vector<16xf32>,
      %parallel_loop3A_397 = arith.cmpf ogt, %parallel_loop3A_396, %parallel_loop3A_392 : vector<16xf32>
      %parallel_loop3A_398 = arith.maximumf %parallel_loop3A_388, %parallel_loop3A_396 : vector<16xf32>
      %parallel_loop3A_399 = arith.select %parallel_loop3A_397, %parallel_loop3A_392, %parallel_loop3A_398 : vector<16xi1>, vector<16xf32>
      %parallel_loop3A_400 = arith.constant 34 : i32
      %parallel_loop3A_401 = vector.broadcast %parallel_loop3A_400 : i32 to vector<16xi32>
      %parallel_loop3A_402 = arith.select %parallel_loop3A_397, %parallel_loop3A_401, %parallel_loop3A_391 : vector<16xi1>, vector<16xi32>
      %parallel_loop3A_403 = arith.select %parallel_loop3A_397, %parallel_loop3A_396, %parallel_loop3A_392 : vector<16xi1>, vector<16xf32>
      %parallel_loop3A_404 = arith.constant 35 : i32
      %parallel_loop3A_405 = arith.index_cast %parallel_loop3A_404 : i32 to index
      %parallel_loop3A_406 = arith.index_cast %parallel_loop3A_10 : i32 to index
      %parallel_loop3A_407 = tpu.vector_load %arg6[%parallel_loop3A_405, %parallel_loop3A_406] {strides = array<i32>} : memref<64x256xf32, #tpu.memory_space<vmem>>, vector<16xf32>,
      %parallel_loop3A_408 = arith.cmpf ogt, %parallel_loop3A_407, %parallel_loop3A_403 : vector<16xf32>
      %parallel_loop3A_409 = arith.maximumf %parallel_loop3A_399, %parallel_loop3A_407 : vector<16xf32>
      %parallel_loop3A_410 = arith.select %parallel_loop3A_408, %parallel_loop3A_403, %parallel_loop3A_409 : vector<16xi1>, vector<16xf32>
      %parallel_loop3A_411 = arith.constant 35 : i32
      %parallel_loop3A_412 = vector.broadcast %parallel_loop3A_411 : i32 to vector<16xi32>
      %parallel_loop3A_413 = arith.select %parallel_loop3A_408, %parallel_loop3A_412, %parallel_loop3A_402 : vector<16xi1>, vector<16xi32>
      %parallel_loop3A_414 = arith.select %parallel_loop3A_408, %parallel_loop3A_407, %parallel_loop3A_403 : vector<16xi1>, vector<16xf32>
      %parallel_loop3A_415 = arith.constant 36 : i32
      %parallel_loop3A_416 = arith.index_cast %parallel_loop3A_415 : i32 to index
      %parallel_loop3A_417 = arith.index_cast %parallel_loop3A_10 : i32 to index
      %parallel_loop3A_418 = tpu.vector_load %arg6[%parallel_loop3A_416, %parallel_loop3A_417] {strides = array<i32>} : memref<64x256xf32, #tpu.memory_space<vmem>>, vector<16xf32>,
      %parallel_loop3A_419 = arith.cmpf ogt, %parallel_loop3A_418, %parallel_loop3A_414 : vector<16xf32>
      %parallel_loop3A_420 = arith.maximumf %parallel_loop3A_410, %parallel_loop3A_418 : vector<16xf32>
      %parallel_loop3A_421 = arith.select %parallel_loop3A_419, %parallel_loop3A_414, %parallel_loop3A_420 : vector<16xi1>, vector<16xf32>
      %parallel_loop3A_422 = arith.constant 36 : i32
      %parallel_loop3A_423 = vector.broadcast %parallel_loop3A_422 : i32 to vector<16xi32>
      %parallel_loop3A_424 = arith.select %parallel_loop3A_419, %parallel_loop3A_423, %parallel_loop3A_413 : vector<16xi1>, vector<16xi32>
      %parallel_loop3A_425 = arith.select %parallel_loop3A_419, %parallel_loop3A_418, %parallel_loop3A_414 : vector<16xi1>, vector<16xf32>
      %parallel_loop3A_426 = arith.constant 37 : i32
      %parallel_loop3A_427 = arith.index_cast %parallel_loop3A_426 : i32 to index
      %parallel_loop3A_428 = arith.index_cast %parallel_loop3A_10 : i32 to index
      %parallel_loop3A_429 = tpu.vector_load %arg6[%parallel_loop3A_427, %parallel_loop3A_428] {strides = array<i32>} : memref<64x256xf32, #tpu.memory_space<vmem>>, vector<16xf32>,
      %parallel_loop3A_430 = arith.cmpf ogt, %parallel_loop3A_429, %parallel_loop3A_425 : vector<16xf32>
      %parallel_loop3A_431 = arith.maximumf %parallel_loop3A_421, %parallel_loop3A_429 : vector<16xf32>
      %parallel_loop3A_432 = arith.select %parallel_loop3A_430, %parallel_loop3A_425, %parallel_loop3A_431 : vector<16xi1>, vector<16xf32>
      %parallel_loop3A_433 = arith.constant 37 : i32
      %parallel_loop3A_434 = vector.broadcast %parallel_loop3A_433 : i32 to vector<16xi32>
      %parallel_loop3A_435 = arith.select %parallel_loop3A_430, %parallel_loop3A_434, %parallel_loop3A_424 : vector<16xi1>, vector<16xi32>
      %parallel_loop3A_436 = arith.select %parallel_loop3A_430, %parallel_loop3A_429, %parallel_loop3A_425 : vector<16xi1>, vector<16xf32>
      %parallel_loop3A_437 = arith.constant 38 : i32
      %parallel_loop3A_438 = arith.index_cast %parallel_loop3A_437 : i32 to index
      %parallel_loop3A_439 = arith.index_cast %parallel_loop3A_10 : i32 to index
      %parallel_loop3A_440 = tpu.vector_load %arg6[%parallel_loop3A_438, %parallel_loop3A_439] {strides = array<i32>} : memref<64x256xf32, #tpu.memory_space<vmem>>, vector<16xf32>,
      %parallel_loop3A_441 = arith.cmpf ogt, %parallel_loop3A_440, %parallel_loop3A_436 : vector<16xf32>
      %parallel_loop3A_442 = arith.maximumf %parallel_loop3A_432, %parallel_loop3A_440 : vector<16xf32>
      %parallel_loop3A_443 = arith.select %parallel_loop3A_441, %parallel_loop3A_436, %parallel_loop3A_442 : vector<16xi1>, vector<16xf32>
      %parallel_loop3A_444 = arith.constant 38 : i32
      %parallel_loop3A_445 = vector.broadcast %parallel_loop3A_444 : i32 to vector<16xi32>
      %parallel_loop3A_446 = arith.select %parallel_loop3A_441, %parallel_loop3A_445, %parallel_loop3A_435 : vector<16xi1>, vector<16xi32>
      %parallel_loop3A_447 = arith.select %parallel_loop3A_441, %parallel_loop3A_440, %parallel_loop3A_436 : vector<16xi1>, vector<16xf32>
      %parallel_loop3A_448 = arith.constant 39 : i32
      %parallel_loop3A_449 = arith.index_cast %parallel_loop3A_448 : i32 to index
      %parallel_loop3A_450 = arith.index_cast %parallel_loop3A_10 : i32 to index
      %parallel_loop3A_451 = tpu.vector_load %arg6[%parallel_loop3A_449, %parallel_loop3A_450] {strides = array<i32>} : memref<64x256xf32, #tpu.memory_space<vmem>>, vector<16xf32>,
      %parallel_loop3A_452 = arith.cmpf ogt, %parallel_loop3A_451, %parallel_loop3A_447 : vector<16xf32>
      %parallel_loop3A_453 = arith.maximumf %parallel_loop3A_443, %parallel_loop3A_451 : vector<16xf32>
      %parallel_loop3A_454 = arith.select %parallel_loop3A_452, %parallel_loop3A_447, %parallel_loop3A_453 : vector<16xi1>, vector<16xf32>
      %parallel_loop3A_455 = arith.constant 39 : i32
      %parallel_loop3A_456 = vector.broadcast %parallel_loop3A_455 : i32 to vector<16xi32>
      %parallel_loop3A_457 = arith.select %parallel_loop3A_452, %parallel_loop3A_456, %parallel_loop3A_446 : vector<16xi1>, vector<16xi32>
      %parallel_loop3A_458 = arith.select %parallel_loop3A_452, %parallel_loop3A_451, %parallel_loop3A_447 : vector<16xi1>, vector<16xf32>
      %parallel_loop3A_459 = arith.addf %parallel_loop3A_458, %parallel_loop3A_454 : vector<16xf32>
      %parallel_loop3A_460 = arith.constant 40 : i32
      %parallel_loop3A_461 = arith.index_cast %parallel_loop3A_460 : i32 to index
      %parallel_loop3A_462 = arith.index_cast %parallel_loop3A_10 : i32 to index
      %parallel_loop3A_463 = tpu.vector_load %arg6[%parallel_loop3A_461, %parallel_loop3A_462] {strides = array<i32>} : memref<64x256xf32, #tpu.memory_space<vmem>>, vector<16xf32>,
      %parallel_loop3A_464 = arith.cmpf ogt, %parallel_loop3A_463, %broadcast_in_dim3A_3 : vector<16xf32>
      %parallel_loop3A_465 = arith.maximumf %broadcast_in_dim3A_3, %parallel_loop3A_463 : vector<16xf32>
      %parallel_loop3A_466 = arith.select %parallel_loop3A_464, %broadcast_in_dim3A_3, %parallel_loop3A_465 : vector<16xi1>, vector<16xf32>
      %parallel_loop3A_467 = arith.constant 40 : i32
      %parallel_loop3A_468 = vector.broadcast %parallel_loop3A_467 : i32 to vector<16xi32>
      %parallel_loop3A_469 = arith.select %parallel_loop3A_464, %parallel_loop3A_468, %broadcast_in_dim3A_5 : vector<16xi1>, vector<16xi32>
      %parallel_loop3A_470 = arith.select %parallel_loop3A_464, %parallel_loop3A_463, %broadcast_in_dim3A_3 : vector<16xi1>, vector<16xf32>
      %parallel_loop3A_471 = arith.constant 41 : i32
      %parallel_loop3A_472 = arith.index_cast %parallel_loop3A_471 : i32 to index
      %parallel_loop3A_473 = arith.index_cast %parallel_loop3A_10 : i32 to index
      %parallel_loop3A_474 = tpu.vector_load %arg6[%parallel_loop3A_472, %parallel_loop3A_473] {strides = array<i32>} : memref<64x256xf32, #tpu.memory_space<vmem>>, vector<16xf32>,
      %parallel_loop3A_475 = arith.cmpf ogt, %parallel_loop3A_474, %parallel_loop3A_470 : vector<16xf32>
      %parallel_loop3A_476 = arith.maximumf %parallel_loop3A_466, %parallel_loop3A_474 : vector<16xf32>
      %parallel_loop3A_477 = arith.select %parallel_loop3A_475, %parallel_loop3A_470, %parallel_loop3A_476 : vector<16xi1>, vector<16xf32>
      %parallel_loop3A_478 = arith.constant 41 : i32
      %parallel_loop3A_479 = vector.broadcast %parallel_loop3A_478 : i32 to vector<16xi32>
      %parallel_loop3A_480 = arith.select %parallel_loop3A_475, %parallel_loop3A_479, %parallel_loop3A_469 : vector<16xi1>, vector<16xi32>
      %parallel_loop3A_481 = arith.select %parallel_loop3A_475, %parallel_loop3A_474, %parallel_loop3A_470 : vector<16xi1>, vector<16xf32>
      %parallel_loop3A_482 = arith.constant 42 : i32
      %parallel_loop3A_483 = arith.index_cast %parallel_loop3A_482 : i32 to index
      %parallel_loop3A_484 = arith.index_cast %parallel_loop3A_10 : i32 to index
      %parallel_loop3A_485 = tpu.vector_load %arg6[%parallel_loop3A_483, %parallel_loop3A_484] {strides = array<i32>} : memref<64x256xf32, #tpu.memory_space<vmem>>, vector<16xf32>,
      %parallel_loop3A_486 = arith.cmpf ogt, %parallel_loop3A_485, %parallel_loop3A_481 : vector<16xf32>
      %parallel_loop3A_487 = arith.maximumf %parallel_loop3A_477, %parallel_loop3A_485 : vector<16xf32>
      %parallel_loop3A_488 = arith.select %parallel_loop3A_486, %parallel_loop3A_481, %parallel_loop3A_487 : vector<16xi1>, vector<16xf32>
      %parallel_loop3A_489 = arith.constant 42 : i32
      %parallel_loop3A_490 = vector.broadcast %parallel_loop3A_489 : i32 to vector<16xi32>
      %parallel_loop3A_491 = arith.select %parallel_loop3A_486, %parallel_loop3A_490, %parallel_loop3A_480 : vector<16xi1>, vector<16xi32>
      %parallel_loop3A_492 = arith.select %parallel_loop3A_486, %parallel_loop3A_485, %parallel_loop3A_481 : vector<16xi1>, vector<16xf32>
      %parallel_loop3A_493 = arith.constant 43 : i32
      %parallel_loop3A_494 = arith.index_cast %parallel_loop3A_493 : i32 to index
      %parallel_loop3A_495 = arith.index_cast %parallel_loop3A_10 : i32 to index
      %parallel_loop3A_496 = tpu.vector_load %arg6[%parallel_loop3A_494, %parallel_loop3A_495] {strides = array<i32>} : memref<64x256xf32, #tpu.memory_space<vmem>>, vector<16xf32>,
      %parallel_loop3A_497 = arith.cmpf ogt, %parallel_loop3A_496, %parallel_loop3A_492 : vector<16xf32>
      %parallel_loop3A_498 = arith.maximumf %parallel_loop3A_488, %parallel_loop3A_496 : vector<16xf32>
      %parallel_loop3A_499 = arith.select %parallel_loop3A_497, %parallel_loop3A_492, %parallel_loop3A_498 : vector<16xi1>, vector<16xf32>
      %parallel_loop3A_500 = arith.constant 43 : i32
      %parallel_loop3A_501 = vector.broadcast %parallel_loop3A_500 : i32 to vector<16xi32>
      %parallel_loop3A_502 = arith.select %parallel_loop3A_497, %parallel_loop3A_501, %parallel_loop3A_491 : vector<16xi1>, vector<16xi32>
      %parallel_loop3A_503 = arith.select %parallel_loop3A_497, %parallel_loop3A_496, %parallel_loop3A_492 : vector<16xi1>, vector<16xf32>
      %parallel_loop3A_504 = arith.constant 44 : i32
      %parallel_loop3A_505 = arith.index_cast %parallel_loop3A_504 : i32 to index
      %parallel_loop3A_506 = arith.index_cast %parallel_loop3A_10 : i32 to index
      %parallel_loop3A_507 = tpu.vector_load %arg6[%parallel_loop3A_505, %parallel_loop3A_506] {strides = array<i32>} : memref<64x256xf32, #tpu.memory_space<vmem>>, vector<16xf32>,
      %parallel_loop3A_508 = arith.cmpf ogt, %parallel_loop3A_507, %parallel_loop3A_503 : vector<16xf32>
      %parallel_loop3A_509 = arith.maximumf %parallel_loop3A_499, %parallel_loop3A_507 : vector<16xf32>
      %parallel_loop3A_510 = arith.select %parallel_loop3A_508, %parallel_loop3A_503, %parallel_loop3A_509 : vector<16xi1>, vector<16xf32>
      %parallel_loop3A_511 = arith.constant 44 : i32
      %parallel_loop3A_512 = vector.broadcast %parallel_loop3A_511 : i32 to vector<16xi32>
      %parallel_loop3A_513 = arith.select %parallel_loop3A_508, %parallel_loop3A_512, %parallel_loop3A_502 : vector<16xi1>, vector<16xi32>
      %parallel_loop3A_514 = arith.select %parallel_loop3A_508, %parallel_loop3A_507, %parallel_loop3A_503 : vector<16xi1>, vector<16xf32>
      %parallel_loop3A_515 = arith.constant 45 : i32
      %parallel_loop3A_516 = arith.index_cast %parallel_loop3A_515 : i32 to index
      %parallel_loop3A_517 = arith.index_cast %parallel_loop3A_10 : i32 to index
      %parallel_loop3A_518 = tpu.vector_load %arg6[%parallel_loop3A_516, %parallel_loop3A_517] {strides = array<i32>} : memref<64x256xf32, #tpu.memory_space<vmem>>, vector<16xf32>,
      %parallel_loop3A_519 = arith.cmpf ogt, %parallel_loop3A_518, %parallel_loop3A_514 : vector<16xf32>
      %parallel_loop3A_520 = arith.maximumf %parallel_loop3A_510, %parallel_loop3A_518 : vector<16xf32>
      %parallel_loop3A_521 = arith.select %parallel_loop3A_519, %parallel_loop3A_514, %parallel_loop3A_520 : vector<16xi1>, vector<16xf32>
      %parallel_loop3A_522 = arith.constant 45 : i32
      %parallel_loop3A_523 = vector.broadcast %parallel_loop3A_522 : i32 to vector<16xi32>
      %parallel_loop3A_524 = arith.select %parallel_loop3A_519, %parallel_loop3A_523, %parallel_loop3A_513 : vector<16xi1>, vector<16xi32>
      %parallel_loop3A_525 = arith.select %parallel_loop3A_519, %parallel_loop3A_518, %parallel_loop3A_514 : vector<16xi1>, vector<16xf32>
      %parallel_loop3A_526 = arith.constant 46 : i32
      %parallel_loop3A_527 = arith.index_cast %parallel_loop3A_526 : i32 to index
      %parallel_loop3A_528 = arith.index_cast %parallel_loop3A_10 : i32 to index
      %parallel_loop3A_529 = tpu.vector_load %arg6[%parallel_loop3A_527, %parallel_loop3A_528] {strides = array<i32>} : memref<64x256xf32, #tpu.memory_space<vmem>>, vector<16xf32>,
      %parallel_loop3A_530 = arith.cmpf ogt, %parallel_loop3A_529, %parallel_loop3A_525 : vector<16xf32>
      %parallel_loop3A_531 = arith.maximumf %parallel_loop3A_521, %parallel_loop3A_529 : vector<16xf32>
      %parallel_loop3A_532 = arith.select %parallel_loop3A_530, %parallel_loop3A_525, %parallel_loop3A_531 : vector<16xi1>, vector<16xf32>
      %parallel_loop3A_533 = arith.constant 46 : i32
      %parallel_loop3A_534 = vector.broadcast %parallel_loop3A_533 : i32 to vector<16xi32>
      %parallel_loop3A_535 = arith.select %parallel_loop3A_530, %parallel_loop3A_534, %parallel_loop3A_524 : vector<16xi1>, vector<16xi32>
      %parallel_loop3A_536 = arith.select %parallel_loop3A_530, %parallel_loop3A_529, %parallel_loop3A_525 : vector<16xi1>, vector<16xf32>
      %parallel_loop3A_537 = arith.constant 47 : i32
      %parallel_loop3A_538 = arith.index_cast %parallel_loop3A_537 : i32 to index
      %parallel_loop3A_539 = arith.index_cast %parallel_loop3A_10 : i32 to index
      %parallel_loop3A_540 = tpu.vector_load %arg6[%parallel_loop3A_538, %parallel_loop3A_539] {strides = array<i32>} : memref<64x256xf32, #tpu.memory_space<vmem>>, vector<16xf32>,
      %parallel_loop3A_541 = arith.cmpf ogt, %parallel_loop3A_540, %parallel_loop3A_536 : vector<16xf32>
      %parallel_loop3A_542 = arith.maximumf %parallel_loop3A_532, %parallel_loop3A_540 : vector<16xf32>
      %parallel_loop3A_543 = arith.select %parallel_loop3A_541, %parallel_loop3A_536, %parallel_loop3A_542 : vector<16xi1>, vector<16xf32>
      %parallel_loop3A_544 = arith.constant 47 : i32
      %parallel_loop3A_545 = vector.broadcast %parallel_loop3A_544 : i32 to vector<16xi32>
      %parallel_loop3A_546 = arith.select %parallel_loop3A_541, %parallel_loop3A_545, %parallel_loop3A_535 : vector<16xi1>, vector<16xi32>
      %parallel_loop3A_547 = arith.select %parallel_loop3A_541, %parallel_loop3A_540, %parallel_loop3A_536 : vector<16xi1>, vector<16xf32>
      %parallel_loop3A_548 = arith.addf %parallel_loop3A_547, %parallel_loop3A_543 : vector<16xf32>
      %parallel_loop3A_549 = arith.constant 48 : i32
      %parallel_loop3A_550 = arith.index_cast %parallel_loop3A_549 : i32 to index
      %parallel_loop3A_551 = arith.index_cast %parallel_loop3A_10 : i32 to index
      %parallel_loop3A_552 = tpu.vector_load %arg6[%parallel_loop3A_550, %parallel_loop3A_551] {strides = array<i32>} : memref<64x256xf32, #tpu.memory_space<vmem>>, vector<16xf32>,
      %parallel_loop3A_553 = arith.cmpf ogt, %parallel_loop3A_552, %broadcast_in_dim3A_3 : vector<16xf32>
      %parallel_loop3A_554 = arith.maximumf %broadcast_in_dim3A_3, %parallel_loop3A_552 : vector<16xf32>
      %parallel_loop3A_555 = arith.select %parallel_loop3A_553, %broadcast_in_dim3A_3, %parallel_loop3A_554 : vector<16xi1>, vector<16xf32>
      %parallel_loop3A_556 = arith.constant 48 : i32
      %parallel_loop3A_557 = vector.broadcast %parallel_loop3A_556 : i32 to vector<16xi32>
      %parallel_loop3A_558 = arith.select %parallel_loop3A_553, %parallel_loop3A_557, %broadcast_in_dim3A_5 : vector<16xi1>, vector<16xi32>
      %parallel_loop3A_559 = arith.select %parallel_loop3A_553, %parallel_loop3A_552, %broadcast_in_dim3A_3 : vector<16xi1>, vector<16xf32>
      %parallel_loop3A_560 = arith.constant 49 : i32
      %parallel_loop3A_561 = arith.index_cast %parallel_loop3A_560 : i32 to index
      %parallel_loop3A_562 = arith.index_cast %parallel_loop3A_10 : i32 to index
      %parallel_loop3A_563 = tpu.vector_load %arg6[%parallel_loop3A_561, %parallel_loop3A_562] {strides = array<i32>} : memref<64x256xf32, #tpu.memory_space<vmem>>, vector<16xf32>,
      %parallel_loop3A_564 = arith.cmpf ogt, %parallel_loop3A_563, %parallel_loop3A_559 : vector<16xf32>
      %parallel_loop3A_565 = arith.maximumf %parallel_loop3A_555, %parallel_loop3A_563 : vector<16xf32>
      %parallel_loop3A_566 = arith.select %parallel_loop3A_564, %parallel_loop3A_559, %parallel_loop3A_565 : vector<16xi1>, vector<16xf32>
      %parallel_loop3A_567 = arith.constant 49 : i32
      %parallel_loop3A_568 = vector.broadcast %parallel_loop3A_567 : i32 to vector<16xi32>
      %parallel_loop3A_569 = arith.select %parallel_loop3A_564, %parallel_loop3A_568, %parallel_loop3A_558 : vector<16xi1>, vector<16xi32>
      %parallel_loop3A_570 = arith.select %parallel_loop3A_564, %parallel_loop3A_563, %parallel_loop3A_559 : vector<16xi1>, vector<16xf32>
      %parallel_loop3A_571 = arith.constant 50 : i32
      %parallel_loop3A_572 = arith.index_cast %parallel_loop3A_571 : i32 to index
      %parallel_loop3A_573 = arith.index_cast %parallel_loop3A_10 : i32 to index
      %parallel_loop3A_574 = tpu.vector_load %arg6[%parallel_loop3A_572, %parallel_loop3A_573] {strides = array<i32>} : memref<64x256xf32, #tpu.memory_space<vmem>>, vector<16xf32>,
      %parallel_loop3A_575 = arith.cmpf ogt, %parallel_loop3A_574, %parallel_loop3A_570 : vector<16xf32>
      %parallel_loop3A_576 = arith.maximumf %parallel_loop3A_566, %parallel_loop3A_574 : vector<16xf32>
      %parallel_loop3A_577 = arith.select %parallel_loop3A_575, %parallel_loop3A_570, %parallel_loop3A_576 : vector<16xi1>, vector<16xf32>
      %parallel_loop3A_578 = arith.constant 50 : i32
      %parallel_loop3A_579 = vector.broadcast %parallel_loop3A_578 : i32 to vector<16xi32>
      %parallel_loop3A_580 = arith.select %parallel_loop3A_575, %parallel_loop3A_579, %parallel_loop3A_569 : vector<16xi1>, vector<16xi32>
      %parallel_loop3A_581 = arith.select %parallel_loop3A_575, %parallel_loop3A_574, %parallel_loop3A_570 : vector<16xi1>, vector<16xf32>
      %parallel_loop3A_582 = arith.constant 51 : i32
      %parallel_loop3A_583 = arith.index_cast %parallel_loop3A_582 : i32 to index
      %parallel_loop3A_584 = arith.index_cast %parallel_loop3A_10 : i32 to index
      %parallel_loop3A_585 = tpu.vector_load %arg6[%parallel_loop3A_583, %parallel_loop3A_584] {strides = array<i32>} : memref<64x256xf32, #tpu.memory_space<vmem>>, vector<16xf32>,
      %parallel_loop3A_586 = arith.cmpf ogt, %parallel_loop3A_585, %parallel_loop3A_581 : vector<16xf32>
      %parallel_loop3A_587 = arith.maximumf %parallel_loop3A_577, %parallel_loop3A_585 : vector<16xf32>
      %parallel_loop3A_588 = arith.select %parallel_loop3A_586, %parallel_loop3A_581, %parallel_loop3A_587 : vector<16xi1>, vector<16xf32>
      %parallel_loop3A_589 = arith.constant 51 : i32
      %parallel_loop3A_590 = vector.broadcast %parallel_loop3A_589 : i32 to vector<16xi32>
      %parallel_loop3A_591 = arith.select %parallel_loop3A_586, %parallel_loop3A_590, %parallel_loop3A_580 : vector<16xi1>, vector<16xi32>
      %parallel_loop3A_592 = arith.select %parallel_loop3A_586, %parallel_loop3A_585, %parallel_loop3A_581 : vector<16xi1>, vector<16xf32>
      %parallel_loop3A_593 = arith.constant 52 : i32
      %parallel_loop3A_594 = arith.index_cast %parallel_loop3A_593 : i32 to index
      %parallel_loop3A_595 = arith.index_cast %parallel_loop3A_10 : i32 to index
      %parallel_loop3A_596 = tpu.vector_load %arg6[%parallel_loop3A_594, %parallel_loop3A_595] {strides = array<i32>} : memref<64x256xf32, #tpu.memory_space<vmem>>, vector<16xf32>,
      %parallel_loop3A_597 = arith.cmpf ogt, %parallel_loop3A_596, %parallel_loop3A_592 : vector<16xf32>
      %parallel_loop3A_598 = arith.maximumf %parallel_loop3A_588, %parallel_loop3A_596 : vector<16xf32>
      %parallel_loop3A_599 = arith.select %parallel_loop3A_597, %parallel_loop3A_592, %parallel_loop3A_598 : vector<16xi1>, vector<16xf32>
      %parallel_loop3A_600 = arith.constant 52 : i32
      %parallel_loop3A_601 = vector.broadcast %parallel_loop3A_600 : i32 to vector<16xi32>
      %parallel_loop3A_602 = arith.select %parallel_loop3A_597, %parallel_loop3A_601, %parallel_loop3A_591 : vector<16xi1>, vector<16xi32>
      %parallel_loop3A_603 = arith.select %parallel_loop3A_597, %parallel_loop3A_596, %parallel_loop3A_592 : vector<16xi1>, vector<16xf32>
      %parallel_loop3A_604 = arith.constant 53 : i32
      %parallel_loop3A_605 = arith.index_cast %parallel_loop3A_604 : i32 to index
      %parallel_loop3A_606 = arith.index_cast %parallel_loop3A_10 : i32 to index
      %parallel_loop3A_607 = tpu.vector_load %arg6[%parallel_loop3A_605, %parallel_loop3A_606] {strides = array<i32>} : memref<64x256xf32, #tpu.memory_space<vmem>>, vector<16xf32>,
      %parallel_loop3A_608 = arith.cmpf ogt, %parallel_loop3A_607, %parallel_loop3A_603 : vector<16xf32>
      %parallel_loop3A_609 = arith.maximumf %parallel_loop3A_599, %parallel_loop3A_607 : vector<16xf32>
      %parallel_loop3A_610 = arith.select %parallel_loop3A_608, %parallel_loop3A_603, %parallel_loop3A_609 : vector<16xi1>, vector<16xf32>
      %parallel_loop3A_611 = arith.constant 53 : i32
      %parallel_loop3A_612 = vector.broadcast %parallel_loop3A_611 : i32 to vector<16xi32>
      %parallel_loop3A_613 = arith.select %parallel_loop3A_608, %parallel_loop3A_612, %parallel_loop3A_602 : vector<16xi1>, vector<16xi32>
      %parallel_loop3A_614 = arith.select %parallel_loop3A_608, %parallel_loop3A_607, %parallel_loop3A_603 : vector<16xi1>, vector<16xf32>
      %parallel_loop3A_615 = arith.constant 54 : i32
      %parallel_loop3A_616 = arith.index_cast %parallel_loop3A_615 : i32 to index
      %parallel_loop3A_617 = arith.index_cast %parallel_loop3A_10 : i32 to index
      %parallel_loop3A_618 = tpu.vector_load %arg6[%parallel_loop3A_616, %parallel_loop3A_617] {strides = array<i32>} : memref<64x256xf32, #tpu.memory_space<vmem>>, vector<16xf32>,
      %parallel_loop3A_619 = arith.cmpf ogt, %parallel_loop3A_618, %parallel_loop3A_614 : vector<16xf32>
      %parallel_loop3A_620 = arith.maximumf %parallel_loop3A_610, %parallel_loop3A_618 : vector<16xf32>
      %parallel_loop3A_621 = arith.select %parallel_loop3A_619, %parallel_loop3A_614, %parallel_loop3A_620 : vector<16xi1>, vector<16xf32>
      %parallel_loop3A_622 = arith.constant 54 : i32
      %parallel_loop3A_623 = vector.broadcast %parallel_loop3A_622 : i32 to vector<16xi32>
      %parallel_loop3A_624 = arith.select %parallel_loop3A_619, %parallel_loop3A_623, %parallel_loop3A_613 : vector<16xi1>, vector<16xi32>
      %parallel_loop3A_625 = arith.select %parallel_loop3A_619, %parallel_loop3A_618, %parallel_loop3A_614 : vector<16xi1>, vector<16xf32>
      %parallel_loop3A_626 = arith.constant 55 : i32
      %parallel_loop3A_627 = arith.index_cast %parallel_loop3A_626 : i32 to index
      %parallel_loop3A_628 = arith.index_cast %parallel_loop3A_10 : i32 to index
      %parallel_loop3A_629 = tpu.vector_load %arg6[%parallel_loop3A_627, %parallel_loop3A_628] {strides = array<i32>} : memref<64x256xf32, #tpu.memory_space<vmem>>, vector<16xf32>,
      %parallel_loop3A_630 = arith.cmpf ogt, %parallel_loop3A_629, %parallel_loop3A_625 : vector<16xf32>
      %parallel_loop3A_631 = arith.maximumf %parallel_loop3A_621, %parallel_loop3A_629 : vector<16xf32>
      %parallel_loop3A_632 = arith.select %parallel_loop3A_630, %parallel_loop3A_625, %parallel_loop3A_631 : vector<16xi1>, vector<16xf32>
      %parallel_loop3A_633 = arith.constant 55 : i32
      %parallel_loop3A_634 = vector.broadcast %parallel_loop3A_633 : i32 to vector<16xi32>
      %parallel_loop3A_635 = arith.select %parallel_loop3A_630, %parallel_loop3A_634, %parallel_loop3A_624 : vector<16xi1>, vector<16xi32>
      %parallel_loop3A_636 = arith.select %parallel_loop3A_630, %parallel_loop3A_629, %parallel_loop3A_625 : vector<16xi1>, vector<16xf32>
      %parallel_loop3A_637 = arith.addf %parallel_loop3A_636, %parallel_loop3A_632 : vector<16xf32>
      %parallel_loop3A_638 = arith.constant 56 : i32
      %parallel_loop3A_639 = arith.index_cast %parallel_loop3A_638 : i32 to index
      %parallel_loop3A_640 = arith.index_cast %parallel_loop3A_10 : i32 to index
      %parallel_loop3A_641 = tpu.vector_load %arg6[%parallel_loop3A_639, %parallel_loop3A_640] {strides = array<i32>} : memref<64x256xf32, #tpu.memory_space<vmem>>, vector<16xf32>,
      %parallel_loop3A_642 = arith.cmpf ogt, %parallel_loop3A_641, %broadcast_in_dim3A_3 : vector<16xf32>
      %parallel_loop3A_643 = arith.maximumf %broadcast_in_dim3A_3, %parallel_loop3A_641 : vector<16xf32>
      %parallel_loop3A_644 = arith.select %parallel_loop3A_642, %broadcast_in_dim3A_3, %parallel_loop3A_643 : vector<16xi1>, vector<16xf32>
      %parallel_loop3A_645 = arith.constant 56 : i32
      %parallel_loop3A_646 = vector.broadcast %parallel_loop3A_645 : i32 to vector<16xi32>
      %parallel_loop3A_647 = arith.select %parallel_loop3A_642, %parallel_loop3A_646, %broadcast_in_dim3A_5 : vector<16xi1>, vector<16xi32>
      %parallel_loop3A_648 = arith.select %parallel_loop3A_642, %parallel_loop3A_641, %broadcast_in_dim3A_3 : vector<16xi1>, vector<16xf32>
      %parallel_loop3A_649 = arith.constant 57 : i32
      %parallel_loop3A_650 = arith.index_cast %parallel_loop3A_649 : i32 to index
      %parallel_loop3A_651 = arith.index_cast %parallel_loop3A_10 : i32 to index
      %parallel_loop3A_652 = tpu.vector_load %arg6[%parallel_loop3A_650, %parallel_loop3A_651] {strides = array<i32>} : memref<64x256xf32, #tpu.memory_space<vmem>>, vector<16xf32>,
      %parallel_loop3A_653 = arith.cmpf ogt, %parallel_loop3A_652, %parallel_loop3A_648 : vector<16xf32>
      %parallel_loop3A_654 = arith.maximumf %parallel_loop3A_644, %parallel_loop3A_652 : vector<16xf32>
      %parallel_loop3A_655 = arith.select %parallel_loop3A_653, %parallel_loop3A_648, %parallel_loop3A_654 : vector<16xi1>, vector<16xf32>
      %parallel_loop3A_656 = arith.constant 57 : i32
      %parallel_loop3A_657 = vector.broadcast %parallel_loop3A_656 : i32 to vector<16xi32>
      %parallel_loop3A_658 = arith.select %parallel_loop3A_653, %parallel_loop3A_657, %parallel_loop3A_647 : vector<16xi1>, vector<16xi32>
      %parallel_loop3A_659 = arith.select %parallel_loop3A_653, %parallel_loop3A_652, %parallel_loop3A_648 : vector<16xi1>, vector<16xf32>
      %parallel_loop3A_660 = arith.constant 58 : i32
      %parallel_loop3A_661 = arith.index_cast %parallel_loop3A_660 : i32 to index
      %parallel_loop3A_662 = arith.index_cast %parallel_loop3A_10 : i32 to index
      %parallel_loop3A_663 = tpu.vector_load %arg6[%parallel_loop3A_661, %parallel_loop3A_662] {strides = array<i32>} : memref<64x256xf32, #tpu.memory_space<vmem>>, vector<16xf32>,
      %parallel_loop3A_664 = arith.cmpf ogt, %parallel_loop3A_663, %parallel_loop3A_659 : vector<16xf32>
      %parallel_loop3A_665 = arith.maximumf %parallel_loop3A_655, %parallel_loop3A_663 : vector<16xf32>
      %parallel_loop3A_666 = arith.select %parallel_loop3A_664, %parallel_loop3A_659, %parallel_loop3A_665 : vector<16xi1>, vector<16xf32>
      %parallel_loop3A_667 = arith.constant 58 : i32
      %parallel_loop3A_668 = vector.broadcast %parallel_loop3A_667 : i32 to vector<16xi32>
      %parallel_loop3A_669 = arith.select %parallel_loop3A_664, %parallel_loop3A_668, %parallel_loop3A_658 : vector<16xi1>, vector<16xi32>
      %parallel_loop3A_670 = arith.select %parallel_loop3A_664, %parallel_loop3A_663, %parallel_loop3A_659 : vector<16xi1>, vector<16xf32>
      %parallel_loop3A_671 = arith.constant 59 : i32
      %parallel_loop3A_672 = arith.index_cast %parallel_loop3A_671 : i32 to index
      %parallel_loop3A_673 = arith.index_cast %parallel_loop3A_10 : i32 to index
      %parallel_loop3A_674 = tpu.vector_load %arg6[%parallel_loop3A_672, %parallel_loop3A_673] {strides = array<i32>} : memref<64x256xf32, #tpu.memory_space<vmem>>, vector<16xf32>,
      %parallel_loop3A_675 = arith.cmpf ogt, %parallel_loop3A_674, %parallel_loop3A_670 : vector<16xf32>
      %parallel_loop3A_676 = arith.maximumf %parallel_loop3A_666, %parallel_loop3A_674 : vector<16xf32>
      %parallel_loop3A_677 = arith.select %parallel_loop3A_675, %parallel_loop3A_670, %parallel_loop3A_676 : vector<16xi1>, vector<16xf32>
      %parallel_loop3A_678 = arith.constant 59 : i32
      %parallel_loop3A_679 = vector.broadcast %parallel_loop3A_678 : i32 to vector<16xi32>
      %parallel_loop3A_680 = arith.select %parallel_loop3A_675, %parallel_loop3A_679, %parallel_loop3A_669 : vector<16xi1>, vector<16xi32>
      %parallel_loop3A_681 = arith.select %parallel_loop3A_675, %parallel_loop3A_674, %parallel_loop3A_670 : vector<16xi1>, vector<16xf32>
      %parallel_loop3A_682 = arith.constant 60 : i32
      %parallel_loop3A_683 = arith.index_cast %parallel_loop3A_682 : i32 to index
      %parallel_loop3A_684 = arith.index_cast %parallel_loop3A_10 : i32 to index
      %parallel_loop3A_685 = tpu.vector_load %arg6[%parallel_loop3A_683, %parallel_loop3A_684] {strides = array<i32>} : memref<64x256xf32, #tpu.memory_space<vmem>>, vector<16xf32>,
      %parallel_loop3A_686 = arith.cmpf ogt, %parallel_loop3A_685, %parallel_loop3A_681 : vector<16xf32>
      %parallel_loop3A_687 = arith.maximumf %parallel_loop3A_677, %parallel_loop3A_685 : vector<16xf32>
      %parallel_loop3A_688 = arith.select %parallel_loop3A_686, %parallel_loop3A_681, %parallel_loop3A_687 : vector<16xi1>, vector<16xf32>
      %parallel_loop3A_689 = arith.constant 60 : i32
      %parallel_loop3A_690 = vector.broadcast %parallel_loop3A_689 : i32 to vector<16xi32>
      %parallel_loop3A_691 = arith.select %parallel_loop3A_686, %parallel_loop3A_690, %parallel_loop3A_680 : vector<16xi1>, vector<16xi32>
      %parallel_loop3A_692 = arith.select %parallel_loop3A_686, %parallel_loop3A_685, %parallel_loop3A_681 : vector<16xi1>, vector<16xf32>
      %parallel_loop3A_693 = arith.constant 61 : i32
      %parallel_loop3A_694 = arith.index_cast %parallel_loop3A_693 : i32 to index
      %parallel_loop3A_695 = arith.index_cast %parallel_loop3A_10 : i32 to index
      %parallel_loop3A_696 = tpu.vector_load %arg6[%parallel_loop3A_694, %parallel_loop3A_695] {strides = array<i32>} : memref<64x256xf32, #tpu.memory_space<vmem>>, vector<16xf32>,
      %parallel_loop3A_697 = arith.cmpf ogt, %parallel_loop3A_696, %parallel_loop3A_692 : vector<16xf32>
      %parallel_loop3A_698 = arith.maximumf %parallel_loop3A_688, %parallel_loop3A_696 : vector<16xf32>
      %parallel_loop3A_699 = arith.select %parallel_loop3A_697, %parallel_loop3A_692, %parallel_loop3A_698 : vector<16xi1>, vector<16xf32>
      %parallel_loop3A_700 = arith.constant 61 : i32
      %parallel_loop3A_701 = vector.broadcast %parallel_loop3A_700 : i32 to vector<16xi32>
      %parallel_loop3A_702 = arith.select %parallel_loop3A_697, %parallel_loop3A_701, %parallel_loop3A_691 : vector<16xi1>, vector<16xi32>
      %parallel_loop3A_703 = arith.select %parallel_loop3A_697, %parallel_loop3A_696, %parallel_loop3A_692 : vector<16xi1>, vector<16xf32>
      %parallel_loop3A_704 = arith.constant 62 : i32
      %parallel_loop3A_705 = arith.index_cast %parallel_loop3A_704 : i32 to index
      %parallel_loop3A_706 = arith.index_cast %parallel_loop3A_10 : i32 to index
      %parallel_loop3A_707 = tpu.vector_load %arg6[%parallel_loop3A_705, %parallel_loop3A_706] {strides = array<i32>} : memref<64x256xf32, #tpu.memory_space<vmem>>, vector<16xf32>,
      %parallel_loop3A_708 = arith.cmpf ogt, %parallel_loop3A_707, %parallel_loop3A_703 : vector<16xf32>
      %parallel_loop3A_709 = arith.maximumf %parallel_loop3A_699, %parallel_loop3A_707 : vector<16xf32>
      %parallel_loop3A_710 = arith.select %parallel_loop3A_708, %parallel_loop3A_703, %parallel_loop3A_709 : vector<16xi1>, vector<16xf32>
      %parallel_loop3A_711 = arith.constant 62 : i32
      %parallel_loop3A_712 = vector.broadcast %parallel_loop3A_711 : i32 to vector<16xi32>
      %parallel_loop3A_713 = arith.select %parallel_loop3A_708, %parallel_loop3A_712, %parallel_loop3A_702 : vector<16xi1>, vector<16xi32>
      %parallel_loop3A_714 = arith.select %parallel_loop3A_708, %parallel_loop3A_707, %parallel_loop3A_703 : vector<16xi1>, vector<16xf32>
      %parallel_loop3A_715 = arith.constant 63 : i32
      %parallel_loop3A_716 = arith.index_cast %parallel_loop3A_715 : i32 to index
      %parallel_loop3A_717 = arith.index_cast %parallel_loop3A_10 : i32 to index
      %parallel_loop3A_718 = tpu.vector_load %arg6[%parallel_loop3A_716, %parallel_loop3A_717] {strides = array<i32>} : memref<64x256xf32, #tpu.memory_space<vmem>>, vector<16xf32>,
      %parallel_loop3A_719 = arith.cmpf ogt, %parallel_loop3A_718, %parallel_loop3A_714 : vector<16xf32>
      %parallel_loop3A_720 = arith.maximumf %parallel_loop3A_710, %parallel_loop3A_718 : vector<16xf32>
      %parallel_loop3A_721 = arith.select %parallel_loop3A_719, %parallel_loop3A_714, %parallel_loop3A_720 : vector<16xi1>, vector<16xf32>
      %parallel_loop3A_722 = arith.constant 63 : i32
      %parallel_loop3A_723 = vector.broadcast %parallel_loop3A_722 : i32 to vector<16xi32>
      %parallel_loop3A_724 = arith.select %parallel_loop3A_719, %parallel_loop3A_723, %parallel_loop3A_713 : vector<16xi1>, vector<16xi32>
      %parallel_loop3A_725 = arith.select %parallel_loop3A_719, %parallel_loop3A_718, %parallel_loop3A_714 : vector<16xi1>, vector<16xf32>
      %parallel_loop3A_726 = arith.addf %parallel_loop3A_725, %parallel_loop3A_721 : vector<16xf32>
      %parallel_loop3A_727 = arith.constant 0.000000e+00 : f32
      %parallel_loop3A_728 = vector.broadcast %parallel_loop3A_727 : f32 to vector<16xf32>
      %parallel_loop3A_729 = arith.constant 0.000000e+00 : f32
      %parallel_loop3A_730 = vector.broadcast %parallel_loop3A_729 : f32 to vector<16xf32>
      %parallel_loop3A_731 = arith.constant 0.000000e+00 : f32
      %parallel_loop3A_732 = vector.broadcast %parallel_loop3A_731 : f32 to vector<16xf32>
      %parallel_loop3A_733 = arith.constant 0.000000e+00 : f32
      %parallel_loop3A_734 = vector.broadcast %parallel_loop3A_733 : f32 to vector<16xf32>
      %parallel_loop3A_735 = arith.constant 0.000000e+00 : f32
      %parallel_loop3A_736 = vector.broadcast %parallel_loop3A_735 : f32 to vector<16xf32>
      %parallel_loop3A_737 = arith.constant 0.000000e+00 : f32
      %parallel_loop3A_738 = vector.broadcast %parallel_loop3A_737 : f32 to vector<16xf32>
      %parallel_loop3A_739 = arith.constant 0.000000e+00 : f32
      %parallel_loop3A_740 = vector.broadcast %parallel_loop3A_739 : f32 to vector<16xf32>
      %parallel_loop3A_741 = arith.constant 0.000000e+00 : f32
      %parallel_loop3A_742 = vector.broadcast %parallel_loop3A_741 : f32 to vector<16xf32>
      %parallel_loop3A_743 = arith.constant 0 : i32
      %parallel_loop3A_744 = vector.broadcast %parallel_loop3A_743 : i32 to vector<16xi32>
      %parallel_loop3A_745 = arith.addi %broadcast_in_dim3A_5, %parallel_loop3A_744 : vector<16xi32>
      %parallel_loop3A_746 = arith.constant 1 : i32
      %parallel_loop3A_747 = vector.broadcast %parallel_loop3A_746 : i32 to vector<16xi32>
      %parallel_loop3A_748 = arith.addi %broadcast_in_dim3A_5, %parallel_loop3A_747 : vector<16xi32>
      %parallel_loop3A_749 = arith.constant 2 : i32
      %parallel_loop3A_750 = vector.broadcast %parallel_loop3A_749 : i32 to vector<16xi32>
      %parallel_loop3A_751 = arith.addi %broadcast_in_dim3A_5, %parallel_loop3A_750 : vector<16xi32>
      %parallel_loop3A_752 = arith.constant 3 : i32
      %parallel_loop3A_753 = vector.broadcast %parallel_loop3A_752 : i32 to vector<16xi32>
      %parallel_loop3A_754 = arith.addi %broadcast_in_dim3A_5, %parallel_loop3A_753 : vector<16xi32>
      %parallel_loop3A_755 = arith.constant 4 : i32
      %parallel_loop3A_756 = vector.broadcast %parallel_loop3A_755 : i32 to vector<16xi32>
      %parallel_loop3A_757 = arith.addi %broadcast_in_dim3A_5, %parallel_loop3A_756 : vector<16xi32>
      %parallel_loop3A_758 = arith.constant 5 : i32
      %parallel_loop3A_759 = vector.broadcast %parallel_loop3A_758 : i32 to vector<16xi32>
      %parallel_loop3A_760 = arith.addi %broadcast_in_dim3A_5, %parallel_loop3A_759 : vector<16xi32>
      %parallel_loop3A_761 = arith.constant 6 : i32
      %parallel_loop3A_762 = vector.broadcast %parallel_loop3A_761 : i32 to vector<16xi32>
      %parallel_loop3A_763 = arith.addi %broadcast_in_dim3A_5, %parallel_loop3A_762 : vector<16xi32>
      %parallel_loop3A_764 = arith.constant 7 : i32
      %parallel_loop3A_765 = vector.broadcast %parallel_loop3A_764 : i32 to vector<16xi32>
      %parallel_loop3A_766 = arith.addi %broadcast_in_dim3A_5, %parallel_loop3A_765 : vector<16xi32>
      %parallel_loop3A_767 = arith.cmpf ogt, %parallel_loop3A_192, %parallel_loop3A_103 : vector<16xf32>
      %parallel_loop3A_768 = arith.select %parallel_loop3A_767, %parallel_loop3A_192, %parallel_loop3A_103 : vector<16xi1>, vector<16xf32>
      %parallel_loop3A_769 = arith.select %parallel_loop3A_767, %parallel_loop3A_748, %parallel_loop3A_745 : vector<16xi1>, vector<16xi32>
      %parallel_loop3A_770 = arith.cmpf ogt, %parallel_loop3A_370, %parallel_loop3A_281 : vector<16xf32>
      %parallel_loop3A_771 = arith.select %parallel_loop3A_770, %parallel_loop3A_370, %parallel_loop3A_281 : vector<16xi1>, vector<16xf32>
      %parallel_loop3A_772 = arith.select %parallel_loop3A_770, %parallel_loop3A_754, %parallel_loop3A_751 : vector<16xi1>, vector<16xi32>
      %parallel_loop3A_773 = arith.cmpf ogt, %parallel_loop3A_548, %parallel_loop3A_459 : vector<16xf32>
      %parallel_loop3A_774 = arith.select %parallel_loop3A_773, %parallel_loop3A_548, %parallel_loop3A_459 : vector<16xi1>, vector<16xf32>
      %parallel_loop3A_775 = arith.select %parallel_loop3A_773, %parallel_loop3A_760, %parallel_loop3A_757 : vector<16xi1>, vector<16xi32>
      %parallel_loop3A_776 = arith.cmpf ogt, %parallel_loop3A_726, %parallel_loop3A_637 : vector<16xf32>
      %parallel_loop3A_777 = arith.select %parallel_loop3A_776, %parallel_loop3A_726, %parallel_loop3A_637 : vector<16xi1>, vector<16xf32>
      %parallel_loop3A_778 = arith.select %parallel_loop3A_776, %parallel_loop3A_766, %parallel_loop3A_763 : vector<16xi1>, vector<16xi32>
      %parallel_loop3A_779 = arith.cmpf ogt, %parallel_loop3A_771, %parallel_loop3A_768 : vector<16xf32>
      %parallel_loop3A_780 = arith.select %parallel_loop3A_779, %parallel_loop3A_771, %parallel_loop3A_768 : vector<16xi1>, vector<16xf32>
      %parallel_loop3A_781 = arith.select %parallel_loop3A_779, %parallel_loop3A_772, %parallel_loop3A_769 : vector<16xi1>, vector<16xi32>
      %parallel_loop3A_782 = arith.cmpf ogt, %parallel_loop3A_777, %parallel_loop3A_774 : vector<16xf32>
      %parallel_loop3A_783 = arith.select %parallel_loop3A_782, %parallel_loop3A_777, %parallel_loop3A_774 : vector<16xi1>, vector<16xf32>
      %parallel_loop3A_784 = arith.select %parallel_loop3A_782, %parallel_loop3A_778, %parallel_loop3A_775 : vector<16xi1>, vector<16xi32>
      %parallel_loop3A_785 = arith.cmpf ogt, %parallel_loop3A_783, %parallel_loop3A_780 : vector<16xf32>
      %parallel_loop3A_786 = arith.select %parallel_loop3A_785, %parallel_loop3A_783, %parallel_loop3A_780 : vector<16xi1>, vector<16xf32>
      %parallel_loop3A_787 = arith.select %parallel_loop3A_785, %parallel_loop3A_784, %parallel_loop3A_781 : vector<16xi1>, vector<16xi32>
      %parallel_loop3A_788 = arith.constant 0 : i32
      %parallel_loop3A_789 = vector.broadcast %parallel_loop3A_788 : i32 to vector<16xi32>
      %parallel_loop3A_790 = arith.cmpi eq, %parallel_loop3A_787, %parallel_loop3A_789 : vector<16xi32>
      %parallel_loop3A_791 = arith.constant 1.000000e+00 : f32
      %parallel_loop3A_792 = vector.broadcast %parallel_loop3A_791 : f32 to vector<16xf32>
      %parallel_loop3A_793 = arith.select %parallel_loop3A_790, %parallel_loop3A_792, %parallel_loop3A_728 : vector<16xi1>, vector<16xf32>
      %parallel_loop3A_794 = arith.select %parallel_loop3A_790, %broadcast_in_dim3A_3, %parallel_loop3A_103 : vector<16xi1>, vector<16xf32>
      %parallel_loop3A_795 = arith.constant 1 : i32
      %parallel_loop3A_796 = vector.broadcast %parallel_loop3A_795 : i32 to vector<16xi32>
      %parallel_loop3A_797 = arith.cmpi eq, %parallel_loop3A_787, %parallel_loop3A_796 : vector<16xi32>
      %parallel_loop3A_798 = arith.constant 1.000000e+00 : f32
      %parallel_loop3A_799 = vector.broadcast %parallel_loop3A_798 : f32 to vector<16xf32>
      %parallel_loop3A_800 = arith.select %parallel_loop3A_797, %parallel_loop3A_799, %parallel_loop3A_730 : vector<16xi1>, vector<16xf32>
      %parallel_loop3A_801 = arith.select %parallel_loop3A_797, %broadcast_in_dim3A_3, %parallel_loop3A_192 : vector<16xi1>, vector<16xf32>
      %parallel_loop3A_802 = arith.constant 2 : i32
      %parallel_loop3A_803 = vector.broadcast %parallel_loop3A_802 : i32 to vector<16xi32>
      %parallel_loop3A_804 = arith.cmpi eq, %parallel_loop3A_787, %parallel_loop3A_803 : vector<16xi32>
      %parallel_loop3A_805 = arith.constant 1.000000e+00 : f32
      %parallel_loop3A_806 = vector.broadcast %parallel_loop3A_805 : f32 to vector<16xf32>
      %parallel_loop3A_807 = arith.select %parallel_loop3A_804, %parallel_loop3A_806, %parallel_loop3A_732 : vector<16xi1>, vector<16xf32>
      %parallel_loop3A_808 = arith.select %parallel_loop3A_804, %broadcast_in_dim3A_3, %parallel_loop3A_281 : vector<16xi1>, vector<16xf32>
      %parallel_loop3A_809 = arith.constant 3 : i32
      %parallel_loop3A_810 = vector.broadcast %parallel_loop3A_809 : i32 to vector<16xi32>
      %parallel_loop3A_811 = arith.cmpi eq, %parallel_loop3A_787, %parallel_loop3A_810 : vector<16xi32>
      %parallel_loop3A_812 = arith.constant 1.000000e+00 : f32
      %parallel_loop3A_813 = vector.broadcast %parallel_loop3A_812 : f32 to vector<16xf32>
      %parallel_loop3A_814 = arith.select %parallel_loop3A_811, %parallel_loop3A_813, %parallel_loop3A_734 : vector<16xi1>, vector<16xf32>
      %parallel_loop3A_815 = arith.select %parallel_loop3A_811, %broadcast_in_dim3A_3, %parallel_loop3A_370 : vector<16xi1>, vector<16xf32>
      %parallel_loop3A_816 = arith.constant 4 : i32
      %parallel_loop3A_817 = vector.broadcast %parallel_loop3A_816 : i32 to vector<16xi32>
      %parallel_loop3A_818 = arith.cmpi eq, %parallel_loop3A_787, %parallel_loop3A_817 : vector<16xi32>
      %parallel_loop3A_819 = arith.constant 1.000000e+00 : f32
      %parallel_loop3A_820 = vector.broadcast %parallel_loop3A_819 : f32 to vector<16xf32>
      %parallel_loop3A_821 = arith.select %parallel_loop3A_818, %parallel_loop3A_820, %parallel_loop3A_736 : vector<16xi1>, vector<16xf32>
      %parallel_loop3A_822 = arith.select %parallel_loop3A_818, %broadcast_in_dim3A_3, %parallel_loop3A_459 : vector<16xi1>, vector<16xf32>
      %parallel_loop3A_823 = arith.constant 5 : i32
      %parallel_loop3A_824 = vector.broadcast %parallel_loop3A_823 : i32 to vector<16xi32>
      %parallel_loop3A_825 = arith.cmpi eq, %parallel_loop3A_787, %parallel_loop3A_824 : vector<16xi32>
      %parallel_loop3A_826 = arith.constant 1.000000e+00 : f32
      %parallel_loop3A_827 = vector.broadcast %parallel_loop3A_826 : f32 to vector<16xf32>
      %parallel_loop3A_828 = arith.select %parallel_loop3A_825, %parallel_loop3A_827, %parallel_loop3A_738 : vector<16xi1>, vector<16xf32>
      %parallel_loop3A_829 = arith.select %parallel_loop3A_825, %broadcast_in_dim3A_3, %parallel_loop3A_548 : vector<16xi1>, vector<16xf32>
      %parallel_loop3A_830 = arith.constant 6 : i32
      %parallel_loop3A_831 = vector.broadcast %parallel_loop3A_830 : i32 to vector<16xi32>
      %parallel_loop3A_832 = arith.cmpi eq, %parallel_loop3A_787, %parallel_loop3A_831 : vector<16xi32>
      %parallel_loop3A_833 = arith.constant 1.000000e+00 : f32
      %parallel_loop3A_834 = vector.broadcast %parallel_loop3A_833 : f32 to vector<16xf32>
      %parallel_loop3A_835 = arith.select %parallel_loop3A_832, %parallel_loop3A_834, %parallel_loop3A_740 : vector<16xi1>, vector<16xf32>
      %parallel_loop3A_836 = arith.select %parallel_loop3A_832, %broadcast_in_dim3A_3, %parallel_loop3A_637 : vector<16xi1>, vector<16xf32>
      %parallel_loop3A_837 = arith.constant 7 : i32
      %parallel_loop3A_838 = vector.broadcast %parallel_loop3A_837 : i32 to vector<16xi32>
      %parallel_loop3A_839 = arith.cmpi eq, %parallel_loop3A_787, %parallel_loop3A_838 : vector<16xi32>
      %parallel_loop3A_840 = arith.constant 1.000000e+00 : f32
      %parallel_loop3A_841 = vector.broadcast %parallel_loop3A_840 : f32 to vector<16xf32>
      %parallel_loop3A_842 = arith.select %parallel_loop3A_839, %parallel_loop3A_841, %parallel_loop3A_742 : vector<16xi1>, vector<16xf32>
      %parallel_loop3A_843 = arith.select %parallel_loop3A_839, %broadcast_in_dim3A_3, %parallel_loop3A_726 : vector<16xi1>, vector<16xf32>
      %parallel_loop3A_844 = arith.cmpf ogt, %parallel_loop3A_801, %parallel_loop3A_794 : vector<16xf32>
      %parallel_loop3A_845 = arith.select %parallel_loop3A_844, %parallel_loop3A_801, %parallel_loop3A_794 : vector<16xi1>, vector<16xf32>
      %parallel_loop3A_846 = arith.select %parallel_loop3A_844, %parallel_loop3A_748, %parallel_loop3A_745 : vector<16xi1>, vector<16xi32>
      %parallel_loop3A_847 = arith.cmpf ogt, %parallel_loop3A_815, %parallel_loop3A_808 : vector<16xf32>
      %parallel_loop3A_848 = arith.select %parallel_loop3A_847, %parallel_loop3A_815, %parallel_loop3A_808 : vector<16xi1>, vector<16xf32>
      %parallel_loop3A_849 = arith.select %parallel_loop3A_847, %parallel_loop3A_754, %parallel_loop3A_751 : vector<16xi1>, vector<16xi32>
      %parallel_loop3A_850 = arith.cmpf ogt, %parallel_loop3A_829, %parallel_loop3A_822 : vector<16xf32>
      %parallel_loop3A_851 = arith.select %parallel_loop3A_850, %parallel_loop3A_829, %parallel_loop3A_822 : vector<16xi1>, vector<16xf32>
      %parallel_loop3A_852 = arith.select %parallel_loop3A_850, %parallel_loop3A_760, %parallel_loop3A_757 : vector<16xi1>, vector<16xi32>
      %parallel_loop3A_853 = arith.cmpf ogt, %parallel_loop3A_843, %parallel_loop3A_836 : vector<16xf32>
      %parallel_loop3A_854 = arith.select %parallel_loop3A_853, %parallel_loop3A_843, %parallel_loop3A_836 : vector<16xi1>, vector<16xf32>
      %parallel_loop3A_855 = arith.select %parallel_loop3A_853, %parallel_loop3A_766, %parallel_loop3A_763 : vector<16xi1>, vector<16xi32>
      %parallel_loop3A_856 = arith.cmpf ogt, %parallel_loop3A_848, %parallel_loop3A_845 : vector<16xf32>
      %parallel_loop3A_857 = arith.select %parallel_loop3A_856, %parallel_loop3A_848, %parallel_loop3A_845 : vector<16xi1>, vector<16xf32>
      %parallel_loop3A_858 = arith.select %parallel_loop3A_856, %parallel_loop3A_849, %parallel_loop3A_846 : vector<16xi1>, vector<16xi32>
      %parallel_loop3A_859 = arith.cmpf ogt, %parallel_loop3A_854, %parallel_loop3A_851 : vector<16xf32>
      %parallel_loop3A_860 = arith.select %parallel_loop3A_859, %parallel_loop3A_854, %parallel_loop3A_851 : vector<16xi1>, vector<16xf32>
      %parallel_loop3A_861 = arith.select %parallel_loop3A_859, %parallel_loop3A_855, %parallel_loop3A_852 : vector<16xi1>, vector<16xi32>
      %parallel_loop3A_862 = arith.cmpf ogt, %parallel_loop3A_860, %parallel_loop3A_857 : vector<16xf32>
      %parallel_loop3A_863 = arith.select %parallel_loop3A_862, %parallel_loop3A_860, %parallel_loop3A_857 : vector<16xi1>, vector<16xf32>
      %parallel_loop3A_864 = arith.select %parallel_loop3A_862, %parallel_loop3A_861, %parallel_loop3A_858 : vector<16xi1>, vector<16xi32>
      %parallel_loop3A_865 = arith.constant 0 : i32
      %parallel_loop3A_866 = vector.broadcast %parallel_loop3A_865 : i32 to vector<16xi32>
      %parallel_loop3A_867 = arith.cmpi eq, %parallel_loop3A_864, %parallel_loop3A_866 : vector<16xi32>
      %parallel_loop3A_868 = arith.constant 1.000000e+00 : f32
      %parallel_loop3A_869 = vector.broadcast %parallel_loop3A_868 : f32 to vector<16xf32>
      %parallel_loop3A_870 = arith.select %parallel_loop3A_867, %parallel_loop3A_869, %parallel_loop3A_793 : vector<16xi1>, vector<16xf32>
      %parallel_loop3A_871 = arith.select %parallel_loop3A_867, %broadcast_in_dim3A_3, %parallel_loop3A_794 : vector<16xi1>, vector<16xf32>
      %parallel_loop3A_872 = arith.constant 1 : i32
      %parallel_loop3A_873 = vector.broadcast %parallel_loop3A_872 : i32 to vector<16xi32>
      %parallel_loop3A_874 = arith.cmpi eq, %parallel_loop3A_864, %parallel_loop3A_873 : vector<16xi32>
      %parallel_loop3A_875 = arith.constant 1.000000e+00 : f32
      %parallel_loop3A_876 = vector.broadcast %parallel_loop3A_875 : f32 to vector<16xf32>
      %parallel_loop3A_877 = arith.select %parallel_loop3A_874, %parallel_loop3A_876, %parallel_loop3A_800 : vector<16xi1>, vector<16xf32>
      %parallel_loop3A_878 = arith.select %parallel_loop3A_874, %broadcast_in_dim3A_3, %parallel_loop3A_801 : vector<16xi1>, vector<16xf32>
      %parallel_loop3A_879 = arith.constant 2 : i32
      %parallel_loop3A_880 = vector.broadcast %parallel_loop3A_879 : i32 to vector<16xi32>
      %parallel_loop3A_881 = arith.cmpi eq, %parallel_loop3A_864, %parallel_loop3A_880 : vector<16xi32>
      %parallel_loop3A_882 = arith.constant 1.000000e+00 : f32
      %parallel_loop3A_883 = vector.broadcast %parallel_loop3A_882 : f32 to vector<16xf32>
      %parallel_loop3A_884 = arith.select %parallel_loop3A_881, %parallel_loop3A_883, %parallel_loop3A_807 : vector<16xi1>, vector<16xf32>
      %parallel_loop3A_885 = arith.select %parallel_loop3A_881, %broadcast_in_dim3A_3, %parallel_loop3A_808 : vector<16xi1>, vector<16xf32>
      %parallel_loop3A_886 = arith.constant 3 : i32
      %parallel_loop3A_887 = vector.broadcast %parallel_loop3A_886 : i32 to vector<16xi32>
      %parallel_loop3A_888 = arith.cmpi eq, %parallel_loop3A_864, %parallel_loop3A_887 : vector<16xi32>
      %parallel_loop3A_889 = arith.constant 1.000000e+00 : f32
      %parallel_loop3A_890 = vector.broadcast %parallel_loop3A_889 : f32 to vector<16xf32>
      %parallel_loop3A_891 = arith.select %parallel_loop3A_888, %parallel_loop3A_890, %parallel_loop3A_814 : vector<16xi1>, vector<16xf32>
      %parallel_loop3A_892 = arith.select %parallel_loop3A_888, %broadcast_in_dim3A_3, %parallel_loop3A_815 : vector<16xi1>, vector<16xf32>
      %parallel_loop3A_893 = arith.constant 4 : i32
      %parallel_loop3A_894 = vector.broadcast %parallel_loop3A_893 : i32 to vector<16xi32>
      %parallel_loop3A_895 = arith.cmpi eq, %parallel_loop3A_864, %parallel_loop3A_894 : vector<16xi32>
      %parallel_loop3A_896 = arith.constant 1.000000e+00 : f32
      %parallel_loop3A_897 = vector.broadcast %parallel_loop3A_896 : f32 to vector<16xf32>
      %parallel_loop3A_898 = arith.select %parallel_loop3A_895, %parallel_loop3A_897, %parallel_loop3A_821 : vector<16xi1>, vector<16xf32>
      %parallel_loop3A_899 = arith.select %parallel_loop3A_895, %broadcast_in_dim3A_3, %parallel_loop3A_822 : vector<16xi1>, vector<16xf32>
      %parallel_loop3A_900 = arith.constant 5 : i32
      %parallel_loop3A_901 = vector.broadcast %parallel_loop3A_900 : i32 to vector<16xi32>
      %parallel_loop3A_902 = arith.cmpi eq, %parallel_loop3A_864, %parallel_loop3A_901 : vector<16xi32>
      %parallel_loop3A_903 = arith.constant 1.000000e+00 : f32
      %parallel_loop3A_904 = vector.broadcast %parallel_loop3A_903 : f32 to vector<16xf32>
      %parallel_loop3A_905 = arith.select %parallel_loop3A_902, %parallel_loop3A_904, %parallel_loop3A_828 : vector<16xi1>, vector<16xf32>
      %parallel_loop3A_906 = arith.select %parallel_loop3A_902, %broadcast_in_dim3A_3, %parallel_loop3A_829 : vector<16xi1>, vector<16xf32>
      %parallel_loop3A_907 = arith.constant 6 : i32
      %parallel_loop3A_908 = vector.broadcast %parallel_loop3A_907 : i32 to vector<16xi32>
      %parallel_loop3A_909 = arith.cmpi eq, %parallel_loop3A_864, %parallel_loop3A_908 : vector<16xi32>
      %parallel_loop3A_910 = arith.constant 1.000000e+00 : f32
      %parallel_loop3A_911 = vector.broadcast %parallel_loop3A_910 : f32 to vector<16xf32>
      %parallel_loop3A_912 = arith.select %parallel_loop3A_909, %parallel_loop3A_911, %parallel_loop3A_835 : vector<16xi1>, vector<16xf32>
      %parallel_loop3A_913 = arith.select %parallel_loop3A_909, %broadcast_in_dim3A_3, %parallel_loop3A_836 : vector<16xi1>, vector<16xf32>
      %parallel_loop3A_914 = arith.constant 7 : i32
      %parallel_loop3A_915 = vector.broadcast %parallel_loop3A_914 : i32 to vector<16xi32>
      %parallel_loop3A_916 = arith.cmpi eq, %parallel_loop3A_864, %parallel_loop3A_915 : vector<16xi32>
      %parallel_loop3A_917 = arith.constant 1.000000e+00 : f32
      %parallel_loop3A_918 = vector.broadcast %parallel_loop3A_917 : f32 to vector<16xf32>
      %parallel_loop3A_919 = arith.select %parallel_loop3A_916, %parallel_loop3A_918, %parallel_loop3A_842 : vector<16xi1>, vector<16xf32>
      %parallel_loop3A_920 = arith.select %parallel_loop3A_916, %broadcast_in_dim3A_3, %parallel_loop3A_843 : vector<16xi1>, vector<16xf32>
      %parallel_loop3A_921 = arith.cmpf ogt, %parallel_loop3A_878, %parallel_loop3A_871 : vector<16xf32>
      %parallel_loop3A_922 = arith.select %parallel_loop3A_921, %parallel_loop3A_878, %parallel_loop3A_871 : vector<16xi1>, vector<16xf32>
      %parallel_loop3A_923 = arith.select %parallel_loop3A_921, %parallel_loop3A_748, %parallel_loop3A_745 : vector<16xi1>, vector<16xi32>
      %parallel_loop3A_924 = arith.cmpf ogt, %parallel_loop3A_892, %parallel_loop3A_885 : vector<16xf32>
      %parallel_loop3A_925 = arith.select %parallel_loop3A_924, %parallel_loop3A_892, %parallel_loop3A_885 : vector<16xi1>, vector<16xf32>
      %parallel_loop3A_926 = arith.select %parallel_loop3A_924, %parallel_loop3A_754, %parallel_loop3A_751 : vector<16xi1>, vector<16xi32>
      %parallel_loop3A_927 = arith.cmpf ogt, %parallel_loop3A_906, %parallel_loop3A_899 : vector<16xf32>
      %parallel_loop3A_928 = arith.select %parallel_loop3A_927, %parallel_loop3A_906, %parallel_loop3A_899 : vector<16xi1>, vector<16xf32>
      %parallel_loop3A_929 = arith.select %parallel_loop3A_927, %parallel_loop3A_760, %parallel_loop3A_757 : vector<16xi1>, vector<16xi32>
      %parallel_loop3A_930 = arith.cmpf ogt, %parallel_loop3A_920, %parallel_loop3A_913 : vector<16xf32>
      %parallel_loop3A_931 = arith.select %parallel_loop3A_930, %parallel_loop3A_920, %parallel_loop3A_913 : vector<16xi1>, vector<16xf32>
      %parallel_loop3A_932 = arith.select %parallel_loop3A_930, %parallel_loop3A_766, %parallel_loop3A_763 : vector<16xi1>, vector<16xi32>
      %parallel_loop3A_933 = arith.cmpf ogt, %parallel_loop3A_925, %parallel_loop3A_922 : vector<16xf32>
      %parallel_loop3A_934 = arith.select %parallel_loop3A_933, %parallel_loop3A_925, %parallel_loop3A_922 : vector<16xi1>, vector<16xf32>
      %parallel_loop3A_935 = arith.select %parallel_loop3A_933, %parallel_loop3A_926, %parallel_loop3A_923 : vector<16xi1>, vector<16xi32>
      %parallel_loop3A_936 = arith.cmpf ogt, %parallel_loop3A_931, %parallel_loop3A_928 : vector<16xf32>
      %parallel_loop3A_937 = arith.select %parallel_loop3A_936, %parallel_loop3A_931, %parallel_loop3A_928 : vector<16xi1>, vector<16xf32>
      %parallel_loop3A_938 = arith.select %parallel_loop3A_936, %parallel_loop3A_932, %parallel_loop3A_929 : vector<16xi1>, vector<16xi32>
      %parallel_loop3A_939 = arith.cmpf ogt, %parallel_loop3A_937, %parallel_loop3A_934 : vector<16xf32>
      %parallel_loop3A_940 = arith.select %parallel_loop3A_939, %parallel_loop3A_937, %parallel_loop3A_934 : vector<16xi1>, vector<16xf32>
      %parallel_loop3A_941 = arith.select %parallel_loop3A_939, %parallel_loop3A_938, %parallel_loop3A_935 : vector<16xi1>, vector<16xi32>
      %parallel_loop3A_942 = arith.constant 0 : i32
      %parallel_loop3A_943 = vector.broadcast %parallel_loop3A_942 : i32 to vector<16xi32>
      %parallel_loop3A_944 = arith.cmpi eq, %parallel_loop3A_941, %parallel_loop3A_943 : vector<16xi32>
      %parallel_loop3A_945 = arith.constant 1.000000e+00 : f32
      %parallel_loop3A_946 = vector.broadcast %parallel_loop3A_945 : f32 to vector<16xf32>
      %parallel_loop3A_947 = arith.select %parallel_loop3A_944, %parallel_loop3A_946, %parallel_loop3A_870 : vector<16xi1>, vector<16xf32>
      %parallel_loop3A_948 = arith.select %parallel_loop3A_944, %broadcast_in_dim3A_3, %parallel_loop3A_871 : vector<16xi1>, vector<16xf32>
      %parallel_loop3A_949 = arith.constant 1 : i32
      %parallel_loop3A_950 = vector.broadcast %parallel_loop3A_949 : i32 to vector<16xi32>
      %parallel_loop3A_951 = arith.cmpi eq, %parallel_loop3A_941, %parallel_loop3A_950 : vector<16xi32>
      %parallel_loop3A_952 = arith.constant 1.000000e+00 : f32
      %parallel_loop3A_953 = vector.broadcast %parallel_loop3A_952 : f32 to vector<16xf32>
      %parallel_loop3A_954 = arith.select %parallel_loop3A_951, %parallel_loop3A_953, %parallel_loop3A_877 : vector<16xi1>, vector<16xf32>
      %parallel_loop3A_955 = arith.select %parallel_loop3A_951, %broadcast_in_dim3A_3, %parallel_loop3A_878 : vector<16xi1>, vector<16xf32>
      %parallel_loop3A_956 = arith.constant 2 : i32
      %parallel_loop3A_957 = vector.broadcast %parallel_loop3A_956 : i32 to vector<16xi32>
      %parallel_loop3A_958 = arith.cmpi eq, %parallel_loop3A_941, %parallel_loop3A_957 : vector<16xi32>
      %parallel_loop3A_959 = arith.constant 1.000000e+00 : f32
      %parallel_loop3A_960 = vector.broadcast %parallel_loop3A_959 : f32 to vector<16xf32>
      %parallel_loop3A_961 = arith.select %parallel_loop3A_958, %parallel_loop3A_960, %parallel_loop3A_884 : vector<16xi1>, vector<16xf32>
      %parallel_loop3A_962 = arith.select %parallel_loop3A_958, %broadcast_in_dim3A_3, %parallel_loop3A_885 : vector<16xi1>, vector<16xf32>
      %parallel_loop3A_963 = arith.constant 3 : i32
      %parallel_loop3A_964 = vector.broadcast %parallel_loop3A_963 : i32 to vector<16xi32>
      %parallel_loop3A_965 = arith.cmpi eq, %parallel_loop3A_941, %parallel_loop3A_964 : vector<16xi32>
      %parallel_loop3A_966 = arith.constant 1.000000e+00 : f32
      %parallel_loop3A_967 = vector.broadcast %parallel_loop3A_966 : f32 to vector<16xf32>
      %parallel_loop3A_968 = arith.select %parallel_loop3A_965, %parallel_loop3A_967, %parallel_loop3A_891 : vector<16xi1>, vector<16xf32>
      %parallel_loop3A_969 = arith.select %parallel_loop3A_965, %broadcast_in_dim3A_3, %parallel_loop3A_892 : vector<16xi1>, vector<16xf32>
      %parallel_loop3A_970 = arith.constant 4 : i32
      %parallel_loop3A_971 = vector.broadcast %parallel_loop3A_970 : i32 to vector<16xi32>
      %parallel_loop3A_972 = arith.cmpi eq, %parallel_loop3A_941, %parallel_loop3A_971 : vector<16xi32>
      %parallel_loop3A_973 = arith.constant 1.000000e+00 : f32
      %parallel_loop3A_974 = vector.broadcast %parallel_loop3A_973 : f32 to vector<16xf32>
      %parallel_loop3A_975 = arith.select %parallel_loop3A_972, %parallel_loop3A_974, %parallel_loop3A_898 : vector<16xi1>, vector<16xf32>
      %parallel_loop3A_976 = arith.select %parallel_loop3A_972, %broadcast_in_dim3A_3, %parallel_loop3A_899 : vector<16xi1>, vector<16xf32>
      %parallel_loop3A_977 = arith.constant 5 : i32
      %parallel_loop3A_978 = vector.broadcast %parallel_loop3A_977 : i32 to vector<16xi32>
      %parallel_loop3A_979 = arith.cmpi eq, %parallel_loop3A_941, %parallel_loop3A_978 : vector<16xi32>
      %parallel_loop3A_980 = arith.constant 1.000000e+00 : f32
      %parallel_loop3A_981 = vector.broadcast %parallel_loop3A_980 : f32 to vector<16xf32>
      %parallel_loop3A_982 = arith.select %parallel_loop3A_979, %parallel_loop3A_981, %parallel_loop3A_905 : vector<16xi1>, vector<16xf32>
      %parallel_loop3A_983 = arith.select %parallel_loop3A_979, %broadcast_in_dim3A_3, %parallel_loop3A_906 : vector<16xi1>, vector<16xf32>
      %parallel_loop3A_984 = arith.constant 6 : i32
      %parallel_loop3A_985 = vector.broadcast %parallel_loop3A_984 : i32 to vector<16xi32>
      %parallel_loop3A_986 = arith.cmpi eq, %parallel_loop3A_941, %parallel_loop3A_985 : vector<16xi32>
      %parallel_loop3A_987 = arith.constant 1.000000e+00 : f32
      %parallel_loop3A_988 = vector.broadcast %parallel_loop3A_987 : f32 to vector<16xf32>
      %parallel_loop3A_989 = arith.select %parallel_loop3A_986, %parallel_loop3A_988, %parallel_loop3A_912 : vector<16xi1>, vector<16xf32>
      %parallel_loop3A_990 = arith.select %parallel_loop3A_986, %broadcast_in_dim3A_3, %parallel_loop3A_913 : vector<16xi1>, vector<16xf32>
      %parallel_loop3A_991 = arith.constant 7 : i32
      %parallel_loop3A_992 = vector.broadcast %parallel_loop3A_991 : i32 to vector<16xi32>
      %parallel_loop3A_993 = arith.cmpi eq, %parallel_loop3A_941, %parallel_loop3A_992 : vector<16xi32>
      %parallel_loop3A_994 = arith.constant 1.000000e+00 : f32
      %parallel_loop3A_995 = vector.broadcast %parallel_loop3A_994 : f32 to vector<16xf32>
      %parallel_loop3A_996 = arith.select %parallel_loop3A_993, %parallel_loop3A_995, %parallel_loop3A_919 : vector<16xi1>, vector<16xf32>
      %parallel_loop3A_997 = arith.select %parallel_loop3A_993, %broadcast_in_dim3A_3, %parallel_loop3A_920 : vector<16xi1>, vector<16xf32>
      %parallel_loop3A_998 = arith.cmpf ogt, %parallel_loop3A_955, %parallel_loop3A_948 : vector<16xf32>
      %parallel_loop3A_999 = arith.select %parallel_loop3A_998, %parallel_loop3A_955, %parallel_loop3A_948 : vector<16xi1>, vector<16xf32>
      %parallel_loop3A_1000 = arith.select %parallel_loop3A_998, %parallel_loop3A_748, %parallel_loop3A_745 : vector<16xi1>, vector<16xi32>
      %parallel_loop3A_1001 = arith.cmpf ogt, %parallel_loop3A_969, %parallel_loop3A_962 : vector<16xf32>
      %parallel_loop3A_1002 = arith.select %parallel_loop3A_1001, %parallel_loop3A_969, %parallel_loop3A_962 : vector<16xi1>, vector<16xf32>
      %parallel_loop3A_1003 = arith.select %parallel_loop3A_1001, %parallel_loop3A_754, %parallel_loop3A_751 : vector<16xi1>, vector<16xi32>
      %parallel_loop3A_1004 = arith.cmpf ogt, %parallel_loop3A_983, %parallel_loop3A_976 : vector<16xf32>
      %parallel_loop3A_1005 = arith.select %parallel_loop3A_1004, %parallel_loop3A_983, %parallel_loop3A_976 : vector<16xi1>, vector<16xf32>
      %parallel_loop3A_1006 = arith.select %parallel_loop3A_1004, %parallel_loop3A_760, %parallel_loop3A_757 : vector<16xi1>, vector<16xi32>
      %parallel_loop3A_1007 = arith.cmpf ogt, %parallel_loop3A_997, %parallel_loop3A_990 : vector<16xf32>
      %parallel_loop3A_1008 = arith.select %parallel_loop3A_1007, %parallel_loop3A_997, %parallel_loop3A_990 : vector<16xi1>, vector<16xf32>
      %parallel_loop3A_1009 = arith.select %parallel_loop3A_1007, %parallel_loop3A_766, %parallel_loop3A_763 : vector<16xi1>, vector<16xi32>
      %parallel_loop3A_1010 = arith.cmpf ogt, %parallel_loop3A_1002, %parallel_loop3A_999 : vector<16xf32>
      %parallel_loop3A_1011 = arith.select %parallel_loop3A_1010, %parallel_loop3A_1002, %parallel_loop3A_999 : vector<16xi1>, vector<16xf32>
      %parallel_loop3A_1012 = arith.select %parallel_loop3A_1010, %parallel_loop3A_1003, %parallel_loop3A_1000 : vector<16xi1>, vector<16xi32>
      %parallel_loop3A_1013 = arith.cmpf ogt, %parallel_loop3A_1008, %parallel_loop3A_1005 : vector<16xf32>
      %parallel_loop3A_1014 = arith.select %parallel_loop3A_1013, %parallel_loop3A_1008, %parallel_loop3A_1005 : vector<16xi1>, vector<16xf32>
      %parallel_loop3A_1015 = arith.select %parallel_loop3A_1013, %parallel_loop3A_1009, %parallel_loop3A_1006 : vector<16xi1>, vector<16xi32>
      %parallel_loop3A_1016 = arith.cmpf ogt, %parallel_loop3A_1014, %parallel_loop3A_1011 : vector<16xf32>
      %parallel_loop3A_1017 = arith.select %parallel_loop3A_1016, %parallel_loop3A_1014, %parallel_loop3A_1011 : vector<16xi1>, vector<16xf32>
      %parallel_loop3A_1018 = arith.select %parallel_loop3A_1016, %parallel_loop3A_1015, %parallel_loop3A_1012 : vector<16xi1>, vector<16xi32>
      %parallel_loop3A_1019 = arith.constant 0 : i32
      %parallel_loop3A_1020 = vector.broadcast %parallel_loop3A_1019 : i32 to vector<16xi32>
      %parallel_loop3A_1021 = arith.cmpi eq, %parallel_loop3A_1018, %parallel_loop3A_1020 : vector<16xi32>
      %parallel_loop3A_1022 = arith.constant 1.000000e+00 : f32
      %parallel_loop3A_1023 = vector.broadcast %parallel_loop3A_1022 : f32 to vector<16xf32>
      %parallel_loop3A_1024 = arith.select %parallel_loop3A_1021, %parallel_loop3A_1023, %parallel_loop3A_947 : vector<16xi1>, vector<16xf32>
      %parallel_loop3A_1025 = arith.select %parallel_loop3A_1021, %broadcast_in_dim3A_3, %parallel_loop3A_948 : vector<16xi1>, vector<16xf32>
      %parallel_loop3A_1026 = arith.constant 1 : i32
      %parallel_loop3A_1027 = vector.broadcast %parallel_loop3A_1026 : i32 to vector<16xi32>
      %parallel_loop3A_1028 = arith.cmpi eq, %parallel_loop3A_1018, %parallel_loop3A_1027 : vector<16xi32>
      %parallel_loop3A_1029 = arith.constant 1.000000e+00 : f32
      %parallel_loop3A_1030 = vector.broadcast %parallel_loop3A_1029 : f32 to vector<16xf32>
      %parallel_loop3A_1031 = arith.select %parallel_loop3A_1028, %parallel_loop3A_1030, %parallel_loop3A_954 : vector<16xi1>, vector<16xf32>
      %parallel_loop3A_1032 = arith.select %parallel_loop3A_1028, %broadcast_in_dim3A_3, %parallel_loop3A_955 : vector<16xi1>, vector<16xf32>
      %parallel_loop3A_1033 = arith.constant 2 : i32
      %parallel_loop3A_1034 = vector.broadcast %parallel_loop3A_1033 : i32 to vector<16xi32>
      %parallel_loop3A_1035 = arith.cmpi eq, %parallel_loop3A_1018, %parallel_loop3A_1034 : vector<16xi32>
      %parallel_loop3A_1036 = arith.constant 1.000000e+00 : f32
      %parallel_loop3A_1037 = vector.broadcast %parallel_loop3A_1036 : f32 to vector<16xf32>
      %parallel_loop3A_1038 = arith.select %parallel_loop3A_1035, %parallel_loop3A_1037, %parallel_loop3A_961 : vector<16xi1>, vector<16xf32>
      %parallel_loop3A_1039 = arith.select %parallel_loop3A_1035, %broadcast_in_dim3A_3, %parallel_loop3A_962 : vector<16xi1>, vector<16xf32>
      %parallel_loop3A_1040 = arith.constant 3 : i32
      %parallel_loop3A_1041 = vector.broadcast %parallel_loop3A_1040 : i32 to vector<16xi32>
      %parallel_loop3A_1042 = arith.cmpi eq, %parallel_loop3A_1018, %parallel_loop3A_1041 : vector<16xi32>
      %parallel_loop3A_1043 = arith.constant 1.000000e+00 : f32
      %parallel_loop3A_1044 = vector.broadcast %parallel_loop3A_1043 : f32 to vector<16xf32>
      %parallel_loop3A_1045 = arith.select %parallel_loop3A_1042, %parallel_loop3A_1044, %parallel_loop3A_968 : vector<16xi1>, vector<16xf32>
      %parallel_loop3A_1046 = arith.select %parallel_loop3A_1042, %broadcast_in_dim3A_3, %parallel_loop3A_969 : vector<16xi1>, vector<16xf32>
      %parallel_loop3A_1047 = arith.constant 4 : i32
      %parallel_loop3A_1048 = vector.broadcast %parallel_loop3A_1047 : i32 to vector<16xi32>
      %parallel_loop3A_1049 = arith.cmpi eq, %parallel_loop3A_1018, %parallel_loop3A_1048 : vector<16xi32>
      %parallel_loop3A_1050 = arith.constant 1.000000e+00 : f32
      %parallel_loop3A_1051 = vector.broadcast %parallel_loop3A_1050 : f32 to vector<16xf32>
      %parallel_loop3A_1052 = arith.select %parallel_loop3A_1049, %parallel_loop3A_1051, %parallel_loop3A_975 : vector<16xi1>, vector<16xf32>
      %parallel_loop3A_1053 = arith.select %parallel_loop3A_1049, %broadcast_in_dim3A_3, %parallel_loop3A_976 : vector<16xi1>, vector<16xf32>
      %parallel_loop3A_1054 = arith.constant 5 : i32
      %parallel_loop3A_1055 = vector.broadcast %parallel_loop3A_1054 : i32 to vector<16xi32>
      %parallel_loop3A_1056 = arith.cmpi eq, %parallel_loop3A_1018, %parallel_loop3A_1055 : vector<16xi32>
      %parallel_loop3A_1057 = arith.constant 1.000000e+00 : f32
      %parallel_loop3A_1058 = vector.broadcast %parallel_loop3A_1057 : f32 to vector<16xf32>
      %parallel_loop3A_1059 = arith.select %parallel_loop3A_1056, %parallel_loop3A_1058, %parallel_loop3A_982 : vector<16xi1>, vector<16xf32>
      %parallel_loop3A_1060 = arith.select %parallel_loop3A_1056, %broadcast_in_dim3A_3, %parallel_loop3A_983 : vector<16xi1>, vector<16xf32>
      %parallel_loop3A_1061 = arith.constant 6 : i32
      %parallel_loop3A_1062 = vector.broadcast %parallel_loop3A_1061 : i32 to vector<16xi32>
      %parallel_loop3A_1063 = arith.cmpi eq, %parallel_loop3A_1018, %parallel_loop3A_1062 : vector<16xi32>
      %parallel_loop3A_1064 = arith.constant 1.000000e+00 : f32
      %parallel_loop3A_1065 = vector.broadcast %parallel_loop3A_1064 : f32 to vector<16xf32>
      %parallel_loop3A_1066 = arith.select %parallel_loop3A_1063, %parallel_loop3A_1065, %parallel_loop3A_989 : vector<16xi1>, vector<16xf32>
      %parallel_loop3A_1067 = arith.select %parallel_loop3A_1063, %broadcast_in_dim3A_3, %parallel_loop3A_990 : vector<16xi1>, vector<16xf32>
      %parallel_loop3A_1068 = arith.constant 7 : i32
      %parallel_loop3A_1069 = vector.broadcast %parallel_loop3A_1068 : i32 to vector<16xi32>
      %parallel_loop3A_1070 = arith.cmpi eq, %parallel_loop3A_1018, %parallel_loop3A_1069 : vector<16xi32>
      %parallel_loop3A_1071 = arith.constant 1.000000e+00 : f32
      %parallel_loop3A_1072 = vector.broadcast %parallel_loop3A_1071 : f32 to vector<16xf32>
      %parallel_loop3A_1073 = arith.select %parallel_loop3A_1070, %parallel_loop3A_1072, %parallel_loop3A_996 : vector<16xi1>, vector<16xf32>
      %parallel_loop3A_1074 = arith.select %parallel_loop3A_1070, %broadcast_in_dim3A_3, %parallel_loop3A_997 : vector<16xi1>, vector<16xf32>
      %parallel_loop3A_1075 = arith.constant 0.000000e+00 : f32
      %parallel_loop3A_1076 = vector.broadcast %parallel_loop3A_1075 : f32 to vector<16xf32>
      %parallel_loop3A_1077 = arith.mulf %parallel_loop3A_18, %parallel_loop3A_1076 : vector<16xf32>
      %parallel_loop3A_1078 = arith.constant 0.000000e+00 : f32
      %parallel_loop3A_1079 = vector.broadcast %parallel_loop3A_1078 : f32 to vector<16xf32>
      %parallel_loop3A_1080 = arith.cmpf ogt, %parallel_loop3A_1024, %parallel_loop3A_1079 : vector<16xf32>
      %parallel_loop3A_1081 = arith.select %parallel_loop3A_1080, %parallel_loop3A_102, %parallel_loop3A_1077 : vector<16xi1>, vector<16xf32>
      %parallel_loop3A_1082 = arith.constant 0 : i32
      %parallel_loop3A_1083 = vector.broadcast %parallel_loop3A_1082 : i32 to vector<16xi32>
      %parallel_loop3A_1084 = arith.select %parallel_loop3A_1080, %parallel_loop3A_101, %parallel_loop3A_1083 : vector<16xi1>, vector<16xi32>
      %parallel_loop3A_1085 = arith.constant 0 : i32
      %parallel_loop3A_1086 = arith.addi %parallel_loop3A_14, %parallel_loop3A_1085 : i32
      %parallel_loop3A_1087 = arith.index_cast %parallel_loop3A_1086 : i32 to index
      %parallel_loop3A_1088 = tpu.vector_load %arg8[%parallel_loop3A_1087] {strides = array<i32>} : memref<2048xf32, #tpu.memory_space<vmem>>, vector<16xf32>,
      tpu.vector_store %arg8[%parallel_loop3A_1087], %parallel_loop3A_1024 {strides = array<i32>} : memref<2048xf32, #tpu.memory_space<vmem>>, vector<16xf32>,
      %parallel_loop3A_1089 = arith.constant 0.000000e+00 : f32
      %parallel_loop3A_1090 = vector.broadcast %parallel_loop3A_1089 : f32 to vector<16xf32>
      %parallel_loop3A_1091 = arith.mulf %parallel_loop3A_107, %parallel_loop3A_1090 : vector<16xf32>
      %parallel_loop3A_1092 = arith.constant 0.000000e+00 : f32
      %parallel_loop3A_1093 = vector.broadcast %parallel_loop3A_1092 : f32 to vector<16xf32>
      %parallel_loop3A_1094 = arith.cmpf ogt, %parallel_loop3A_1031, %parallel_loop3A_1093 : vector<16xf32>
      %parallel_loop3A_1095 = arith.select %parallel_loop3A_1094, %parallel_loop3A_191, %parallel_loop3A_1091 : vector<16xi1>, vector<16xf32>
      %parallel_loop3A_1096 = arith.constant 8 : i32
      %parallel_loop3A_1097 = vector.broadcast %parallel_loop3A_1096 : i32 to vector<16xi32>
      %parallel_loop3A_1098 = arith.select %parallel_loop3A_1094, %parallel_loop3A_190, %parallel_loop3A_1097 : vector<16xi1>, vector<16xi32>
      %parallel_loop3A_1099 = arith.constant 16 : i32
      %parallel_loop3A_1100 = arith.addi %parallel_loop3A_14, %parallel_loop3A_1099 : i32
      %parallel_loop3A_1101 = arith.index_cast %parallel_loop3A_1100 : i32 to index
      %parallel_loop3A_1102 = tpu.vector_load %arg8[%parallel_loop3A_1101] {strides = array<i32>} : memref<2048xf32, #tpu.memory_space<vmem>>, vector<16xf32>,
      tpu.vector_store %arg8[%parallel_loop3A_1101], %parallel_loop3A_1031 {strides = array<i32>} : memref<2048xf32, #tpu.memory_space<vmem>>, vector<16xf32>,
      %parallel_loop3A_1103 = arith.constant 0.000000e+00 : f32
      %parallel_loop3A_1104 = vector.broadcast %parallel_loop3A_1103 : f32 to vector<16xf32>
      %parallel_loop3A_1105 = arith.mulf %parallel_loop3A_196, %parallel_loop3A_1104 : vector<16xf32>
      %parallel_loop3A_1106 = arith.constant 0.000000e+00 : f32
      %parallel_loop3A_1107 = vector.broadcast %parallel_loop3A_1106 : f32 to vector<16xf32>
      %parallel_loop3A_1108 = arith.cmpf ogt, %parallel_loop3A_1038, %parallel_loop3A_1107 : vector<16xf32>
      %parallel_loop3A_1109 = arith.select %parallel_loop3A_1108, %parallel_loop3A_280, %parallel_loop3A_1105 : vector<16xi1>, vector<16xf32>
      %parallel_loop3A_1110 = arith.constant 16 : i32
      %parallel_loop3A_1111 = vector.broadcast %parallel_loop3A_1110 : i32 to vector<16xi32>
      %parallel_loop3A_1112 = arith.select %parallel_loop3A_1108, %parallel_loop3A_279, %parallel_loop3A_1111 : vector<16xi1>, vector<16xi32>
      %parallel_loop3A_1113 = arith.constant 32 : i32
      %parallel_loop3A_1114 = arith.addi %parallel_loop3A_14, %parallel_loop3A_1113 : i32
      %parallel_loop3A_1115 = arith.index_cast %parallel_loop3A_1114 : i32 to index
      %parallel_loop3A_1116 = tpu.vector_load %arg8[%parallel_loop3A_1115] {strides = array<i32>} : memref<2048xf32, #tpu.memory_space<vmem>>, vector<16xf32>,
      tpu.vector_store %arg8[%parallel_loop3A_1115], %parallel_loop3A_1038 {strides = array<i32>} : memref<2048xf32, #tpu.memory_space<vmem>>, vector<16xf32>,
      %parallel_loop3A_1117 = arith.constant 0.000000e+00 : f32
      %parallel_loop3A_1118 = vector.broadcast %parallel_loop3A_1117 : f32 to vector<16xf32>
      %parallel_loop3A_1119 = arith.mulf %parallel_loop3A_285, %parallel_loop3A_1118 : vector<16xf32>
      %parallel_loop3A_1120 = arith.constant 0.000000e+00 : f32
      %parallel_loop3A_1121 = vector.broadcast %parallel_loop3A_1120 : f32 to vector<16xf32>
      %parallel_loop3A_1122 = arith.cmpf ogt, %parallel_loop3A_1045, %parallel_loop3A_1121 : vector<16xf32>
      %parallel_loop3A_1123 = arith.select %parallel_loop3A_1122, %parallel_loop3A_369, %parallel_loop3A_1119 : vector<16xi1>, vector<16xf32>
      %parallel_loop3A_1124 = arith.constant 24 : i32
      %parallel_loop3A_1125 = vector.broadcast %parallel_loop3A_1124 : i32 to vector<16xi32>
      %parallel_loop3A_1126 = arith.select %parallel_loop3A_1122, %parallel_loop3A_368, %parallel_loop3A_1125 : vector<16xi1>, vector<16xi32>
      %parallel_loop3A_1127 = arith.constant 48 : i32
      %parallel_loop3A_1128 = arith.addi %parallel_loop3A_14, %parallel_loop3A_1127 : i32
      %parallel_loop3A_1129 = arith.index_cast %parallel_loop3A_1128 : i32 to index
      %parallel_loop3A_1130 = tpu.vector_load %arg8[%parallel_loop3A_1129] {strides = array<i32>} : memref<2048xf32, #tpu.memory_space<vmem>>, vector<16xf32>,
      tpu.vector_store %arg8[%parallel_loop3A_1129], %parallel_loop3A_1045 {strides = array<i32>} : memref<2048xf32, #tpu.memory_space<vmem>>, vector<16xf32>,
      %parallel_loop3A_1131 = arith.constant 0.000000e+00 : f32
      %parallel_loop3A_1132 = vector.broadcast %parallel_loop3A_1131 : f32 to vector<16xf32>
      %parallel_loop3A_1133 = arith.mulf %parallel_loop3A_374, %parallel_loop3A_1132 : vector<16xf32>
      %parallel_loop3A_1134 = arith.constant 0.000000e+00 : f32
      %parallel_loop3A_1135 = vector.broadcast %parallel_loop3A_1134 : f32 to vector<16xf32>
      %parallel_loop3A_1136 = arith.cmpf ogt, %parallel_loop3A_1052, %parallel_loop3A_1135 : vector<16xf32>
      %parallel_loop3A_1137 = arith.select %parallel_loop3A_1136, %parallel_loop3A_458, %parallel_loop3A_1133 : vector<16xi1>, vector<16xf32>
      %parallel_loop3A_1138 = arith.constant 32 : i32
      %parallel_loop3A_1139 = vector.broadcast %parallel_loop3A_1138 : i32 to vector<16xi32>
      %parallel_loop3A_1140 = arith.select %parallel_loop3A_1136, %parallel_loop3A_457, %parallel_loop3A_1139 : vector<16xi1>, vector<16xi32>
      %parallel_loop3A_1141 = arith.constant 64 : i32
      %parallel_loop3A_1142 = arith.addi %parallel_loop3A_14, %parallel_loop3A_1141 : i32
      %parallel_loop3A_1143 = arith.index_cast %parallel_loop3A_1142 : i32 to index
      %parallel_loop3A_1144 = tpu.vector_load %arg8[%parallel_loop3A_1143] {strides = array<i32>} : memref<2048xf32, #tpu.memory_space<vmem>>, vector<16xf32>,
      tpu.vector_store %arg8[%parallel_loop3A_1143], %parallel_loop3A_1052 {strides = array<i32>} : memref<2048xf32, #tpu.memory_space<vmem>>, vector<16xf32>,
      %parallel_loop3A_1145 = arith.constant 0.000000e+00 : f32
      %parallel_loop3A_1146 = vector.broadcast %parallel_loop3A_1145 : f32 to vector<16xf32>
      %parallel_loop3A_1147 = arith.mulf %parallel_loop3A_463, %parallel_loop3A_1146 : vector<16xf32>
      %parallel_loop3A_1148 = arith.constant 0.000000e+00 : f32
      %parallel_loop3A_1149 = vector.broadcast %parallel_loop3A_1148 : f32 to vector<16xf32>
      %parallel_loop3A_1150 = arith.cmpf ogt, %parallel_loop3A_1059, %parallel_loop3A_1149 : vector<16xf32>
      %parallel_loop3A_1151 = arith.select %parallel_loop3A_1150, %parallel_loop3A_547, %parallel_loop3A_1147 : vector<16xi1>, vector<16xf32>
      %parallel_loop3A_1152 = arith.constant 40 : i32
      %parallel_loop3A_1153 = vector.broadcast %parallel_loop3A_1152 : i32 to vector<16xi32>
      %parallel_loop3A_1154 = arith.select %parallel_loop3A_1150, %parallel_loop3A_546, %parallel_loop3A_1153 : vector<16xi1>, vector<16xi32>
      %parallel_loop3A_1155 = arith.constant 80 : i32
      %parallel_loop3A_1156 = arith.addi %parallel_loop3A_14, %parallel_loop3A_1155 : i32
      %parallel_loop3A_1157 = arith.index_cast %parallel_loop3A_1156 : i32 to index
      %parallel_loop3A_1158 = tpu.vector_load %arg8[%parallel_loop3A_1157] {strides = array<i32>} : memref<2048xf32, #tpu.memory_space<vmem>>, vector<16xf32>,
      tpu.vector_store %arg8[%parallel_loop3A_1157], %parallel_loop3A_1059 {strides = array<i32>} : memref<2048xf32, #tpu.memory_space<vmem>>, vector<16xf32>,
      %parallel_loop3A_1159 = arith.constant 0.000000e+00 : f32
      %parallel_loop3A_1160 = vector.broadcast %parallel_loop3A_1159 : f32 to vector<16xf32>
      %parallel_loop3A_1161 = arith.mulf %parallel_loop3A_552, %parallel_loop3A_1160 : vector<16xf32>
      %parallel_loop3A_1162 = arith.constant 0.000000e+00 : f32
      %parallel_loop3A_1163 = vector.broadcast %parallel_loop3A_1162 : f32 to vector<16xf32>
      %parallel_loop3A_1164 = arith.cmpf ogt, %parallel_loop3A_1066, %parallel_loop3A_1163 : vector<16xf32>
      %parallel_loop3A_1165 = arith.select %parallel_loop3A_1164, %parallel_loop3A_636, %parallel_loop3A_1161 : vector<16xi1>, vector<16xf32>
      %parallel_loop3A_1166 = arith.constant 48 : i32
      %parallel_loop3A_1167 = vector.broadcast %parallel_loop3A_1166 : i32 to vector<16xi32>
      %parallel_loop3A_1168 = arith.select %parallel_loop3A_1164, %parallel_loop3A_635, %parallel_loop3A_1167 : vector<16xi1>, vector<16xi32>
      %parallel_loop3A_1169 = arith.constant 96 : i32
      %parallel_loop3A_1170 = arith.addi %parallel_loop3A_14, %parallel_loop3A_1169 : i32
      %parallel_loop3A_1171 = arith.index_cast %parallel_loop3A_1170 : i32 to index
      %parallel_loop3A_1172 = tpu.vector_load %arg8[%parallel_loop3A_1171] {strides = array<i32>} : memref<2048xf32, #tpu.memory_space<vmem>>, vector<16xf32>,
      tpu.vector_store %arg8[%parallel_loop3A_1171], %parallel_loop3A_1066 {strides = array<i32>} : memref<2048xf32, #tpu.memory_space<vmem>>, vector<16xf32>,
      %parallel_loop3A_1173 = arith.constant 0.000000e+00 : f32
      %parallel_loop3A_1174 = vector.broadcast %parallel_loop3A_1173 : f32 to vector<16xf32>
      %parallel_loop3A_1175 = arith.mulf %parallel_loop3A_641, %parallel_loop3A_1174 : vector<16xf32>
      %parallel_loop3A_1176 = arith.constant 0.000000e+00 : f32
      %parallel_loop3A_1177 = vector.broadcast %parallel_loop3A_1176 : f32 to vector<16xf32>
      %parallel_loop3A_1178 = arith.cmpf ogt, %parallel_loop3A_1073, %parallel_loop3A_1177 : vector<16xf32>
      %parallel_loop3A_1179 = arith.select %parallel_loop3A_1178, %parallel_loop3A_725, %parallel_loop3A_1175 : vector<16xi1>, vector<16xf32>
      %parallel_loop3A_1180 = arith.constant 56 : i32
      %parallel_loop3A_1181 = vector.broadcast %parallel_loop3A_1180 : i32 to vector<16xi32>
      %parallel_loop3A_1182 = arith.select %parallel_loop3A_1178, %parallel_loop3A_724, %parallel_loop3A_1181 : vector<16xi1>, vector<16xi32>
      %parallel_loop3A_1183 = arith.constant 112 : i32
      %parallel_loop3A_1184 = arith.addi %parallel_loop3A_14, %parallel_loop3A_1183 : i32
      %parallel_loop3A_1185 = arith.index_cast %parallel_loop3A_1184 : i32 to index
      %parallel_loop3A_1186 = tpu.vector_load %arg8[%parallel_loop3A_1185] {strides = array<i32>} : memref<2048xf32, #tpu.memory_space<vmem>>, vector<16xf32>,
      tpu.vector_store %arg8[%parallel_loop3A_1185], %parallel_loop3A_1073 {strides = array<i32>} : memref<2048xf32, #tpu.memory_space<vmem>>, vector<16xf32>,
      %parallel_loop3A_1187 = arith.cmpf ogt, %parallel_loop3A_1095, %parallel_loop3A_1081 : vector<16xf32>
      %parallel_loop3A_1188 = arith.select %parallel_loop3A_1187, %parallel_loop3A_1095, %parallel_loop3A_1081 : vector<16xi1>, vector<16xf32>
      %parallel_loop3A_1189 = arith.select %parallel_loop3A_1187, %parallel_loop3A_1098, %parallel_loop3A_1084 : vector<16xi1>, vector<16xi32>
      %parallel_loop3A_1190 = arith.cmpf ogt, %parallel_loop3A_1123, %parallel_loop3A_1109 : vector<16xf32>
      %parallel_loop3A_1191 = arith.select %parallel_loop3A_1190, %parallel_loop3A_1123, %parallel_loop3A_1109 : vector<16xi1>, vector<16xf32>
      %parallel_loop3A_1192 = arith.select %parallel_loop3A_1190, %parallel_loop3A_1126, %parallel_loop3A_1112 : vector<16xi1>, vector<16xi32>
      %parallel_loop3A_1193 = arith.cmpf ogt, %parallel_loop3A_1151, %parallel_loop3A_1137 : vector<16xf32>
      %parallel_loop3A_1194 = arith.select %parallel_loop3A_1193, %parallel_loop3A_1151, %parallel_loop3A_1137 : vector<16xi1>, vector<16xf32>
      %parallel_loop3A_1195 = arith.select %parallel_loop3A_1193, %parallel_loop3A_1154, %parallel_loop3A_1140 : vector<16xi1>, vector<16xi32>
      %parallel_loop3A_1196 = arith.cmpf ogt, %parallel_loop3A_1179, %parallel_loop3A_1165 : vector<16xf32>
      %parallel_loop3A_1197 = arith.select %parallel_loop3A_1196, %parallel_loop3A_1179, %parallel_loop3A_1165 : vector<16xi1>, vector<16xf32>
      %parallel_loop3A_1198 = arith.select %parallel_loop3A_1196, %parallel_loop3A_1182, %parallel_loop3A_1168 : vector<16xi1>, vector<16xi32>
      %parallel_loop3A_1199 = arith.cmpf ogt, %parallel_loop3A_1191, %parallel_loop3A_1188 : vector<16xf32>
      %parallel_loop3A_1200 = arith.select %parallel_loop3A_1199, %parallel_loop3A_1191, %parallel_loop3A_1188 : vector<16xi1>, vector<16xf32>
      %parallel_loop3A_1201 = arith.select %parallel_loop3A_1199, %parallel_loop3A_1192, %parallel_loop3A_1189 : vector<16xi1>, vector<16xi32>
      %parallel_loop3A_1202 = arith.cmpf ogt, %parallel_loop3A_1197, %parallel_loop3A_1194 : vector<16xf32>
      %parallel_loop3A_1203 = arith.select %parallel_loop3A_1202, %parallel_loop3A_1197, %parallel_loop3A_1194 : vector<16xi1>, vector<16xf32>
      %parallel_loop3A_1204 = arith.select %parallel_loop3A_1202, %parallel_loop3A_1198, %parallel_loop3A_1195 : vector<16xi1>, vector<16xi32>
      %parallel_loop3A_1205 = arith.cmpf ogt, %parallel_loop3A_1203, %parallel_loop3A_1200 : vector<16xf32>
      %parallel_loop3A_1206 = arith.select %parallel_loop3A_1205, %parallel_loop3A_1203, %parallel_loop3A_1200 : vector<16xi1>, vector<16xf32>
      %parallel_loop3A_1207 = arith.select %parallel_loop3A_1205, %parallel_loop3A_1204, %parallel_loop3A_1201 : vector<16xi1>, vector<16xi32>
      %parallel_loop3A_1208 = arith.constant 0 : i32
      %parallel_loop3A_1209 = arith.index_cast %parallel_loop3A_1208 : i32 to index
      %parallel_loop3A_1210 = arith.index_cast %parallel_loop3A_10 : i32 to index
      %parallel_loop3A_1211 = tpu.vector_load %arg10[%parallel_loop3A_1209, %parallel_loop3A_1210] {strides = array<i32>} : memref<8x256xi32, #tpu.memory_space<vmem>>, vector<16xi32>,
      tpu.vector_store %arg10[%parallel_loop3A_1209, %parallel_loop3A_1210], %parallel_loop3A_1207 {strides = array<i32>} : memref<8x256xi32, #tpu.memory_space<vmem>>, vector<16xi32>,
      %parallel_loop3A_1212 = tpu.vector_load_idx %arg6[%parallel_loop3A_1207, %parallel_loop3A_12] : memref<64x256xf32, #tpu.memory_space<vmem>>[vector<16xi32>, vector<16xi32>], vector<16xf32>,
      %parallel_loop3A_1213 = tpu.vector_load_idx %arg7[%parallel_loop3A_1207, %iota3A] : memref<64x16xf32, #tpu.memory_space<vmem>>[vector<16xi32>, vector<16xi32>], vector<16xf32>,
      %parallel_loop3A_1214 = arith.subf %parallel_loop3A_1212, %parallel_loop3A_1213 : vector<16xf32>
      %parallel_loop3A_1215 = arith.constant 3 : i32
      %parallel_loop3A_1216 = vector.broadcast %parallel_loop3A_1215 : i32 to vector<16xi32>
      %parallel_loop3A_1217 = arith.shrui %parallel_loop3A_1207, %parallel_loop3A_1216 : vector<16xi32>
      %parallel_loop3A_1218 = arith.constant 4 : i32
      %parallel_loop3A_1219 = vector.broadcast %parallel_loop3A_1218 : i32 to vector<16xi32>
      %parallel_loop3A_1220 = arith.shli %parallel_loop3A_1217, %parallel_loop3A_1219 : vector<16xi32>
      %parallel_loop3A_1221 = vector.broadcast %parallel_loop3A_14 : i32 to vector<16xi32>
      %parallel_loop3A_1222 = arith.addi %parallel_loop3A_1221, %parallel_loop3A_1220 : vector<16xi32>
      %parallel_loop3A_1223 = arith.addi %parallel_loop3A_1222, %iota3A : vector<16xi32>
      %parallel_loop3A_1224 = tpu.vector_load_idx %arg8[%parallel_loop3A_1223] : memref<2048xf32, #tpu.memory_space<vmem>>[vector<16xi32>], vector<16xf32>,
      %parallel_loop3A_1225 = arith.constant 3 : i32
      %parallel_loop3A_1226 = vector.broadcast %parallel_loop3A_1225 : i32 to vector<16xi32>
      %parallel_loop3A_1227 = arith.shli %parallel_loop3A_1217, %parallel_loop3A_1226 : vector<16xi32>
      %parallel_loop3A_1228 = arith.constant 0 : i32
      %parallel_loop3A_1229 = vector.broadcast %parallel_loop3A_1228 : i32 to vector<16xi32>
      %parallel_loop3A_1230 = arith.addi %parallel_loop3A_1227, %parallel_loop3A_1229 : vector<16xi32>
      %parallel_loop3A_1231 = tpu.vector_load_idx %arg6[%parallel_loop3A_1230, %parallel_loop3A_12] : memref<64x256xf32, #tpu.memory_space<vmem>>[vector<16xi32>, vector<16xi32>], vector<16xf32>,
      %parallel_loop3A_1232 = arith.mulf %parallel_loop3A_1231, %parallel_loop3A_1224 : vector<16xf32>
      %parallel_loop3A_1233 = arith.cmpf olt, %parallel_loop3A_1232, %parallel_loop3A_1206 : vector<16xf32>
      %parallel_loop3A_1234 = arith.cmpf oeq, %parallel_loop3A_1232, %parallel_loop3A_1206 : vector<16xf32>
      %parallel_loop3A_1235 = arith.cmpi sgt, %parallel_loop3A_1230, %parallel_loop3A_1207 : vector<16xi32>
      %parallel_loop3A_1236 = arith.andi %parallel_loop3A_1234, %parallel_loop3A_1235 : vector<16xi1>
      %parallel_loop3A_1237 = arith.ori %parallel_loop3A_1233, %parallel_loop3A_1236 : vector<16xi1>
      %parallel_loop3A_1238 = arith.select %parallel_loop3A_1237, %parallel_loop3A_1232, %broadcast_in_dim3A_3 : vector<16xi1>, vector<16xf32>
      %parallel_loop3A_1239 = arith.constant 1 : i32
      %parallel_loop3A_1240 = vector.broadcast %parallel_loop3A_1239 : i32 to vector<16xi32>
      %parallel_loop3A_1241 = arith.addi %parallel_loop3A_1227, %parallel_loop3A_1240 : vector<16xi32>
      %parallel_loop3A_1242 = tpu.vector_load_idx %arg6[%parallel_loop3A_1241, %parallel_loop3A_12] : memref<64x256xf32, #tpu.memory_space<vmem>>[vector<16xi32>, vector<16xi32>], vector<16xf32>,
      %parallel_loop3A_1243 = arith.mulf %parallel_loop3A_1242, %parallel_loop3A_1224 : vector<16xf32>
      %parallel_loop3A_1244 = arith.cmpf olt, %parallel_loop3A_1243, %parallel_loop3A_1206 : vector<16xf32>
      %parallel_loop3A_1245 = arith.cmpf oeq, %parallel_loop3A_1243, %parallel_loop3A_1206 : vector<16xf32>
      %parallel_loop3A_1246 = arith.cmpi sgt, %parallel_loop3A_1241, %parallel_loop3A_1207 : vector<16xi32>
      %parallel_loop3A_1247 = arith.andi %parallel_loop3A_1245, %parallel_loop3A_1246 : vector<16xi1>
      %parallel_loop3A_1248 = arith.ori %parallel_loop3A_1244, %parallel_loop3A_1247 : vector<16xi1>
      %parallel_loop3A_1249 = arith.select %parallel_loop3A_1248, %parallel_loop3A_1243, %broadcast_in_dim3A_3 : vector<16xi1>, vector<16xf32>
      %parallel_loop3A_1250 = arith.constant 2 : i32
      %parallel_loop3A_1251 = vector.broadcast %parallel_loop3A_1250 : i32 to vector<16xi32>
      %parallel_loop3A_1252 = arith.addi %parallel_loop3A_1227, %parallel_loop3A_1251 : vector<16xi32>
      %parallel_loop3A_1253 = tpu.vector_load_idx %arg6[%parallel_loop3A_1252, %parallel_loop3A_12] : memref<64x256xf32, #tpu.memory_space<vmem>>[vector<16xi32>, vector<16xi32>], vector<16xf32>,
      %parallel_loop3A_1254 = arith.mulf %parallel_loop3A_1253, %parallel_loop3A_1224 : vector<16xf32>
      %parallel_loop3A_1255 = arith.cmpf olt, %parallel_loop3A_1254, %parallel_loop3A_1206 : vector<16xf32>
      %parallel_loop3A_1256 = arith.cmpf oeq, %parallel_loop3A_1254, %parallel_loop3A_1206 : vector<16xf32>
      %parallel_loop3A_1257 = arith.cmpi sgt, %parallel_loop3A_1252, %parallel_loop3A_1207 : vector<16xi32>
      %parallel_loop3A_1258 = arith.andi %parallel_loop3A_1256, %parallel_loop3A_1257 : vector<16xi1>
      %parallel_loop3A_1259 = arith.ori %parallel_loop3A_1255, %parallel_loop3A_1258 : vector<16xi1>
      %parallel_loop3A_1260 = arith.select %parallel_loop3A_1259, %parallel_loop3A_1254, %broadcast_in_dim3A_3 : vector<16xi1>, vector<16xf32>
      %parallel_loop3A_1261 = arith.constant 3 : i32
      %parallel_loop3A_1262 = vector.broadcast %parallel_loop3A_1261 : i32 to vector<16xi32>
      %parallel_loop3A_1263 = arith.addi %parallel_loop3A_1227, %parallel_loop3A_1262 : vector<16xi32>
      %parallel_loop3A_1264 = tpu.vector_load_idx %arg6[%parallel_loop3A_1263, %parallel_loop3A_12] : memref<64x256xf32, #tpu.memory_space<vmem>>[vector<16xi32>, vector<16xi32>], vector<16xf32>,
      %parallel_loop3A_1265 = arith.mulf %parallel_loop3A_1264, %parallel_loop3A_1224 : vector<16xf32>
      %parallel_loop3A_1266 = arith.cmpf olt, %parallel_loop3A_1265, %parallel_loop3A_1206 : vector<16xf32>
      %parallel_loop3A_1267 = arith.cmpf oeq, %parallel_loop3A_1265, %parallel_loop3A_1206 : vector<16xf32>
      %parallel_loop3A_1268 = arith.cmpi sgt, %parallel_loop3A_1263, %parallel_loop3A_1207 : vector<16xi32>
      %parallel_loop3A_1269 = arith.andi %parallel_loop3A_1267, %parallel_loop3A_1268 : vector<16xi1>
      %parallel_loop3A_1270 = arith.ori %parallel_loop3A_1266, %parallel_loop3A_1269 : vector<16xi1>
      %parallel_loop3A_1271 = arith.select %parallel_loop3A_1270, %parallel_loop3A_1265, %broadcast_in_dim3A_3 : vector<16xi1>, vector<16xf32>
      %parallel_loop3A_1272 = arith.constant 4 : i32
      %parallel_loop3A_1273 = vector.broadcast %parallel_loop3A_1272 : i32 to vector<16xi32>
      %parallel_loop3A_1274 = arith.addi %parallel_loop3A_1227, %parallel_loop3A_1273 : vector<16xi32>
      %parallel_loop3A_1275 = tpu.vector_load_idx %arg6[%parallel_loop3A_1274, %parallel_loop3A_12] : memref<64x256xf32, #tpu.memory_space<vmem>>[vector<16xi32>, vector<16xi32>], vector<16xf32>,
      %parallel_loop3A_1276 = arith.mulf %parallel_loop3A_1275, %parallel_loop3A_1224 : vector<16xf32>
      %parallel_loop3A_1277 = arith.cmpf olt, %parallel_loop3A_1276, %parallel_loop3A_1206 : vector<16xf32>
      %parallel_loop3A_1278 = arith.cmpf oeq, %parallel_loop3A_1276, %parallel_loop3A_1206 : vector<16xf32>
      %parallel_loop3A_1279 = arith.cmpi sgt, %parallel_loop3A_1274, %parallel_loop3A_1207 : vector<16xi32>
      %parallel_loop3A_1280 = arith.andi %parallel_loop3A_1278, %parallel_loop3A_1279 : vector<16xi1>
      %parallel_loop3A_1281 = arith.ori %parallel_loop3A_1277, %parallel_loop3A_1280 : vector<16xi1>
      %parallel_loop3A_1282 = arith.select %parallel_loop3A_1281, %parallel_loop3A_1276, %broadcast_in_dim3A_3 : vector<16xi1>, vector<16xf32>
      %parallel_loop3A_1283 = arith.constant 5 : i32
      %parallel_loop3A_1284 = vector.broadcast %parallel_loop3A_1283 : i32 to vector<16xi32>
      %parallel_loop3A_1285 = arith.addi %parallel_loop3A_1227, %parallel_loop3A_1284 : vector<16xi32>
      %parallel_loop3A_1286 = tpu.vector_load_idx %arg6[%parallel_loop3A_1285, %parallel_loop3A_12] : memref<64x256xf32, #tpu.memory_space<vmem>>[vector<16xi32>, vector<16xi32>], vector<16xf32>,
      %parallel_loop3A_1287 = arith.mulf %parallel_loop3A_1286, %parallel_loop3A_1224 : vector<16xf32>
      %parallel_loop3A_1288 = arith.cmpf olt, %parallel_loop3A_1287, %parallel_loop3A_1206 : vector<16xf32>
      %parallel_loop3A_1289 = arith.cmpf oeq, %parallel_loop3A_1287, %parallel_loop3A_1206 : vector<16xf32>
      %parallel_loop3A_1290 = arith.cmpi sgt, %parallel_loop3A_1285, %parallel_loop3A_1207 : vector<16xi32>
      %parallel_loop3A_1291 = arith.andi %parallel_loop3A_1289, %parallel_loop3A_1290 : vector<16xi1>
      %parallel_loop3A_1292 = arith.ori %parallel_loop3A_1288, %parallel_loop3A_1291 : vector<16xi1>
      %parallel_loop3A_1293 = arith.select %parallel_loop3A_1292, %parallel_loop3A_1287, %broadcast_in_dim3A_3 : vector<16xi1>, vector<16xf32>
      %parallel_loop3A_1294 = arith.constant 6 : i32
      %parallel_loop3A_1295 = vector.broadcast %parallel_loop3A_1294 : i32 to vector<16xi32>
      %parallel_loop3A_1296 = arith.addi %parallel_loop3A_1227, %parallel_loop3A_1295 : vector<16xi32>
      %parallel_loop3A_1297 = tpu.vector_load_idx %arg6[%parallel_loop3A_1296, %parallel_loop3A_12] : memref<64x256xf32, #tpu.memory_space<vmem>>[vector<16xi32>, vector<16xi32>], vector<16xf32>,
      %parallel_loop3A_1298 = arith.mulf %parallel_loop3A_1297, %parallel_loop3A_1224 : vector<16xf32>
      %parallel_loop3A_1299 = arith.cmpf olt, %parallel_loop3A_1298, %parallel_loop3A_1206 : vector<16xf32>
      %parallel_loop3A_1300 = arith.cmpf oeq, %parallel_loop3A_1298, %parallel_loop3A_1206 : vector<16xf32>
      %parallel_loop3A_1301 = arith.cmpi sgt, %parallel_loop3A_1296, %parallel_loop3A_1207 : vector<16xi32>
      %parallel_loop3A_1302 = arith.andi %parallel_loop3A_1300, %parallel_loop3A_1301 : vector<16xi1>
      %parallel_loop3A_1303 = arith.ori %parallel_loop3A_1299, %parallel_loop3A_1302 : vector<16xi1>
      %parallel_loop3A_1304 = arith.select %parallel_loop3A_1303, %parallel_loop3A_1298, %broadcast_in_dim3A_3 : vector<16xi1>, vector<16xf32>
      %parallel_loop3A_1305 = arith.constant 7 : i32
      %parallel_loop3A_1306 = vector.broadcast %parallel_loop3A_1305 : i32 to vector<16xi32>
      %parallel_loop3A_1307 = arith.addi %parallel_loop3A_1227, %parallel_loop3A_1306 : vector<16xi32>
      %parallel_loop3A_1308 = tpu.vector_load_idx %arg6[%parallel_loop3A_1307, %parallel_loop3A_12] : memref<64x256xf32, #tpu.memory_space<vmem>>[vector<16xi32>, vector<16xi32>], vector<16xf32>,
      %parallel_loop3A_1309 = arith.mulf %parallel_loop3A_1308, %parallel_loop3A_1224 : vector<16xf32>
      %parallel_loop3A_1310 = arith.cmpf olt, %parallel_loop3A_1309, %parallel_loop3A_1206 : vector<16xf32>
      %parallel_loop3A_1311 = arith.cmpf oeq, %parallel_loop3A_1309, %parallel_loop3A_1206 : vector<16xf32>
      %parallel_loop3A_1312 = arith.cmpi sgt, %parallel_loop3A_1307, %parallel_loop3A_1207 : vector<16xi32>
      %parallel_loop3A_1313 = arith.andi %parallel_loop3A_1311, %parallel_loop3A_1312 : vector<16xi1>
      %parallel_loop3A_1314 = arith.ori %parallel_loop3A_1310, %parallel_loop3A_1313 : vector<16xi1>
      %parallel_loop3A_1315 = arith.select %parallel_loop3A_1314, %parallel_loop3A_1309, %broadcast_in_dim3A_3 : vector<16xi1>, vector<16xf32>
      %parallel_loop3A_1316 = arith.cmpf ogt, %parallel_loop3A_1249, %parallel_loop3A_1238 : vector<16xf32>
      %parallel_loop3A_1317 = arith.select %parallel_loop3A_1316, %parallel_loop3A_1249, %parallel_loop3A_1238 : vector<16xi1>, vector<16xf32>
      %parallel_loop3A_1318 = arith.select %parallel_loop3A_1316, %parallel_loop3A_1241, %parallel_loop3A_1230 : vector<16xi1>, vector<16xi32>
      %parallel_loop3A_1319 = arith.cmpf ogt, %parallel_loop3A_1271, %parallel_loop3A_1260 : vector<16xf32>
      %parallel_loop3A_1320 = arith.select %parallel_loop3A_1319, %parallel_loop3A_1271, %parallel_loop3A_1260 : vector<16xi1>, vector<16xf32>
      %parallel_loop3A_1321 = arith.select %parallel_loop3A_1319, %parallel_loop3A_1263, %parallel_loop3A_1252 : vector<16xi1>, vector<16xi32>
      %parallel_loop3A_1322 = arith.cmpf ogt, %parallel_loop3A_1293, %parallel_loop3A_1282 : vector<16xf32>
      %parallel_loop3A_1323 = arith.select %parallel_loop3A_1322, %parallel_loop3A_1293, %parallel_loop3A_1282 : vector<16xi1>, vector<16xf32>
      %parallel_loop3A_1324 = arith.select %parallel_loop3A_1322, %parallel_loop3A_1285, %parallel_loop3A_1274 : vector<16xi1>, vector<16xi32>
      %parallel_loop3A_1325 = arith.cmpf ogt, %parallel_loop3A_1315, %parallel_loop3A_1304 : vector<16xf32>
      %parallel_loop3A_1326 = arith.select %parallel_loop3A_1325, %parallel_loop3A_1315, %parallel_loop3A_1304 : vector<16xi1>, vector<16xf32>
      %parallel_loop3A_1327 = arith.select %parallel_loop3A_1325, %parallel_loop3A_1307, %parallel_loop3A_1296 : vector<16xi1>, vector<16xi32>
      %parallel_loop3A_1328 = arith.cmpf ogt, %parallel_loop3A_1320, %parallel_loop3A_1317 : vector<16xf32>
      %parallel_loop3A_1329 = arith.select %parallel_loop3A_1328, %parallel_loop3A_1320, %parallel_loop3A_1317 : vector<16xi1>, vector<16xf32>
      %parallel_loop3A_1330 = arith.select %parallel_loop3A_1328, %parallel_loop3A_1321, %parallel_loop3A_1318 : vector<16xi1>, vector<16xi32>
      %parallel_loop3A_1331 = arith.cmpf ogt, %parallel_loop3A_1326, %parallel_loop3A_1323 : vector<16xf32>
      %parallel_loop3A_1332 = arith.select %parallel_loop3A_1331, %parallel_loop3A_1326, %parallel_loop3A_1323 : vector<16xi1>, vector<16xf32>
      %parallel_loop3A_1333 = arith.select %parallel_loop3A_1331, %parallel_loop3A_1327, %parallel_loop3A_1324 : vector<16xi1>, vector<16xi32>
      %parallel_loop3A_1334 = arith.cmpf ogt, %parallel_loop3A_1332, %parallel_loop3A_1329 : vector<16xf32>
      %parallel_loop3A_1335 = arith.select %parallel_loop3A_1334, %parallel_loop3A_1332, %parallel_loop3A_1329 : vector<16xi1>, vector<16xf32>
      %parallel_loop3A_1336 = arith.select %parallel_loop3A_1334, %parallel_loop3A_1333, %parallel_loop3A_1330 : vector<16xi1>, vector<16xi32>
      %parallel_loop3A_1337 = arith.constant 0 : i32
      %parallel_loop3A_1338 = vector.broadcast %parallel_loop3A_1337 : i32 to vector<16xi32>
      %parallel_loop3A_1339 = arith.cmpi eq, %parallel_loop3A_1217, %parallel_loop3A_1338 : vector<16xi32>
      %parallel_loop3A_1340 = arith.select %parallel_loop3A_1339, %parallel_loop3A_1335, %parallel_loop3A_1081 : vector<16xi1>, vector<16xf32>
      %parallel_loop3A_1341 = arith.select %parallel_loop3A_1339, %parallel_loop3A_1336, %parallel_loop3A_1084 : vector<16xi1>, vector<16xi32>
      %parallel_loop3A_1342 = arith.constant 1 : i32
      %parallel_loop3A_1343 = vector.broadcast %parallel_loop3A_1342 : i32 to vector<16xi32>
      %parallel_loop3A_1344 = arith.cmpi eq, %parallel_loop3A_1217, %parallel_loop3A_1343 : vector<16xi32>
      %parallel_loop3A_1345 = arith.select %parallel_loop3A_1344, %parallel_loop3A_1335, %parallel_loop3A_1095 : vector<16xi1>, vector<16xf32>
      %parallel_loop3A_1346 = arith.select %parallel_loop3A_1344, %parallel_loop3A_1336, %parallel_loop3A_1098 : vector<16xi1>, vector<16xi32>
      %parallel_loop3A_1347 = arith.constant 2 : i32
      %parallel_loop3A_1348 = vector.broadcast %parallel_loop3A_1347 : i32 to vector<16xi32>
      %parallel_loop3A_1349 = arith.cmpi eq, %parallel_loop3A_1217, %parallel_loop3A_1348 : vector<16xi32>
      %parallel_loop3A_1350 = arith.select %parallel_loop3A_1349, %parallel_loop3A_1335, %parallel_loop3A_1109 : vector<16xi1>, vector<16xf32>
      %parallel_loop3A_1351 = arith.select %parallel_loop3A_1349, %parallel_loop3A_1336, %parallel_loop3A_1112 : vector<16xi1>, vector<16xi32>
      %parallel_loop3A_1352 = arith.constant 3 : i32
      %parallel_loop3A_1353 = vector.broadcast %parallel_loop3A_1352 : i32 to vector<16xi32>
      %parallel_loop3A_1354 = arith.cmpi eq, %parallel_loop3A_1217, %parallel_loop3A_1353 : vector<16xi32>
      %parallel_loop3A_1355 = arith.select %parallel_loop3A_1354, %parallel_loop3A_1335, %parallel_loop3A_1123 : vector<16xi1>, vector<16xf32>
      %parallel_loop3A_1356 = arith.select %parallel_loop3A_1354, %parallel_loop3A_1336, %parallel_loop3A_1126 : vector<16xi1>, vector<16xi32>
      %parallel_loop3A_1357 = arith.constant 4 : i32
      %parallel_loop3A_1358 = vector.broadcast %parallel_loop3A_1357 : i32 to vector<16xi32>
      %parallel_loop3A_1359 = arith.cmpi eq, %parallel_loop3A_1217, %parallel_loop3A_1358 : vector<16xi32>
      %parallel_loop3A_1360 = arith.select %parallel_loop3A_1359, %parallel_loop3A_1335, %parallel_loop3A_1137 : vector<16xi1>, vector<16xf32>
      %parallel_loop3A_1361 = arith.select %parallel_loop3A_1359, %parallel_loop3A_1336, %parallel_loop3A_1140 : vector<16xi1>, vector<16xi32>
      %parallel_loop3A_1362 = arith.constant 5 : i32
      %parallel_loop3A_1363 = vector.broadcast %parallel_loop3A_1362 : i32 to vector<16xi32>
      %parallel_loop3A_1364 = arith.cmpi eq, %parallel_loop3A_1217, %parallel_loop3A_1363 : vector<16xi32>
      %parallel_loop3A_1365 = arith.select %parallel_loop3A_1364, %parallel_loop3A_1335, %parallel_loop3A_1151 : vector<16xi1>, vector<16xf32>
      %parallel_loop3A_1366 = arith.select %parallel_loop3A_1364, %parallel_loop3A_1336, %parallel_loop3A_1154 : vector<16xi1>, vector<16xi32>
      %parallel_loop3A_1367 = arith.constant 6 : i32
      %parallel_loop3A_1368 = vector.broadcast %parallel_loop3A_1367 : i32 to vector<16xi32>
      %parallel_loop3A_1369 = arith.cmpi eq, %parallel_loop3A_1217, %parallel_loop3A_1368 : vector<16xi32>
      %parallel_loop3A_1370 = arith.select %parallel_loop3A_1369, %parallel_loop3A_1335, %parallel_loop3A_1165 : vector<16xi1>, vector<16xf32>
      %parallel_loop3A_1371 = arith.select %parallel_loop3A_1369, %parallel_loop3A_1336, %parallel_loop3A_1168 : vector<16xi1>, vector<16xi32>
      %parallel_loop3A_1372 = arith.constant 7 : i32
      %parallel_loop3A_1373 = vector.broadcast %parallel_loop3A_1372 : i32 to vector<16xi32>
      %parallel_loop3A_1374 = arith.cmpi eq, %parallel_loop3A_1217, %parallel_loop3A_1373 : vector<16xi32>
      %parallel_loop3A_1375 = arith.select %parallel_loop3A_1374, %parallel_loop3A_1335, %parallel_loop3A_1179 : vector<16xi1>, vector<16xf32>
      %parallel_loop3A_1376 = arith.select %parallel_loop3A_1374, %parallel_loop3A_1336, %parallel_loop3A_1182 : vector<16xi1>, vector<16xi32>
      %parallel_loop3A_1377 = arith.cmpf ogt, %parallel_loop3A_1345, %parallel_loop3A_1340 : vector<16xf32>
      %parallel_loop3A_1378 = arith.select %parallel_loop3A_1377, %parallel_loop3A_1345, %parallel_loop3A_1340 : vector<16xi1>, vector<16xf32>
      %parallel_loop3A_1379 = arith.select %parallel_loop3A_1377, %parallel_loop3A_1346, %parallel_loop3A_1341 : vector<16xi1>, vector<16xi32>
      %parallel_loop3A_1380 = arith.cmpf ogt, %parallel_loop3A_1355, %parallel_loop3A_1350 : vector<16xf32>
      %parallel_loop3A_1381 = arith.select %parallel_loop3A_1380, %parallel_loop3A_1355, %parallel_loop3A_1350 : vector<16xi1>, vector<16xf32>
      %parallel_loop3A_1382 = arith.select %parallel_loop3A_1380, %parallel_loop3A_1356, %parallel_loop3A_1351 : vector<16xi1>, vector<16xi32>
      %parallel_loop3A_1383 = arith.cmpf ogt, %parallel_loop3A_1365, %parallel_loop3A_1360 : vector<16xf32>
      %parallel_loop3A_1384 = arith.select %parallel_loop3A_1383, %parallel_loop3A_1365, %parallel_loop3A_1360 : vector<16xi1>, vector<16xf32>
      %parallel_loop3A_1385 = arith.select %parallel_loop3A_1383, %parallel_loop3A_1366, %parallel_loop3A_1361 : vector<16xi1>, vector<16xi32>
      %parallel_loop3A_1386 = arith.cmpf ogt, %parallel_loop3A_1375, %parallel_loop3A_1370 : vector<16xf32>
      %parallel_loop3A_1387 = arith.select %parallel_loop3A_1386, %parallel_loop3A_1375, %parallel_loop3A_1370 : vector<16xi1>, vector<16xf32>
      %parallel_loop3A_1388 = arith.select %parallel_loop3A_1386, %parallel_loop3A_1376, %parallel_loop3A_1371 : vector<16xi1>, vector<16xi32>
      %parallel_loop3A_1389 = arith.cmpf ogt, %parallel_loop3A_1381, %parallel_loop3A_1378 : vector<16xf32>
      %parallel_loop3A_1390 = arith.select %parallel_loop3A_1389, %parallel_loop3A_1381, %parallel_loop3A_1378 : vector<16xi1>, vector<16xf32>
      %parallel_loop3A_1391 = arith.select %parallel_loop3A_1389, %parallel_loop3A_1382, %parallel_loop3A_1379 : vector<16xi1>, vector<16xi32>
      %parallel_loop3A_1392 = arith.cmpf ogt, %parallel_loop3A_1387, %parallel_loop3A_1384 : vector<16xf32>
      %parallel_loop3A_1393 = arith.select %parallel_loop3A_1392, %parallel_loop3A_1387, %parallel_loop3A_1384 : vector<16xi1>, vector<16xf32>
      %parallel_loop3A_1394 = arith.select %parallel_loop3A_1392, %parallel_loop3A_1388, %parallel_loop3A_1385 : vector<16xi1>, vector<16xi32>
      %parallel_loop3A_1395 = arith.cmpf ogt, %parallel_loop3A_1393, %parallel_loop3A_1390 : vector<16xf32>
      %parallel_loop3A_1396 = arith.select %parallel_loop3A_1395, %parallel_loop3A_1393, %parallel_loop3A_1390 : vector<16xi1>, vector<16xf32>
      %parallel_loop3A_1397 = arith.select %parallel_loop3A_1395, %parallel_loop3A_1394, %parallel_loop3A_1391 : vector<16xi1>, vector<16xi32>
      %parallel_loop3A_1398 = arith.constant 1 : i32
      %parallel_loop3A_1399 = arith.index_cast %parallel_loop3A_1398 : i32 to index
      %parallel_loop3A_1400 = arith.index_cast %parallel_loop3A_10 : i32 to index
      %parallel_loop3A_1401 = tpu.vector_load %arg10[%parallel_loop3A_1399, %parallel_loop3A_1400] {strides = array<i32>} : memref<8x256xi32, #tpu.memory_space<vmem>>, vector<16xi32>,
      tpu.vector_store %arg10[%parallel_loop3A_1399, %parallel_loop3A_1400], %parallel_loop3A_1397 {strides = array<i32>} : memref<8x256xi32, #tpu.memory_space<vmem>>, vector<16xi32>,
      %parallel_loop3A_1402 = tpu.vector_load_idx %arg6[%parallel_loop3A_1397, %parallel_loop3A_12] : memref<64x256xf32, #tpu.memory_space<vmem>>[vector<16xi32>, vector<16xi32>], vector<16xf32>,
      %parallel_loop3A_1403 = tpu.vector_load_idx %arg7[%parallel_loop3A_1397, %iota3A] : memref<64x16xf32, #tpu.memory_space<vmem>>[vector<16xi32>, vector<16xi32>], vector<16xf32>,
      %parallel_loop3A_1404 = arith.subf %parallel_loop3A_1402, %parallel_loop3A_1403 : vector<16xf32>
      %parallel_loop3A_1405 = arith.addf %parallel_loop3A_1214, %parallel_loop3A_1404 : vector<16xf32>
      %parallel_loop3A_1406 = arith.constant 3 : i32
      %parallel_loop3A_1407 = vector.broadcast %parallel_loop3A_1406 : i32 to vector<16xi32>
      %parallel_loop3A_1408 = arith.shrui %parallel_loop3A_1397, %parallel_loop3A_1407 : vector<16xi32>
      %parallel_loop3A_1409 = arith.constant 4 : i32
      %parallel_loop3A_1410 = vector.broadcast %parallel_loop3A_1409 : i32 to vector<16xi32>
      %parallel_loop3A_1411 = arith.shli %parallel_loop3A_1408, %parallel_loop3A_1410 : vector<16xi32>
      %parallel_loop3A_1412 = vector.broadcast %parallel_loop3A_14 : i32 to vector<16xi32>
      %parallel_loop3A_1413 = arith.addi %parallel_loop3A_1412, %parallel_loop3A_1411 : vector<16xi32>
      %parallel_loop3A_1414 = arith.addi %parallel_loop3A_1413, %iota3A : vector<16xi32>
      %parallel_loop3A_1415 = tpu.vector_load_idx %arg8[%parallel_loop3A_1414] : memref<2048xf32, #tpu.memory_space<vmem>>[vector<16xi32>], vector<16xf32>,
      %parallel_loop3A_1416 = arith.constant 3 : i32
      %parallel_loop3A_1417 = vector.broadcast %parallel_loop3A_1416 : i32 to vector<16xi32>
      %parallel_loop3A_1418 = arith.shli %parallel_loop3A_1408, %parallel_loop3A_1417 : vector<16xi32>
      %parallel_loop3A_1419 = arith.constant 0 : i32
      %parallel_loop3A_1420 = vector.broadcast %parallel_loop3A_1419 : i32 to vector<16xi32>
      %parallel_loop3A_1421 = arith.addi %parallel_loop3A_1418, %parallel_loop3A_1420 : vector<16xi32>
      %parallel_loop3A_1422 = tpu.vector_load_idx %arg6[%parallel_loop3A_1421, %parallel_loop3A_12] : memref<64x256xf32, #tpu.memory_space<vmem>>[vector<16xi32>, vector<16xi32>], vector<16xf32>,
      %parallel_loop3A_1423 = arith.mulf %parallel_loop3A_1422, %parallel_loop3A_1415 : vector<16xf32>
      %parallel_loop3A_1424 = arith.cmpf olt, %parallel_loop3A_1423, %parallel_loop3A_1396 : vector<16xf32>
      %parallel_loop3A_1425 = arith.cmpf oeq, %parallel_loop3A_1423, %parallel_loop3A_1396 : vector<16xf32>
      %parallel_loop3A_1426 = arith.cmpi sgt, %parallel_loop3A_1421, %parallel_loop3A_1397 : vector<16xi32>
      %parallel_loop3A_1427 = arith.andi %parallel_loop3A_1425, %parallel_loop3A_1426 : vector<16xi1>
      %parallel_loop3A_1428 = arith.ori %parallel_loop3A_1424, %parallel_loop3A_1427 : vector<16xi1>
      %parallel_loop3A_1429 = arith.select %parallel_loop3A_1428, %parallel_loop3A_1423, %broadcast_in_dim3A_3 : vector<16xi1>, vector<16xf32>
      %parallel_loop3A_1430 = arith.constant 1 : i32
      %parallel_loop3A_1431 = vector.broadcast %parallel_loop3A_1430 : i32 to vector<16xi32>
      %parallel_loop3A_1432 = arith.addi %parallel_loop3A_1418, %parallel_loop3A_1431 : vector<16xi32>
      %parallel_loop3A_1433 = tpu.vector_load_idx %arg6[%parallel_loop3A_1432, %parallel_loop3A_12] : memref<64x256xf32, #tpu.memory_space<vmem>>[vector<16xi32>, vector<16xi32>], vector<16xf32>,
      %parallel_loop3A_1434 = arith.mulf %parallel_loop3A_1433, %parallel_loop3A_1415 : vector<16xf32>
      %parallel_loop3A_1435 = arith.cmpf olt, %parallel_loop3A_1434, %parallel_loop3A_1396 : vector<16xf32>
      %parallel_loop3A_1436 = arith.cmpf oeq, %parallel_loop3A_1434, %parallel_loop3A_1396 : vector<16xf32>
      %parallel_loop3A_1437 = arith.cmpi sgt, %parallel_loop3A_1432, %parallel_loop3A_1397 : vector<16xi32>
      %parallel_loop3A_1438 = arith.andi %parallel_loop3A_1436, %parallel_loop3A_1437 : vector<16xi1>
      %parallel_loop3A_1439 = arith.ori %parallel_loop3A_1435, %parallel_loop3A_1438 : vector<16xi1>
      %parallel_loop3A_1440 = arith.select %parallel_loop3A_1439, %parallel_loop3A_1434, %broadcast_in_dim3A_3 : vector<16xi1>, vector<16xf32>
      %parallel_loop3A_1441 = arith.constant 2 : i32
      %parallel_loop3A_1442 = vector.broadcast %parallel_loop3A_1441 : i32 to vector<16xi32>
      %parallel_loop3A_1443 = arith.addi %parallel_loop3A_1418, %parallel_loop3A_1442 : vector<16xi32>
      %parallel_loop3A_1444 = tpu.vector_load_idx %arg6[%parallel_loop3A_1443, %parallel_loop3A_12] : memref<64x256xf32, #tpu.memory_space<vmem>>[vector<16xi32>, vector<16xi32>], vector<16xf32>,
      %parallel_loop3A_1445 = arith.mulf %parallel_loop3A_1444, %parallel_loop3A_1415 : vector<16xf32>
      %parallel_loop3A_1446 = arith.cmpf olt, %parallel_loop3A_1445, %parallel_loop3A_1396 : vector<16xf32>
      %parallel_loop3A_1447 = arith.cmpf oeq, %parallel_loop3A_1445, %parallel_loop3A_1396 : vector<16xf32>
      %parallel_loop3A_1448 = arith.cmpi sgt, %parallel_loop3A_1443, %parallel_loop3A_1397 : vector<16xi32>
      %parallel_loop3A_1449 = arith.andi %parallel_loop3A_1447, %parallel_loop3A_1448 : vector<16xi1>
      %parallel_loop3A_1450 = arith.ori %parallel_loop3A_1446, %parallel_loop3A_1449 : vector<16xi1>
      %parallel_loop3A_1451 = arith.select %parallel_loop3A_1450, %parallel_loop3A_1445, %broadcast_in_dim3A_3 : vector<16xi1>, vector<16xf32>
      %parallel_loop3A_1452 = arith.constant 3 : i32
      %parallel_loop3A_1453 = vector.broadcast %parallel_loop3A_1452 : i32 to vector<16xi32>
      %parallel_loop3A_1454 = arith.addi %parallel_loop3A_1418, %parallel_loop3A_1453 : vector<16xi32>
      %parallel_loop3A_1455 = tpu.vector_load_idx %arg6[%parallel_loop3A_1454, %parallel_loop3A_12] : memref<64x256xf32, #tpu.memory_space<vmem>>[vector<16xi32>, vector<16xi32>], vector<16xf32>,
      %parallel_loop3A_1456 = arith.mulf %parallel_loop3A_1455, %parallel_loop3A_1415 : vector<16xf32>
      %parallel_loop3A_1457 = arith.cmpf olt, %parallel_loop3A_1456, %parallel_loop3A_1396 : vector<16xf32>
      %parallel_loop3A_1458 = arith.cmpf oeq, %parallel_loop3A_1456, %parallel_loop3A_1396 : vector<16xf32>
      %parallel_loop3A_1459 = arith.cmpi sgt, %parallel_loop3A_1454, %parallel_loop3A_1397 : vector<16xi32>
      %parallel_loop3A_1460 = arith.andi %parallel_loop3A_1458, %parallel_loop3A_1459 : vector<16xi1>
      %parallel_loop3A_1461 = arith.ori %parallel_loop3A_1457, %parallel_loop3A_1460 : vector<16xi1>
      %parallel_loop3A_1462 = arith.select %parallel_loop3A_1461, %parallel_loop3A_1456, %broadcast_in_dim3A_3 : vector<16xi1>, vector<16xf32>
      %parallel_loop3A_1463 = arith.constant 4 : i32
      %parallel_loop3A_1464 = vector.broadcast %parallel_loop3A_1463 : i32 to vector<16xi32>
      %parallel_loop3A_1465 = arith.addi %parallel_loop3A_1418, %parallel_loop3A_1464 : vector<16xi32>
      %parallel_loop3A_1466 = tpu.vector_load_idx %arg6[%parallel_loop3A_1465, %parallel_loop3A_12] : memref<64x256xf32, #tpu.memory_space<vmem>>[vector<16xi32>, vector<16xi32>], vector<16xf32>,
      %parallel_loop3A_1467 = arith.mulf %parallel_loop3A_1466, %parallel_loop3A_1415 : vector<16xf32>
      %parallel_loop3A_1468 = arith.cmpf olt, %parallel_loop3A_1467, %parallel_loop3A_1396 : vector<16xf32>
      %parallel_loop3A_1469 = arith.cmpf oeq, %parallel_loop3A_1467, %parallel_loop3A_1396 : vector<16xf32>
      %parallel_loop3A_1470 = arith.cmpi sgt, %parallel_loop3A_1465, %parallel_loop3A_1397 : vector<16xi32>
      %parallel_loop3A_1471 = arith.andi %parallel_loop3A_1469, %parallel_loop3A_1470 : vector<16xi1>
      %parallel_loop3A_1472 = arith.ori %parallel_loop3A_1468, %parallel_loop3A_1471 : vector<16xi1>
      %parallel_loop3A_1473 = arith.select %parallel_loop3A_1472, %parallel_loop3A_1467, %broadcast_in_dim3A_3 : vector<16xi1>, vector<16xf32>
      %parallel_loop3A_1474 = arith.constant 5 : i32
      %parallel_loop3A_1475 = vector.broadcast %parallel_loop3A_1474 : i32 to vector<16xi32>
      %parallel_loop3A_1476 = arith.addi %parallel_loop3A_1418, %parallel_loop3A_1475 : vector<16xi32>
      %parallel_loop3A_1477 = tpu.vector_load_idx %arg6[%parallel_loop3A_1476, %parallel_loop3A_12] : memref<64x256xf32, #tpu.memory_space<vmem>>[vector<16xi32>, vector<16xi32>], vector<16xf32>,
      %parallel_loop3A_1478 = arith.mulf %parallel_loop3A_1477, %parallel_loop3A_1415 : vector<16xf32>
      %parallel_loop3A_1479 = arith.cmpf olt, %parallel_loop3A_1478, %parallel_loop3A_1396 : vector<16xf32>
      %parallel_loop3A_1480 = arith.cmpf oeq, %parallel_loop3A_1478, %parallel_loop3A_1396 : vector<16xf32>
      %parallel_loop3A_1481 = arith.cmpi sgt, %parallel_loop3A_1476, %parallel_loop3A_1397 : vector<16xi32>
      %parallel_loop3A_1482 = arith.andi %parallel_loop3A_1480, %parallel_loop3A_1481 : vector<16xi1>
      %parallel_loop3A_1483 = arith.ori %parallel_loop3A_1479, %parallel_loop3A_1482 : vector<16xi1>
      %parallel_loop3A_1484 = arith.select %parallel_loop3A_1483, %parallel_loop3A_1478, %broadcast_in_dim3A_3 : vector<16xi1>, vector<16xf32>
      %parallel_loop3A_1485 = arith.constant 6 : i32
      %parallel_loop3A_1486 = vector.broadcast %parallel_loop3A_1485 : i32 to vector<16xi32>
      %parallel_loop3A_1487 = arith.addi %parallel_loop3A_1418, %parallel_loop3A_1486 : vector<16xi32>
      %parallel_loop3A_1488 = tpu.vector_load_idx %arg6[%parallel_loop3A_1487, %parallel_loop3A_12] : memref<64x256xf32, #tpu.memory_space<vmem>>[vector<16xi32>, vector<16xi32>], vector<16xf32>,
      %parallel_loop3A_1489 = arith.mulf %parallel_loop3A_1488, %parallel_loop3A_1415 : vector<16xf32>
      %parallel_loop3A_1490 = arith.cmpf olt, %parallel_loop3A_1489, %parallel_loop3A_1396 : vector<16xf32>
      %parallel_loop3A_1491 = arith.cmpf oeq, %parallel_loop3A_1489, %parallel_loop3A_1396 : vector<16xf32>
      %parallel_loop3A_1492 = arith.cmpi sgt, %parallel_loop3A_1487, %parallel_loop3A_1397 : vector<16xi32>
      %parallel_loop3A_1493 = arith.andi %parallel_loop3A_1491, %parallel_loop3A_1492 : vector<16xi1>
      %parallel_loop3A_1494 = arith.ori %parallel_loop3A_1490, %parallel_loop3A_1493 : vector<16xi1>
      %parallel_loop3A_1495 = arith.select %parallel_loop3A_1494, %parallel_loop3A_1489, %broadcast_in_dim3A_3 : vector<16xi1>, vector<16xf32>
      %parallel_loop3A_1496 = arith.constant 7 : i32
      %parallel_loop3A_1497 = vector.broadcast %parallel_loop3A_1496 : i32 to vector<16xi32>
      %parallel_loop3A_1498 = arith.addi %parallel_loop3A_1418, %parallel_loop3A_1497 : vector<16xi32>
      %parallel_loop3A_1499 = tpu.vector_load_idx %arg6[%parallel_loop3A_1498, %parallel_loop3A_12] : memref<64x256xf32, #tpu.memory_space<vmem>>[vector<16xi32>, vector<16xi32>], vector<16xf32>,
      %parallel_loop3A_1500 = arith.mulf %parallel_loop3A_1499, %parallel_loop3A_1415 : vector<16xf32>
      %parallel_loop3A_1501 = arith.cmpf olt, %parallel_loop3A_1500, %parallel_loop3A_1396 : vector<16xf32>
      %parallel_loop3A_1502 = arith.cmpf oeq, %parallel_loop3A_1500, %parallel_loop3A_1396 : vector<16xf32>
      %parallel_loop3A_1503 = arith.cmpi sgt, %parallel_loop3A_1498, %parallel_loop3A_1397 : vector<16xi32>
      %parallel_loop3A_1504 = arith.andi %parallel_loop3A_1502, %parallel_loop3A_1503 : vector<16xi1>
      %parallel_loop3A_1505 = arith.ori %parallel_loop3A_1501, %parallel_loop3A_1504 : vector<16xi1>
      %parallel_loop3A_1506 = arith.select %parallel_loop3A_1505, %parallel_loop3A_1500, %broadcast_in_dim3A_3 : vector<16xi1>, vector<16xf32>
      %parallel_loop3A_1507 = arith.cmpf ogt, %parallel_loop3A_1440, %parallel_loop3A_1429 : vector<16xf32>
      %parallel_loop3A_1508 = arith.select %parallel_loop3A_1507, %parallel_loop3A_1440, %parallel_loop3A_1429 : vector<16xi1>, vector<16xf32>
      %parallel_loop3A_1509 = arith.select %parallel_loop3A_1507, %parallel_loop3A_1432, %parallel_loop3A_1421 : vector<16xi1>, vector<16xi32>
      %parallel_loop3A_1510 = arith.cmpf ogt, %parallel_loop3A_1462, %parallel_loop3A_1451 : vector<16xf32>
      %parallel_loop3A_1511 = arith.select %parallel_loop3A_1510, %parallel_loop3A_1462, %parallel_loop3A_1451 : vector<16xi1>, vector<16xf32>
      %parallel_loop3A_1512 = arith.select %parallel_loop3A_1510, %parallel_loop3A_1454, %parallel_loop3A_1443 : vector<16xi1>, vector<16xi32>
      %parallel_loop3A_1513 = arith.cmpf ogt, %parallel_loop3A_1484, %parallel_loop3A_1473 : vector<16xf32>
      %parallel_loop3A_1514 = arith.select %parallel_loop3A_1513, %parallel_loop3A_1484, %parallel_loop3A_1473 : vector<16xi1>, vector<16xf32>
      %parallel_loop3A_1515 = arith.select %parallel_loop3A_1513, %parallel_loop3A_1476, %parallel_loop3A_1465 : vector<16xi1>, vector<16xi32>
      %parallel_loop3A_1516 = arith.cmpf ogt, %parallel_loop3A_1506, %parallel_loop3A_1495 : vector<16xf32>
      %parallel_loop3A_1517 = arith.select %parallel_loop3A_1516, %parallel_loop3A_1506, %parallel_loop3A_1495 : vector<16xi1>, vector<16xf32>
      %parallel_loop3A_1518 = arith.select %parallel_loop3A_1516, %parallel_loop3A_1498, %parallel_loop3A_1487 : vector<16xi1>, vector<16xi32>
      %parallel_loop3A_1519 = arith.cmpf ogt, %parallel_loop3A_1511, %parallel_loop3A_1508 : vector<16xf32>
      %parallel_loop3A_1520 = arith.select %parallel_loop3A_1519, %parallel_loop3A_1511, %parallel_loop3A_1508 : vector<16xi1>, vector<16xf32>
      %parallel_loop3A_1521 = arith.select %parallel_loop3A_1519, %parallel_loop3A_1512, %parallel_loop3A_1509 : vector<16xi1>, vector<16xi32>
      %parallel_loop3A_1522 = arith.cmpf ogt, %parallel_loop3A_1517, %parallel_loop3A_1514 : vector<16xf32>
      %parallel_loop3A_1523 = arith.select %parallel_loop3A_1522, %parallel_loop3A_1517, %parallel_loop3A_1514 : vector<16xi1>, vector<16xf32>
      %parallel_loop3A_1524 = arith.select %parallel_loop3A_1522, %parallel_loop3A_1518, %parallel_loop3A_1515 : vector<16xi1>, vector<16xi32>
      %parallel_loop3A_1525 = arith.cmpf ogt, %parallel_loop3A_1523, %parallel_loop3A_1520 : vector<16xf32>
      %parallel_loop3A_1526 = arith.select %parallel_loop3A_1525, %parallel_loop3A_1523, %parallel_loop3A_1520 : vector<16xi1>, vector<16xf32>
      %parallel_loop3A_1527 = arith.select %parallel_loop3A_1525, %parallel_loop3A_1524, %parallel_loop3A_1521 : vector<16xi1>, vector<16xi32>
      %parallel_loop3A_1528 = arith.constant 0 : i32
      %parallel_loop3A_1529 = vector.broadcast %parallel_loop3A_1528 : i32 to vector<16xi32>
      %parallel_loop3A_1530 = arith.cmpi eq, %parallel_loop3A_1408, %parallel_loop3A_1529 : vector<16xi32>
      %parallel_loop3A_1531 = arith.select %parallel_loop3A_1530, %parallel_loop3A_1526, %parallel_loop3A_1340 : vector<16xi1>, vector<16xf32>
      %parallel_loop3A_1532 = arith.select %parallel_loop3A_1530, %parallel_loop3A_1527, %parallel_loop3A_1341 : vector<16xi1>, vector<16xi32>
      %parallel_loop3A_1533 = arith.constant 1 : i32
      %parallel_loop3A_1534 = vector.broadcast %parallel_loop3A_1533 : i32 to vector<16xi32>
      %parallel_loop3A_1535 = arith.cmpi eq, %parallel_loop3A_1408, %parallel_loop3A_1534 : vector<16xi32>
      %parallel_loop3A_1536 = arith.select %parallel_loop3A_1535, %parallel_loop3A_1526, %parallel_loop3A_1345 : vector<16xi1>, vector<16xf32>
      %parallel_loop3A_1537 = arith.select %parallel_loop3A_1535, %parallel_loop3A_1527, %parallel_loop3A_1346 : vector<16xi1>, vector<16xi32>
      %parallel_loop3A_1538 = arith.constant 2 : i32
      %parallel_loop3A_1539 = vector.broadcast %parallel_loop3A_1538 : i32 to vector<16xi32>
      %parallel_loop3A_1540 = arith.cmpi eq, %parallel_loop3A_1408, %parallel_loop3A_1539 : vector<16xi32>
      %parallel_loop3A_1541 = arith.select %parallel_loop3A_1540, %parallel_loop3A_1526, %parallel_loop3A_1350 : vector<16xi1>, vector<16xf32>
      %parallel_loop3A_1542 = arith.select %parallel_loop3A_1540, %parallel_loop3A_1527, %parallel_loop3A_1351 : vector<16xi1>, vector<16xi32>
      %parallel_loop3A_1543 = arith.constant 3 : i32
      %parallel_loop3A_1544 = vector.broadcast %parallel_loop3A_1543 : i32 to vector<16xi32>
      %parallel_loop3A_1545 = arith.cmpi eq, %parallel_loop3A_1408, %parallel_loop3A_1544 : vector<16xi32>
      %parallel_loop3A_1546 = arith.select %parallel_loop3A_1545, %parallel_loop3A_1526, %parallel_loop3A_1355 : vector<16xi1>, vector<16xf32>
      %parallel_loop3A_1547 = arith.select %parallel_loop3A_1545, %parallel_loop3A_1527, %parallel_loop3A_1356 : vector<16xi1>, vector<16xi32>
      %parallel_loop3A_1548 = arith.constant 4 : i32
      %parallel_loop3A_1549 = vector.broadcast %parallel_loop3A_1548 : i32 to vector<16xi32>
      %parallel_loop3A_1550 = arith.cmpi eq, %parallel_loop3A_1408, %parallel_loop3A_1549 : vector<16xi32>
      %parallel_loop3A_1551 = arith.select %parallel_loop3A_1550, %parallel_loop3A_1526, %parallel_loop3A_1360 : vector<16xi1>, vector<16xf32>
      %parallel_loop3A_1552 = arith.select %parallel_loop3A_1550, %parallel_loop3A_1527, %parallel_loop3A_1361 : vector<16xi1>, vector<16xi32>
      %parallel_loop3A_1553 = arith.constant 5 : i32
      %parallel_loop3A_1554 = vector.broadcast %parallel_loop3A_1553 : i32 to vector<16xi32>
      %parallel_loop3A_1555 = arith.cmpi eq, %parallel_loop3A_1408, %parallel_loop3A_1554 : vector<16xi32>
      %parallel_loop3A_1556 = arith.select %parallel_loop3A_1555, %parallel_loop3A_1526, %parallel_loop3A_1365 : vector<16xi1>, vector<16xf32>
      %parallel_loop3A_1557 = arith.select %parallel_loop3A_1555, %parallel_loop3A_1527, %parallel_loop3A_1366 : vector<16xi1>, vector<16xi32>
      %parallel_loop3A_1558 = arith.constant 6 : i32
      %parallel_loop3A_1559 = vector.broadcast %parallel_loop3A_1558 : i32 to vector<16xi32>
      %parallel_loop3A_1560 = arith.cmpi eq, %parallel_loop3A_1408, %parallel_loop3A_1559 : vector<16xi32>
      %parallel_loop3A_1561 = arith.select %parallel_loop3A_1560, %parallel_loop3A_1526, %parallel_loop3A_1370 : vector<16xi1>, vector<16xf32>
      %parallel_loop3A_1562 = arith.select %parallel_loop3A_1560, %parallel_loop3A_1527, %parallel_loop3A_1371 : vector<16xi1>, vector<16xi32>
      %parallel_loop3A_1563 = arith.constant 7 : i32
      %parallel_loop3A_1564 = vector.broadcast %parallel_loop3A_1563 : i32 to vector<16xi32>
      %parallel_loop3A_1565 = arith.cmpi eq, %parallel_loop3A_1408, %parallel_loop3A_1564 : vector<16xi32>
      %parallel_loop3A_1566 = arith.select %parallel_loop3A_1565, %parallel_loop3A_1526, %parallel_loop3A_1375 : vector<16xi1>, vector<16xf32>
      %parallel_loop3A_1567 = arith.select %parallel_loop3A_1565, %parallel_loop3A_1527, %parallel_loop3A_1376 : vector<16xi1>, vector<16xi32>
      %parallel_loop3A_1568 = arith.cmpf ogt, %parallel_loop3A_1536, %parallel_loop3A_1531 : vector<16xf32>
      %parallel_loop3A_1569 = arith.select %parallel_loop3A_1568, %parallel_loop3A_1536, %parallel_loop3A_1531 : vector<16xi1>, vector<16xf32>
      %parallel_loop3A_1570 = arith.select %parallel_loop3A_1568, %parallel_loop3A_1537, %parallel_loop3A_1532 : vector<16xi1>, vector<16xi32>
      %parallel_loop3A_1571 = arith.cmpf ogt, %parallel_loop3A_1546, %parallel_loop3A_1541 : vector<16xf32>
      %parallel_loop3A_1572 = arith.select %parallel_loop3A_1571, %parallel_loop3A_1546, %parallel_loop3A_1541 : vector<16xi1>, vector<16xf32>
      %parallel_loop3A_1573 = arith.select %parallel_loop3A_1571, %parallel_loop3A_1547, %parallel_loop3A_1542 : vector<16xi1>, vector<16xi32>
      %parallel_loop3A_1574 = arith.cmpf ogt, %parallel_loop3A_1556, %parallel_loop3A_1551 : vector<16xf32>
      %parallel_loop3A_1575 = arith.select %parallel_loop3A_1574, %parallel_loop3A_1556, %parallel_loop3A_1551 : vector<16xi1>, vector<16xf32>
      %parallel_loop3A_1576 = arith.select %parallel_loop3A_1574, %parallel_loop3A_1557, %parallel_loop3A_1552 : vector<16xi1>, vector<16xi32>
      %parallel_loop3A_1577 = arith.cmpf ogt, %parallel_loop3A_1566, %parallel_loop3A_1561 : vector<16xf32>
      %parallel_loop3A_1578 = arith.select %parallel_loop3A_1577, %parallel_loop3A_1566, %parallel_loop3A_1561 : vector<16xi1>, vector<16xf32>
      %parallel_loop3A_1579 = arith.select %parallel_loop3A_1577, %parallel_loop3A_1567, %parallel_loop3A_1562 : vector<16xi1>, vector<16xi32>
      %parallel_loop3A_1580 = arith.cmpf ogt, %parallel_loop3A_1572, %parallel_loop3A_1569 : vector<16xf32>
      %parallel_loop3A_1581 = arith.select %parallel_loop3A_1580, %parallel_loop3A_1572, %parallel_loop3A_1569 : vector<16xi1>, vector<16xf32>
      %parallel_loop3A_1582 = arith.select %parallel_loop3A_1580, %parallel_loop3A_1573, %parallel_loop3A_1570 : vector<16xi1>, vector<16xi32>
      %parallel_loop3A_1583 = arith.cmpf ogt, %parallel_loop3A_1578, %parallel_loop3A_1575 : vector<16xf32>
      %parallel_loop3A_1584 = arith.select %parallel_loop3A_1583, %parallel_loop3A_1578, %parallel_loop3A_1575 : vector<16xi1>, vector<16xf32>
      %parallel_loop3A_1585 = arith.select %parallel_loop3A_1583, %parallel_loop3A_1579, %parallel_loop3A_1576 : vector<16xi1>, vector<16xi32>
      %parallel_loop3A_1586 = arith.cmpf ogt, %parallel_loop3A_1584, %parallel_loop3A_1581 : vector<16xf32>
      %parallel_loop3A_1587 = arith.select %parallel_loop3A_1586, %parallel_loop3A_1584, %parallel_loop3A_1581 : vector<16xi1>, vector<16xf32>
      %parallel_loop3A_1588 = arith.select %parallel_loop3A_1586, %parallel_loop3A_1585, %parallel_loop3A_1582 : vector<16xi1>, vector<16xi32>
      %parallel_loop3A_1589 = arith.constant 2 : i32
      %parallel_loop3A_1590 = arith.index_cast %parallel_loop3A_1589 : i32 to index
      %parallel_loop3A_1591 = arith.index_cast %parallel_loop3A_10 : i32 to index
      %parallel_loop3A_1592 = tpu.vector_load %arg10[%parallel_loop3A_1590, %parallel_loop3A_1591] {strides = array<i32>} : memref<8x256xi32, #tpu.memory_space<vmem>>, vector<16xi32>,
      tpu.vector_store %arg10[%parallel_loop3A_1590, %parallel_loop3A_1591], %parallel_loop3A_1588 {strides = array<i32>} : memref<8x256xi32, #tpu.memory_space<vmem>>, vector<16xi32>,
      %parallel_loop3A_1593 = tpu.vector_load_idx %arg6[%parallel_loop3A_1588, %parallel_loop3A_12] : memref<64x256xf32, #tpu.memory_space<vmem>>[vector<16xi32>, vector<16xi32>], vector<16xf32>,
      %parallel_loop3A_1594 = tpu.vector_load_idx %arg7[%parallel_loop3A_1588, %iota3A] : memref<64x16xf32, #tpu.memory_space<vmem>>[vector<16xi32>, vector<16xi32>], vector<16xf32>,
      %parallel_loop3A_1595 = arith.subf %parallel_loop3A_1593, %parallel_loop3A_1594 : vector<16xf32>
      %parallel_loop3A_1596 = arith.addf %parallel_loop3A_1405, %parallel_loop3A_1595 : vector<16xf32>
      %parallel_loop3A_1597 = arith.constant 3 : i32
      %parallel_loop3A_1598 = vector.broadcast %parallel_loop3A_1597 : i32 to vector<16xi32>
      %parallel_loop3A_1599 = arith.shrui %parallel_loop3A_1588, %parallel_loop3A_1598 : vector<16xi32>
      %parallel_loop3A_1600 = arith.constant 4 : i32
      %parallel_loop3A_1601 = vector.broadcast %parallel_loop3A_1600 : i32 to vector<16xi32>
      %parallel_loop3A_1602 = arith.shli %parallel_loop3A_1599, %parallel_loop3A_1601 : vector<16xi32>
      %parallel_loop3A_1603 = vector.broadcast %parallel_loop3A_14 : i32 to vector<16xi32>
      %parallel_loop3A_1604 = arith.addi %parallel_loop3A_1603, %parallel_loop3A_1602 : vector<16xi32>
      %parallel_loop3A_1605 = arith.addi %parallel_loop3A_1604, %iota3A : vector<16xi32>
      %parallel_loop3A_1606 = tpu.vector_load_idx %arg8[%parallel_loop3A_1605] : memref<2048xf32, #tpu.memory_space<vmem>>[vector<16xi32>], vector<16xf32>,
      %parallel_loop3A_1607 = arith.constant 3 : i32
      %parallel_loop3A_1608 = vector.broadcast %parallel_loop3A_1607 : i32 to vector<16xi32>
      %parallel_loop3A_1609 = arith.shli %parallel_loop3A_1599, %parallel_loop3A_1608 : vector<16xi32>
      %parallel_loop3A_1610 = arith.constant 0 : i32
      %parallel_loop3A_1611 = vector.broadcast %parallel_loop3A_1610 : i32 to vector<16xi32>
      %parallel_loop3A_1612 = arith.addi %parallel_loop3A_1609, %parallel_loop3A_1611 : vector<16xi32>
      %parallel_loop3A_1613 = tpu.vector_load_idx %arg6[%parallel_loop3A_1612, %parallel_loop3A_12] : memref<64x256xf32, #tpu.memory_space<vmem>>[vector<16xi32>, vector<16xi32>], vector<16xf32>,
      %parallel_loop3A_1614 = arith.mulf %parallel_loop3A_1613, %parallel_loop3A_1606 : vector<16xf32>
      %parallel_loop3A_1615 = arith.cmpf olt, %parallel_loop3A_1614, %parallel_loop3A_1587 : vector<16xf32>
      %parallel_loop3A_1616 = arith.cmpf oeq, %parallel_loop3A_1614, %parallel_loop3A_1587 : vector<16xf32>
      %parallel_loop3A_1617 = arith.cmpi sgt, %parallel_loop3A_1612, %parallel_loop3A_1588 : vector<16xi32>
      %parallel_loop3A_1618 = arith.andi %parallel_loop3A_1616, %parallel_loop3A_1617 : vector<16xi1>
      %parallel_loop3A_1619 = arith.ori %parallel_loop3A_1615, %parallel_loop3A_1618 : vector<16xi1>
      %parallel_loop3A_1620 = arith.select %parallel_loop3A_1619, %parallel_loop3A_1614, %broadcast_in_dim3A_3 : vector<16xi1>, vector<16xf32>
      %parallel_loop3A_1621 = arith.constant 1 : i32
      %parallel_loop3A_1622 = vector.broadcast %parallel_loop3A_1621 : i32 to vector<16xi32>
      %parallel_loop3A_1623 = arith.addi %parallel_loop3A_1609, %parallel_loop3A_1622 : vector<16xi32>
      %parallel_loop3A_1624 = tpu.vector_load_idx %arg6[%parallel_loop3A_1623, %parallel_loop3A_12] : memref<64x256xf32, #tpu.memory_space<vmem>>[vector<16xi32>, vector<16xi32>], vector<16xf32>,
      %parallel_loop3A_1625 = arith.mulf %parallel_loop3A_1624, %parallel_loop3A_1606 : vector<16xf32>
      %parallel_loop3A_1626 = arith.cmpf olt, %parallel_loop3A_1625, %parallel_loop3A_1587 : vector<16xf32>
      %parallel_loop3A_1627 = arith.cmpf oeq, %parallel_loop3A_1625, %parallel_loop3A_1587 : vector<16xf32>
      %parallel_loop3A_1628 = arith.cmpi sgt, %parallel_loop3A_1623, %parallel_loop3A_1588 : vector<16xi32>
      %parallel_loop3A_1629 = arith.andi %parallel_loop3A_1627, %parallel_loop3A_1628 : vector<16xi1>
      %parallel_loop3A_1630 = arith.ori %parallel_loop3A_1626, %parallel_loop3A_1629 : vector<16xi1>
      %parallel_loop3A_1631 = arith.select %parallel_loop3A_1630, %parallel_loop3A_1625, %broadcast_in_dim3A_3 : vector<16xi1>, vector<16xf32>
      %parallel_loop3A_1632 = arith.constant 2 : i32
      %parallel_loop3A_1633 = vector.broadcast %parallel_loop3A_1632 : i32 to vector<16xi32>
      %parallel_loop3A_1634 = arith.addi %parallel_loop3A_1609, %parallel_loop3A_1633 : vector<16xi32>
      %parallel_loop3A_1635 = tpu.vector_load_idx %arg6[%parallel_loop3A_1634, %parallel_loop3A_12] : memref<64x256xf32, #tpu.memory_space<vmem>>[vector<16xi32>, vector<16xi32>], vector<16xf32>,
      %parallel_loop3A_1636 = arith.mulf %parallel_loop3A_1635, %parallel_loop3A_1606 : vector<16xf32>
      %parallel_loop3A_1637 = arith.cmpf olt, %parallel_loop3A_1636, %parallel_loop3A_1587 : vector<16xf32>
      %parallel_loop3A_1638 = arith.cmpf oeq, %parallel_loop3A_1636, %parallel_loop3A_1587 : vector<16xf32>
      %parallel_loop3A_1639 = arith.cmpi sgt, %parallel_loop3A_1634, %parallel_loop3A_1588 : vector<16xi32>
      %parallel_loop3A_1640 = arith.andi %parallel_loop3A_1638, %parallel_loop3A_1639 : vector<16xi1>
      %parallel_loop3A_1641 = arith.ori %parallel_loop3A_1637, %parallel_loop3A_1640 : vector<16xi1>
      %parallel_loop3A_1642 = arith.select %parallel_loop3A_1641, %parallel_loop3A_1636, %broadcast_in_dim3A_3 : vector<16xi1>, vector<16xf32>
      %parallel_loop3A_1643 = arith.constant 3 : i32
      %parallel_loop3A_1644 = vector.broadcast %parallel_loop3A_1643 : i32 to vector<16xi32>
      %parallel_loop3A_1645 = arith.addi %parallel_loop3A_1609, %parallel_loop3A_1644 : vector<16xi32>
      %parallel_loop3A_1646 = tpu.vector_load_idx %arg6[%parallel_loop3A_1645, %parallel_loop3A_12] : memref<64x256xf32, #tpu.memory_space<vmem>>[vector<16xi32>, vector<16xi32>], vector<16xf32>,
      %parallel_loop3A_1647 = arith.mulf %parallel_loop3A_1646, %parallel_loop3A_1606 : vector<16xf32>
      %parallel_loop3A_1648 = arith.cmpf olt, %parallel_loop3A_1647, %parallel_loop3A_1587 : vector<16xf32>
      %parallel_loop3A_1649 = arith.cmpf oeq, %parallel_loop3A_1647, %parallel_loop3A_1587 : vector<16xf32>
      %parallel_loop3A_1650 = arith.cmpi sgt, %parallel_loop3A_1645, %parallel_loop3A_1588 : vector<16xi32>
      %parallel_loop3A_1651 = arith.andi %parallel_loop3A_1649, %parallel_loop3A_1650 : vector<16xi1>
      %parallel_loop3A_1652 = arith.ori %parallel_loop3A_1648, %parallel_loop3A_1651 : vector<16xi1>
      %parallel_loop3A_1653 = arith.select %parallel_loop3A_1652, %parallel_loop3A_1647, %broadcast_in_dim3A_3 : vector<16xi1>, vector<16xf32>
      %parallel_loop3A_1654 = arith.constant 4 : i32
      %parallel_loop3A_1655 = vector.broadcast %parallel_loop3A_1654 : i32 to vector<16xi32>
      %parallel_loop3A_1656 = arith.addi %parallel_loop3A_1609, %parallel_loop3A_1655 : vector<16xi32>
      %parallel_loop3A_1657 = tpu.vector_load_idx %arg6[%parallel_loop3A_1656, %parallel_loop3A_12] : memref<64x256xf32, #tpu.memory_space<vmem>>[vector<16xi32>, vector<16xi32>], vector<16xf32>,
      %parallel_loop3A_1658 = arith.mulf %parallel_loop3A_1657, %parallel_loop3A_1606 : vector<16xf32>
      %parallel_loop3A_1659 = arith.cmpf olt, %parallel_loop3A_1658, %parallel_loop3A_1587 : vector<16xf32>
      %parallel_loop3A_1660 = arith.cmpf oeq, %parallel_loop3A_1658, %parallel_loop3A_1587 : vector<16xf32>
      %parallel_loop3A_1661 = arith.cmpi sgt, %parallel_loop3A_1656, %parallel_loop3A_1588 : vector<16xi32>
      %parallel_loop3A_1662 = arith.andi %parallel_loop3A_1660, %parallel_loop3A_1661 : vector<16xi1>
      %parallel_loop3A_1663 = arith.ori %parallel_loop3A_1659, %parallel_loop3A_1662 : vector<16xi1>
      %parallel_loop3A_1664 = arith.select %parallel_loop3A_1663, %parallel_loop3A_1658, %broadcast_in_dim3A_3 : vector<16xi1>, vector<16xf32>
      %parallel_loop3A_1665 = arith.constant 5 : i32
      %parallel_loop3A_1666 = vector.broadcast %parallel_loop3A_1665 : i32 to vector<16xi32>
      %parallel_loop3A_1667 = arith.addi %parallel_loop3A_1609, %parallel_loop3A_1666 : vector<16xi32>
      %parallel_loop3A_1668 = tpu.vector_load_idx %arg6[%parallel_loop3A_1667, %parallel_loop3A_12] : memref<64x256xf32, #tpu.memory_space<vmem>>[vector<16xi32>, vector<16xi32>], vector<16xf32>,
      %parallel_loop3A_1669 = arith.mulf %parallel_loop3A_1668, %parallel_loop3A_1606 : vector<16xf32>
      %parallel_loop3A_1670 = arith.cmpf olt, %parallel_loop3A_1669, %parallel_loop3A_1587 : vector<16xf32>
      %parallel_loop3A_1671 = arith.cmpf oeq, %parallel_loop3A_1669, %parallel_loop3A_1587 : vector<16xf32>
      %parallel_loop3A_1672 = arith.cmpi sgt, %parallel_loop3A_1667, %parallel_loop3A_1588 : vector<16xi32>
      %parallel_loop3A_1673 = arith.andi %parallel_loop3A_1671, %parallel_loop3A_1672 : vector<16xi1>
      %parallel_loop3A_1674 = arith.ori %parallel_loop3A_1670, %parallel_loop3A_1673 : vector<16xi1>
      %parallel_loop3A_1675 = arith.select %parallel_loop3A_1674, %parallel_loop3A_1669, %broadcast_in_dim3A_3 : vector<16xi1>, vector<16xf32>
      %parallel_loop3A_1676 = arith.constant 6 : i32
      %parallel_loop3A_1677 = vector.broadcast %parallel_loop3A_1676 : i32 to vector<16xi32>
      %parallel_loop3A_1678 = arith.addi %parallel_loop3A_1609, %parallel_loop3A_1677 : vector<16xi32>
      %parallel_loop3A_1679 = tpu.vector_load_idx %arg6[%parallel_loop3A_1678, %parallel_loop3A_12] : memref<64x256xf32, #tpu.memory_space<vmem>>[vector<16xi32>, vector<16xi32>], vector<16xf32>,
      %parallel_loop3A_1680 = arith.mulf %parallel_loop3A_1679, %parallel_loop3A_1606 : vector<16xf32>
      %parallel_loop3A_1681 = arith.cmpf olt, %parallel_loop3A_1680, %parallel_loop3A_1587 : vector<16xf32>
      %parallel_loop3A_1682 = arith.cmpf oeq, %parallel_loop3A_1680, %parallel_loop3A_1587 : vector<16xf32>
      %parallel_loop3A_1683 = arith.cmpi sgt, %parallel_loop3A_1678, %parallel_loop3A_1588 : vector<16xi32>
      %parallel_loop3A_1684 = arith.andi %parallel_loop3A_1682, %parallel_loop3A_1683 : vector<16xi1>
      %parallel_loop3A_1685 = arith.ori %parallel_loop3A_1681, %parallel_loop3A_1684 : vector<16xi1>
      %parallel_loop3A_1686 = arith.select %parallel_loop3A_1685, %parallel_loop3A_1680, %broadcast_in_dim3A_3 : vector<16xi1>, vector<16xf32>
      %parallel_loop3A_1687 = arith.constant 7 : i32
      %parallel_loop3A_1688 = vector.broadcast %parallel_loop3A_1687 : i32 to vector<16xi32>
      %parallel_loop3A_1689 = arith.addi %parallel_loop3A_1609, %parallel_loop3A_1688 : vector<16xi32>
      %parallel_loop3A_1690 = tpu.vector_load_idx %arg6[%parallel_loop3A_1689, %parallel_loop3A_12] : memref<64x256xf32, #tpu.memory_space<vmem>>[vector<16xi32>, vector<16xi32>], vector<16xf32>,
      %parallel_loop3A_1691 = arith.mulf %parallel_loop3A_1690, %parallel_loop3A_1606 : vector<16xf32>
      %parallel_loop3A_1692 = arith.cmpf olt, %parallel_loop3A_1691, %parallel_loop3A_1587 : vector<16xf32>
      %parallel_loop3A_1693 = arith.cmpf oeq, %parallel_loop3A_1691, %parallel_loop3A_1587 : vector<16xf32>
      %parallel_loop3A_1694 = arith.cmpi sgt, %parallel_loop3A_1689, %parallel_loop3A_1588 : vector<16xi32>
      %parallel_loop3A_1695 = arith.andi %parallel_loop3A_1693, %parallel_loop3A_1694 : vector<16xi1>
      %parallel_loop3A_1696 = arith.ori %parallel_loop3A_1692, %parallel_loop3A_1695 : vector<16xi1>
      %parallel_loop3A_1697 = arith.select %parallel_loop3A_1696, %parallel_loop3A_1691, %broadcast_in_dim3A_3 : vector<16xi1>, vector<16xf32>
      %parallel_loop3A_1698 = arith.cmpf ogt, %parallel_loop3A_1631, %parallel_loop3A_1620 : vector<16xf32>
      %parallel_loop3A_1699 = arith.select %parallel_loop3A_1698, %parallel_loop3A_1631, %parallel_loop3A_1620 : vector<16xi1>, vector<16xf32>
      %parallel_loop3A_1700 = arith.select %parallel_loop3A_1698, %parallel_loop3A_1623, %parallel_loop3A_1612 : vector<16xi1>, vector<16xi32>
      %parallel_loop3A_1701 = arith.cmpf ogt, %parallel_loop3A_1653, %parallel_loop3A_1642 : vector<16xf32>
      %parallel_loop3A_1702 = arith.select %parallel_loop3A_1701, %parallel_loop3A_1653, %parallel_loop3A_1642 : vector<16xi1>, vector<16xf32>
      %parallel_loop3A_1703 = arith.select %parallel_loop3A_1701, %parallel_loop3A_1645, %parallel_loop3A_1634 : vector<16xi1>, vector<16xi32>
      %parallel_loop3A_1704 = arith.cmpf ogt, %parallel_loop3A_1675, %parallel_loop3A_1664 : vector<16xf32>
      %parallel_loop3A_1705 = arith.select %parallel_loop3A_1704, %parallel_loop3A_1675, %parallel_loop3A_1664 : vector<16xi1>, vector<16xf32>
      %parallel_loop3A_1706 = arith.select %parallel_loop3A_1704, %parallel_loop3A_1667, %parallel_loop3A_1656 : vector<16xi1>, vector<16xi32>
      %parallel_loop3A_1707 = arith.cmpf ogt, %parallel_loop3A_1697, %parallel_loop3A_1686 : vector<16xf32>
      %parallel_loop3A_1708 = arith.select %parallel_loop3A_1707, %parallel_loop3A_1697, %parallel_loop3A_1686 : vector<16xi1>, vector<16xf32>
      %parallel_loop3A_1709 = arith.select %parallel_loop3A_1707, %parallel_loop3A_1689, %parallel_loop3A_1678 : vector<16xi1>, vector<16xi32>
      %parallel_loop3A_1710 = arith.cmpf ogt, %parallel_loop3A_1702, %parallel_loop3A_1699 : vector<16xf32>
      %parallel_loop3A_1711 = arith.select %parallel_loop3A_1710, %parallel_loop3A_1702, %parallel_loop3A_1699 : vector<16xi1>, vector<16xf32>
      %parallel_loop3A_1712 = arith.select %parallel_loop3A_1710, %parallel_loop3A_1703, %parallel_loop3A_1700 : vector<16xi1>, vector<16xi32>
      %parallel_loop3A_1713 = arith.cmpf ogt, %parallel_loop3A_1708, %parallel_loop3A_1705 : vector<16xf32>
      %parallel_loop3A_1714 = arith.select %parallel_loop3A_1713, %parallel_loop3A_1708, %parallel_loop3A_1705 : vector<16xi1>, vector<16xf32>
      %parallel_loop3A_1715 = arith.select %parallel_loop3A_1713, %parallel_loop3A_1709, %parallel_loop3A_1706 : vector<16xi1>, vector<16xi32>
      %parallel_loop3A_1716 = arith.cmpf ogt, %parallel_loop3A_1714, %parallel_loop3A_1711 : vector<16xf32>
      %parallel_loop3A_1717 = arith.select %parallel_loop3A_1716, %parallel_loop3A_1714, %parallel_loop3A_1711 : vector<16xi1>, vector<16xf32>
      %parallel_loop3A_1718 = arith.select %parallel_loop3A_1716, %parallel_loop3A_1715, %parallel_loop3A_1712 : vector<16xi1>, vector<16xi32>
      %parallel_loop3A_1719 = arith.constant 0 : i32
      %parallel_loop3A_1720 = vector.broadcast %parallel_loop3A_1719 : i32 to vector<16xi32>
      %parallel_loop3A_1721 = arith.cmpi eq, %parallel_loop3A_1599, %parallel_loop3A_1720 : vector<16xi32>
      %parallel_loop3A_1722 = arith.select %parallel_loop3A_1721, %parallel_loop3A_1717, %parallel_loop3A_1531 : vector<16xi1>, vector<16xf32>
      %parallel_loop3A_1723 = arith.select %parallel_loop3A_1721, %parallel_loop3A_1718, %parallel_loop3A_1532 : vector<16xi1>, vector<16xi32>
      %parallel_loop3A_1724 = arith.constant 1 : i32
      %parallel_loop3A_1725 = vector.broadcast %parallel_loop3A_1724 : i32 to vector<16xi32>
      %parallel_loop3A_1726 = arith.cmpi eq, %parallel_loop3A_1599, %parallel_loop3A_1725 : vector<16xi32>
      %parallel_loop3A_1727 = arith.select %parallel_loop3A_1726, %parallel_loop3A_1717, %parallel_loop3A_1536 : vector<16xi1>, vector<16xf32>
      %parallel_loop3A_1728 = arith.select %parallel_loop3A_1726, %parallel_loop3A_1718, %parallel_loop3A_1537 : vector<16xi1>, vector<16xi32>
      %parallel_loop3A_1729 = arith.constant 2 : i32
      %parallel_loop3A_1730 = vector.broadcast %parallel_loop3A_1729 : i32 to vector<16xi32>
      %parallel_loop3A_1731 = arith.cmpi eq, %parallel_loop3A_1599, %parallel_loop3A_1730 : vector<16xi32>
      %parallel_loop3A_1732 = arith.select %parallel_loop3A_1731, %parallel_loop3A_1717, %parallel_loop3A_1541 : vector<16xi1>, vector<16xf32>
      %parallel_loop3A_1733 = arith.select %parallel_loop3A_1731, %parallel_loop3A_1718, %parallel_loop3A_1542 : vector<16xi1>, vector<16xi32>
      %parallel_loop3A_1734 = arith.constant 3 : i32
      %parallel_loop3A_1735 = vector.broadcast %parallel_loop3A_1734 : i32 to vector<16xi32>
      %parallel_loop3A_1736 = arith.cmpi eq, %parallel_loop3A_1599, %parallel_loop3A_1735 : vector<16xi32>
      %parallel_loop3A_1737 = arith.select %parallel_loop3A_1736, %parallel_loop3A_1717, %parallel_loop3A_1546 : vector<16xi1>, vector<16xf32>
      %parallel_loop3A_1738 = arith.select %parallel_loop3A_1736, %parallel_loop3A_1718, %parallel_loop3A_1547 : vector<16xi1>, vector<16xi32>
      %parallel_loop3A_1739 = arith.constant 4 : i32
      %parallel_loop3A_1740 = vector.broadcast %parallel_loop3A_1739 : i32 to vector<16xi32>
      %parallel_loop3A_1741 = arith.cmpi eq, %parallel_loop3A_1599, %parallel_loop3A_1740 : vector<16xi32>
      %parallel_loop3A_1742 = arith.select %parallel_loop3A_1741, %parallel_loop3A_1717, %parallel_loop3A_1551 : vector<16xi1>, vector<16xf32>
      %parallel_loop3A_1743 = arith.select %parallel_loop3A_1741, %parallel_loop3A_1718, %parallel_loop3A_1552 : vector<16xi1>, vector<16xi32>
      %parallel_loop3A_1744 = arith.constant 5 : i32
      %parallel_loop3A_1745 = vector.broadcast %parallel_loop3A_1744 : i32 to vector<16xi32>
      %parallel_loop3A_1746 = arith.cmpi eq, %parallel_loop3A_1599, %parallel_loop3A_1745 : vector<16xi32>
      %parallel_loop3A_1747 = arith.select %parallel_loop3A_1746, %parallel_loop3A_1717, %parallel_loop3A_1556 : vector<16xi1>, vector<16xf32>
      %parallel_loop3A_1748 = arith.select %parallel_loop3A_1746, %parallel_loop3A_1718, %parallel_loop3A_1557 : vector<16xi1>, vector<16xi32>
      %parallel_loop3A_1749 = arith.constant 6 : i32
      %parallel_loop3A_1750 = vector.broadcast %parallel_loop3A_1749 : i32 to vector<16xi32>
      %parallel_loop3A_1751 = arith.cmpi eq, %parallel_loop3A_1599, %parallel_loop3A_1750 : vector<16xi32>
      %parallel_loop3A_1752 = arith.select %parallel_loop3A_1751, %parallel_loop3A_1717, %parallel_loop3A_1561 : vector<16xi1>, vector<16xf32>
      %parallel_loop3A_1753 = arith.select %parallel_loop3A_1751, %parallel_loop3A_1718, %parallel_loop3A_1562 : vector<16xi1>, vector<16xi32>
      %parallel_loop3A_1754 = arith.constant 7 : i32
      %parallel_loop3A_1755 = vector.broadcast %parallel_loop3A_1754 : i32 to vector<16xi32>
      %parallel_loop3A_1756 = arith.cmpi eq, %parallel_loop3A_1599, %parallel_loop3A_1755 : vector<16xi32>
      %parallel_loop3A_1757 = arith.select %parallel_loop3A_1756, %parallel_loop3A_1717, %parallel_loop3A_1566 : vector<16xi1>, vector<16xf32>
      %parallel_loop3A_1758 = arith.select %parallel_loop3A_1756, %parallel_loop3A_1718, %parallel_loop3A_1567 : vector<16xi1>, vector<16xi32>
      %parallel_loop3A_1759 = arith.cmpf ogt, %parallel_loop3A_1727, %parallel_loop3A_1722 : vector<16xf32>
      %parallel_loop3A_1760 = arith.select %parallel_loop3A_1759, %parallel_loop3A_1727, %parallel_loop3A_1722 : vector<16xi1>, vector<16xf32>
      %parallel_loop3A_1761 = arith.select %parallel_loop3A_1759, %parallel_loop3A_1728, %parallel_loop3A_1723 : vector<16xi1>, vector<16xi32>
      %parallel_loop3A_1762 = arith.cmpf ogt, %parallel_loop3A_1737, %parallel_loop3A_1732 : vector<16xf32>
      %parallel_loop3A_1763 = arith.select %parallel_loop3A_1762, %parallel_loop3A_1737, %parallel_loop3A_1732 : vector<16xi1>, vector<16xf32>
      %parallel_loop3A_1764 = arith.select %parallel_loop3A_1762, %parallel_loop3A_1738, %parallel_loop3A_1733 : vector<16xi1>, vector<16xi32>
      %parallel_loop3A_1765 = arith.cmpf ogt, %parallel_loop3A_1747, %parallel_loop3A_1742 : vector<16xf32>
      %parallel_loop3A_1766 = arith.select %parallel_loop3A_1765, %parallel_loop3A_1747, %parallel_loop3A_1742 : vector<16xi1>, vector<16xf32>
      %parallel_loop3A_1767 = arith.select %parallel_loop3A_1765, %parallel_loop3A_1748, %parallel_loop3A_1743 : vector<16xi1>, vector<16xi32>
      %parallel_loop3A_1768 = arith.cmpf ogt, %parallel_loop3A_1757, %parallel_loop3A_1752 : vector<16xf32>
      %parallel_loop3A_1769 = arith.select %parallel_loop3A_1768, %parallel_loop3A_1757, %parallel_loop3A_1752 : vector<16xi1>, vector<16xf32>
      %parallel_loop3A_1770 = arith.select %parallel_loop3A_1768, %parallel_loop3A_1758, %parallel_loop3A_1753 : vector<16xi1>, vector<16xi32>
      %parallel_loop3A_1771 = arith.cmpf ogt, %parallel_loop3A_1763, %parallel_loop3A_1760 : vector<16xf32>
      %parallel_loop3A_1772 = arith.select %parallel_loop3A_1771, %parallel_loop3A_1763, %parallel_loop3A_1760 : vector<16xi1>, vector<16xf32>
      %parallel_loop3A_1773 = arith.select %parallel_loop3A_1771, %parallel_loop3A_1764, %parallel_loop3A_1761 : vector<16xi1>, vector<16xi32>
      %parallel_loop3A_1774 = arith.cmpf ogt, %parallel_loop3A_1769, %parallel_loop3A_1766 : vector<16xf32>
      %parallel_loop3A_1775 = arith.select %parallel_loop3A_1774, %parallel_loop3A_1769, %parallel_loop3A_1766 : vector<16xi1>, vector<16xf32>
      %parallel_loop3A_1776 = arith.select %parallel_loop3A_1774, %parallel_loop3A_1770, %parallel_loop3A_1767 : vector<16xi1>, vector<16xi32>
      %parallel_loop3A_1777 = arith.cmpf ogt, %parallel_loop3A_1775, %parallel_loop3A_1772 : vector<16xf32>
      %parallel_loop3A_1778 = arith.select %parallel_loop3A_1777, %parallel_loop3A_1775, %parallel_loop3A_1772 : vector<16xi1>, vector<16xf32>
      %parallel_loop3A_1779 = arith.select %parallel_loop3A_1777, %parallel_loop3A_1776, %parallel_loop3A_1773 : vector<16xi1>, vector<16xi32>
      %parallel_loop3A_1780 = arith.constant 3 : i32
      %parallel_loop3A_1781 = arith.index_cast %parallel_loop3A_1780 : i32 to index
      %parallel_loop3A_1782 = arith.index_cast %parallel_loop3A_10 : i32 to index
      %parallel_loop3A_1783 = tpu.vector_load %arg10[%parallel_loop3A_1781, %parallel_loop3A_1782] {strides = array<i32>} : memref<8x256xi32, #tpu.memory_space<vmem>>, vector<16xi32>,
      tpu.vector_store %arg10[%parallel_loop3A_1781, %parallel_loop3A_1782], %parallel_loop3A_1779 {strides = array<i32>} : memref<8x256xi32, #tpu.memory_space<vmem>>, vector<16xi32>,
      %parallel_loop3A_1784 = tpu.vector_load_idx %arg6[%parallel_loop3A_1779, %parallel_loop3A_12] : memref<64x256xf32, #tpu.memory_space<vmem>>[vector<16xi32>, vector<16xi32>], vector<16xf32>,
      %parallel_loop3A_1785 = tpu.vector_load_idx %arg7[%parallel_loop3A_1779, %iota3A] : memref<64x16xf32, #tpu.memory_space<vmem>>[vector<16xi32>, vector<16xi32>], vector<16xf32>,
      %parallel_loop3A_1786 = arith.subf %parallel_loop3A_1784, %parallel_loop3A_1785 : vector<16xf32>
      %parallel_loop3A_1787 = arith.addf %parallel_loop3A_1596, %parallel_loop3A_1786 : vector<16xf32>
      %parallel_loop3A_1788 = arith.constant 3 : i32
      %parallel_loop3A_1789 = vector.broadcast %parallel_loop3A_1788 : i32 to vector<16xi32>
      %parallel_loop3A_1790 = arith.shrui %parallel_loop3A_1779, %parallel_loop3A_1789 : vector<16xi32>
      %parallel_loop3A_1791 = arith.constant 4 : i32
      %parallel_loop3A_1792 = vector.broadcast %parallel_loop3A_1791 : i32 to vector<16xi32>
      %parallel_loop3A_1793 = arith.shli %parallel_loop3A_1790, %parallel_loop3A_1792 : vector<16xi32>
      %parallel_loop3A_1794 = vector.broadcast %parallel_loop3A_14 : i32 to vector<16xi32>
      %parallel_loop3A_1795 = arith.addi %parallel_loop3A_1794, %parallel_loop3A_1793 : vector<16xi32>
      %parallel_loop3A_1796 = arith.addi %parallel_loop3A_1795, %iota3A : vector<16xi32>
      %parallel_loop3A_1797 = tpu.vector_load_idx %arg8[%parallel_loop3A_1796] : memref<2048xf32, #tpu.memory_space<vmem>>[vector<16xi32>], vector<16xf32>,
      %parallel_loop3A_1798 = arith.constant 3 : i32
      %parallel_loop3A_1799 = vector.broadcast %parallel_loop3A_1798 : i32 to vector<16xi32>
      %parallel_loop3A_1800 = arith.shli %parallel_loop3A_1790, %parallel_loop3A_1799 : vector<16xi32>
      %parallel_loop3A_1801 = arith.constant 0 : i32
      %parallel_loop3A_1802 = vector.broadcast %parallel_loop3A_1801 : i32 to vector<16xi32>
      %parallel_loop3A_1803 = arith.addi %parallel_loop3A_1800, %parallel_loop3A_1802 : vector<16xi32>
      %parallel_loop3A_1804 = tpu.vector_load_idx %arg6[%parallel_loop3A_1803, %parallel_loop3A_12] : memref<64x256xf32, #tpu.memory_space<vmem>>[vector<16xi32>, vector<16xi32>], vector<16xf32>,
      %parallel_loop3A_1805 = arith.mulf %parallel_loop3A_1804, %parallel_loop3A_1797 : vector<16xf32>
      %parallel_loop3A_1806 = arith.cmpf olt, %parallel_loop3A_1805, %parallel_loop3A_1778 : vector<16xf32>
      %parallel_loop3A_1807 = arith.cmpf oeq, %parallel_loop3A_1805, %parallel_loop3A_1778 : vector<16xf32>
      %parallel_loop3A_1808 = arith.cmpi sgt, %parallel_loop3A_1803, %parallel_loop3A_1779 : vector<16xi32>
      %parallel_loop3A_1809 = arith.andi %parallel_loop3A_1807, %parallel_loop3A_1808 : vector<16xi1>
      %parallel_loop3A_1810 = arith.ori %parallel_loop3A_1806, %parallel_loop3A_1809 : vector<16xi1>
      %parallel_loop3A_1811 = arith.select %parallel_loop3A_1810, %parallel_loop3A_1805, %broadcast_in_dim3A_3 : vector<16xi1>, vector<16xf32>
      %parallel_loop3A_1812 = arith.constant 1 : i32
      %parallel_loop3A_1813 = vector.broadcast %parallel_loop3A_1812 : i32 to vector<16xi32>
      %parallel_loop3A_1814 = arith.addi %parallel_loop3A_1800, %parallel_loop3A_1813 : vector<16xi32>
      %parallel_loop3A_1815 = tpu.vector_load_idx %arg6[%parallel_loop3A_1814, %parallel_loop3A_12] : memref<64x256xf32, #tpu.memory_space<vmem>>[vector<16xi32>, vector<16xi32>], vector<16xf32>,
      %parallel_loop3A_1816 = arith.mulf %parallel_loop3A_1815, %parallel_loop3A_1797 : vector<16xf32>
      %parallel_loop3A_1817 = arith.cmpf olt, %parallel_loop3A_1816, %parallel_loop3A_1778 : vector<16xf32>
      %parallel_loop3A_1818 = arith.cmpf oeq, %parallel_loop3A_1816, %parallel_loop3A_1778 : vector<16xf32>
      %parallel_loop3A_1819 = arith.cmpi sgt, %parallel_loop3A_1814, %parallel_loop3A_1779 : vector<16xi32>
      %parallel_loop3A_1820 = arith.andi %parallel_loop3A_1818, %parallel_loop3A_1819 : vector<16xi1>
      %parallel_loop3A_1821 = arith.ori %parallel_loop3A_1817, %parallel_loop3A_1820 : vector<16xi1>
      %parallel_loop3A_1822 = arith.select %parallel_loop3A_1821, %parallel_loop3A_1816, %broadcast_in_dim3A_3 : vector<16xi1>, vector<16xf32>
      %parallel_loop3A_1823 = arith.constant 2 : i32
      %parallel_loop3A_1824 = vector.broadcast %parallel_loop3A_1823 : i32 to vector<16xi32>
      %parallel_loop3A_1825 = arith.addi %parallel_loop3A_1800, %parallel_loop3A_1824 : vector<16xi32>
      %parallel_loop3A_1826 = tpu.vector_load_idx %arg6[%parallel_loop3A_1825, %parallel_loop3A_12] : memref<64x256xf32, #tpu.memory_space<vmem>>[vector<16xi32>, vector<16xi32>], vector<16xf32>,
      %parallel_loop3A_1827 = arith.mulf %parallel_loop3A_1826, %parallel_loop3A_1797 : vector<16xf32>
      %parallel_loop3A_1828 = arith.cmpf olt, %parallel_loop3A_1827, %parallel_loop3A_1778 : vector<16xf32>
      %parallel_loop3A_1829 = arith.cmpf oeq, %parallel_loop3A_1827, %parallel_loop3A_1778 : vector<16xf32>
      %parallel_loop3A_1830 = arith.cmpi sgt, %parallel_loop3A_1825, %parallel_loop3A_1779 : vector<16xi32>
      %parallel_loop3A_1831 = arith.andi %parallel_loop3A_1829, %parallel_loop3A_1830 : vector<16xi1>
      %parallel_loop3A_1832 = arith.ori %parallel_loop3A_1828, %parallel_loop3A_1831 : vector<16xi1>
      %parallel_loop3A_1833 = arith.select %parallel_loop3A_1832, %parallel_loop3A_1827, %broadcast_in_dim3A_3 : vector<16xi1>, vector<16xf32>
      %parallel_loop3A_1834 = arith.constant 3 : i32
      %parallel_loop3A_1835 = vector.broadcast %parallel_loop3A_1834 : i32 to vector<16xi32>
      %parallel_loop3A_1836 = arith.addi %parallel_loop3A_1800, %parallel_loop3A_1835 : vector<16xi32>
      %parallel_loop3A_1837 = tpu.vector_load_idx %arg6[%parallel_loop3A_1836, %parallel_loop3A_12] : memref<64x256xf32, #tpu.memory_space<vmem>>[vector<16xi32>, vector<16xi32>], vector<16xf32>,
      %parallel_loop3A_1838 = arith.mulf %parallel_loop3A_1837, %parallel_loop3A_1797 : vector<16xf32>
      %parallel_loop3A_1839 = arith.cmpf olt, %parallel_loop3A_1838, %parallel_loop3A_1778 : vector<16xf32>
      %parallel_loop3A_1840 = arith.cmpf oeq, %parallel_loop3A_1838, %parallel_loop3A_1778 : vector<16xf32>
      %parallel_loop3A_1841 = arith.cmpi sgt, %parallel_loop3A_1836, %parallel_loop3A_1779 : vector<16xi32>
      %parallel_loop3A_1842 = arith.andi %parallel_loop3A_1840, %parallel_loop3A_1841 : vector<16xi1>
      %parallel_loop3A_1843 = arith.ori %parallel_loop3A_1839, %parallel_loop3A_1842 : vector<16xi1>
      %parallel_loop3A_1844 = arith.select %parallel_loop3A_1843, %parallel_loop3A_1838, %broadcast_in_dim3A_3 : vector<16xi1>, vector<16xf32>
      %parallel_loop3A_1845 = arith.constant 4 : i32
      %parallel_loop3A_1846 = vector.broadcast %parallel_loop3A_1845 : i32 to vector<16xi32>
      %parallel_loop3A_1847 = arith.addi %parallel_loop3A_1800, %parallel_loop3A_1846 : vector<16xi32>
      %parallel_loop3A_1848 = tpu.vector_load_idx %arg6[%parallel_loop3A_1847, %parallel_loop3A_12] : memref<64x256xf32, #tpu.memory_space<vmem>>[vector<16xi32>, vector<16xi32>], vector<16xf32>,
      %parallel_loop3A_1849 = arith.mulf %parallel_loop3A_1848, %parallel_loop3A_1797 : vector<16xf32>
      %parallel_loop3A_1850 = arith.cmpf olt, %parallel_loop3A_1849, %parallel_loop3A_1778 : vector<16xf32>
      %parallel_loop3A_1851 = arith.cmpf oeq, %parallel_loop3A_1849, %parallel_loop3A_1778 : vector<16xf32>
      %parallel_loop3A_1852 = arith.cmpi sgt, %parallel_loop3A_1847, %parallel_loop3A_1779 : vector<16xi32>
      %parallel_loop3A_1853 = arith.andi %parallel_loop3A_1851, %parallel_loop3A_1852 : vector<16xi1>
      %parallel_loop3A_1854 = arith.ori %parallel_loop3A_1850, %parallel_loop3A_1853 : vector<16xi1>
      %parallel_loop3A_1855 = arith.select %parallel_loop3A_1854, %parallel_loop3A_1849, %broadcast_in_dim3A_3 : vector<16xi1>, vector<16xf32>
      %parallel_loop3A_1856 = arith.constant 5 : i32
      %parallel_loop3A_1857 = vector.broadcast %parallel_loop3A_1856 : i32 to vector<16xi32>
      %parallel_loop3A_1858 = arith.addi %parallel_loop3A_1800, %parallel_loop3A_1857 : vector<16xi32>
      %parallel_loop3A_1859 = tpu.vector_load_idx %arg6[%parallel_loop3A_1858, %parallel_loop3A_12] : memref<64x256xf32, #tpu.memory_space<vmem>>[vector<16xi32>, vector<16xi32>], vector<16xf32>,
      %parallel_loop3A_1860 = arith.mulf %parallel_loop3A_1859, %parallel_loop3A_1797 : vector<16xf32>
      %parallel_loop3A_1861 = arith.cmpf olt, %parallel_loop3A_1860, %parallel_loop3A_1778 : vector<16xf32>
      %parallel_loop3A_1862 = arith.cmpf oeq, %parallel_loop3A_1860, %parallel_loop3A_1778 : vector<16xf32>
      %parallel_loop3A_1863 = arith.cmpi sgt, %parallel_loop3A_1858, %parallel_loop3A_1779 : vector<16xi32>
      %parallel_loop3A_1864 = arith.andi %parallel_loop3A_1862, %parallel_loop3A_1863 : vector<16xi1>
      %parallel_loop3A_1865 = arith.ori %parallel_loop3A_1861, %parallel_loop3A_1864 : vector<16xi1>
      %parallel_loop3A_1866 = arith.select %parallel_loop3A_1865, %parallel_loop3A_1860, %broadcast_in_dim3A_3 : vector<16xi1>, vector<16xf32>
      %parallel_loop3A_1867 = arith.constant 6 : i32
      %parallel_loop3A_1868 = vector.broadcast %parallel_loop3A_1867 : i32 to vector<16xi32>
      %parallel_loop3A_1869 = arith.addi %parallel_loop3A_1800, %parallel_loop3A_1868 : vector<16xi32>
      %parallel_loop3A_1870 = tpu.vector_load_idx %arg6[%parallel_loop3A_1869, %parallel_loop3A_12] : memref<64x256xf32, #tpu.memory_space<vmem>>[vector<16xi32>, vector<16xi32>], vector<16xf32>,
      %parallel_loop3A_1871 = arith.mulf %parallel_loop3A_1870, %parallel_loop3A_1797 : vector<16xf32>
      %parallel_loop3A_1872 = arith.cmpf olt, %parallel_loop3A_1871, %parallel_loop3A_1778 : vector<16xf32>
      %parallel_loop3A_1873 = arith.cmpf oeq, %parallel_loop3A_1871, %parallel_loop3A_1778 : vector<16xf32>
      %parallel_loop3A_1874 = arith.cmpi sgt, %parallel_loop3A_1869, %parallel_loop3A_1779 : vector<16xi32>
      %parallel_loop3A_1875 = arith.andi %parallel_loop3A_1873, %parallel_loop3A_1874 : vector<16xi1>
      %parallel_loop3A_1876 = arith.ori %parallel_loop3A_1872, %parallel_loop3A_1875 : vector<16xi1>
      %parallel_loop3A_1877 = arith.select %parallel_loop3A_1876, %parallel_loop3A_1871, %broadcast_in_dim3A_3 : vector<16xi1>, vector<16xf32>
      %parallel_loop3A_1878 = arith.constant 7 : i32
      %parallel_loop3A_1879 = vector.broadcast %parallel_loop3A_1878 : i32 to vector<16xi32>
      %parallel_loop3A_1880 = arith.addi %parallel_loop3A_1800, %parallel_loop3A_1879 : vector<16xi32>
      %parallel_loop3A_1881 = tpu.vector_load_idx %arg6[%parallel_loop3A_1880, %parallel_loop3A_12] : memref<64x256xf32, #tpu.memory_space<vmem>>[vector<16xi32>, vector<16xi32>], vector<16xf32>,
      %parallel_loop3A_1882 = arith.mulf %parallel_loop3A_1881, %parallel_loop3A_1797 : vector<16xf32>
      %parallel_loop3A_1883 = arith.cmpf olt, %parallel_loop3A_1882, %parallel_loop3A_1778 : vector<16xf32>
      %parallel_loop3A_1884 = arith.cmpf oeq, %parallel_loop3A_1882, %parallel_loop3A_1778 : vector<16xf32>
      %parallel_loop3A_1885 = arith.cmpi sgt, %parallel_loop3A_1880, %parallel_loop3A_1779 : vector<16xi32>
      %parallel_loop3A_1886 = arith.andi %parallel_loop3A_1884, %parallel_loop3A_1885 : vector<16xi1>
      %parallel_loop3A_1887 = arith.ori %parallel_loop3A_1883, %parallel_loop3A_1886 : vector<16xi1>
      %parallel_loop3A_1888 = arith.select %parallel_loop3A_1887, %parallel_loop3A_1882, %broadcast_in_dim3A_3 : vector<16xi1>, vector<16xf32>
      %parallel_loop3A_1889 = arith.cmpf ogt, %parallel_loop3A_1822, %parallel_loop3A_1811 : vector<16xf32>
      %parallel_loop3A_1890 = arith.select %parallel_loop3A_1889, %parallel_loop3A_1822, %parallel_loop3A_1811 : vector<16xi1>, vector<16xf32>
      %parallel_loop3A_1891 = arith.select %parallel_loop3A_1889, %parallel_loop3A_1814, %parallel_loop3A_1803 : vector<16xi1>, vector<16xi32>
      %parallel_loop3A_1892 = arith.cmpf ogt, %parallel_loop3A_1844, %parallel_loop3A_1833 : vector<16xf32>
      %parallel_loop3A_1893 = arith.select %parallel_loop3A_1892, %parallel_loop3A_1844, %parallel_loop3A_1833 : vector<16xi1>, vector<16xf32>
      %parallel_loop3A_1894 = arith.select %parallel_loop3A_1892, %parallel_loop3A_1836, %parallel_loop3A_1825 : vector<16xi1>, vector<16xi32>
      %parallel_loop3A_1895 = arith.cmpf ogt, %parallel_loop3A_1866, %parallel_loop3A_1855 : vector<16xf32>
      %parallel_loop3A_1896 = arith.select %parallel_loop3A_1895, %parallel_loop3A_1866, %parallel_loop3A_1855 : vector<16xi1>, vector<16xf32>
      %parallel_loop3A_1897 = arith.select %parallel_loop3A_1895, %parallel_loop3A_1858, %parallel_loop3A_1847 : vector<16xi1>, vector<16xi32>
      %parallel_loop3A_1898 = arith.cmpf ogt, %parallel_loop3A_1888, %parallel_loop3A_1877 : vector<16xf32>
      %parallel_loop3A_1899 = arith.select %parallel_loop3A_1898, %parallel_loop3A_1888, %parallel_loop3A_1877 : vector<16xi1>, vector<16xf32>
      %parallel_loop3A_1900 = arith.select %parallel_loop3A_1898, %parallel_loop3A_1880, %parallel_loop3A_1869 : vector<16xi1>, vector<16xi32>
      %parallel_loop3A_1901 = arith.cmpf ogt, %parallel_loop3A_1893, %parallel_loop3A_1890 : vector<16xf32>
      %parallel_loop3A_1902 = arith.select %parallel_loop3A_1901, %parallel_loop3A_1893, %parallel_loop3A_1890 : vector<16xi1>, vector<16xf32>
      %parallel_loop3A_1903 = arith.select %parallel_loop3A_1901, %parallel_loop3A_1894, %parallel_loop3A_1891 : vector<16xi1>, vector<16xi32>
      %parallel_loop3A_1904 = arith.cmpf ogt, %parallel_loop3A_1899, %parallel_loop3A_1896 : vector<16xf32>
      %parallel_loop3A_1905 = arith.select %parallel_loop3A_1904, %parallel_loop3A_1899, %parallel_loop3A_1896 : vector<16xi1>, vector<16xf32>
      %parallel_loop3A_1906 = arith.select %parallel_loop3A_1904, %parallel_loop3A_1900, %parallel_loop3A_1897 : vector<16xi1>, vector<16xi32>
      %parallel_loop3A_1907 = arith.cmpf ogt, %parallel_loop3A_1905, %parallel_loop3A_1902 : vector<16xf32>
      %parallel_loop3A_1908 = arith.select %parallel_loop3A_1907, %parallel_loop3A_1905, %parallel_loop3A_1902 : vector<16xi1>, vector<16xf32>
      %parallel_loop3A_1909 = arith.select %parallel_loop3A_1907, %parallel_loop3A_1906, %parallel_loop3A_1903 : vector<16xi1>, vector<16xi32>
      %parallel_loop3A_1910 = arith.constant 0 : i32
      %parallel_loop3A_1911 = vector.broadcast %parallel_loop3A_1910 : i32 to vector<16xi32>
      %parallel_loop3A_1912 = arith.cmpi eq, %parallel_loop3A_1790, %parallel_loop3A_1911 : vector<16xi32>
      %parallel_loop3A_1913 = arith.select %parallel_loop3A_1912, %parallel_loop3A_1908, %parallel_loop3A_1722 : vector<16xi1>, vector<16xf32>
      %parallel_loop3A_1914 = arith.select %parallel_loop3A_1912, %parallel_loop3A_1909, %parallel_loop3A_1723 : vector<16xi1>, vector<16xi32>
      %parallel_loop3A_1915 = arith.constant 1 : i32
      %parallel_loop3A_1916 = vector.broadcast %parallel_loop3A_1915 : i32 to vector<16xi32>
      %parallel_loop3A_1917 = arith.cmpi eq, %parallel_loop3A_1790, %parallel_loop3A_1916 : vector<16xi32>
      %parallel_loop3A_1918 = arith.select %parallel_loop3A_1917, %parallel_loop3A_1908, %parallel_loop3A_1727 : vector<16xi1>, vector<16xf32>
      %parallel_loop3A_1919 = arith.select %parallel_loop3A_1917, %parallel_loop3A_1909, %parallel_loop3A_1728 : vector<16xi1>, vector<16xi32>
      %parallel_loop3A_1920 = arith.constant 2 : i32
      %parallel_loop3A_1921 = vector.broadcast %parallel_loop3A_1920 : i32 to vector<16xi32>
      %parallel_loop3A_1922 = arith.cmpi eq, %parallel_loop3A_1790, %parallel_loop3A_1921 : vector<16xi32>
      %parallel_loop3A_1923 = arith.select %parallel_loop3A_1922, %parallel_loop3A_1908, %parallel_loop3A_1732 : vector<16xi1>, vector<16xf32>
      %parallel_loop3A_1924 = arith.select %parallel_loop3A_1922, %parallel_loop3A_1909, %parallel_loop3A_1733 : vector<16xi1>, vector<16xi32>
      %parallel_loop3A_1925 = arith.constant 3 : i32
      %parallel_loop3A_1926 = vector.broadcast %parallel_loop3A_1925 : i32 to vector<16xi32>
      %parallel_loop3A_1927 = arith.cmpi eq, %parallel_loop3A_1790, %parallel_loop3A_1926 : vector<16xi32>
      %parallel_loop3A_1928 = arith.select %parallel_loop3A_1927, %parallel_loop3A_1908, %parallel_loop3A_1737 : vector<16xi1>, vector<16xf32>
      %parallel_loop3A_1929 = arith.select %parallel_loop3A_1927, %parallel_loop3A_1909, %parallel_loop3A_1738 : vector<16xi1>, vector<16xi32>
      %parallel_loop3A_1930 = arith.constant 4 : i32
      %parallel_loop3A_1931 = vector.broadcast %parallel_loop3A_1930 : i32 to vector<16xi32>
      %parallel_loop3A_1932 = arith.cmpi eq, %parallel_loop3A_1790, %parallel_loop3A_1931 : vector<16xi32>
      %parallel_loop3A_1933 = arith.select %parallel_loop3A_1932, %parallel_loop3A_1908, %parallel_loop3A_1742 : vector<16xi1>, vector<16xf32>
      %parallel_loop3A_1934 = arith.select %parallel_loop3A_1932, %parallel_loop3A_1909, %parallel_loop3A_1743 : vector<16xi1>, vector<16xi32>
      %parallel_loop3A_1935 = arith.constant 5 : i32
      %parallel_loop3A_1936 = vector.broadcast %parallel_loop3A_1935 : i32 to vector<16xi32>
      %parallel_loop3A_1937 = arith.cmpi eq, %parallel_loop3A_1790, %parallel_loop3A_1936 : vector<16xi32>
      %parallel_loop3A_1938 = arith.select %parallel_loop3A_1937, %parallel_loop3A_1908, %parallel_loop3A_1747 : vector<16xi1>, vector<16xf32>
      %parallel_loop3A_1939 = arith.select %parallel_loop3A_1937, %parallel_loop3A_1909, %parallel_loop3A_1748 : vector<16xi1>, vector<16xi32>
      %parallel_loop3A_1940 = arith.constant 6 : i32
      %parallel_loop3A_1941 = vector.broadcast %parallel_loop3A_1940 : i32 to vector<16xi32>
      %parallel_loop3A_1942 = arith.cmpi eq, %parallel_loop3A_1790, %parallel_loop3A_1941 : vector<16xi32>
      %parallel_loop3A_1943 = arith.select %parallel_loop3A_1942, %parallel_loop3A_1908, %parallel_loop3A_1752 : vector<16xi1>, vector<16xf32>
      %parallel_loop3A_1944 = arith.select %parallel_loop3A_1942, %parallel_loop3A_1909, %parallel_loop3A_1753 : vector<16xi1>, vector<16xi32>
      %parallel_loop3A_1945 = arith.constant 7 : i32
      %parallel_loop3A_1946 = vector.broadcast %parallel_loop3A_1945 : i32 to vector<16xi32>
      %parallel_loop3A_1947 = arith.cmpi eq, %parallel_loop3A_1790, %parallel_loop3A_1946 : vector<16xi32>
      %parallel_loop3A_1948 = arith.select %parallel_loop3A_1947, %parallel_loop3A_1908, %parallel_loop3A_1757 : vector<16xi1>, vector<16xf32>
      %parallel_loop3A_1949 = arith.select %parallel_loop3A_1947, %parallel_loop3A_1909, %parallel_loop3A_1758 : vector<16xi1>, vector<16xi32>
      %parallel_loop3A_1950 = arith.cmpf ogt, %parallel_loop3A_1918, %parallel_loop3A_1913 : vector<16xf32>
      %parallel_loop3A_1951 = arith.select %parallel_loop3A_1950, %parallel_loop3A_1918, %parallel_loop3A_1913 : vector<16xi1>, vector<16xf32>
      %parallel_loop3A_1952 = arith.select %parallel_loop3A_1950, %parallel_loop3A_1919, %parallel_loop3A_1914 : vector<16xi1>, vector<16xi32>
      %parallel_loop3A_1953 = arith.cmpf ogt, %parallel_loop3A_1928, %parallel_loop3A_1923 : vector<16xf32>
      %parallel_loop3A_1954 = arith.select %parallel_loop3A_1953, %parallel_loop3A_1928, %parallel_loop3A_1923 : vector<16xi1>, vector<16xf32>
      %parallel_loop3A_1955 = arith.select %parallel_loop3A_1953, %parallel_loop3A_1929, %parallel_loop3A_1924 : vector<16xi1>, vector<16xi32>
      %parallel_loop3A_1956 = arith.cmpf ogt, %parallel_loop3A_1938, %parallel_loop3A_1933 : vector<16xf32>
      %parallel_loop3A_1957 = arith.select %parallel_loop3A_1956, %parallel_loop3A_1938, %parallel_loop3A_1933 : vector<16xi1>, vector<16xf32>
      %parallel_loop3A_1958 = arith.select %parallel_loop3A_1956, %parallel_loop3A_1939, %parallel_loop3A_1934 : vector<16xi1>, vector<16xi32>
      %parallel_loop3A_1959 = arith.cmpf ogt, %parallel_loop3A_1948, %parallel_loop3A_1943 : vector<16xf32>
      %parallel_loop3A_1960 = arith.select %parallel_loop3A_1959, %parallel_loop3A_1948, %parallel_loop3A_1943 : vector<16xi1>, vector<16xf32>
      %parallel_loop3A_1961 = arith.select %parallel_loop3A_1959, %parallel_loop3A_1949, %parallel_loop3A_1944 : vector<16xi1>, vector<16xi32>
      %parallel_loop3A_1962 = arith.cmpf ogt, %parallel_loop3A_1954, %parallel_loop3A_1951 : vector<16xf32>
      %parallel_loop3A_1963 = arith.select %parallel_loop3A_1962, %parallel_loop3A_1954, %parallel_loop3A_1951 : vector<16xi1>, vector<16xf32>
      %parallel_loop3A_1964 = arith.select %parallel_loop3A_1962, %parallel_loop3A_1955, %parallel_loop3A_1952 : vector<16xi1>, vector<16xi32>
      %parallel_loop3A_1965 = arith.cmpf ogt, %parallel_loop3A_1960, %parallel_loop3A_1957 : vector<16xf32>
      %parallel_loop3A_1966 = arith.select %parallel_loop3A_1965, %parallel_loop3A_1960, %parallel_loop3A_1957 : vector<16xi1>, vector<16xf32>
      %parallel_loop3A_1967 = arith.select %parallel_loop3A_1965, %parallel_loop3A_1961, %parallel_loop3A_1958 : vector<16xi1>, vector<16xi32>
      %parallel_loop3A_1968 = arith.cmpf ogt, %parallel_loop3A_1966, %parallel_loop3A_1963 : vector<16xf32>
      %parallel_loop3A_1969 = arith.select %parallel_loop3A_1968, %parallel_loop3A_1966, %parallel_loop3A_1963 : vector<16xi1>, vector<16xf32>
      %parallel_loop3A_1970 = arith.select %parallel_loop3A_1968, %parallel_loop3A_1967, %parallel_loop3A_1964 : vector<16xi1>, vector<16xi32>
      %parallel_loop3A_1971 = arith.constant 4 : i32
      %parallel_loop3A_1972 = arith.index_cast %parallel_loop3A_1971 : i32 to index
      %parallel_loop3A_1973 = arith.index_cast %parallel_loop3A_10 : i32 to index
      %parallel_loop3A_1974 = tpu.vector_load %arg10[%parallel_loop3A_1972, %parallel_loop3A_1973] {strides = array<i32>} : memref<8x256xi32, #tpu.memory_space<vmem>>, vector<16xi32>,
      tpu.vector_store %arg10[%parallel_loop3A_1972, %parallel_loop3A_1973], %parallel_loop3A_1970 {strides = array<i32>} : memref<8x256xi32, #tpu.memory_space<vmem>>, vector<16xi32>,
      %parallel_loop3A_1975 = tpu.vector_load_idx %arg6[%parallel_loop3A_1970, %parallel_loop3A_12] : memref<64x256xf32, #tpu.memory_space<vmem>>[vector<16xi32>, vector<16xi32>], vector<16xf32>,
      %parallel_loop3A_1976 = tpu.vector_load_idx %arg7[%parallel_loop3A_1970, %iota3A] : memref<64x16xf32, #tpu.memory_space<vmem>>[vector<16xi32>, vector<16xi32>], vector<16xf32>,
      %parallel_loop3A_1977 = arith.subf %parallel_loop3A_1975, %parallel_loop3A_1976 : vector<16xf32>
      %parallel_loop3A_1978 = arith.addf %parallel_loop3A_1787, %parallel_loop3A_1977 : vector<16xf32>
      %parallel_loop3A_1979 = arith.constant 3 : i32
      %parallel_loop3A_1980 = vector.broadcast %parallel_loop3A_1979 : i32 to vector<16xi32>
      %parallel_loop3A_1981 = arith.shrui %parallel_loop3A_1970, %parallel_loop3A_1980 : vector<16xi32>
      %parallel_loop3A_1982 = arith.constant 4 : i32
      %parallel_loop3A_1983 = vector.broadcast %parallel_loop3A_1982 : i32 to vector<16xi32>
      %parallel_loop3A_1984 = arith.shli %parallel_loop3A_1981, %parallel_loop3A_1983 : vector<16xi32>
      %parallel_loop3A_1985 = vector.broadcast %parallel_loop3A_14 : i32 to vector<16xi32>
      %parallel_loop3A_1986 = arith.addi %parallel_loop3A_1985, %parallel_loop3A_1984 : vector<16xi32>
      %parallel_loop3A_1987 = arith.addi %parallel_loop3A_1986, %iota3A : vector<16xi32>
      %parallel_loop3A_1988 = tpu.vector_load_idx %arg8[%parallel_loop3A_1987] : memref<2048xf32, #tpu.memory_space<vmem>>[vector<16xi32>], vector<16xf32>,
      %parallel_loop3A_1989 = arith.constant 3 : i32
      %parallel_loop3A_1990 = vector.broadcast %parallel_loop3A_1989 : i32 to vector<16xi32>
      %parallel_loop3A_1991 = arith.shli %parallel_loop3A_1981, %parallel_loop3A_1990 : vector<16xi32>
      %parallel_loop3A_1992 = arith.constant 0 : i32
      %parallel_loop3A_1993 = vector.broadcast %parallel_loop3A_1992 : i32 to vector<16xi32>
      %parallel_loop3A_1994 = arith.addi %parallel_loop3A_1991, %parallel_loop3A_1993 : vector<16xi32>
      %parallel_loop3A_1995 = tpu.vector_load_idx %arg6[%parallel_loop3A_1994, %parallel_loop3A_12] : memref<64x256xf32, #tpu.memory_space<vmem>>[vector<16xi32>, vector<16xi32>], vector<16xf32>,
      %parallel_loop3A_1996 = arith.mulf %parallel_loop3A_1995, %parallel_loop3A_1988 : vector<16xf32>
      %parallel_loop3A_1997 = arith.cmpf olt, %parallel_loop3A_1996, %parallel_loop3A_1969 : vector<16xf32>
      %parallel_loop3A_1998 = arith.cmpf oeq, %parallel_loop3A_1996, %parallel_loop3A_1969 : vector<16xf32>
      %parallel_loop3A_1999 = arith.cmpi sgt, %parallel_loop3A_1994, %parallel_loop3A_1970 : vector<16xi32>
      %parallel_loop3A_2000 = arith.andi %parallel_loop3A_1998, %parallel_loop3A_1999 : vector<16xi1>
      %parallel_loop3A_2001 = arith.ori %parallel_loop3A_1997, %parallel_loop3A_2000 : vector<16xi1>
      %parallel_loop3A_2002 = arith.select %parallel_loop3A_2001, %parallel_loop3A_1996, %broadcast_in_dim3A_3 : vector<16xi1>, vector<16xf32>
      %parallel_loop3A_2003 = arith.constant 1 : i32
      %parallel_loop3A_2004 = vector.broadcast %parallel_loop3A_2003 : i32 to vector<16xi32>
      %parallel_loop3A_2005 = arith.addi %parallel_loop3A_1991, %parallel_loop3A_2004 : vector<16xi32>
      %parallel_loop3A_2006 = tpu.vector_load_idx %arg6[%parallel_loop3A_2005, %parallel_loop3A_12] : memref<64x256xf32, #tpu.memory_space<vmem>>[vector<16xi32>, vector<16xi32>], vector<16xf32>,
      %parallel_loop3A_2007 = arith.mulf %parallel_loop3A_2006, %parallel_loop3A_1988 : vector<16xf32>
      %parallel_loop3A_2008 = arith.cmpf olt, %parallel_loop3A_2007, %parallel_loop3A_1969 : vector<16xf32>
      %parallel_loop3A_2009 = arith.cmpf oeq, %parallel_loop3A_2007, %parallel_loop3A_1969 : vector<16xf32>
      %parallel_loop3A_2010 = arith.cmpi sgt, %parallel_loop3A_2005, %parallel_loop3A_1970 : vector<16xi32>
      %parallel_loop3A_2011 = arith.andi %parallel_loop3A_2009, %parallel_loop3A_2010 : vector<16xi1>
      %parallel_loop3A_2012 = arith.ori %parallel_loop3A_2008, %parallel_loop3A_2011 : vector<16xi1>
      %parallel_loop3A_2013 = arith.select %parallel_loop3A_2012, %parallel_loop3A_2007, %broadcast_in_dim3A_3 : vector<16xi1>, vector<16xf32>
      %parallel_loop3A_2014 = arith.constant 2 : i32
      %parallel_loop3A_2015 = vector.broadcast %parallel_loop3A_2014 : i32 to vector<16xi32>
      %parallel_loop3A_2016 = arith.addi %parallel_loop3A_1991, %parallel_loop3A_2015 : vector<16xi32>
      %parallel_loop3A_2017 = tpu.vector_load_idx %arg6[%parallel_loop3A_2016, %parallel_loop3A_12] : memref<64x256xf32, #tpu.memory_space<vmem>>[vector<16xi32>, vector<16xi32>], vector<16xf32>,
      %parallel_loop3A_2018 = arith.mulf %parallel_loop3A_2017, %parallel_loop3A_1988 : vector<16xf32>
      %parallel_loop3A_2019 = arith.cmpf olt, %parallel_loop3A_2018, %parallel_loop3A_1969 : vector<16xf32>
      %parallel_loop3A_2020 = arith.cmpf oeq, %parallel_loop3A_2018, %parallel_loop3A_1969 : vector<16xf32>
      %parallel_loop3A_2021 = arith.cmpi sgt, %parallel_loop3A_2016, %parallel_loop3A_1970 : vector<16xi32>
      %parallel_loop3A_2022 = arith.andi %parallel_loop3A_2020, %parallel_loop3A_2021 : vector<16xi1>
      %parallel_loop3A_2023 = arith.ori %parallel_loop3A_2019, %parallel_loop3A_2022 : vector<16xi1>
      %parallel_loop3A_2024 = arith.select %parallel_loop3A_2023, %parallel_loop3A_2018, %broadcast_in_dim3A_3 : vector<16xi1>, vector<16xf32>
      %parallel_loop3A_2025 = arith.constant 3 : i32
      %parallel_loop3A_2026 = vector.broadcast %parallel_loop3A_2025 : i32 to vector<16xi32>
      %parallel_loop3A_2027 = arith.addi %parallel_loop3A_1991, %parallel_loop3A_2026 : vector<16xi32>
      %parallel_loop3A_2028 = tpu.vector_load_idx %arg6[%parallel_loop3A_2027, %parallel_loop3A_12] : memref<64x256xf32, #tpu.memory_space<vmem>>[vector<16xi32>, vector<16xi32>], vector<16xf32>,
      %parallel_loop3A_2029 = arith.mulf %parallel_loop3A_2028, %parallel_loop3A_1988 : vector<16xf32>
      %parallel_loop3A_2030 = arith.cmpf olt, %parallel_loop3A_2029, %parallel_loop3A_1969 : vector<16xf32>
      %parallel_loop3A_2031 = arith.cmpf oeq, %parallel_loop3A_2029, %parallel_loop3A_1969 : vector<16xf32>
      %parallel_loop3A_2032 = arith.cmpi sgt, %parallel_loop3A_2027, %parallel_loop3A_1970 : vector<16xi32>
      %parallel_loop3A_2033 = arith.andi %parallel_loop3A_2031, %parallel_loop3A_2032 : vector<16xi1>
      %parallel_loop3A_2034 = arith.ori %parallel_loop3A_2030, %parallel_loop3A_2033 : vector<16xi1>
      %parallel_loop3A_2035 = arith.select %parallel_loop3A_2034, %parallel_loop3A_2029, %broadcast_in_dim3A_3 : vector<16xi1>, vector<16xf32>
      %parallel_loop3A_2036 = arith.constant 4 : i32
      %parallel_loop3A_2037 = vector.broadcast %parallel_loop3A_2036 : i32 to vector<16xi32>
      %parallel_loop3A_2038 = arith.addi %parallel_loop3A_1991, %parallel_loop3A_2037 : vector<16xi32>
      %parallel_loop3A_2039 = tpu.vector_load_idx %arg6[%parallel_loop3A_2038, %parallel_loop3A_12] : memref<64x256xf32, #tpu.memory_space<vmem>>[vector<16xi32>, vector<16xi32>], vector<16xf32>,
      %parallel_loop3A_2040 = arith.mulf %parallel_loop3A_2039, %parallel_loop3A_1988 : vector<16xf32>
      %parallel_loop3A_2041 = arith.cmpf olt, %parallel_loop3A_2040, %parallel_loop3A_1969 : vector<16xf32>
      %parallel_loop3A_2042 = arith.cmpf oeq, %parallel_loop3A_2040, %parallel_loop3A_1969 : vector<16xf32>
      %parallel_loop3A_2043 = arith.cmpi sgt, %parallel_loop3A_2038, %parallel_loop3A_1970 : vector<16xi32>
      %parallel_loop3A_2044 = arith.andi %parallel_loop3A_2042, %parallel_loop3A_2043 : vector<16xi1>
      %parallel_loop3A_2045 = arith.ori %parallel_loop3A_2041, %parallel_loop3A_2044 : vector<16xi1>
      %parallel_loop3A_2046 = arith.select %parallel_loop3A_2045, %parallel_loop3A_2040, %broadcast_in_dim3A_3 : vector<16xi1>, vector<16xf32>
      %parallel_loop3A_2047 = arith.constant 5 : i32
      %parallel_loop3A_2048 = vector.broadcast %parallel_loop3A_2047 : i32 to vector<16xi32>
      %parallel_loop3A_2049 = arith.addi %parallel_loop3A_1991, %parallel_loop3A_2048 : vector<16xi32>
      %parallel_loop3A_2050 = tpu.vector_load_idx %arg6[%parallel_loop3A_2049, %parallel_loop3A_12] : memref<64x256xf32, #tpu.memory_space<vmem>>[vector<16xi32>, vector<16xi32>], vector<16xf32>,
      %parallel_loop3A_2051 = arith.mulf %parallel_loop3A_2050, %parallel_loop3A_1988 : vector<16xf32>
      %parallel_loop3A_2052 = arith.cmpf olt, %parallel_loop3A_2051, %parallel_loop3A_1969 : vector<16xf32>
      %parallel_loop3A_2053 = arith.cmpf oeq, %parallel_loop3A_2051, %parallel_loop3A_1969 : vector<16xf32>
      %parallel_loop3A_2054 = arith.cmpi sgt, %parallel_loop3A_2049, %parallel_loop3A_1970 : vector<16xi32>
      %parallel_loop3A_2055 = arith.andi %parallel_loop3A_2053, %parallel_loop3A_2054 : vector<16xi1>
      %parallel_loop3A_2056 = arith.ori %parallel_loop3A_2052, %parallel_loop3A_2055 : vector<16xi1>
      %parallel_loop3A_2057 = arith.select %parallel_loop3A_2056, %parallel_loop3A_2051, %broadcast_in_dim3A_3 : vector<16xi1>, vector<16xf32>
      %parallel_loop3A_2058 = arith.constant 6 : i32
      %parallel_loop3A_2059 = vector.broadcast %parallel_loop3A_2058 : i32 to vector<16xi32>
      %parallel_loop3A_2060 = arith.addi %parallel_loop3A_1991, %parallel_loop3A_2059 : vector<16xi32>
      %parallel_loop3A_2061 = tpu.vector_load_idx %arg6[%parallel_loop3A_2060, %parallel_loop3A_12] : memref<64x256xf32, #tpu.memory_space<vmem>>[vector<16xi32>, vector<16xi32>], vector<16xf32>,
      %parallel_loop3A_2062 = arith.mulf %parallel_loop3A_2061, %parallel_loop3A_1988 : vector<16xf32>
      %parallel_loop3A_2063 = arith.cmpf olt, %parallel_loop3A_2062, %parallel_loop3A_1969 : vector<16xf32>
      %parallel_loop3A_2064 = arith.cmpf oeq, %parallel_loop3A_2062, %parallel_loop3A_1969 : vector<16xf32>
      %parallel_loop3A_2065 = arith.cmpi sgt, %parallel_loop3A_2060, %parallel_loop3A_1970 : vector<16xi32>
      %parallel_loop3A_2066 = arith.andi %parallel_loop3A_2064, %parallel_loop3A_2065 : vector<16xi1>
      %parallel_loop3A_2067 = arith.ori %parallel_loop3A_2063, %parallel_loop3A_2066 : vector<16xi1>
      %parallel_loop3A_2068 = arith.select %parallel_loop3A_2067, %parallel_loop3A_2062, %broadcast_in_dim3A_3 : vector<16xi1>, vector<16xf32>
      %parallel_loop3A_2069 = arith.constant 7 : i32
      %parallel_loop3A_2070 = vector.broadcast %parallel_loop3A_2069 : i32 to vector<16xi32>
      %parallel_loop3A_2071 = arith.addi %parallel_loop3A_1991, %parallel_loop3A_2070 : vector<16xi32>
      %parallel_loop3A_2072 = tpu.vector_load_idx %arg6[%parallel_loop3A_2071, %parallel_loop3A_12] : memref<64x256xf32, #tpu.memory_space<vmem>>[vector<16xi32>, vector<16xi32>], vector<16xf32>,
      %parallel_loop3A_2073 = arith.mulf %parallel_loop3A_2072, %parallel_loop3A_1988 : vector<16xf32>
      %parallel_loop3A_2074 = arith.cmpf olt, %parallel_loop3A_2073, %parallel_loop3A_1969 : vector<16xf32>
      %parallel_loop3A_2075 = arith.cmpf oeq, %parallel_loop3A_2073, %parallel_loop3A_1969 : vector<16xf32>
      %parallel_loop3A_2076 = arith.cmpi sgt, %parallel_loop3A_2071, %parallel_loop3A_1970 : vector<16xi32>
      %parallel_loop3A_2077 = arith.andi %parallel_loop3A_2075, %parallel_loop3A_2076 : vector<16xi1>
      %parallel_loop3A_2078 = arith.ori %parallel_loop3A_2074, %parallel_loop3A_2077 : vector<16xi1>
      %parallel_loop3A_2079 = arith.select %parallel_loop3A_2078, %parallel_loop3A_2073, %broadcast_in_dim3A_3 : vector<16xi1>, vector<16xf32>
      %parallel_loop3A_2080 = arith.cmpf ogt, %parallel_loop3A_2013, %parallel_loop3A_2002 : vector<16xf32>
      %parallel_loop3A_2081 = arith.select %parallel_loop3A_2080, %parallel_loop3A_2013, %parallel_loop3A_2002 : vector<16xi1>, vector<16xf32>
      %parallel_loop3A_2082 = arith.select %parallel_loop3A_2080, %parallel_loop3A_2005, %parallel_loop3A_1994 : vector<16xi1>, vector<16xi32>
      %parallel_loop3A_2083 = arith.cmpf ogt, %parallel_loop3A_2035, %parallel_loop3A_2024 : vector<16xf32>
      %parallel_loop3A_2084 = arith.select %parallel_loop3A_2083, %parallel_loop3A_2035, %parallel_loop3A_2024 : vector<16xi1>, vector<16xf32>
      %parallel_loop3A_2085 = arith.select %parallel_loop3A_2083, %parallel_loop3A_2027, %parallel_loop3A_2016 : vector<16xi1>, vector<16xi32>
      %parallel_loop3A_2086 = arith.cmpf ogt, %parallel_loop3A_2057, %parallel_loop3A_2046 : vector<16xf32>
      %parallel_loop3A_2087 = arith.select %parallel_loop3A_2086, %parallel_loop3A_2057, %parallel_loop3A_2046 : vector<16xi1>, vector<16xf32>
      %parallel_loop3A_2088 = arith.select %parallel_loop3A_2086, %parallel_loop3A_2049, %parallel_loop3A_2038 : vector<16xi1>, vector<16xi32>
      %parallel_loop3A_2089 = arith.cmpf ogt, %parallel_loop3A_2079, %parallel_loop3A_2068 : vector<16xf32>
      %parallel_loop3A_2090 = arith.select %parallel_loop3A_2089, %parallel_loop3A_2079, %parallel_loop3A_2068 : vector<16xi1>, vector<16xf32>
      %parallel_loop3A_2091 = arith.select %parallel_loop3A_2089, %parallel_loop3A_2071, %parallel_loop3A_2060 : vector<16xi1>, vector<16xi32>
      %parallel_loop3A_2092 = arith.cmpf ogt, %parallel_loop3A_2084, %parallel_loop3A_2081 : vector<16xf32>
      %parallel_loop3A_2093 = arith.select %parallel_loop3A_2092, %parallel_loop3A_2084, %parallel_loop3A_2081 : vector<16xi1>, vector<16xf32>
      %parallel_loop3A_2094 = arith.select %parallel_loop3A_2092, %parallel_loop3A_2085, %parallel_loop3A_2082 : vector<16xi1>, vector<16xi32>
      %parallel_loop3A_2095 = arith.cmpf ogt, %parallel_loop3A_2090, %parallel_loop3A_2087 : vector<16xf32>
      %parallel_loop3A_2096 = arith.select %parallel_loop3A_2095, %parallel_loop3A_2090, %parallel_loop3A_2087 : vector<16xi1>, vector<16xf32>
      %parallel_loop3A_2097 = arith.select %parallel_loop3A_2095, %parallel_loop3A_2091, %parallel_loop3A_2088 : vector<16xi1>, vector<16xi32>
      %parallel_loop3A_2098 = arith.cmpf ogt, %parallel_loop3A_2096, %parallel_loop3A_2093 : vector<16xf32>
      %parallel_loop3A_2099 = arith.select %parallel_loop3A_2098, %parallel_loop3A_2096, %parallel_loop3A_2093 : vector<16xi1>, vector<16xf32>
      %parallel_loop3A_2100 = arith.select %parallel_loop3A_2098, %parallel_loop3A_2097, %parallel_loop3A_2094 : vector<16xi1>, vector<16xi32>
      %parallel_loop3A_2101 = arith.constant 0 : i32
      %parallel_loop3A_2102 = vector.broadcast %parallel_loop3A_2101 : i32 to vector<16xi32>
      %parallel_loop3A_2103 = arith.cmpi eq, %parallel_loop3A_1981, %parallel_loop3A_2102 : vector<16xi32>
      %parallel_loop3A_2104 = arith.select %parallel_loop3A_2103, %parallel_loop3A_2099, %parallel_loop3A_1913 : vector<16xi1>, vector<16xf32>
      %parallel_loop3A_2105 = arith.select %parallel_loop3A_2103, %parallel_loop3A_2100, %parallel_loop3A_1914 : vector<16xi1>, vector<16xi32>
      %parallel_loop3A_2106 = arith.constant 1 : i32
      %parallel_loop3A_2107 = vector.broadcast %parallel_loop3A_2106 : i32 to vector<16xi32>
      %parallel_loop3A_2108 = arith.cmpi eq, %parallel_loop3A_1981, %parallel_loop3A_2107 : vector<16xi32>
      %parallel_loop3A_2109 = arith.select %parallel_loop3A_2108, %parallel_loop3A_2099, %parallel_loop3A_1918 : vector<16xi1>, vector<16xf32>
      %parallel_loop3A_2110 = arith.select %parallel_loop3A_2108, %parallel_loop3A_2100, %parallel_loop3A_1919 : vector<16xi1>, vector<16xi32>
      %parallel_loop3A_2111 = arith.constant 2 : i32
      %parallel_loop3A_2112 = vector.broadcast %parallel_loop3A_2111 : i32 to vector<16xi32>
      %parallel_loop3A_2113 = arith.cmpi eq, %parallel_loop3A_1981, %parallel_loop3A_2112 : vector<16xi32>
      %parallel_loop3A_2114 = arith.select %parallel_loop3A_2113, %parallel_loop3A_2099, %parallel_loop3A_1923 : vector<16xi1>, vector<16xf32>
      %parallel_loop3A_2115 = arith.select %parallel_loop3A_2113, %parallel_loop3A_2100, %parallel_loop3A_1924 : vector<16xi1>, vector<16xi32>
      %parallel_loop3A_2116 = arith.constant 3 : i32
      %parallel_loop3A_2117 = vector.broadcast %parallel_loop3A_2116 : i32 to vector<16xi32>
      %parallel_loop3A_2118 = arith.cmpi eq, %parallel_loop3A_1981, %parallel_loop3A_2117 : vector<16xi32>
      %parallel_loop3A_2119 = arith.select %parallel_loop3A_2118, %parallel_loop3A_2099, %parallel_loop3A_1928 : vector<16xi1>, vector<16xf32>
      %parallel_loop3A_2120 = arith.select %parallel_loop3A_2118, %parallel_loop3A_2100, %parallel_loop3A_1929 : vector<16xi1>, vector<16xi32>
      %parallel_loop3A_2121 = arith.constant 4 : i32
      %parallel_loop3A_2122 = vector.broadcast %parallel_loop3A_2121 : i32 to vector<16xi32>
      %parallel_loop3A_2123 = arith.cmpi eq, %parallel_loop3A_1981, %parallel_loop3A_2122 : vector<16xi32>
      %parallel_loop3A_2124 = arith.select %parallel_loop3A_2123, %parallel_loop3A_2099, %parallel_loop3A_1933 : vector<16xi1>, vector<16xf32>
      %parallel_loop3A_2125 = arith.select %parallel_loop3A_2123, %parallel_loop3A_2100, %parallel_loop3A_1934 : vector<16xi1>, vector<16xi32>
      %parallel_loop3A_2126 = arith.constant 5 : i32
      %parallel_loop3A_2127 = vector.broadcast %parallel_loop3A_2126 : i32 to vector<16xi32>
      %parallel_loop3A_2128 = arith.cmpi eq, %parallel_loop3A_1981, %parallel_loop3A_2127 : vector<16xi32>
      %parallel_loop3A_2129 = arith.select %parallel_loop3A_2128, %parallel_loop3A_2099, %parallel_loop3A_1938 : vector<16xi1>, vector<16xf32>
      %parallel_loop3A_2130 = arith.select %parallel_loop3A_2128, %parallel_loop3A_2100, %parallel_loop3A_1939 : vector<16xi1>, vector<16xi32>
      %parallel_loop3A_2131 = arith.constant 6 : i32
      %parallel_loop3A_2132 = vector.broadcast %parallel_loop3A_2131 : i32 to vector<16xi32>
      %parallel_loop3A_2133 = arith.cmpi eq, %parallel_loop3A_1981, %parallel_loop3A_2132 : vector<16xi32>
      %parallel_loop3A_2134 = arith.select %parallel_loop3A_2133, %parallel_loop3A_2099, %parallel_loop3A_1943 : vector<16xi1>, vector<16xf32>
      %parallel_loop3A_2135 = arith.select %parallel_loop3A_2133, %parallel_loop3A_2100, %parallel_loop3A_1944 : vector<16xi1>, vector<16xi32>
      %parallel_loop3A_2136 = arith.constant 7 : i32
      %parallel_loop3A_2137 = vector.broadcast %parallel_loop3A_2136 : i32 to vector<16xi32>
      %parallel_loop3A_2138 = arith.cmpi eq, %parallel_loop3A_1981, %parallel_loop3A_2137 : vector<16xi32>
      %parallel_loop3A_2139 = arith.select %parallel_loop3A_2138, %parallel_loop3A_2099, %parallel_loop3A_1948 : vector<16xi1>, vector<16xf32>
      %parallel_loop3A_2140 = arith.select %parallel_loop3A_2138, %parallel_loop3A_2100, %parallel_loop3A_1949 : vector<16xi1>, vector<16xi32>
      %parallel_loop3A_2141 = arith.cmpf ogt, %parallel_loop3A_2109, %parallel_loop3A_2104 : vector<16xf32>
      %parallel_loop3A_2142 = arith.select %parallel_loop3A_2141, %parallel_loop3A_2109, %parallel_loop3A_2104 : vector<16xi1>, vector<16xf32>
      %parallel_loop3A_2143 = arith.select %parallel_loop3A_2141, %parallel_loop3A_2110, %parallel_loop3A_2105 : vector<16xi1>, vector<16xi32>
      %parallel_loop3A_2144 = arith.cmpf ogt, %parallel_loop3A_2119, %parallel_loop3A_2114 : vector<16xf32>
      %parallel_loop3A_2145 = arith.select %parallel_loop3A_2144, %parallel_loop3A_2119, %parallel_loop3A_2114 : vector<16xi1>, vector<16xf32>
      %parallel_loop3A_2146 = arith.select %parallel_loop3A_2144, %parallel_loop3A_2120, %parallel_loop3A_2115 : vector<16xi1>, vector<16xi32>
      %parallel_loop3A_2147 = arith.cmpf ogt, %parallel_loop3A_2129, %parallel_loop3A_2124 : vector<16xf32>
      %parallel_loop3A_2148 = arith.select %parallel_loop3A_2147, %parallel_loop3A_2129, %parallel_loop3A_2124 : vector<16xi1>, vector<16xf32>
      %parallel_loop3A_2149 = arith.select %parallel_loop3A_2147, %parallel_loop3A_2130, %parallel_loop3A_2125 : vector<16xi1>, vector<16xi32>
      %parallel_loop3A_2150 = arith.cmpf ogt, %parallel_loop3A_2139, %parallel_loop3A_2134 : vector<16xf32>
      %parallel_loop3A_2151 = arith.select %parallel_loop3A_2150, %parallel_loop3A_2139, %parallel_loop3A_2134 : vector<16xi1>, vector<16xf32>
      %parallel_loop3A_2152 = arith.select %parallel_loop3A_2150, %parallel_loop3A_2140, %parallel_loop3A_2135 : vector<16xi1>, vector<16xi32>
      %parallel_loop3A_2153 = arith.cmpf ogt, %parallel_loop3A_2145, %parallel_loop3A_2142 : vector<16xf32>
      %parallel_loop3A_2154 = arith.select %parallel_loop3A_2153, %parallel_loop3A_2145, %parallel_loop3A_2142 : vector<16xi1>, vector<16xf32>
      %parallel_loop3A_2155 = arith.select %parallel_loop3A_2153, %parallel_loop3A_2146, %parallel_loop3A_2143 : vector<16xi1>, vector<16xi32>
      %parallel_loop3A_2156 = arith.cmpf ogt, %parallel_loop3A_2151, %parallel_loop3A_2148 : vector<16xf32>
      %parallel_loop3A_2157 = arith.select %parallel_loop3A_2156, %parallel_loop3A_2151, %parallel_loop3A_2148 : vector<16xi1>, vector<16xf32>
      %parallel_loop3A_2158 = arith.select %parallel_loop3A_2156, %parallel_loop3A_2152, %parallel_loop3A_2149 : vector<16xi1>, vector<16xi32>
      %parallel_loop3A_2159 = arith.cmpf ogt, %parallel_loop3A_2157, %parallel_loop3A_2154 : vector<16xf32>
      %parallel_loop3A_2160 = arith.select %parallel_loop3A_2159, %parallel_loop3A_2157, %parallel_loop3A_2154 : vector<16xi1>, vector<16xf32>
      %parallel_loop3A_2161 = arith.select %parallel_loop3A_2159, %parallel_loop3A_2158, %parallel_loop3A_2155 : vector<16xi1>, vector<16xi32>
      %parallel_loop3A_2162 = arith.constant 5 : i32
      %parallel_loop3A_2163 = arith.index_cast %parallel_loop3A_2162 : i32 to index
      %parallel_loop3A_2164 = arith.index_cast %parallel_loop3A_10 : i32 to index
      %parallel_loop3A_2165 = tpu.vector_load %arg10[%parallel_loop3A_2163, %parallel_loop3A_2164] {strides = array<i32>} : memref<8x256xi32, #tpu.memory_space<vmem>>, vector<16xi32>,
      tpu.vector_store %arg10[%parallel_loop3A_2163, %parallel_loop3A_2164], %parallel_loop3A_2161 {strides = array<i32>} : memref<8x256xi32, #tpu.memory_space<vmem>>, vector<16xi32>,
      %parallel_loop3A_2166 = tpu.vector_load_idx %arg6[%parallel_loop3A_2161, %parallel_loop3A_12] : memref<64x256xf32, #tpu.memory_space<vmem>>[vector<16xi32>, vector<16xi32>], vector<16xf32>,
      %parallel_loop3A_2167 = tpu.vector_load_idx %arg7[%parallel_loop3A_2161, %iota3A] : memref<64x16xf32, #tpu.memory_space<vmem>>[vector<16xi32>, vector<16xi32>], vector<16xf32>,
      %parallel_loop3A_2168 = arith.subf %parallel_loop3A_2166, %parallel_loop3A_2167 : vector<16xf32>
      %parallel_loop3A_2169 = arith.addf %parallel_loop3A_1978, %parallel_loop3A_2168 : vector<16xf32>
      %parallel_loop3A_2170 = arith.constant 3 : i32
      %parallel_loop3A_2171 = vector.broadcast %parallel_loop3A_2170 : i32 to vector<16xi32>
      %parallel_loop3A_2172 = arith.shrui %parallel_loop3A_2161, %parallel_loop3A_2171 : vector<16xi32>
      %parallel_loop3A_2173 = arith.constant 4 : i32
      %parallel_loop3A_2174 = vector.broadcast %parallel_loop3A_2173 : i32 to vector<16xi32>
      %parallel_loop3A_2175 = arith.shli %parallel_loop3A_2172, %parallel_loop3A_2174 : vector<16xi32>
      %parallel_loop3A_2176 = vector.broadcast %parallel_loop3A_14 : i32 to vector<16xi32>
      %parallel_loop3A_2177 = arith.addi %parallel_loop3A_2176, %parallel_loop3A_2175 : vector<16xi32>
      %parallel_loop3A_2178 = arith.addi %parallel_loop3A_2177, %iota3A : vector<16xi32>
      %parallel_loop3A_2179 = tpu.vector_load_idx %arg8[%parallel_loop3A_2178] : memref<2048xf32, #tpu.memory_space<vmem>>[vector<16xi32>], vector<16xf32>,
      %parallel_loop3A_2180 = arith.constant 3 : i32
      %parallel_loop3A_2181 = vector.broadcast %parallel_loop3A_2180 : i32 to vector<16xi32>
      %parallel_loop3A_2182 = arith.shli %parallel_loop3A_2172, %parallel_loop3A_2181 : vector<16xi32>
      %parallel_loop3A_2183 = arith.constant 0 : i32
      %parallel_loop3A_2184 = vector.broadcast %parallel_loop3A_2183 : i32 to vector<16xi32>
      %parallel_loop3A_2185 = arith.addi %parallel_loop3A_2182, %parallel_loop3A_2184 : vector<16xi32>
      %parallel_loop3A_2186 = tpu.vector_load_idx %arg6[%parallel_loop3A_2185, %parallel_loop3A_12] : memref<64x256xf32, #tpu.memory_space<vmem>>[vector<16xi32>, vector<16xi32>], vector<16xf32>,
      %parallel_loop3A_2187 = arith.mulf %parallel_loop3A_2186, %parallel_loop3A_2179 : vector<16xf32>
      %parallel_loop3A_2188 = arith.cmpf olt, %parallel_loop3A_2187, %parallel_loop3A_2160 : vector<16xf32>
      %parallel_loop3A_2189 = arith.cmpf oeq, %parallel_loop3A_2187, %parallel_loop3A_2160 : vector<16xf32>
      %parallel_loop3A_2190 = arith.cmpi sgt, %parallel_loop3A_2185, %parallel_loop3A_2161 : vector<16xi32>
      %parallel_loop3A_2191 = arith.andi %parallel_loop3A_2189, %parallel_loop3A_2190 : vector<16xi1>
      %parallel_loop3A_2192 = arith.ori %parallel_loop3A_2188, %parallel_loop3A_2191 : vector<16xi1>
      %parallel_loop3A_2193 = arith.select %parallel_loop3A_2192, %parallel_loop3A_2187, %broadcast_in_dim3A_3 : vector<16xi1>, vector<16xf32>
      %parallel_loop3A_2194 = arith.constant 1 : i32
      %parallel_loop3A_2195 = vector.broadcast %parallel_loop3A_2194 : i32 to vector<16xi32>
      %parallel_loop3A_2196 = arith.addi %parallel_loop3A_2182, %parallel_loop3A_2195 : vector<16xi32>
      %parallel_loop3A_2197 = tpu.vector_load_idx %arg6[%parallel_loop3A_2196, %parallel_loop3A_12] : memref<64x256xf32, #tpu.memory_space<vmem>>[vector<16xi32>, vector<16xi32>], vector<16xf32>,
      %parallel_loop3A_2198 = arith.mulf %parallel_loop3A_2197, %parallel_loop3A_2179 : vector<16xf32>
      %parallel_loop3A_2199 = arith.cmpf olt, %parallel_loop3A_2198, %parallel_loop3A_2160 : vector<16xf32>
      %parallel_loop3A_2200 = arith.cmpf oeq, %parallel_loop3A_2198, %parallel_loop3A_2160 : vector<16xf32>
      %parallel_loop3A_2201 = arith.cmpi sgt, %parallel_loop3A_2196, %parallel_loop3A_2161 : vector<16xi32>
      %parallel_loop3A_2202 = arith.andi %parallel_loop3A_2200, %parallel_loop3A_2201 : vector<16xi1>
      %parallel_loop3A_2203 = arith.ori %parallel_loop3A_2199, %parallel_loop3A_2202 : vector<16xi1>
      %parallel_loop3A_2204 = arith.select %parallel_loop3A_2203, %parallel_loop3A_2198, %broadcast_in_dim3A_3 : vector<16xi1>, vector<16xf32>
      %parallel_loop3A_2205 = arith.constant 2 : i32
      %parallel_loop3A_2206 = vector.broadcast %parallel_loop3A_2205 : i32 to vector<16xi32>
      %parallel_loop3A_2207 = arith.addi %parallel_loop3A_2182, %parallel_loop3A_2206 : vector<16xi32>
      %parallel_loop3A_2208 = tpu.vector_load_idx %arg6[%parallel_loop3A_2207, %parallel_loop3A_12] : memref<64x256xf32, #tpu.memory_space<vmem>>[vector<16xi32>, vector<16xi32>], vector<16xf32>,
      %parallel_loop3A_2209 = arith.mulf %parallel_loop3A_2208, %parallel_loop3A_2179 : vector<16xf32>
      %parallel_loop3A_2210 = arith.cmpf olt, %parallel_loop3A_2209, %parallel_loop3A_2160 : vector<16xf32>
      %parallel_loop3A_2211 = arith.cmpf oeq, %parallel_loop3A_2209, %parallel_loop3A_2160 : vector<16xf32>
      %parallel_loop3A_2212 = arith.cmpi sgt, %parallel_loop3A_2207, %parallel_loop3A_2161 : vector<16xi32>
      %parallel_loop3A_2213 = arith.andi %parallel_loop3A_2211, %parallel_loop3A_2212 : vector<16xi1>
      %parallel_loop3A_2214 = arith.ori %parallel_loop3A_2210, %parallel_loop3A_2213 : vector<16xi1>
      %parallel_loop3A_2215 = arith.select %parallel_loop3A_2214, %parallel_loop3A_2209, %broadcast_in_dim3A_3 : vector<16xi1>, vector<16xf32>
      %parallel_loop3A_2216 = arith.constant 3 : i32
      %parallel_loop3A_2217 = vector.broadcast %parallel_loop3A_2216 : i32 to vector<16xi32>
      %parallel_loop3A_2218 = arith.addi %parallel_loop3A_2182, %parallel_loop3A_2217 : vector<16xi32>
      %parallel_loop3A_2219 = tpu.vector_load_idx %arg6[%parallel_loop3A_2218, %parallel_loop3A_12] : memref<64x256xf32, #tpu.memory_space<vmem>>[vector<16xi32>, vector<16xi32>], vector<16xf32>,
      %parallel_loop3A_2220 = arith.mulf %parallel_loop3A_2219, %parallel_loop3A_2179 : vector<16xf32>
      %parallel_loop3A_2221 = arith.cmpf olt, %parallel_loop3A_2220, %parallel_loop3A_2160 : vector<16xf32>
      %parallel_loop3A_2222 = arith.cmpf oeq, %parallel_loop3A_2220, %parallel_loop3A_2160 : vector<16xf32>
      %parallel_loop3A_2223 = arith.cmpi sgt, %parallel_loop3A_2218, %parallel_loop3A_2161 : vector<16xi32>
      %parallel_loop3A_2224 = arith.andi %parallel_loop3A_2222, %parallel_loop3A_2223 : vector<16xi1>
      %parallel_loop3A_2225 = arith.ori %parallel_loop3A_2221, %parallel_loop3A_2224 : vector<16xi1>
      %parallel_loop3A_2226 = arith.select %parallel_loop3A_2225, %parallel_loop3A_2220, %broadcast_in_dim3A_3 : vector<16xi1>, vector<16xf32>
      %parallel_loop3A_2227 = arith.constant 4 : i32
      %parallel_loop3A_2228 = vector.broadcast %parallel_loop3A_2227 : i32 to vector<16xi32>
      %parallel_loop3A_2229 = arith.addi %parallel_loop3A_2182, %parallel_loop3A_2228 : vector<16xi32>
      %parallel_loop3A_2230 = tpu.vector_load_idx %arg6[%parallel_loop3A_2229, %parallel_loop3A_12] : memref<64x256xf32, #tpu.memory_space<vmem>>[vector<16xi32>, vector<16xi32>], vector<16xf32>,
      %parallel_loop3A_2231 = arith.mulf %parallel_loop3A_2230, %parallel_loop3A_2179 : vector<16xf32>
      %parallel_loop3A_2232 = arith.cmpf olt, %parallel_loop3A_2231, %parallel_loop3A_2160 : vector<16xf32>
      %parallel_loop3A_2233 = arith.cmpf oeq, %parallel_loop3A_2231, %parallel_loop3A_2160 : vector<16xf32>
      %parallel_loop3A_2234 = arith.cmpi sgt, %parallel_loop3A_2229, %parallel_loop3A_2161 : vector<16xi32>
      %parallel_loop3A_2235 = arith.andi %parallel_loop3A_2233, %parallel_loop3A_2234 : vector<16xi1>
      %parallel_loop3A_2236 = arith.ori %parallel_loop3A_2232, %parallel_loop3A_2235 : vector<16xi1>
      %parallel_loop3A_2237 = arith.select %parallel_loop3A_2236, %parallel_loop3A_2231, %broadcast_in_dim3A_3 : vector<16xi1>, vector<16xf32>
      %parallel_loop3A_2238 = arith.constant 5 : i32
      %parallel_loop3A_2239 = vector.broadcast %parallel_loop3A_2238 : i32 to vector<16xi32>
      %parallel_loop3A_2240 = arith.addi %parallel_loop3A_2182, %parallel_loop3A_2239 : vector<16xi32>
      %parallel_loop3A_2241 = tpu.vector_load_idx %arg6[%parallel_loop3A_2240, %parallel_loop3A_12] : memref<64x256xf32, #tpu.memory_space<vmem>>[vector<16xi32>, vector<16xi32>], vector<16xf32>,
      %parallel_loop3A_2242 = arith.mulf %parallel_loop3A_2241, %parallel_loop3A_2179 : vector<16xf32>
      %parallel_loop3A_2243 = arith.cmpf olt, %parallel_loop3A_2242, %parallel_loop3A_2160 : vector<16xf32>
      %parallel_loop3A_2244 = arith.cmpf oeq, %parallel_loop3A_2242, %parallel_loop3A_2160 : vector<16xf32>
      %parallel_loop3A_2245 = arith.cmpi sgt, %parallel_loop3A_2240, %parallel_loop3A_2161 : vector<16xi32>
      %parallel_loop3A_2246 = arith.andi %parallel_loop3A_2244, %parallel_loop3A_2245 : vector<16xi1>
      %parallel_loop3A_2247 = arith.ori %parallel_loop3A_2243, %parallel_loop3A_2246 : vector<16xi1>
      %parallel_loop3A_2248 = arith.select %parallel_loop3A_2247, %parallel_loop3A_2242, %broadcast_in_dim3A_3 : vector<16xi1>, vector<16xf32>
      %parallel_loop3A_2249 = arith.constant 6 : i32
      %parallel_loop3A_2250 = vector.broadcast %parallel_loop3A_2249 : i32 to vector<16xi32>
      %parallel_loop3A_2251 = arith.addi %parallel_loop3A_2182, %parallel_loop3A_2250 : vector<16xi32>
      %parallel_loop3A_2252 = tpu.vector_load_idx %arg6[%parallel_loop3A_2251, %parallel_loop3A_12] : memref<64x256xf32, #tpu.memory_space<vmem>>[vector<16xi32>, vector<16xi32>], vector<16xf32>,
      %parallel_loop3A_2253 = arith.mulf %parallel_loop3A_2252, %parallel_loop3A_2179 : vector<16xf32>
      %parallel_loop3A_2254 = arith.cmpf olt, %parallel_loop3A_2253, %parallel_loop3A_2160 : vector<16xf32>
      %parallel_loop3A_2255 = arith.cmpf oeq, %parallel_loop3A_2253, %parallel_loop3A_2160 : vector<16xf32>
      %parallel_loop3A_2256 = arith.cmpi sgt, %parallel_loop3A_2251, %parallel_loop3A_2161 : vector<16xi32>
      %parallel_loop3A_2257 = arith.andi %parallel_loop3A_2255, %parallel_loop3A_2256 : vector<16xi1>
      %parallel_loop3A_2258 = arith.ori %parallel_loop3A_2254, %parallel_loop3A_2257 : vector<16xi1>
      %parallel_loop3A_2259 = arith.select %parallel_loop3A_2258, %parallel_loop3A_2253, %broadcast_in_dim3A_3 : vector<16xi1>, vector<16xf32>
      %parallel_loop3A_2260 = arith.constant 7 : i32
      %parallel_loop3A_2261 = vector.broadcast %parallel_loop3A_2260 : i32 to vector<16xi32>
      %parallel_loop3A_2262 = arith.addi %parallel_loop3A_2182, %parallel_loop3A_2261 : vector<16xi32>
      %parallel_loop3A_2263 = tpu.vector_load_idx %arg6[%parallel_loop3A_2262, %parallel_loop3A_12] : memref<64x256xf32, #tpu.memory_space<vmem>>[vector<16xi32>, vector<16xi32>], vector<16xf32>,
      %parallel_loop3A_2264 = arith.mulf %parallel_loop3A_2263, %parallel_loop3A_2179 : vector<16xf32>
      %parallel_loop3A_2265 = arith.cmpf olt, %parallel_loop3A_2264, %parallel_loop3A_2160 : vector<16xf32>
      %parallel_loop3A_2266 = arith.cmpf oeq, %parallel_loop3A_2264, %parallel_loop3A_2160 : vector<16xf32>
      %parallel_loop3A_2267 = arith.cmpi sgt, %parallel_loop3A_2262, %parallel_loop3A_2161 : vector<16xi32>
      %parallel_loop3A_2268 = arith.andi %parallel_loop3A_2266, %parallel_loop3A_2267 : vector<16xi1>
      %parallel_loop3A_2269 = arith.ori %parallel_loop3A_2265, %parallel_loop3A_2268 : vector<16xi1>
      %parallel_loop3A_2270 = arith.select %parallel_loop3A_2269, %parallel_loop3A_2264, %broadcast_in_dim3A_3 : vector<16xi1>, vector<16xf32>
      %parallel_loop3A_2271 = arith.cmpf ogt, %parallel_loop3A_2204, %parallel_loop3A_2193 : vector<16xf32>
      %parallel_loop3A_2272 = arith.select %parallel_loop3A_2271, %parallel_loop3A_2204, %parallel_loop3A_2193 : vector<16xi1>, vector<16xf32>
      %parallel_loop3A_2273 = arith.select %parallel_loop3A_2271, %parallel_loop3A_2196, %parallel_loop3A_2185 : vector<16xi1>, vector<16xi32>
      %parallel_loop3A_2274 = arith.cmpf ogt, %parallel_loop3A_2226, %parallel_loop3A_2215 : vector<16xf32>
      %parallel_loop3A_2275 = arith.select %parallel_loop3A_2274, %parallel_loop3A_2226, %parallel_loop3A_2215 : vector<16xi1>, vector<16xf32>
      %parallel_loop3A_2276 = arith.select %parallel_loop3A_2274, %parallel_loop3A_2218, %parallel_loop3A_2207 : vector<16xi1>, vector<16xi32>
      %parallel_loop3A_2277 = arith.cmpf ogt, %parallel_loop3A_2248, %parallel_loop3A_2237 : vector<16xf32>
      %parallel_loop3A_2278 = arith.select %parallel_loop3A_2277, %parallel_loop3A_2248, %parallel_loop3A_2237 : vector<16xi1>, vector<16xf32>
      %parallel_loop3A_2279 = arith.select %parallel_loop3A_2277, %parallel_loop3A_2240, %parallel_loop3A_2229 : vector<16xi1>, vector<16xi32>
      %parallel_loop3A_2280 = arith.cmpf ogt, %parallel_loop3A_2270, %parallel_loop3A_2259 : vector<16xf32>
      %parallel_loop3A_2281 = arith.select %parallel_loop3A_2280, %parallel_loop3A_2270, %parallel_loop3A_2259 : vector<16xi1>, vector<16xf32>
      %parallel_loop3A_2282 = arith.select %parallel_loop3A_2280, %parallel_loop3A_2262, %parallel_loop3A_2251 : vector<16xi1>, vector<16xi32>
      %parallel_loop3A_2283 = arith.cmpf ogt, %parallel_loop3A_2275, %parallel_loop3A_2272 : vector<16xf32>
      %parallel_loop3A_2284 = arith.select %parallel_loop3A_2283, %parallel_loop3A_2275, %parallel_loop3A_2272 : vector<16xi1>, vector<16xf32>
      %parallel_loop3A_2285 = arith.select %parallel_loop3A_2283, %parallel_loop3A_2276, %parallel_loop3A_2273 : vector<16xi1>, vector<16xi32>
      %parallel_loop3A_2286 = arith.cmpf ogt, %parallel_loop3A_2281, %parallel_loop3A_2278 : vector<16xf32>
      %parallel_loop3A_2287 = arith.select %parallel_loop3A_2286, %parallel_loop3A_2281, %parallel_loop3A_2278 : vector<16xi1>, vector<16xf32>
      %parallel_loop3A_2288 = arith.select %parallel_loop3A_2286, %parallel_loop3A_2282, %parallel_loop3A_2279 : vector<16xi1>, vector<16xi32>
      %parallel_loop3A_2289 = arith.cmpf ogt, %parallel_loop3A_2287, %parallel_loop3A_2284 : vector<16xf32>
      %parallel_loop3A_2290 = arith.select %parallel_loop3A_2289, %parallel_loop3A_2287, %parallel_loop3A_2284 : vector<16xi1>, vector<16xf32>
      %parallel_loop3A_2291 = arith.select %parallel_loop3A_2289, %parallel_loop3A_2288, %parallel_loop3A_2285 : vector<16xi1>, vector<16xi32>
      %parallel_loop3A_2292 = arith.constant 0 : i32
      %parallel_loop3A_2293 = vector.broadcast %parallel_loop3A_2292 : i32 to vector<16xi32>
      %parallel_loop3A_2294 = arith.cmpi eq, %parallel_loop3A_2172, %parallel_loop3A_2293 : vector<16xi32>
      %parallel_loop3A_2295 = arith.select %parallel_loop3A_2294, %parallel_loop3A_2290, %parallel_loop3A_2104 : vector<16xi1>, vector<16xf32>
      %parallel_loop3A_2296 = arith.select %parallel_loop3A_2294, %parallel_loop3A_2291, %parallel_loop3A_2105 : vector<16xi1>, vector<16xi32>
      %parallel_loop3A_2297 = arith.constant 1 : i32
      %parallel_loop3A_2298 = vector.broadcast %parallel_loop3A_2297 : i32 to vector<16xi32>
      %parallel_loop3A_2299 = arith.cmpi eq, %parallel_loop3A_2172, %parallel_loop3A_2298 : vector<16xi32>
      %parallel_loop3A_2300 = arith.select %parallel_loop3A_2299, %parallel_loop3A_2290, %parallel_loop3A_2109 : vector<16xi1>, vector<16xf32>
      %parallel_loop3A_2301 = arith.select %parallel_loop3A_2299, %parallel_loop3A_2291, %parallel_loop3A_2110 : vector<16xi1>, vector<16xi32>
      %parallel_loop3A_2302 = arith.constant 2 : i32
      %parallel_loop3A_2303 = vector.broadcast %parallel_loop3A_2302 : i32 to vector<16xi32>
      %parallel_loop3A_2304 = arith.cmpi eq, %parallel_loop3A_2172, %parallel_loop3A_2303 : vector<16xi32>
      %parallel_loop3A_2305 = arith.select %parallel_loop3A_2304, %parallel_loop3A_2290, %parallel_loop3A_2114 : vector<16xi1>, vector<16xf32>
      %parallel_loop3A_2306 = arith.select %parallel_loop3A_2304, %parallel_loop3A_2291, %parallel_loop3A_2115 : vector<16xi1>, vector<16xi32>
      %parallel_loop3A_2307 = arith.constant 3 : i32
      %parallel_loop3A_2308 = vector.broadcast %parallel_loop3A_2307 : i32 to vector<16xi32>
      %parallel_loop3A_2309 = arith.cmpi eq, %parallel_loop3A_2172, %parallel_loop3A_2308 : vector<16xi32>
      %parallel_loop3A_2310 = arith.select %parallel_loop3A_2309, %parallel_loop3A_2290, %parallel_loop3A_2119 : vector<16xi1>, vector<16xf32>
      %parallel_loop3A_2311 = arith.select %parallel_loop3A_2309, %parallel_loop3A_2291, %parallel_loop3A_2120 : vector<16xi1>, vector<16xi32>
      %parallel_loop3A_2312 = arith.constant 4 : i32
      %parallel_loop3A_2313 = vector.broadcast %parallel_loop3A_2312 : i32 to vector<16xi32>
      %parallel_loop3A_2314 = arith.cmpi eq, %parallel_loop3A_2172, %parallel_loop3A_2313 : vector<16xi32>
      %parallel_loop3A_2315 = arith.select %parallel_loop3A_2314, %parallel_loop3A_2290, %parallel_loop3A_2124 : vector<16xi1>, vector<16xf32>
      %parallel_loop3A_2316 = arith.select %parallel_loop3A_2314, %parallel_loop3A_2291, %parallel_loop3A_2125 : vector<16xi1>, vector<16xi32>
      %parallel_loop3A_2317 = arith.constant 5 : i32
      %parallel_loop3A_2318 = vector.broadcast %parallel_loop3A_2317 : i32 to vector<16xi32>
      %parallel_loop3A_2319 = arith.cmpi eq, %parallel_loop3A_2172, %parallel_loop3A_2318 : vector<16xi32>
      %parallel_loop3A_2320 = arith.select %parallel_loop3A_2319, %parallel_loop3A_2290, %parallel_loop3A_2129 : vector<16xi1>, vector<16xf32>
      %parallel_loop3A_2321 = arith.select %parallel_loop3A_2319, %parallel_loop3A_2291, %parallel_loop3A_2130 : vector<16xi1>, vector<16xi32>
      %parallel_loop3A_2322 = arith.constant 6 : i32
      %parallel_loop3A_2323 = vector.broadcast %parallel_loop3A_2322 : i32 to vector<16xi32>
      %parallel_loop3A_2324 = arith.cmpi eq, %parallel_loop3A_2172, %parallel_loop3A_2323 : vector<16xi32>
      %parallel_loop3A_2325 = arith.select %parallel_loop3A_2324, %parallel_loop3A_2290, %parallel_loop3A_2134 : vector<16xi1>, vector<16xf32>
      %parallel_loop3A_2326 = arith.select %parallel_loop3A_2324, %parallel_loop3A_2291, %parallel_loop3A_2135 : vector<16xi1>, vector<16xi32>
      %parallel_loop3A_2327 = arith.constant 7 : i32
      %parallel_loop3A_2328 = vector.broadcast %parallel_loop3A_2327 : i32 to vector<16xi32>
      %parallel_loop3A_2329 = arith.cmpi eq, %parallel_loop3A_2172, %parallel_loop3A_2328 : vector<16xi32>
      %parallel_loop3A_2330 = arith.select %parallel_loop3A_2329, %parallel_loop3A_2290, %parallel_loop3A_2139 : vector<16xi1>, vector<16xf32>
      %parallel_loop3A_2331 = arith.select %parallel_loop3A_2329, %parallel_loop3A_2291, %parallel_loop3A_2140 : vector<16xi1>, vector<16xi32>
      %parallel_loop3A_2332 = arith.cmpf ogt, %parallel_loop3A_2300, %parallel_loop3A_2295 : vector<16xf32>
      %parallel_loop3A_2333 = arith.select %parallel_loop3A_2332, %parallel_loop3A_2300, %parallel_loop3A_2295 : vector<16xi1>, vector<16xf32>
      %parallel_loop3A_2334 = arith.select %parallel_loop3A_2332, %parallel_loop3A_2301, %parallel_loop3A_2296 : vector<16xi1>, vector<16xi32>
      %parallel_loop3A_2335 = arith.cmpf ogt, %parallel_loop3A_2310, %parallel_loop3A_2305 : vector<16xf32>
      %parallel_loop3A_2336 = arith.select %parallel_loop3A_2335, %parallel_loop3A_2310, %parallel_loop3A_2305 : vector<16xi1>, vector<16xf32>
      %parallel_loop3A_2337 = arith.select %parallel_loop3A_2335, %parallel_loop3A_2311, %parallel_loop3A_2306 : vector<16xi1>, vector<16xi32>
      %parallel_loop3A_2338 = arith.cmpf ogt, %parallel_loop3A_2320, %parallel_loop3A_2315 : vector<16xf32>
      %parallel_loop3A_2339 = arith.select %parallel_loop3A_2338, %parallel_loop3A_2320, %parallel_loop3A_2315 : vector<16xi1>, vector<16xf32>
      %parallel_loop3A_2340 = arith.select %parallel_loop3A_2338, %parallel_loop3A_2321, %parallel_loop3A_2316 : vector<16xi1>, vector<16xi32>
      %parallel_loop3A_2341 = arith.cmpf ogt, %parallel_loop3A_2330, %parallel_loop3A_2325 : vector<16xf32>
      %parallel_loop3A_2342 = arith.select %parallel_loop3A_2341, %parallel_loop3A_2330, %parallel_loop3A_2325 : vector<16xi1>, vector<16xf32>
      %parallel_loop3A_2343 = arith.select %parallel_loop3A_2341, %parallel_loop3A_2331, %parallel_loop3A_2326 : vector<16xi1>, vector<16xi32>
      %parallel_loop3A_2344 = arith.cmpf ogt, %parallel_loop3A_2336, %parallel_loop3A_2333 : vector<16xf32>
      %parallel_loop3A_2345 = arith.select %parallel_loop3A_2344, %parallel_loop3A_2336, %parallel_loop3A_2333 : vector<16xi1>, vector<16xf32>
      %parallel_loop3A_2346 = arith.select %parallel_loop3A_2344, %parallel_loop3A_2337, %parallel_loop3A_2334 : vector<16xi1>, vector<16xi32>
      %parallel_loop3A_2347 = arith.cmpf ogt, %parallel_loop3A_2342, %parallel_loop3A_2339 : vector<16xf32>
      %parallel_loop3A_2348 = arith.select %parallel_loop3A_2347, %parallel_loop3A_2342, %parallel_loop3A_2339 : vector<16xi1>, vector<16xf32>
      %parallel_loop3A_2349 = arith.select %parallel_loop3A_2347, %parallel_loop3A_2343, %parallel_loop3A_2340 : vector<16xi1>, vector<16xi32>
      %parallel_loop3A_2350 = arith.cmpf ogt, %parallel_loop3A_2348, %parallel_loop3A_2345 : vector<16xf32>
      %parallel_loop3A_2351 = arith.select %parallel_loop3A_2350, %parallel_loop3A_2348, %parallel_loop3A_2345 : vector<16xi1>, vector<16xf32>
      %parallel_loop3A_2352 = arith.select %parallel_loop3A_2350, %parallel_loop3A_2349, %parallel_loop3A_2346 : vector<16xi1>, vector<16xi32>
      %parallel_loop3A_2353 = arith.constant 6 : i32
      %parallel_loop3A_2354 = arith.index_cast %parallel_loop3A_2353 : i32 to index
      %parallel_loop3A_2355 = arith.index_cast %parallel_loop3A_10 : i32 to index
      %parallel_loop3A_2356 = tpu.vector_load %arg10[%parallel_loop3A_2354, %parallel_loop3A_2355] {strides = array<i32>} : memref<8x256xi32, #tpu.memory_space<vmem>>, vector<16xi32>,
      tpu.vector_store %arg10[%parallel_loop3A_2354, %parallel_loop3A_2355], %parallel_loop3A_2352 {strides = array<i32>} : memref<8x256xi32, #tpu.memory_space<vmem>>, vector<16xi32>,
      %parallel_loop3A_2357 = tpu.vector_load_idx %arg6[%parallel_loop3A_2352, %parallel_loop3A_12] : memref<64x256xf32, #tpu.memory_space<vmem>>[vector<16xi32>, vector<16xi32>], vector<16xf32>,
      %parallel_loop3A_2358 = tpu.vector_load_idx %arg7[%parallel_loop3A_2352, %iota3A] : memref<64x16xf32, #tpu.memory_space<vmem>>[vector<16xi32>, vector<16xi32>], vector<16xf32>,
      %parallel_loop3A_2359 = arith.subf %parallel_loop3A_2357, %parallel_loop3A_2358 : vector<16xf32>
      %parallel_loop3A_2360 = arith.addf %parallel_loop3A_2169, %parallel_loop3A_2359 : vector<16xf32>
      %parallel_loop3A_2361 = arith.constant 3 : i32
      %parallel_loop3A_2362 = vector.broadcast %parallel_loop3A_2361 : i32 to vector<16xi32>
      %parallel_loop3A_2363 = arith.shrui %parallel_loop3A_2352, %parallel_loop3A_2362 : vector<16xi32>
      %parallel_loop3A_2364 = arith.constant 4 : i32
      %parallel_loop3A_2365 = vector.broadcast %parallel_loop3A_2364 : i32 to vector<16xi32>
      %parallel_loop3A_2366 = arith.shli %parallel_loop3A_2363, %parallel_loop3A_2365 : vector<16xi32>
      %parallel_loop3A_2367 = vector.broadcast %parallel_loop3A_14 : i32 to vector<16xi32>
      %parallel_loop3A_2368 = arith.addi %parallel_loop3A_2367, %parallel_loop3A_2366 : vector<16xi32>
      %parallel_loop3A_2369 = arith.addi %parallel_loop3A_2368, %iota3A : vector<16xi32>
      %parallel_loop3A_2370 = tpu.vector_load_idx %arg8[%parallel_loop3A_2369] : memref<2048xf32, #tpu.memory_space<vmem>>[vector<16xi32>], vector<16xf32>,
      %parallel_loop3A_2371 = arith.constant 3 : i32
      %parallel_loop3A_2372 = vector.broadcast %parallel_loop3A_2371 : i32 to vector<16xi32>
      %parallel_loop3A_2373 = arith.shli %parallel_loop3A_2363, %parallel_loop3A_2372 : vector<16xi32>
      %parallel_loop3A_2374 = arith.constant 0 : i32
      %parallel_loop3A_2375 = vector.broadcast %parallel_loop3A_2374 : i32 to vector<16xi32>
      %parallel_loop3A_2376 = arith.addi %parallel_loop3A_2373, %parallel_loop3A_2375 : vector<16xi32>
      %parallel_loop3A_2377 = tpu.vector_load_idx %arg6[%parallel_loop3A_2376, %parallel_loop3A_12] : memref<64x256xf32, #tpu.memory_space<vmem>>[vector<16xi32>, vector<16xi32>], vector<16xf32>,
      %parallel_loop3A_2378 = arith.mulf %parallel_loop3A_2377, %parallel_loop3A_2370 : vector<16xf32>
      %parallel_loop3A_2379 = arith.cmpf olt, %parallel_loop3A_2378, %parallel_loop3A_2351 : vector<16xf32>
      %parallel_loop3A_2380 = arith.cmpf oeq, %parallel_loop3A_2378, %parallel_loop3A_2351 : vector<16xf32>
      %parallel_loop3A_2381 = arith.cmpi sgt, %parallel_loop3A_2376, %parallel_loop3A_2352 : vector<16xi32>
      %parallel_loop3A_2382 = arith.andi %parallel_loop3A_2380, %parallel_loop3A_2381 : vector<16xi1>
      %parallel_loop3A_2383 = arith.ori %parallel_loop3A_2379, %parallel_loop3A_2382 : vector<16xi1>
      %parallel_loop3A_2384 = arith.select %parallel_loop3A_2383, %parallel_loop3A_2378, %broadcast_in_dim3A_3 : vector<16xi1>, vector<16xf32>
      %parallel_loop3A_2385 = arith.constant 1 : i32
      %parallel_loop3A_2386 = vector.broadcast %parallel_loop3A_2385 : i32 to vector<16xi32>
      %parallel_loop3A_2387 = arith.addi %parallel_loop3A_2373, %parallel_loop3A_2386 : vector<16xi32>
      %parallel_loop3A_2388 = tpu.vector_load_idx %arg6[%parallel_loop3A_2387, %parallel_loop3A_12] : memref<64x256xf32, #tpu.memory_space<vmem>>[vector<16xi32>, vector<16xi32>], vector<16xf32>,
      %parallel_loop3A_2389 = arith.mulf %parallel_loop3A_2388, %parallel_loop3A_2370 : vector<16xf32>
      %parallel_loop3A_2390 = arith.cmpf olt, %parallel_loop3A_2389, %parallel_loop3A_2351 : vector<16xf32>
      %parallel_loop3A_2391 = arith.cmpf oeq, %parallel_loop3A_2389, %parallel_loop3A_2351 : vector<16xf32>
      %parallel_loop3A_2392 = arith.cmpi sgt, %parallel_loop3A_2387, %parallel_loop3A_2352 : vector<16xi32>
      %parallel_loop3A_2393 = arith.andi %parallel_loop3A_2391, %parallel_loop3A_2392 : vector<16xi1>
      %parallel_loop3A_2394 = arith.ori %parallel_loop3A_2390, %parallel_loop3A_2393 : vector<16xi1>
      %parallel_loop3A_2395 = arith.select %parallel_loop3A_2394, %parallel_loop3A_2389, %broadcast_in_dim3A_3 : vector<16xi1>, vector<16xf32>
      %parallel_loop3A_2396 = arith.constant 2 : i32
      %parallel_loop3A_2397 = vector.broadcast %parallel_loop3A_2396 : i32 to vector<16xi32>
      %parallel_loop3A_2398 = arith.addi %parallel_loop3A_2373, %parallel_loop3A_2397 : vector<16xi32>
      %parallel_loop3A_2399 = tpu.vector_load_idx %arg6[%parallel_loop3A_2398, %parallel_loop3A_12] : memref<64x256xf32, #tpu.memory_space<vmem>>[vector<16xi32>, vector<16xi32>], vector<16xf32>,
      %parallel_loop3A_2400 = arith.mulf %parallel_loop3A_2399, %parallel_loop3A_2370 : vector<16xf32>
      %parallel_loop3A_2401 = arith.cmpf olt, %parallel_loop3A_2400, %parallel_loop3A_2351 : vector<16xf32>
      %parallel_loop3A_2402 = arith.cmpf oeq, %parallel_loop3A_2400, %parallel_loop3A_2351 : vector<16xf32>
      %parallel_loop3A_2403 = arith.cmpi sgt, %parallel_loop3A_2398, %parallel_loop3A_2352 : vector<16xi32>
      %parallel_loop3A_2404 = arith.andi %parallel_loop3A_2402, %parallel_loop3A_2403 : vector<16xi1>
      %parallel_loop3A_2405 = arith.ori %parallel_loop3A_2401, %parallel_loop3A_2404 : vector<16xi1>
      %parallel_loop3A_2406 = arith.select %parallel_loop3A_2405, %parallel_loop3A_2400, %broadcast_in_dim3A_3 : vector<16xi1>, vector<16xf32>
      %parallel_loop3A_2407 = arith.constant 3 : i32
      %parallel_loop3A_2408 = vector.broadcast %parallel_loop3A_2407 : i32 to vector<16xi32>
      %parallel_loop3A_2409 = arith.addi %parallel_loop3A_2373, %parallel_loop3A_2408 : vector<16xi32>
      %parallel_loop3A_2410 = tpu.vector_load_idx %arg6[%parallel_loop3A_2409, %parallel_loop3A_12] : memref<64x256xf32, #tpu.memory_space<vmem>>[vector<16xi32>, vector<16xi32>], vector<16xf32>,
      %parallel_loop3A_2411 = arith.mulf %parallel_loop3A_2410, %parallel_loop3A_2370 : vector<16xf32>
      %parallel_loop3A_2412 = arith.cmpf olt, %parallel_loop3A_2411, %parallel_loop3A_2351 : vector<16xf32>
      %parallel_loop3A_2413 = arith.cmpf oeq, %parallel_loop3A_2411, %parallel_loop3A_2351 : vector<16xf32>
      %parallel_loop3A_2414 = arith.cmpi sgt, %parallel_loop3A_2409, %parallel_loop3A_2352 : vector<16xi32>
      %parallel_loop3A_2415 = arith.andi %parallel_loop3A_2413, %parallel_loop3A_2414 : vector<16xi1>
      %parallel_loop3A_2416 = arith.ori %parallel_loop3A_2412, %parallel_loop3A_2415 : vector<16xi1>
      %parallel_loop3A_2417 = arith.select %parallel_loop3A_2416, %parallel_loop3A_2411, %broadcast_in_dim3A_3 : vector<16xi1>, vector<16xf32>
      %parallel_loop3A_2418 = arith.constant 4 : i32
      %parallel_loop3A_2419 = vector.broadcast %parallel_loop3A_2418 : i32 to vector<16xi32>
      %parallel_loop3A_2420 = arith.addi %parallel_loop3A_2373, %parallel_loop3A_2419 : vector<16xi32>
      %parallel_loop3A_2421 = tpu.vector_load_idx %arg6[%parallel_loop3A_2420, %parallel_loop3A_12] : memref<64x256xf32, #tpu.memory_space<vmem>>[vector<16xi32>, vector<16xi32>], vector<16xf32>,
      %parallel_loop3A_2422 = arith.mulf %parallel_loop3A_2421, %parallel_loop3A_2370 : vector<16xf32>
      %parallel_loop3A_2423 = arith.cmpf olt, %parallel_loop3A_2422, %parallel_loop3A_2351 : vector<16xf32>
      %parallel_loop3A_2424 = arith.cmpf oeq, %parallel_loop3A_2422, %parallel_loop3A_2351 : vector<16xf32>
      %parallel_loop3A_2425 = arith.cmpi sgt, %parallel_loop3A_2420, %parallel_loop3A_2352 : vector<16xi32>
      %parallel_loop3A_2426 = arith.andi %parallel_loop3A_2424, %parallel_loop3A_2425 : vector<16xi1>
      %parallel_loop3A_2427 = arith.ori %parallel_loop3A_2423, %parallel_loop3A_2426 : vector<16xi1>
      %parallel_loop3A_2428 = arith.select %parallel_loop3A_2427, %parallel_loop3A_2422, %broadcast_in_dim3A_3 : vector<16xi1>, vector<16xf32>
      %parallel_loop3A_2429 = arith.constant 5 : i32
      %parallel_loop3A_2430 = vector.broadcast %parallel_loop3A_2429 : i32 to vector<16xi32>
      %parallel_loop3A_2431 = arith.addi %parallel_loop3A_2373, %parallel_loop3A_2430 : vector<16xi32>
      %parallel_loop3A_2432 = tpu.vector_load_idx %arg6[%parallel_loop3A_2431, %parallel_loop3A_12] : memref<64x256xf32, #tpu.memory_space<vmem>>[vector<16xi32>, vector<16xi32>], vector<16xf32>,
      %parallel_loop3A_2433 = arith.mulf %parallel_loop3A_2432, %parallel_loop3A_2370 : vector<16xf32>
      %parallel_loop3A_2434 = arith.cmpf olt, %parallel_loop3A_2433, %parallel_loop3A_2351 : vector<16xf32>
      %parallel_loop3A_2435 = arith.cmpf oeq, %parallel_loop3A_2433, %parallel_loop3A_2351 : vector<16xf32>
      %parallel_loop3A_2436 = arith.cmpi sgt, %parallel_loop3A_2431, %parallel_loop3A_2352 : vector<16xi32>
      %parallel_loop3A_2437 = arith.andi %parallel_loop3A_2435, %parallel_loop3A_2436 : vector<16xi1>
      %parallel_loop3A_2438 = arith.ori %parallel_loop3A_2434, %parallel_loop3A_2437 : vector<16xi1>
      %parallel_loop3A_2439 = arith.select %parallel_loop3A_2438, %parallel_loop3A_2433, %broadcast_in_dim3A_3 : vector<16xi1>, vector<16xf32>
      %parallel_loop3A_2440 = arith.constant 6 : i32
      %parallel_loop3A_2441 = vector.broadcast %parallel_loop3A_2440 : i32 to vector<16xi32>
      %parallel_loop3A_2442 = arith.addi %parallel_loop3A_2373, %parallel_loop3A_2441 : vector<16xi32>
      %parallel_loop3A_2443 = tpu.vector_load_idx %arg6[%parallel_loop3A_2442, %parallel_loop3A_12] : memref<64x256xf32, #tpu.memory_space<vmem>>[vector<16xi32>, vector<16xi32>], vector<16xf32>,
      %parallel_loop3A_2444 = arith.mulf %parallel_loop3A_2443, %parallel_loop3A_2370 : vector<16xf32>
      %parallel_loop3A_2445 = arith.cmpf olt, %parallel_loop3A_2444, %parallel_loop3A_2351 : vector<16xf32>
      %parallel_loop3A_2446 = arith.cmpf oeq, %parallel_loop3A_2444, %parallel_loop3A_2351 : vector<16xf32>
      %parallel_loop3A_2447 = arith.cmpi sgt, %parallel_loop3A_2442, %parallel_loop3A_2352 : vector<16xi32>
      %parallel_loop3A_2448 = arith.andi %parallel_loop3A_2446, %parallel_loop3A_2447 : vector<16xi1>
      %parallel_loop3A_2449 = arith.ori %parallel_loop3A_2445, %parallel_loop3A_2448 : vector<16xi1>
      %parallel_loop3A_2450 = arith.select %parallel_loop3A_2449, %parallel_loop3A_2444, %broadcast_in_dim3A_3 : vector<16xi1>, vector<16xf32>
      %parallel_loop3A_2451 = arith.constant 7 : i32
      %parallel_loop3A_2452 = vector.broadcast %parallel_loop3A_2451 : i32 to vector<16xi32>
      %parallel_loop3A_2453 = arith.addi %parallel_loop3A_2373, %parallel_loop3A_2452 : vector<16xi32>
      %parallel_loop3A_2454 = tpu.vector_load_idx %arg6[%parallel_loop3A_2453, %parallel_loop3A_12] : memref<64x256xf32, #tpu.memory_space<vmem>>[vector<16xi32>, vector<16xi32>], vector<16xf32>,
      %parallel_loop3A_2455 = arith.mulf %parallel_loop3A_2454, %parallel_loop3A_2370 : vector<16xf32>
      %parallel_loop3A_2456 = arith.cmpf olt, %parallel_loop3A_2455, %parallel_loop3A_2351 : vector<16xf32>
      %parallel_loop3A_2457 = arith.cmpf oeq, %parallel_loop3A_2455, %parallel_loop3A_2351 : vector<16xf32>
      %parallel_loop3A_2458 = arith.cmpi sgt, %parallel_loop3A_2453, %parallel_loop3A_2352 : vector<16xi32>
      %parallel_loop3A_2459 = arith.andi %parallel_loop3A_2457, %parallel_loop3A_2458 : vector<16xi1>
      %parallel_loop3A_2460 = arith.ori %parallel_loop3A_2456, %parallel_loop3A_2459 : vector<16xi1>
      %parallel_loop3A_2461 = arith.select %parallel_loop3A_2460, %parallel_loop3A_2455, %broadcast_in_dim3A_3 : vector<16xi1>, vector<16xf32>
      %parallel_loop3A_2462 = arith.cmpf ogt, %parallel_loop3A_2395, %parallel_loop3A_2384 : vector<16xf32>
      %parallel_loop3A_2463 = arith.select %parallel_loop3A_2462, %parallel_loop3A_2395, %parallel_loop3A_2384 : vector<16xi1>, vector<16xf32>
      %parallel_loop3A_2464 = arith.select %parallel_loop3A_2462, %parallel_loop3A_2387, %parallel_loop3A_2376 : vector<16xi1>, vector<16xi32>
      %parallel_loop3A_2465 = arith.cmpf ogt, %parallel_loop3A_2417, %parallel_loop3A_2406 : vector<16xf32>
      %parallel_loop3A_2466 = arith.select %parallel_loop3A_2465, %parallel_loop3A_2417, %parallel_loop3A_2406 : vector<16xi1>, vector<16xf32>
      %parallel_loop3A_2467 = arith.select %parallel_loop3A_2465, %parallel_loop3A_2409, %parallel_loop3A_2398 : vector<16xi1>, vector<16xi32>
      %parallel_loop3A_2468 = arith.cmpf ogt, %parallel_loop3A_2439, %parallel_loop3A_2428 : vector<16xf32>
      %parallel_loop3A_2469 = arith.select %parallel_loop3A_2468, %parallel_loop3A_2439, %parallel_loop3A_2428 : vector<16xi1>, vector<16xf32>
      %parallel_loop3A_2470 = arith.select %parallel_loop3A_2468, %parallel_loop3A_2431, %parallel_loop3A_2420 : vector<16xi1>, vector<16xi32>
      %parallel_loop3A_2471 = arith.cmpf ogt, %parallel_loop3A_2461, %parallel_loop3A_2450 : vector<16xf32>
      %parallel_loop3A_2472 = arith.select %parallel_loop3A_2471, %parallel_loop3A_2461, %parallel_loop3A_2450 : vector<16xi1>, vector<16xf32>
      %parallel_loop3A_2473 = arith.select %parallel_loop3A_2471, %parallel_loop3A_2453, %parallel_loop3A_2442 : vector<16xi1>, vector<16xi32>
      %parallel_loop3A_2474 = arith.cmpf ogt, %parallel_loop3A_2466, %parallel_loop3A_2463 : vector<16xf32>
      %parallel_loop3A_2475 = arith.select %parallel_loop3A_2474, %parallel_loop3A_2466, %parallel_loop3A_2463 : vector<16xi1>, vector<16xf32>
      %parallel_loop3A_2476 = arith.select %parallel_loop3A_2474, %parallel_loop3A_2467, %parallel_loop3A_2464 : vector<16xi1>, vector<16xi32>
      %parallel_loop3A_2477 = arith.cmpf ogt, %parallel_loop3A_2472, %parallel_loop3A_2469 : vector<16xf32>
      %parallel_loop3A_2478 = arith.select %parallel_loop3A_2477, %parallel_loop3A_2472, %parallel_loop3A_2469 : vector<16xi1>, vector<16xf32>
      %parallel_loop3A_2479 = arith.select %parallel_loop3A_2477, %parallel_loop3A_2473, %parallel_loop3A_2470 : vector<16xi1>, vector<16xi32>
      %parallel_loop3A_2480 = arith.cmpf ogt, %parallel_loop3A_2478, %parallel_loop3A_2475 : vector<16xf32>
      %parallel_loop3A_2481 = arith.select %parallel_loop3A_2480, %parallel_loop3A_2478, %parallel_loop3A_2475 : vector<16xi1>, vector<16xf32>
      %parallel_loop3A_2482 = arith.select %parallel_loop3A_2480, %parallel_loop3A_2479, %parallel_loop3A_2476 : vector<16xi1>, vector<16xi32>
      %parallel_loop3A_2483 = arith.constant 0 : i32
      %parallel_loop3A_2484 = vector.broadcast %parallel_loop3A_2483 : i32 to vector<16xi32>
      %parallel_loop3A_2485 = arith.cmpi eq, %parallel_loop3A_2363, %parallel_loop3A_2484 : vector<16xi32>
      %parallel_loop3A_2486 = arith.select %parallel_loop3A_2485, %parallel_loop3A_2481, %parallel_loop3A_2295 : vector<16xi1>, vector<16xf32>
      %parallel_loop3A_2487 = arith.select %parallel_loop3A_2485, %parallel_loop3A_2482, %parallel_loop3A_2296 : vector<16xi1>, vector<16xi32>
      %parallel_loop3A_2488 = arith.constant 1 : i32
      %parallel_loop3A_2489 = vector.broadcast %parallel_loop3A_2488 : i32 to vector<16xi32>
      %parallel_loop3A_2490 = arith.cmpi eq, %parallel_loop3A_2363, %parallel_loop3A_2489 : vector<16xi32>
      %parallel_loop3A_2491 = arith.select %parallel_loop3A_2490, %parallel_loop3A_2481, %parallel_loop3A_2300 : vector<16xi1>, vector<16xf32>
      %parallel_loop3A_2492 = arith.select %parallel_loop3A_2490, %parallel_loop3A_2482, %parallel_loop3A_2301 : vector<16xi1>, vector<16xi32>
      %parallel_loop3A_2493 = arith.constant 2 : i32
      %parallel_loop3A_2494 = vector.broadcast %parallel_loop3A_2493 : i32 to vector<16xi32>
      %parallel_loop3A_2495 = arith.cmpi eq, %parallel_loop3A_2363, %parallel_loop3A_2494 : vector<16xi32>
      %parallel_loop3A_2496 = arith.select %parallel_loop3A_2495, %parallel_loop3A_2481, %parallel_loop3A_2305 : vector<16xi1>, vector<16xf32>
      %parallel_loop3A_2497 = arith.select %parallel_loop3A_2495, %parallel_loop3A_2482, %parallel_loop3A_2306 : vector<16xi1>, vector<16xi32>
      %parallel_loop3A_2498 = arith.constant 3 : i32
      %parallel_loop3A_2499 = vector.broadcast %parallel_loop3A_2498 : i32 to vector<16xi32>
      %parallel_loop3A_2500 = arith.cmpi eq, %parallel_loop3A_2363, %parallel_loop3A_2499 : vector<16xi32>
      %parallel_loop3A_2501 = arith.select %parallel_loop3A_2500, %parallel_loop3A_2481, %parallel_loop3A_2310 : vector<16xi1>, vector<16xf32>
      %parallel_loop3A_2502 = arith.select %parallel_loop3A_2500, %parallel_loop3A_2482, %parallel_loop3A_2311 : vector<16xi1>, vector<16xi32>
      %parallel_loop3A_2503 = arith.constant 4 : i32
      %parallel_loop3A_2504 = vector.broadcast %parallel_loop3A_2503 : i32 to vector<16xi32>
      %parallel_loop3A_2505 = arith.cmpi eq, %parallel_loop3A_2363, %parallel_loop3A_2504 : vector<16xi32>
      %parallel_loop3A_2506 = arith.select %parallel_loop3A_2505, %parallel_loop3A_2481, %parallel_loop3A_2315 : vector<16xi1>, vector<16xf32>
      %parallel_loop3A_2507 = arith.select %parallel_loop3A_2505, %parallel_loop3A_2482, %parallel_loop3A_2316 : vector<16xi1>, vector<16xi32>
      %parallel_loop3A_2508 = arith.constant 5 : i32
      %parallel_loop3A_2509 = vector.broadcast %parallel_loop3A_2508 : i32 to vector<16xi32>
      %parallel_loop3A_2510 = arith.cmpi eq, %parallel_loop3A_2363, %parallel_loop3A_2509 : vector<16xi32>
      %parallel_loop3A_2511 = arith.select %parallel_loop3A_2510, %parallel_loop3A_2481, %parallel_loop3A_2320 : vector<16xi1>, vector<16xf32>
      %parallel_loop3A_2512 = arith.select %parallel_loop3A_2510, %parallel_loop3A_2482, %parallel_loop3A_2321 : vector<16xi1>, vector<16xi32>
      %parallel_loop3A_2513 = arith.constant 6 : i32
      %parallel_loop3A_2514 = vector.broadcast %parallel_loop3A_2513 : i32 to vector<16xi32>
      %parallel_loop3A_2515 = arith.cmpi eq, %parallel_loop3A_2363, %parallel_loop3A_2514 : vector<16xi32>
      %parallel_loop3A_2516 = arith.select %parallel_loop3A_2515, %parallel_loop3A_2481, %parallel_loop3A_2325 : vector<16xi1>, vector<16xf32>
      %parallel_loop3A_2517 = arith.select %parallel_loop3A_2515, %parallel_loop3A_2482, %parallel_loop3A_2326 : vector<16xi1>, vector<16xi32>
      %parallel_loop3A_2518 = arith.constant 7 : i32
      %parallel_loop3A_2519 = vector.broadcast %parallel_loop3A_2518 : i32 to vector<16xi32>
      %parallel_loop3A_2520 = arith.cmpi eq, %parallel_loop3A_2363, %parallel_loop3A_2519 : vector<16xi32>
      %parallel_loop3A_2521 = arith.select %parallel_loop3A_2520, %parallel_loop3A_2481, %parallel_loop3A_2330 : vector<16xi1>, vector<16xf32>
      %parallel_loop3A_2522 = arith.select %parallel_loop3A_2520, %parallel_loop3A_2482, %parallel_loop3A_2331 : vector<16xi1>, vector<16xi32>
      %parallel_loop3A_2523 = arith.cmpf ogt, %parallel_loop3A_2491, %parallel_loop3A_2486 : vector<16xf32>
      %parallel_loop3A_2524 = arith.select %parallel_loop3A_2523, %parallel_loop3A_2491, %parallel_loop3A_2486 : vector<16xi1>, vector<16xf32>
      %parallel_loop3A_2525 = arith.select %parallel_loop3A_2523, %parallel_loop3A_2492, %parallel_loop3A_2487 : vector<16xi1>, vector<16xi32>
      %parallel_loop3A_2526 = arith.cmpf ogt, %parallel_loop3A_2501, %parallel_loop3A_2496 : vector<16xf32>
      %parallel_loop3A_2527 = arith.select %parallel_loop3A_2526, %parallel_loop3A_2501, %parallel_loop3A_2496 : vector<16xi1>, vector<16xf32>
      %parallel_loop3A_2528 = arith.select %parallel_loop3A_2526, %parallel_loop3A_2502, %parallel_loop3A_2497 : vector<16xi1>, vector<16xi32>
      %parallel_loop3A_2529 = arith.cmpf ogt, %parallel_loop3A_2511, %parallel_loop3A_2506 : vector<16xf32>
      %parallel_loop3A_2530 = arith.select %parallel_loop3A_2529, %parallel_loop3A_2511, %parallel_loop3A_2506 : vector<16xi1>, vector<16xf32>
      %parallel_loop3A_2531 = arith.select %parallel_loop3A_2529, %parallel_loop3A_2512, %parallel_loop3A_2507 : vector<16xi1>, vector<16xi32>
      %parallel_loop3A_2532 = arith.cmpf ogt, %parallel_loop3A_2521, %parallel_loop3A_2516 : vector<16xf32>
      %parallel_loop3A_2533 = arith.select %parallel_loop3A_2532, %parallel_loop3A_2521, %parallel_loop3A_2516 : vector<16xi1>, vector<16xf32>
      %parallel_loop3A_2534 = arith.select %parallel_loop3A_2532, %parallel_loop3A_2522, %parallel_loop3A_2517 : vector<16xi1>, vector<16xi32>
      %parallel_loop3A_2535 = arith.cmpf ogt, %parallel_loop3A_2527, %parallel_loop3A_2524 : vector<16xf32>
      %parallel_loop3A_2536 = arith.select %parallel_loop3A_2535, %parallel_loop3A_2527, %parallel_loop3A_2524 : vector<16xi1>, vector<16xf32>
      %parallel_loop3A_2537 = arith.select %parallel_loop3A_2535, %parallel_loop3A_2528, %parallel_loop3A_2525 : vector<16xi1>, vector<16xi32>
      %parallel_loop3A_2538 = arith.cmpf ogt, %parallel_loop3A_2533, %parallel_loop3A_2530 : vector<16xf32>
      %parallel_loop3A_2539 = arith.select %parallel_loop3A_2538, %parallel_loop3A_2533, %parallel_loop3A_2530 : vector<16xi1>, vector<16xf32>
      %parallel_loop3A_2540 = arith.select %parallel_loop3A_2538, %parallel_loop3A_2534, %parallel_loop3A_2531 : vector<16xi1>, vector<16xi32>
      %parallel_loop3A_2541 = arith.cmpf ogt, %parallel_loop3A_2539, %parallel_loop3A_2536 : vector<16xf32>
      %parallel_loop3A_2542 = arith.select %parallel_loop3A_2541, %parallel_loop3A_2539, %parallel_loop3A_2536 : vector<16xi1>, vector<16xf32>
      %parallel_loop3A_2543 = arith.select %parallel_loop3A_2541, %parallel_loop3A_2540, %parallel_loop3A_2537 : vector<16xi1>, vector<16xi32>
      %parallel_loop3A_2544 = arith.constant 7 : i32
      %parallel_loop3A_2545 = arith.index_cast %parallel_loop3A_2544 : i32 to index
      %parallel_loop3A_2546 = arith.index_cast %parallel_loop3A_10 : i32 to index
      %parallel_loop3A_2547 = tpu.vector_load %arg10[%parallel_loop3A_2545, %parallel_loop3A_2546] {strides = array<i32>} : memref<8x256xi32, #tpu.memory_space<vmem>>, vector<16xi32>,
      tpu.vector_store %arg10[%parallel_loop3A_2545, %parallel_loop3A_2546], %parallel_loop3A_2543 {strides = array<i32>} : memref<8x256xi32, #tpu.memory_space<vmem>>, vector<16xi32>,
      %parallel_loop3A_2548 = tpu.vector_load_idx %arg6[%parallel_loop3A_2543, %parallel_loop3A_12] : memref<64x256xf32, #tpu.memory_space<vmem>>[vector<16xi32>, vector<16xi32>], vector<16xf32>,
      %parallel_loop3A_2549 = tpu.vector_load_idx %arg7[%parallel_loop3A_2543, %iota3A] : memref<64x16xf32, #tpu.memory_space<vmem>>[vector<16xi32>, vector<16xi32>], vector<16xf32>,
      %parallel_loop3A_2550 = arith.subf %parallel_loop3A_2548, %parallel_loop3A_2549 : vector<16xf32>
      %parallel_loop3A_2551 = arith.addf %parallel_loop3A_2360, %parallel_loop3A_2550 : vector<16xf32>
      %parallel_loop3A_2552 = arith.constant 3 : i32
      %parallel_loop3A_2553 = vector.broadcast %parallel_loop3A_2552 : i32 to vector<16xi32>
      %parallel_loop3A_2554 = arith.shrui %parallel_loop3A_2543, %parallel_loop3A_2553 : vector<16xi32>
      %parallel_loop3A_2555 = arith.constant 4 : i32
      %parallel_loop3A_2556 = vector.broadcast %parallel_loop3A_2555 : i32 to vector<16xi32>
      %parallel_loop3A_2557 = arith.shli %parallel_loop3A_2554, %parallel_loop3A_2556 : vector<16xi32>
      %parallel_loop3A_2558 = vector.broadcast %parallel_loop3A_14 : i32 to vector<16xi32>
      %parallel_loop3A_2559 = arith.addi %parallel_loop3A_2558, %parallel_loop3A_2557 : vector<16xi32>
      %parallel_loop3A_2560 = arith.addi %parallel_loop3A_2559, %iota3A : vector<16xi32>
      %parallel_loop3A_2561 = tpu.vector_load_idx %arg8[%parallel_loop3A_2560] : memref<2048xf32, #tpu.memory_space<vmem>>[vector<16xi32>], vector<16xf32>,
      %parallel_loop3A_2562 = arith.constant 3 : i32
      %parallel_loop3A_2563 = vector.broadcast %parallel_loop3A_2562 : i32 to vector<16xi32>
      %parallel_loop3A_2564 = arith.shli %parallel_loop3A_2554, %parallel_loop3A_2563 : vector<16xi32>
      %parallel_loop3A_2565 = arith.constant 0 : i32
      %parallel_loop3A_2566 = vector.broadcast %parallel_loop3A_2565 : i32 to vector<16xi32>
      %parallel_loop3A_2567 = arith.addi %parallel_loop3A_2564, %parallel_loop3A_2566 : vector<16xi32>
      %parallel_loop3A_2568 = tpu.vector_load_idx %arg6[%parallel_loop3A_2567, %parallel_loop3A_12] : memref<64x256xf32, #tpu.memory_space<vmem>>[vector<16xi32>, vector<16xi32>], vector<16xf32>,
      %parallel_loop3A_2569 = arith.mulf %parallel_loop3A_2568, %parallel_loop3A_2561 : vector<16xf32>
      %parallel_loop3A_2570 = arith.cmpf olt, %parallel_loop3A_2569, %parallel_loop3A_2542 : vector<16xf32>
      %parallel_loop3A_2571 = arith.cmpf oeq, %parallel_loop3A_2569, %parallel_loop3A_2542 : vector<16xf32>
      %parallel_loop3A_2572 = arith.cmpi sgt, %parallel_loop3A_2567, %parallel_loop3A_2543 : vector<16xi32>
      %parallel_loop3A_2573 = arith.andi %parallel_loop3A_2571, %parallel_loop3A_2572 : vector<16xi1>
      %parallel_loop3A_2574 = arith.ori %parallel_loop3A_2570, %parallel_loop3A_2573 : vector<16xi1>
      %parallel_loop3A_2575 = arith.select %parallel_loop3A_2574, %parallel_loop3A_2569, %broadcast_in_dim3A_3 : vector<16xi1>, vector<16xf32>
      %parallel_loop3A_2576 = arith.constant 1 : i32
      %parallel_loop3A_2577 = vector.broadcast %parallel_loop3A_2576 : i32 to vector<16xi32>
      %parallel_loop3A_2578 = arith.addi %parallel_loop3A_2564, %parallel_loop3A_2577 : vector<16xi32>
      %parallel_loop3A_2579 = tpu.vector_load_idx %arg6[%parallel_loop3A_2578, %parallel_loop3A_12] : memref<64x256xf32, #tpu.memory_space<vmem>>[vector<16xi32>, vector<16xi32>], vector<16xf32>,
      %parallel_loop3A_2580 = arith.mulf %parallel_loop3A_2579, %parallel_loop3A_2561 : vector<16xf32>
      %parallel_loop3A_2581 = arith.cmpf olt, %parallel_loop3A_2580, %parallel_loop3A_2542 : vector<16xf32>
      %parallel_loop3A_2582 = arith.cmpf oeq, %parallel_loop3A_2580, %parallel_loop3A_2542 : vector<16xf32>
      %parallel_loop3A_2583 = arith.cmpi sgt, %parallel_loop3A_2578, %parallel_loop3A_2543 : vector<16xi32>
      %parallel_loop3A_2584 = arith.andi %parallel_loop3A_2582, %parallel_loop3A_2583 : vector<16xi1>
      %parallel_loop3A_2585 = arith.ori %parallel_loop3A_2581, %parallel_loop3A_2584 : vector<16xi1>
      %parallel_loop3A_2586 = arith.select %parallel_loop3A_2585, %parallel_loop3A_2580, %broadcast_in_dim3A_3 : vector<16xi1>, vector<16xf32>
      %parallel_loop3A_2587 = arith.constant 2 : i32
      %parallel_loop3A_2588 = vector.broadcast %parallel_loop3A_2587 : i32 to vector<16xi32>
      %parallel_loop3A_2589 = arith.addi %parallel_loop3A_2564, %parallel_loop3A_2588 : vector<16xi32>
      %parallel_loop3A_2590 = tpu.vector_load_idx %arg6[%parallel_loop3A_2589, %parallel_loop3A_12] : memref<64x256xf32, #tpu.memory_space<vmem>>[vector<16xi32>, vector<16xi32>], vector<16xf32>,
      %parallel_loop3A_2591 = arith.mulf %parallel_loop3A_2590, %parallel_loop3A_2561 : vector<16xf32>
      %parallel_loop3A_2592 = arith.cmpf olt, %parallel_loop3A_2591, %parallel_loop3A_2542 : vector<16xf32>
      %parallel_loop3A_2593 = arith.cmpf oeq, %parallel_loop3A_2591, %parallel_loop3A_2542 : vector<16xf32>
      %parallel_loop3A_2594 = arith.cmpi sgt, %parallel_loop3A_2589, %parallel_loop3A_2543 : vector<16xi32>
      %parallel_loop3A_2595 = arith.andi %parallel_loop3A_2593, %parallel_loop3A_2594 : vector<16xi1>
      %parallel_loop3A_2596 = arith.ori %parallel_loop3A_2592, %parallel_loop3A_2595 : vector<16xi1>
      %parallel_loop3A_2597 = arith.select %parallel_loop3A_2596, %parallel_loop3A_2591, %broadcast_in_dim3A_3 : vector<16xi1>, vector<16xf32>
      %parallel_loop3A_2598 = arith.constant 3 : i32
      %parallel_loop3A_2599 = vector.broadcast %parallel_loop3A_2598 : i32 to vector<16xi32>
      %parallel_loop3A_2600 = arith.addi %parallel_loop3A_2564, %parallel_loop3A_2599 : vector<16xi32>
      %parallel_loop3A_2601 = tpu.vector_load_idx %arg6[%parallel_loop3A_2600, %parallel_loop3A_12] : memref<64x256xf32, #tpu.memory_space<vmem>>[vector<16xi32>, vector<16xi32>], vector<16xf32>,
      %parallel_loop3A_2602 = arith.mulf %parallel_loop3A_2601, %parallel_loop3A_2561 : vector<16xf32>
      %parallel_loop3A_2603 = arith.cmpf olt, %parallel_loop3A_2602, %parallel_loop3A_2542 : vector<16xf32>
      %parallel_loop3A_2604 = arith.cmpf oeq, %parallel_loop3A_2602, %parallel_loop3A_2542 : vector<16xf32>
      %parallel_loop3A_2605 = arith.cmpi sgt, %parallel_loop3A_2600, %parallel_loop3A_2543 : vector<16xi32>
      %parallel_loop3A_2606 = arith.andi %parallel_loop3A_2604, %parallel_loop3A_2605 : vector<16xi1>
      %parallel_loop3A_2607 = arith.ori %parallel_loop3A_2603, %parallel_loop3A_2606 : vector<16xi1>
      %parallel_loop3A_2608 = arith.select %parallel_loop3A_2607, %parallel_loop3A_2602, %broadcast_in_dim3A_3 : vector<16xi1>, vector<16xf32>
      %parallel_loop3A_2609 = arith.constant 4 : i32
      %parallel_loop3A_2610 = vector.broadcast %parallel_loop3A_2609 : i32 to vector<16xi32>
      %parallel_loop3A_2611 = arith.addi %parallel_loop3A_2564, %parallel_loop3A_2610 : vector<16xi32>
      %parallel_loop3A_2612 = tpu.vector_load_idx %arg6[%parallel_loop3A_2611, %parallel_loop3A_12] : memref<64x256xf32, #tpu.memory_space<vmem>>[vector<16xi32>, vector<16xi32>], vector<16xf32>,
      %parallel_loop3A_2613 = arith.mulf %parallel_loop3A_2612, %parallel_loop3A_2561 : vector<16xf32>
      %parallel_loop3A_2614 = arith.cmpf olt, %parallel_loop3A_2613, %parallel_loop3A_2542 : vector<16xf32>
      %parallel_loop3A_2615 = arith.cmpf oeq, %parallel_loop3A_2613, %parallel_loop3A_2542 : vector<16xf32>
      %parallel_loop3A_2616 = arith.cmpi sgt, %parallel_loop3A_2611, %parallel_loop3A_2543 : vector<16xi32>
      %parallel_loop3A_2617 = arith.andi %parallel_loop3A_2615, %parallel_loop3A_2616 : vector<16xi1>
      %parallel_loop3A_2618 = arith.ori %parallel_loop3A_2614, %parallel_loop3A_2617 : vector<16xi1>
      %parallel_loop3A_2619 = arith.select %parallel_loop3A_2618, %parallel_loop3A_2613, %broadcast_in_dim3A_3 : vector<16xi1>, vector<16xf32>
      %parallel_loop3A_2620 = arith.constant 5 : i32
      %parallel_loop3A_2621 = vector.broadcast %parallel_loop3A_2620 : i32 to vector<16xi32>
      %parallel_loop3A_2622 = arith.addi %parallel_loop3A_2564, %parallel_loop3A_2621 : vector<16xi32>
      %parallel_loop3A_2623 = tpu.vector_load_idx %arg6[%parallel_loop3A_2622, %parallel_loop3A_12] : memref<64x256xf32, #tpu.memory_space<vmem>>[vector<16xi32>, vector<16xi32>], vector<16xf32>,
      %parallel_loop3A_2624 = arith.mulf %parallel_loop3A_2623, %parallel_loop3A_2561 : vector<16xf32>
      %parallel_loop3A_2625 = arith.cmpf olt, %parallel_loop3A_2624, %parallel_loop3A_2542 : vector<16xf32>
      %parallel_loop3A_2626 = arith.cmpf oeq, %parallel_loop3A_2624, %parallel_loop3A_2542 : vector<16xf32>
      %parallel_loop3A_2627 = arith.cmpi sgt, %parallel_loop3A_2622, %parallel_loop3A_2543 : vector<16xi32>
      %parallel_loop3A_2628 = arith.andi %parallel_loop3A_2626, %parallel_loop3A_2627 : vector<16xi1>
      %parallel_loop3A_2629 = arith.ori %parallel_loop3A_2625, %parallel_loop3A_2628 : vector<16xi1>
      %parallel_loop3A_2630 = arith.select %parallel_loop3A_2629, %parallel_loop3A_2624, %broadcast_in_dim3A_3 : vector<16xi1>, vector<16xf32>
      %parallel_loop3A_2631 = arith.constant 6 : i32
      %parallel_loop3A_2632 = vector.broadcast %parallel_loop3A_2631 : i32 to vector<16xi32>
      %parallel_loop3A_2633 = arith.addi %parallel_loop3A_2564, %parallel_loop3A_2632 : vector<16xi32>
      %parallel_loop3A_2634 = tpu.vector_load_idx %arg6[%parallel_loop3A_2633, %parallel_loop3A_12] : memref<64x256xf32, #tpu.memory_space<vmem>>[vector<16xi32>, vector<16xi32>], vector<16xf32>,
      %parallel_loop3A_2635 = arith.mulf %parallel_loop3A_2634, %parallel_loop3A_2561 : vector<16xf32>
      %parallel_loop3A_2636 = arith.cmpf olt, %parallel_loop3A_2635, %parallel_loop3A_2542 : vector<16xf32>
      %parallel_loop3A_2637 = arith.cmpf oeq, %parallel_loop3A_2635, %parallel_loop3A_2542 : vector<16xf32>
      %parallel_loop3A_2638 = arith.cmpi sgt, %parallel_loop3A_2633, %parallel_loop3A_2543 : vector<16xi32>
      %parallel_loop3A_2639 = arith.andi %parallel_loop3A_2637, %parallel_loop3A_2638 : vector<16xi1>
      %parallel_loop3A_2640 = arith.ori %parallel_loop3A_2636, %parallel_loop3A_2639 : vector<16xi1>
      %parallel_loop3A_2641 = arith.select %parallel_loop3A_2640, %parallel_loop3A_2635, %broadcast_in_dim3A_3 : vector<16xi1>, vector<16xf32>
      %parallel_loop3A_2642 = arith.constant 7 : i32
      %parallel_loop3A_2643 = vector.broadcast %parallel_loop3A_2642 : i32 to vector<16xi32>
      %parallel_loop3A_2644 = arith.addi %parallel_loop3A_2564, %parallel_loop3A_2643 : vector<16xi32>
      %parallel_loop3A_2645 = tpu.vector_load_idx %arg6[%parallel_loop3A_2644, %parallel_loop3A_12] : memref<64x256xf32, #tpu.memory_space<vmem>>[vector<16xi32>, vector<16xi32>], vector<16xf32>,
      %parallel_loop3A_2646 = arith.mulf %parallel_loop3A_2645, %parallel_loop3A_2561 : vector<16xf32>
      %parallel_loop3A_2647 = arith.cmpf olt, %parallel_loop3A_2646, %parallel_loop3A_2542 : vector<16xf32>
      %parallel_loop3A_2648 = arith.cmpf oeq, %parallel_loop3A_2646, %parallel_loop3A_2542 : vector<16xf32>
      %parallel_loop3A_2649 = arith.cmpi sgt, %parallel_loop3A_2644, %parallel_loop3A_2543 : vector<16xi32>
      %parallel_loop3A_2650 = arith.andi %parallel_loop3A_2648, %parallel_loop3A_2649 : vector<16xi1>
      %parallel_loop3A_2651 = arith.ori %parallel_loop3A_2647, %parallel_loop3A_2650 : vector<16xi1>
      %parallel_loop3A_2652 = arith.select %parallel_loop3A_2651, %parallel_loop3A_2646, %broadcast_in_dim3A_3 : vector<16xi1>, vector<16xf32>
      %parallel_loop3A_2653 = arith.cmpf ogt, %parallel_loop3A_2586, %parallel_loop3A_2575 : vector<16xf32>
      %parallel_loop3A_2654 = arith.select %parallel_loop3A_2653, %parallel_loop3A_2586, %parallel_loop3A_2575 : vector<16xi1>, vector<16xf32>
      %parallel_loop3A_2655 = arith.select %parallel_loop3A_2653, %parallel_loop3A_2578, %parallel_loop3A_2567 : vector<16xi1>, vector<16xi32>
      %parallel_loop3A_2656 = arith.cmpf ogt, %parallel_loop3A_2608, %parallel_loop3A_2597 : vector<16xf32>
      %parallel_loop3A_2657 = arith.select %parallel_loop3A_2656, %parallel_loop3A_2608, %parallel_loop3A_2597 : vector<16xi1>, vector<16xf32>
      %parallel_loop3A_2658 = arith.select %parallel_loop3A_2656, %parallel_loop3A_2600, %parallel_loop3A_2589 : vector<16xi1>, vector<16xi32>
      %parallel_loop3A_2659 = arith.cmpf ogt, %parallel_loop3A_2630, %parallel_loop3A_2619 : vector<16xf32>
      %parallel_loop3A_2660 = arith.select %parallel_loop3A_2659, %parallel_loop3A_2630, %parallel_loop3A_2619 : vector<16xi1>, vector<16xf32>
      %parallel_loop3A_2661 = arith.select %parallel_loop3A_2659, %parallel_loop3A_2622, %parallel_loop3A_2611 : vector<16xi1>, vector<16xi32>
      %parallel_loop3A_2662 = arith.cmpf ogt, %parallel_loop3A_2652, %parallel_loop3A_2641 : vector<16xf32>
      %parallel_loop3A_2663 = arith.select %parallel_loop3A_2662, %parallel_loop3A_2652, %parallel_loop3A_2641 : vector<16xi1>, vector<16xf32>
      %parallel_loop3A_2664 = arith.select %parallel_loop3A_2662, %parallel_loop3A_2644, %parallel_loop3A_2633 : vector<16xi1>, vector<16xi32>
      %parallel_loop3A_2665 = arith.cmpf ogt, %parallel_loop3A_2657, %parallel_loop3A_2654 : vector<16xf32>
      %parallel_loop3A_2666 = arith.select %parallel_loop3A_2665, %parallel_loop3A_2657, %parallel_loop3A_2654 : vector<16xi1>, vector<16xf32>
      %parallel_loop3A_2667 = arith.select %parallel_loop3A_2665, %parallel_loop3A_2658, %parallel_loop3A_2655 : vector<16xi1>, vector<16xi32>
      %parallel_loop3A_2668 = arith.cmpf ogt, %parallel_loop3A_2663, %parallel_loop3A_2660 : vector<16xf32>
      %parallel_loop3A_2669 = arith.select %parallel_loop3A_2668, %parallel_loop3A_2663, %parallel_loop3A_2660 : vector<16xi1>, vector<16xf32>
      %parallel_loop3A_2670 = arith.select %parallel_loop3A_2668, %parallel_loop3A_2664, %parallel_loop3A_2661 : vector<16xi1>, vector<16xi32>
      %parallel_loop3A_2671 = arith.cmpf ogt, %parallel_loop3A_2669, %parallel_loop3A_2666 : vector<16xf32>
      %parallel_loop3A_2672 = arith.select %parallel_loop3A_2671, %parallel_loop3A_2669, %parallel_loop3A_2666 : vector<16xi1>, vector<16xf32>
      %parallel_loop3A_2673 = arith.select %parallel_loop3A_2671, %parallel_loop3A_2670, %parallel_loop3A_2667 : vector<16xi1>, vector<16xi32>
      %parallel_loop3A_2674 = arith.constant 0 : i32
      %parallel_loop3A_2675 = vector.broadcast %parallel_loop3A_2674 : i32 to vector<16xi32>
      %parallel_loop3A_2676 = arith.cmpi eq, %parallel_loop3A_2554, %parallel_loop3A_2675 : vector<16xi32>
      %parallel_loop3A_2677 = arith.select %parallel_loop3A_2676, %parallel_loop3A_2672, %parallel_loop3A_2486 : vector<16xi1>, vector<16xf32>
      %parallel_loop3A_2678 = arith.select %parallel_loop3A_2676, %parallel_loop3A_2673, %parallel_loop3A_2487 : vector<16xi1>, vector<16xi32>
      %parallel_loop3A_2679 = arith.constant 1 : i32
      %parallel_loop3A_2680 = vector.broadcast %parallel_loop3A_2679 : i32 to vector<16xi32>
      %parallel_loop3A_2681 = arith.cmpi eq, %parallel_loop3A_2554, %parallel_loop3A_2680 : vector<16xi32>
      %parallel_loop3A_2682 = arith.select %parallel_loop3A_2681, %parallel_loop3A_2672, %parallel_loop3A_2491 : vector<16xi1>, vector<16xf32>
      %parallel_loop3A_2683 = arith.select %parallel_loop3A_2681, %parallel_loop3A_2673, %parallel_loop3A_2492 : vector<16xi1>, vector<16xi32>
      %parallel_loop3A_2684 = arith.constant 2 : i32
      %parallel_loop3A_2685 = vector.broadcast %parallel_loop3A_2684 : i32 to vector<16xi32>
      %parallel_loop3A_2686 = arith.cmpi eq, %parallel_loop3A_2554, %parallel_loop3A_2685 : vector<16xi32>
      %parallel_loop3A_2687 = arith.select %parallel_loop3A_2686, %parallel_loop3A_2672, %parallel_loop3A_2496 : vector<16xi1>, vector<16xf32>
      %parallel_loop3A_2688 = arith.select %parallel_loop3A_2686, %parallel_loop3A_2673, %parallel_loop3A_2497 : vector<16xi1>, vector<16xi32>
      %parallel_loop3A_2689 = arith.constant 3 : i32
      %parallel_loop3A_2690 = vector.broadcast %parallel_loop3A_2689 : i32 to vector<16xi32>
      %parallel_loop3A_2691 = arith.cmpi eq, %parallel_loop3A_2554, %parallel_loop3A_2690 : vector<16xi32>
      %parallel_loop3A_2692 = arith.select %parallel_loop3A_2691, %parallel_loop3A_2672, %parallel_loop3A_2501 : vector<16xi1>, vector<16xf32>
      %parallel_loop3A_2693 = arith.select %parallel_loop3A_2691, %parallel_loop3A_2673, %parallel_loop3A_2502 : vector<16xi1>, vector<16xi32>
      %parallel_loop3A_2694 = arith.constant 4 : i32
      %parallel_loop3A_2695 = vector.broadcast %parallel_loop3A_2694 : i32 to vector<16xi32>
      %parallel_loop3A_2696 = arith.cmpi eq, %parallel_loop3A_2554, %parallel_loop3A_2695 : vector<16xi32>
      %parallel_loop3A_2697 = arith.select %parallel_loop3A_2696, %parallel_loop3A_2672, %parallel_loop3A_2506 : vector<16xi1>, vector<16xf32>
      %parallel_loop3A_2698 = arith.select %parallel_loop3A_2696, %parallel_loop3A_2673, %parallel_loop3A_2507 : vector<16xi1>, vector<16xi32>
      %parallel_loop3A_2699 = arith.constant 5 : i32
      %parallel_loop3A_2700 = vector.broadcast %parallel_loop3A_2699 : i32 to vector<16xi32>
      %parallel_loop3A_2701 = arith.cmpi eq, %parallel_loop3A_2554, %parallel_loop3A_2700 : vector<16xi32>
      %parallel_loop3A_2702 = arith.select %parallel_loop3A_2701, %parallel_loop3A_2672, %parallel_loop3A_2511 : vector<16xi1>, vector<16xf32>
      %parallel_loop3A_2703 = arith.select %parallel_loop3A_2701, %parallel_loop3A_2673, %parallel_loop3A_2512 : vector<16xi1>, vector<16xi32>
      %parallel_loop3A_2704 = arith.constant 6 : i32
      %parallel_loop3A_2705 = vector.broadcast %parallel_loop3A_2704 : i32 to vector<16xi32>
      %parallel_loop3A_2706 = arith.cmpi eq, %parallel_loop3A_2554, %parallel_loop3A_2705 : vector<16xi32>
      %parallel_loop3A_2707 = arith.select %parallel_loop3A_2706, %parallel_loop3A_2672, %parallel_loop3A_2516 : vector<16xi1>, vector<16xf32>
      %parallel_loop3A_2708 = arith.select %parallel_loop3A_2706, %parallel_loop3A_2673, %parallel_loop3A_2517 : vector<16xi1>, vector<16xi32>
      %parallel_loop3A_2709 = arith.constant 7 : i32
      %parallel_loop3A_2710 = vector.broadcast %parallel_loop3A_2709 : i32 to vector<16xi32>
      %parallel_loop3A_2711 = arith.cmpi eq, %parallel_loop3A_2554, %parallel_loop3A_2710 : vector<16xi32>
      %parallel_loop3A_2712 = arith.select %parallel_loop3A_2711, %parallel_loop3A_2672, %parallel_loop3A_2521 : vector<16xi1>, vector<16xf32>
      %parallel_loop3A_2713 = arith.select %parallel_loop3A_2711, %parallel_loop3A_2673, %parallel_loop3A_2522 : vector<16xi1>, vector<16xi32>
      %parallel_loop3A_2714 = arith.constant 9.99999968E-21 : f32
      %parallel_loop3A_2715 = vector.broadcast %parallel_loop3A_2714 : f32 to vector<16xf32>
      %parallel_loop3A_2716 = arith.addf %parallel_loop3A_2551, %parallel_loop3A_2715 : vector<16xf32>
      %parallel_loop3A_2717 = arith.constant 2.500000e+00 : f32
      %parallel_loop3A_2718 = vector.broadcast %parallel_loop3A_2717 : f32 to vector<16xf32>
      %parallel_loop3A_2719 = arith.divf %parallel_loop3A_2718, %parallel_loop3A_2716 : vector<16xf32>
      %parallel_loop3A_2720 = arith.mulf %parallel_loop3A_1214, %parallel_loop3A_2719 : vector<16xf32>
      %parallel_loop3A_2721 = arith.constant 0 : i32
      %parallel_loop3A_2722 = arith.index_cast %parallel_loop3A_2721 : i32 to index
      %parallel_loop3A_2723 = arith.index_cast %parallel_loop3A_10 : i32 to index
      %parallel_loop3A_2724 = tpu.vector_load %arg9[%parallel_loop3A_2722, %parallel_loop3A_2723] {strides = array<i32>} : memref<8x256xf32, #tpu.memory_space<vmem>>, vector<16xf32>,
      tpu.vector_store %arg9[%parallel_loop3A_2722, %parallel_loop3A_2723], %parallel_loop3A_2720 {strides = array<i32>} : memref<8x256xf32, #tpu.memory_space<vmem>>, vector<16xf32>,
      %parallel_loop3A_2725 = arith.mulf %parallel_loop3A_1404, %parallel_loop3A_2719 : vector<16xf32>
      %parallel_loop3A_2726 = arith.constant 1 : i32
      %parallel_loop3A_2727 = arith.index_cast %parallel_loop3A_2726 : i32 to index
      %parallel_loop3A_2728 = arith.index_cast %parallel_loop3A_10 : i32 to index
      %parallel_loop3A_2729 = tpu.vector_load %arg9[%parallel_loop3A_2727, %parallel_loop3A_2728] {strides = array<i32>} : memref<8x256xf32, #tpu.memory_space<vmem>>, vector<16xf32>,
      tpu.vector_store %arg9[%parallel_loop3A_2727, %parallel_loop3A_2728], %parallel_loop3A_2725 {strides = array<i32>} : memref<8x256xf32, #tpu.memory_space<vmem>>, vector<16xf32>,
      %parallel_loop3A_2730 = arith.mulf %parallel_loop3A_1595, %parallel_loop3A_2719 : vector<16xf32>
      %parallel_loop3A_2731 = arith.constant 2 : i32
      %parallel_loop3A_2732 = arith.index_cast %parallel_loop3A_2731 : i32 to index
      %parallel_loop3A_2733 = arith.index_cast %parallel_loop3A_10 : i32 to index
      %parallel_loop3A_2734 = tpu.vector_load %arg9[%parallel_loop3A_2732, %parallel_loop3A_2733] {strides = array<i32>} : memref<8x256xf32, #tpu.memory_space<vmem>>, vector<16xf32>,
      tpu.vector_store %arg9[%parallel_loop3A_2732, %parallel_loop3A_2733], %parallel_loop3A_2730 {strides = array<i32>} : memref<8x256xf32, #tpu.memory_space<vmem>>, vector<16xf32>,
      %parallel_loop3A_2735 = arith.mulf %parallel_loop3A_1786, %parallel_loop3A_2719 : vector<16xf32>
      %parallel_loop3A_2736 = arith.constant 3 : i32
      %parallel_loop3A_2737 = arith.index_cast %parallel_loop3A_2736 : i32 to index
      %parallel_loop3A_2738 = arith.index_cast %parallel_loop3A_10 : i32 to index
      %parallel_loop3A_2739 = tpu.vector_load %arg9[%parallel_loop3A_2737, %parallel_loop3A_2738] {strides = array<i32>} : memref<8x256xf32, #tpu.memory_space<vmem>>, vector<16xf32>,
      tpu.vector_store %arg9[%parallel_loop3A_2737, %parallel_loop3A_2738], %parallel_loop3A_2735 {strides = array<i32>} : memref<8x256xf32, #tpu.memory_space<vmem>>, vector<16xf32>,
      %parallel_loop3A_2740 = arith.mulf %parallel_loop3A_1977, %parallel_loop3A_2719 : vector<16xf32>
      %parallel_loop3A_2741 = arith.constant 4 : i32
      %parallel_loop3A_2742 = arith.index_cast %parallel_loop3A_2741 : i32 to index
      %parallel_loop3A_2743 = arith.index_cast %parallel_loop3A_10 : i32 to index
      %parallel_loop3A_2744 = tpu.vector_load %arg9[%parallel_loop3A_2742, %parallel_loop3A_2743] {strides = array<i32>} : memref<8x256xf32, #tpu.memory_space<vmem>>, vector<16xf32>,
      tpu.vector_store %arg9[%parallel_loop3A_2742, %parallel_loop3A_2743], %parallel_loop3A_2740 {strides = array<i32>} : memref<8x256xf32, #tpu.memory_space<vmem>>, vector<16xf32>,
      %parallel_loop3A_2745 = arith.mulf %parallel_loop3A_2168, %parallel_loop3A_2719 : vector<16xf32>
      %parallel_loop3A_2746 = arith.constant 5 : i32
      %parallel_loop3A_2747 = arith.index_cast %parallel_loop3A_2746 : i32 to index
      %parallel_loop3A_2748 = arith.index_cast %parallel_loop3A_10 : i32 to index
      %parallel_loop3A_2749 = tpu.vector_load %arg9[%parallel_loop3A_2747, %parallel_loop3A_2748] {strides = array<i32>} : memref<8x256xf32, #tpu.memory_space<vmem>>, vector<16xf32>,
      tpu.vector_store %arg9[%parallel_loop3A_2747, %parallel_loop3A_2748], %parallel_loop3A_2745 {strides = array<i32>} : memref<8x256xf32, #tpu.memory_space<vmem>>, vector<16xf32>,
      %parallel_loop3A_2750 = arith.mulf %parallel_loop3A_2359, %parallel_loop3A_2719 : vector<16xf32>
      %parallel_loop3A_2751 = arith.constant 6 : i32
      %parallel_loop3A_2752 = arith.index_cast %parallel_loop3A_2751 : i32 to index
      %parallel_loop3A_2753 = arith.index_cast %parallel_loop3A_10 : i32 to index
      %parallel_loop3A_2754 = tpu.vector_load %arg9[%parallel_loop3A_2752, %parallel_loop3A_2753] {strides = array<i32>} : memref<8x256xf32, #tpu.memory_space<vmem>>, vector<16xf32>,
      tpu.vector_store %arg9[%parallel_loop3A_2752, %parallel_loop3A_2753], %parallel_loop3A_2750 {strides = array<i32>} : memref<8x256xf32, #tpu.memory_space<vmem>>, vector<16xf32>,
      %parallel_loop3A_2755 = arith.mulf %parallel_loop3A_2550, %parallel_loop3A_2719 : vector<16xf32>
      %parallel_loop3A_2756 = arith.constant 7 : i32
      %parallel_loop3A_2757 = arith.index_cast %parallel_loop3A_2756 : i32 to index
      %parallel_loop3A_2758 = arith.index_cast %parallel_loop3A_10 : i32 to index
      %parallel_loop3A_2759 = tpu.vector_load %arg9[%parallel_loop3A_2757, %parallel_loop3A_2758] {strides = array<i32>} : memref<8x256xf32, #tpu.memory_space<vmem>>, vector<16xf32>,
      tpu.vector_store %arg9[%parallel_loop3A_2757, %parallel_loop3A_2758], %parallel_loop3A_2755 {strides = array<i32>} : memref<8x256xf32, #tpu.memory_space<vmem>>, vector<16xf32>,
    } {sc.loop_unroll_factor = 2 : i64, sc.parallel_access}
    "tpu.region"() ({
      %run_scoped3A = tpu.sem_alloc : memref<!tpu.dma_semaphore, #tpu.memory_space<semaphore_mem>>
      %dma_start3A = arith.constant 0 : i32
      %dma_start3A_8 = tpu.memref_slice %arg4[%dma_start3A, %mul3A_2] : memref<8x8192xf32, #tpu.memory_space<hbm>> -> memref<8x256xf32, #tpu.memory_space<hbm>>
      %dma_start3A_9 = arith.constant 0 : i32
      %dma_start3A_10 = tpu.memref_slice %arg4[%dma_start3A_9, %mul3A_2] : memref<8x8192xf32, #tpu.memory_space<hbm>> -> memref<8x256xf32, #tpu.memory_space<hbm>>
      tpu.enqueue_dma source(%arg9 : memref<8x256xf32, #tpu.memory_space<vmem>>) target(%dma_start3A_10 : memref<8x256xf32, #tpu.memory_space<hbm>>) target_semaphore(%run_scoped3A : memref<!tpu.dma_semaphore, #tpu.memory_space<semaphore_mem>>)
      %dma_wait3A = arith.constant 0 : i32
      %dma_wait3A_11 = tpu.memref_slice %arg4[%dma_wait3A, %mul3A_2] : memref<8x8192xf32, #tpu.memory_space<hbm>> -> memref<8x256xf32, #tpu.memory_space<hbm>>
      %dma_wait3A_12 = arith.constant 0 : i32
      %dma_wait3A_13 = tpu.memref_slice %arg4[%dma_wait3A_12, %mul3A_2] : memref<8x8192xf32, #tpu.memory_space<hbm>> -> memref<8x256xf32, #tpu.memory_space<hbm>>
      tpu.wait_dma2 semaphore(%run_scoped3A : memref<!tpu.dma_semaphore, #tpu.memory_space<semaphore_mem>>) src(%arg9 : memref<8x256xf32, #tpu.memory_space<vmem>>) dst(%dma_wait3A_13 : memref<8x256xf32, #tpu.memory_space<hbm>>)
      tpu.yield
    }) : () -> ()
    "tpu.region"() ({
      %run_scoped3A = tpu.sem_alloc : memref<!tpu.dma_semaphore, #tpu.memory_space<semaphore_mem>>
      %dma_start3A = arith.constant 0 : i32
      %dma_start3A_8 = tpu.memref_slice %arg5[%dma_start3A, %mul3A_2] : memref<8x8192xi32, #tpu.memory_space<hbm>> -> memref<8x256xi32, #tpu.memory_space<hbm>>
      %dma_start3A_9 = arith.constant 0 : i32
      %dma_start3A_10 = tpu.memref_slice %arg5[%dma_start3A_9, %mul3A_2] : memref<8x8192xi32, #tpu.memory_space<hbm>> -> memref<8x256xi32, #tpu.memory_space<hbm>>
      tpu.enqueue_dma source(%arg10 : memref<8x256xi32, #tpu.memory_space<vmem>>) target(%dma_start3A_10 : memref<8x256xi32, #tpu.memory_space<hbm>>) target_semaphore(%run_scoped3A : memref<!tpu.dma_semaphore, #tpu.memory_space<semaphore_mem>>)
      %dma_wait3A = arith.constant 0 : i32
      %dma_wait3A_11 = tpu.memref_slice %arg5[%dma_wait3A, %mul3A_2] : memref<8x8192xi32, #tpu.memory_space<hbm>> -> memref<8x256xi32, #tpu.memory_space<hbm>>
      %dma_wait3A_12 = arith.constant 0 : i32
      %dma_wait3A_13 = tpu.memref_slice %arg5[%dma_wait3A_12, %mul3A_2] : memref<8x8192xi32, #tpu.memory_space<hbm>> -> memref<8x256xi32, #tpu.memory_space<hbm>>
      tpu.wait_dma2 semaphore(%run_scoped3A : memref<!tpu.dma_semaphore, #tpu.memory_space<semaphore_mem>>) src(%arg10 : memref<8x256xi32, #tpu.memory_space<vmem>>) dst(%dma_wait3A_13 : memref<8x256xi32, #tpu.memory_space<hbm>>)
      tpu.yield
    }) : () -> ()
    return
  }
}

module attributes {stable_mosaic.version = 14 : i64} {
  func.func @_score_body(%arg0: i32, %arg1: memref<64x2048xf32, #tpu.memory_space<vmem>>, %arg2: memref<1024x2048xf32, #tpu.memory_space<vmem>>, %arg3: memref<64x1xf32, #tpu.memory_space<vmem>>, %arg4: memref<64x1024xf32, #tpu.memory_space<vmem>>, %arg5: memref<64x16xf32, #tpu.memory_space<vmem>>) attributes {dimension_semantics = [#tpu.dimension_semantics<arbitrary>], iteration_bounds = array<i64: 8>, scalar_prefetch = 0 : i64, scratch_operands = 0 : i64, tpu.core_type = #tpu.core_type<tc>, window_params = [{pipeline_mode = #tpu.pipeline_mode<synchronous>, transform_indices = @transform_0, window_bounds = array<i64: 64, 2048>}, {transform_indices = @transform_1, window_bounds = array<i64: 1024, 2048>}, {pipeline_mode = #tpu.pipeline_mode<synchronous>, transform_indices = @transform_2, window_bounds = array<i64: 64, 1>}, {transform_indices = @transform_3, window_bounds = array<i64: 64, 1024>}, {pipeline_mode = #tpu.pipeline_mode<synchronous>, transform_indices = @transform_4, window_bounds = array<i64: 64, 16>}]} {
    %get3A = arith.constant 0 : index
    %get3A_0 = arith.constant 0 : index
    %get3A_1 = vector.load %arg1[%get3A, %get3A_0] : memref<64x2048xf32, #tpu.memory_space<vmem>>, vector<64x2048xf32>
    %get3A_2 = arith.constant 0 : index
    %get3A_3 = arith.constant 0 : index
    %get3A_4 = vector.load %arg2[%get3A_2, %get3A_3] : memref<1024x2048xf32, #tpu.memory_space<vmem>>, vector<1024x2048xf32>
    %dot_general3A = arith.constant dense<0.000000e+00> : vector<64x1024xf32>
    %dot_general3A_5 = tpu.matmul %get3A_1, %get3A_4, %dot_general3A {dimension_numbers = #tpu.dot_dimension_numbers<[1], [1], [0], [0], [0, 0, 1, 0], [], []>, transpose_lhs_hint = false} : vector<64x2048xf32>, vector<1024x2048xf32>, vector<64x1024xf32> -> vector<64x1024xf32>
    %logistic3A = arith.negf %dot_general3A_5 : vector<64x1024xf32>
    %logistic3A_6 = math.exp %logistic3A : vector<64x1024xf32>
    %logistic3A_7 = arith.constant 1.000000e+00 : f32
    %logistic3A_8 = vector.broadcast %logistic3A_7 : f32 to vector<64x1024xf32>
    %logistic3A_9 = arith.addf %logistic3A_8, %logistic3A_6 : vector<64x1024xf32>
    %logistic3A_10 = arith.divf %logistic3A_8, %logistic3A_9 : vector<64x1024xf32>
    %get3A_11 = arith.constant 0 : index
    %get3A_12 = arith.constant 0 : index
    %get3A_13 = vector.load %arg3[%get3A_11, %get3A_12] : memref<64x1xf32, #tpu.memory_space<vmem>>, vector<64x1xf32>
    %add3A = vector.broadcast %get3A_13 : vector<64x1xf32> to vector<64x1024xf32>
    %add3A_14 = arith.addf %logistic3A_10, %add3A : vector<64x1024xf32>
    %swap3A = arith.constant 0 : index
    %swap3A_15 = arith.constant 0 : index
    %swap3A_16 = vector.load %arg4[%swap3A, %swap3A_15] : memref<64x1024xf32, #tpu.memory_space<vmem>>, vector<64x1024xf32>
    tpu.vector_store %arg4[%swap3A, %swap3A_15], %add3A_14 {strides = array<i32>} : memref<64x1024xf32, #tpu.memory_space<vmem>>, vector<64x1024xf32>,
    %get3A_17 = arith.constant 0 : index
    %get3A_18 = arith.constant 0 : index
    %get3A_19 = vector.load %arg3[%get3A_17, %get3A_18] : memref<64x1xf32, #tpu.memory_space<vmem>>, vector<64x1xf32>
    %broadcast_in_dim3A = vector.shape_cast %get3A_19 : vector<64x1xf32> to vector<64x1xf32>
    %broadcast_in_dim3A_20 = vector.broadcast %broadcast_in_dim3A : vector<64x1xf32> to vector<64x16xf32>
    %swap3A_21 = arith.constant 0 : index
    %swap3A_22 = arith.constant 0 : index
    %swap3A_23 = vector.load %arg5[%swap3A_21, %swap3A_22] : memref<64x16xf32, #tpu.memory_space<vmem>>, vector<64x16xf32>
    tpu.vector_store %arg5[%swap3A_21, %swap3A_22], %broadcast_in_dim3A_20 {strides = array<i32>} : memref<64x16xf32, #tpu.memory_space<vmem>>, vector<64x16xf32>,
    return
  }
  func.func @transform_0(%arg0: i32) -> (i32, i32) {
    %c0_i32 = arith.constant 0 : i32
    %c0_i32_0 = arith.constant 0 : i32
    %c0_i32_1 = arith.constant 0 : i32
    return %c0_i32, %c0_i32_0 : i32, i32
  }
  func.func @transform_1(%arg0: i32) -> (i32, i32) {
    %c0_i32 = arith.constant 0 : i32
    %c0_i32_0 = arith.constant 0 : i32
    return %arg0, %c0_i32 : i32, i32
  }
  func.func @transform_2(%arg0: i32) -> (i32, i32) {
    %c0_i32 = arith.constant 0 : i32
    %c0_i32_0 = arith.constant 0 : i32
    %c0_i32_1 = arith.constant 0 : i32
    return %c0_i32, %c0_i32_0 : i32, i32
  }
  func.func @transform_3(%arg0: i32) -> (i32, i32) {
    %c0_i32 = arith.constant 0 : i32
    %c0_i32_0 = arith.constant 0 : i32
    return %c0_i32, %arg0 : i32, i32
  }
  func.func @transform_4(%arg0: i32) -> (i32, i32) {
    %c0_i32 = arith.constant 0 : i32
    %c0_i32_0 = arith.constant 0 : i32
    %c0_i32_1 = arith.constant 0 : i32
    return %c0_i32, %c0_i32_0 : i32, i32
  }
}

</mosaic_0001>

<sc_bundles>
// kernel: kernel.4.cloned.1.call-start
scs
__scs_entry_jumppad:
0x0: {  	(pc) =	sbr.rel $0x88, $3  }
0x1: {  	(tag) =	ssettag $0x0;
	lr =	simm.s32 $0x1  }
0x2: {  	[smem:$0x3F9E] =	sst lr;
	_ =	strace $0xD0000000  }
0x3: {  	_ = 	snop  }
0x4: {  	_ = 	snop  }
0x5: {  	_ = 	snop  }
0x6: {  	_ = 	snop  }
0x7: {  	_ = 	snop  }
__scs_overlays_trampoline_lowered:
0x8: {  	[smem:$0x3FAD] =	sst s0  }
0x9: {  	[smem:$0x3FAE] =	sst s1  }
0xa: {  	[smem:$0x3FAF] =	sst s2  }
0xb: {  	[smem:$0x3FB0] =	sst s3  }
0xc: {  	[smem:$0x3FB1] =	sst s4  }
0xd: {  	[smem:$0x3FB2] =	sst s5  }
0xe: {  	[smem:$0x3FB3] =	sst s6  }
0xf: {  	[smem:$0x3FB4] =	sst s7  }
0x10: {  	[smem:$0x3FB5] =	sst s8  }
0x11: {  	[smem:$0x3FB6] =	sst s9;
	s0 =	simm.s32 @!p0 $0x0  }
0x12: {  	s1 =	sld [smem:$0x3F9C];
	s0 =	simm.s32 @p0 $0x1  }
0x13: {  	[smem:$0x3FB7] =	sst s0;
	s0 =	simm.s32 @!p1 $0x0  }
0x14: {  	s2 =	sld [smem:$0x3F9B];
	s0 =	simm.s32 @p1 $0x1  }
0x15: {  	[smem:$0x3FB8] =	sst s0;
	s0 =	simm.s32 @!p2 $0x0  }
0x16: {  	s3 =	sld [smem:$0x3FDB];
	s0 =	simm.s32 @p2 $0x1  }
0x17: {  	s4 =	simm.s32 $0x1BF5;
	[smem:$0x3FBA] =	sst s0  }
0x18: {  	s0 =	sld [smem:$0x3F9D];
	_ =	swait.ge [sflag:s4], $0x0  }
0x19: {  	s7 =	sld [smem:$0x3F9E]  }
0x1a: {  	s8 =	sadd.s32 $0xFFFFE003, lr  }
0x1b: {  	s9 =	sadd.s32 $0xFFFFFEF7, lr;
	s5 =	simm.s32 $0xFFFFFFFF;
	p2 =	slt.u32 s8, $0xFFFFF086  }
0x1c: {  	p1 =	slt.u32 s9, $0xF7A;
	s5 =	simm.s32 @!p2 $0x0  }
0x1d: {  	s5 =	simm.s32 @p1 $0x1;
	p0 =	seq.s32 s7, s2  }
0x1e: {  	s7 =	smul.u32 @!p0 $0xF7A, s2;
	p2 =	seq.s32 @!p0 s5, $0x0  }
0x1f: {  	s9 =	smul.u32 $0xF7A, s1;
	s8 =	simm.s32 @!p0 $0x1BF5;
	p2 =	por !p2, p0  }
0x20: {  	[sflag:s8] =	ssyncset.s32 @!p0 $0xFFFFF086;
	s6 =	sadd.s32 @!p0 s3, s7;
	s7 =	simm.s32 @!p0 $0x108  }
0x21: {  	s3 =	sadd.s32 s3, s9;
	s6 =	sadd.s32 @!p0 $0x88, s6;
	s7 =	simm.s32 @p2 $0x1082  }
0x22: {  	[simem:s7], [sflag:s8] =	dma.local @!p0 [hbm:s6], $0xF7A  }
0x23: {  	s9 =	sor.u32 $0xD0000000, s2;
	s6 =	simm.s32 $0x108;
	_ =	swait.ge @!p0 [sflag:s8], $0x0  }
0x24: {  	s3 =	sadd.s32 $0x88, s3;
	s6 =	simm.s32 @!p1 $0x1082;
	[sflag:s4] =	ssyncset.s32 $0xFFFFF086  }
0x25: {  	[simem:s6], [sflag:s4] =	dma.local [hbm:s3], $0xF7A  }
0x26: {  	[smem:$0x3F9E] =	sst s1;
	(tag) =	ssettag s2;
	_ =	strace s9  }
0x27: {  	s1 =	sld [smem:$0x3FAE]  }
0x28: {  	s2 =	sld [smem:$0x3FAF]  }
0x29: {  	s4 =	sld [smem:$0x3FB1]  }
0x2a: {  	p0 =	seq.s32 s5, $0x0;
	s5 =	sld [smem:$0x3FB2]  }
0x2b: {  	s6 =	sld [smem:$0x3FB3]  }
0x2c: {  	s7 =	sld [smem:$0x3FB4]  }
0x2d: {  	s3 =	simm.s32 $0x108;
	s8 =	sld [smem:$0x3FB5]  }
0x2e: {  	s3 =	simm.s32 @!p0 $0x1082;
	s9 =	sld [smem:$0x3FB6]  }
0x2f: {  	lr =	sadd.s32 s0, s3;
	s0 =	sld [smem:$0x3FAD]  }
0x30: {  	s3 =	sld [smem:$0x3FB0]  }
0x31: {  	[smem:$0x3FB9] =	sst s10  }
0x32: {  	s10 =	sld [smem:$0x3FB7];
	_ =	sdelay $0x3  }
0x33: {  	p0 =	seq.s32 s10, $0x1;
	s10 =	sld [smem:$0x3FB9];
	_ =	sdelay $0x3  }
0x34: {  	[smem:$0x3FB9] =	sst s10  }
0x35: {  	s10 =	sld [smem:$0x3FB8];
	_ =	sdelay $0x3  }
0x36: {  	p1 =	seq.s32 s10, $0x1;
	s10 =	sld [smem:$0x3FB9];
	_ =	sdelay $0x3  }
0x37: {  	[smem:$0x3FB9] =	sst s10  }
0x38: {  	s10 =	sld [smem:$0x3FBA]  }
0x39: {  	_ = 	snop;
	(pc) =	sbr.ind lr, $3  }
0x3a: {  	_ = 	snop  }
0x3b: {  	_ = 	snop  }
0x3c: {  	p2 =	seq.s32 s10, $0x1;
	s10 =	sld [smem:$0x3FB9]  }
0x3d: {  	_ =	shalt  }
0x3e: {  	_ =	shalt  }
0x3f: {  	_ =	shalt  }
0x40: {  	_ =	shalt  }
0x41: {  	_ =	shalt  }
0x42: {  	_ =	shalt  }
0x43: {  	_ =	shalt  }
0x44: {  	_ =	shalt  }
0x45: {  	_ =	shalt  }
0x46: {  	_ =	shalt  }
0x47: {  	_ =	shalt  }
0x48: {  	_ =	shalt  }
0x49: {  	_ =	shalt  }
0x4a: {  	_ =	shalt  }
0x4b: {  	_ =	shalt  }
0x4c: {  	_ =	shalt  }
0x4d: {  	_ =	shalt  }
0x4e: {  	_ =	shalt  }
0x4f: {  	_ =	shalt  }
0x50: {  	_ =	shalt  }
0x51: {  	_ =	shalt  }
0x52: {  	_ =	shalt  }
0x53: {  	_ =	shalt  }
0x54: {  	_ =	shalt  }
0x55: {  	_ =	shalt  }
0x56: {  	_ =	shalt  }
0x57: {  	_ =	shalt  }
0x58: {  	_ =	shalt  }
0x59: {  	_ =	shalt  }
0x5a: {  	_ =	shalt  }
0x5b: {  	_ =	shalt  }
0x5c: {  	_ =	shalt  }
0x5d: {  	_ =	shalt  }
0x5e: {  	_ =	shalt  }
0x5f: {  	_ =	shalt  }
0x60: {  	_ =	shalt  }
0x61: {  	_ =	shalt  }
0x62: {  	_ =	shalt  }
0x63: {  	_ =	shalt  }
0x64: {  	_ =	shalt  }
0x65: {  	_ =	shalt  }
0x66: {  	_ =	shalt  }
0x67: {  	_ =	shalt  }
0x68: {  	_ =	shalt  }
0x69: {  	_ =	shalt  }
0x6a: {  	_ =	shalt  }
0x6b: {  	_ =	shalt  }
0x6c: {  	_ =	shalt  }
0x6d: {  	_ =	shalt  }
0x6e: {  	_ =	shalt  }
0x6f: {  	_ =	shalt  }
0x70: {  	_ =	shalt  }
0x71: {  	_ =	shalt  }
0x72: {  	_ =	shalt  }
0x73: {  	_ =	shalt  }
0x74: {  	_ =	shalt  }
0x75: {  	_ =	shalt  }
0x76: {  	_ =	shalt  }
0x77: {  	_ =	shalt  }
0x78: {  	_ =	shalt  }
0x79: {  	_ =	shalt  }
0x7a: {  	_ =	shalt  }
0x7b: {  	_ =	shalt  }
0x7c: {  	_ =	shalt  }
0x7d: {  	_ =	shalt  }
0x7e: {  	_ =	shalt  }
0x7f: {  	_ =	shalt  }
0x80: {  	_ =	shalt  }
0x81: {  	_ =	shalt  }
0x82: {  	_ =	shalt  }
0x83: {  	_ =	shalt  }
0x84: {  	_ =	shalt  }
0x85: {  	_ =	shalt  }
0x86: {  	_ =	shalt  }
0x87: {  	_ =	shalt  }
.Lfunc_end0:
.L_simem_size_0:
called_computation_lowered:
.L_overlay_start_0:
0x88: {  	s2 =	sld [smem:$0x3FD9]  }
0x89: {  	s3 =	sld [smem:$0x3FFE];
	_ =	sdelay $0x1  }
0x8a: {  	s1 =	srdreg.scid  }
0x8b: {  	s0 =	sand.u32 $0x1, s1  }
0x8c: {  	s14 =	sshll.u32 s0, $0xA;
	s2 =	sadd.s32 s3, s2  }
0x8d: {  	s2 =	sadd.s32 s2, s14  }
0x8e: {  	[smem:$0x3FC5] =	sst s2  }
0x8f: {  	_ = 	snop  }
0x90: {  	s2 =	sld [smem:$0x3FD0];
	_ =	sdelay $0x2  }
0x91: {  	s15 =	simm.s32 $0xA;
	s4 =	simm.s32 $0x10  }
0x92: {  	[smem:s4], [sflag:s15] =	dma.local [hbm:s2], $0x1  }
0x93: {  	_ =	swait.eq [sflag:s15], $0x1  }
0x94: {  	[sflag:s15] =	ssyncset.done $0x0  }
0x95: {  	s16 =	sld [smem:$0x10];
	[sflag:s15] =	ssyncadd.s32 $0xFFFFFFFF  }
0x96: {  	s17 =	sld [smem:$0x11];
	(tm) =	ssettm $0x1  }
0x97: {  	s18 =	sld [smem:$0x3FFB];
	_ =	sdelay $0x3  }
0x98: {  	_ =	strace s18  }
0x99: {  	s4 =	sld [smem:$0x3FFC];
	_ =	sdelay $0x3  }
0x9a: {  	_ =	strace s4  }
0x9b: {  	s4 =	sld [smem:$0x3FFD];
	_ =	sdelay $0x3  }
0x9c: {  	_ =	strace s4  }
0x9d: {  	_ =	strace $0x8FFFFFFF  }
0x9e: {  	s19 =	sld [smem:$0x3FDB];
	_ =	sdelay $0x1  }
0x9f: {  	s5 =	simm.s32 $_scs_section_size  }
0xa0: {  	s6 =	simm.s32 $_size__tile_overlayer_lowered;
	s7 =	simm.s32 $_tile_overlayer_lowered  }
0xa1: {  	s22 =	simm.s32 $0x1BFF;
	s21 =	sshll.u32 s7, $0x1;
	s4 =	sadd.s32 s5, s19  }
0xa2: {  	s8 =	simm.s32 $0x0;
	s20 =	sshll.u32 s6, $0x1;
	s6 =	sadd.s32 s21, s4  }
0xa3: {  	[timem:s8], [sflag:s22] =	dma.local [hbm:s6], s20  }
0xa4: {  	_ =	swait.ge [sflag:s22], s20  }
0xa5: {  	s5 =	ssub.s32 $0x0, s20;
	[sflag:s22] =	ssyncset.done $0x0  }
0xa6: {  	[sflag:s22] =	ssyncadd.s32 s5;
	_ =	sdelay $0x1  }
0xa7: {  	s23 =	simm.s32 $0x1B8B  }
0xa8: {  	_ =	swait.ge [sflag:s23], $0x1  }
0xa9: {  	[sflag:s23] =	ssyncset.done $0x0  }
0xaa: {  	s25 =	simm.s32 $0x1B8E;
	s24 =	sld [smem:$0x3FFE];
	[sflag:s23] =	ssyncadd.s32 $0xFFFFFFFF  }
0xab: {  	s26 =	simm.s32 $execute0_lowered;
	[smem:$0x3FD2] =	sst s25  }
0xac: {  	s6 =	sshll.u32 s26, $0x1;
	_ =	strace $0x80000046;
	[dreg:$0x1] =	wrdreg $0xFFFFFFFF  }
0xad: {  	s28 =	simm.s32 $_size_execute0_lowered;
	s4 =	sadd.s32 s4, s6;
	[dreg:$0x0] =	wrdreg $0x0  }
0xae: {  	s6 =	sshll.u32 s28, $0x1;
	[dreg:$0x2] =	wrdreg s4  }
0xaf: {  	[dreg:$0x3] =	wrdreg s6  }
0xb0: {  	[dreg:$0x4] =	wrdreg $0xC0  }
0xb1: {  	_ =	task [dreg:s8], $0x5FFFF  }
0xb2: {  	[dreg:$0x1] =	wrdreg $0xFFFFFFFF  }
0xb3: {  	[dreg:$0x0] =	wrdreg $0x60  }
0xb4: {  	[dreg:$0x2] =	wrdreg s24  }
0xb5: {  	[dreg:$0x3] =	wrdreg s16  }
0xb6: {  	[dreg:$0x4] =	wrdreg s17  }
0xb7: {  	[dreg:$0x5] =	wrdreg $0x9  }
0xb8: {  	_ =	task.clear_ibuf [dreg:s8], $0x6FFFF;
	_ =	strace $0x90000046  }
0xb9: {  	s29 =	simm.s32 $0x9;
	_ =	strace $0x80000048  }
0xba: {  	_ =	swait.ge [sflag:s29], $0x1  }
0xbb: {  	[sflag:s29] =	ssyncadd.s32 $0xFFFFFFFF  }
0xbc: {  	_ =	strace $0x90000048  }
0xbd: {  	_ =	sfence  }
0xbe: {  	s30 =	sld [smem:$0x0];
	_ =	sdelay $0x2  }
0xbf: {  	s31 =	sshll.u32 s1, $0xD;
	s1 =	sshrl.u32 s1, $0x2  }
0xc0: {  	s3 =	sand.u32 $0x4000, s31;
	s1 =	sadd.s32 s1, s30  }
0xc1: {  	s0 =	sor.u32 s3, s0;
	s1 =	sshll.u32 s1, $0x11  }
0xc2: {  	s0 =	sor.u32 s1, s0  }
0xc3: {  	s0 =	sadd.s32 $0x8F2B, s0  }
0xc4: {  	[sflag:s0] =	ssyncadd.remote.s32 $0x1  }
0xc5: {  	_ =	sfence.sel $0xFFFF  }
0xc6: {  	[dreg:$0x0] =	wrdreg $0xFFFFFFFF;
	(pc) =	sbr.abs _section_cstart, $3  }
0xc7: {  	[dreg:$0x1] =	wrdreg $0xFFFFFFFF  }
0xc8: {  	_ =	task.clear_ibuf [dreg:s8], $0x2FFFF;
	_ =	strace $0x9FFFFFFF  }
0xc9: {  	(tm) =	ssettm $0x7FFFFFFF  }
tec
execute0_lowered:
.L_overlay_start_1:
0x0: {  	(tag) =	ssettag $0x1  }
0x1: {  	s0 =	rddreg [dreg:$0x0]  }
0x2: {  	s1 =	rddreg [dreg:$0x1];
	s4 =	srdreg.scid  }
0x3: {  	s3 =	rddreg [dreg:$0x2];
	s5 =	stileid.u32;
	s4 =	sand.u32 $0x1, s4  }
0x4: {  	s2 =	simm.s32 $0x0;
	s5 =	sshll.u32 s5, $0x9;
	s6 =	sshll.u32 s4, $0x8  }
0x5: {  	s28 =	simm.s32 $0x4000;
	[smem:$0x7FF] =	sst s2;
	s5 =	sor.u32 s6, s5  }
0x6: {  	s4 =	ssub.s32 $0x2, s4;
	s7 =	sadd.s32 s5, s0;
	s0 =	sadd.s32 $0x11000, s0  }
0x7: {  	_ =	strace $0x80000047;
	s1 =	sadd.s32 s1, s5;
	[dreg:$0x4] =	wrdreg s0  }
0x8: {  	s26 =	sshrl.u32 s4, $0x1;
	s31 =	sadd.s32 s3, s5;
	[dreg:$0x6] =	wrdreg s1  }
0x9: {  	s29 =	ssub.s32 s4, s26;
	s30 =	sadd.s32 $0x1000, s7;
	[dreg:$0x7] =	wrdreg s31  }
0xa: {  	v40 =	vlaneseq.u32;
	v34 =	vimm.s32 $0x0;
	v37 =	vimm.s32 $0x2;
	s5 =	simm.s32 $0x1;
	s0 =	smax.u32 s29, $0x1;
	[dreg:$0x5] =	wrdreg s30  }
0xb: {  	v38 =	vimm.s32 $0x4;
	v39 =	vimm.s32 $0x6;
	v41 =	vimm.f32 $0.0e+00;
	s4 =	simm.s32 $0x4000;
	s1 =	simm.s32 $0x0;
	[dreg:$0x8] =	wrdreg s0  }
.LBB2_1:
0xc: {  	[dreg:$0x9] =	wrdreg s1  }
0xd: {  	s0 =	rddreg [dreg:$0x5];
	s30 =	simm.s32 $0x800;
	s3 =	simm.s32 $0x10000  }
0xe: {  	[tilespmem:s2], [sflag:$0x1] =	stream.strided.gather [hbm4b:s0+s30], $0x4000, s3, s30, $0x38;
	[tilespmem:$0x7800] =	vst v63  }
0xf: {  	_ =	swait.ge [sflag:s5], $0x4000  }
0x10: {  	s18 =	simm.s32 $0x6080;
	[sflag:s5] =	ssyncset.done $0x0  }
0x11: {  	s6 =	simm.s32 $0x0;
	s31 =	rddreg [dreg:$0x4];
	[sflag:s5] =	ssyncadd.s32 $0xFFFFC000  }
0x12: {  	[tilespmem:s4], [sflag:$0x1] =	stream.linear.gather [hbm4b:s31+s2], $0x2000, $0x38;
	[tilespmem:$0x7800] =	vst v63  }
0x13: {  	s1 =	simm.s32 $0x0;
	s21 =	simm.s32 $0x0;
	_ =	swait.ge [sflag:s5], $0x2000  }
0x14: {  	s22 =	simm.s32 $0x0;
	s0 =	simm.s32 $0xFFFFFFFE;
	[sflag:s5] =	ssyncset.done $0x0  }
0x15: {  	s4 =	simm.s32 $0x10;
	[sflag:s5] =	ssyncadd.s32 $0xFFFFE000;
	s5 =	simm.s32 $0x6000  }
.LBB2_2:
0x16: {  	s9 =	sand.u32 $0x60, s22;
	s30 =	sand.u32 $0x400, s21;
	s25 =	sand.u32 $0xFFFFFC00, s21  }
0x17: {  	s23 =	sor.u32 s9, s30;
	s8 =	sadd.s32 s25, s22  }
0x18: {  	s31 =	sor.u32 $0x800, s30;
	v6 =	vld [tilespmem:s23+$0x0];
	s3 =	sor.u32 $0x80, s8  }
0x19: {  	s13 =	sor.u32 $0x880, s30;
	s7 =	sor.u32 s9, s31;
	v0 =	vld [tilespmem:s3+$0x0]  }
0x1a: {  	s14 =	sor.u32 s9, s13;
	v7 =	vld [tilespmem:s7+$0x0]  }
0x1b: {  	v61 =	vld [tilespmem:s14+$0x0]  }
0x1c: {  	s26 =	sand.u32 $0x3, s1  }
0x1d: {  	[dreg:$0xa] =	wrdreg s0;
	s0 =	sshll.u32 s26, $0x5  }
0x1e: {  	v1 =	vld [tilespmem:s23+$0x100];
	s11 =	sor.u32 $0x180, s8;
	s0 =	sadd.s32 s0, s21;
	vm0 =	vlt.f32 v6, $-Inf;
	vm1 =	vgt.f32 v6, $-Inf  }
0x1f: {  	s15 =	sor.u32 $0x900, s30;
	v3 =	vld [tilespmem:s11+$0x0];
	s0 =	sor.u32 $0x300, s0;
	vm0 =	vmor vm1, vm0;
	v4 =	vmax.f32 v6, v0;
	vm5 =	vlt.f32 v7, $-Inf  }
0x20: {  	[dreg:$0xd] =	wrdreg s0;
	v58 =	vld [tilespmem:s0+$0x0];
	s0 =	sor.u32 s9, s15;
	vm6 =	vgt.f32 v7, $-Inf;
	v9 =	vmax.f32 v7, v61;
	v2 =	vnsel vm0, $0xFF800000, v6  }
0x21: {  	v62 =	vld [tilespmem:s0+$0x0];
	v4 =	vsel vm0, v0, v4;
	vm1 =	vmor vm6, vm5;
	vm12 =	vgt.f32 v0, v2  }
0x22: {  	s16 =	sor.u32 $0x980, s30;
	v63 =	vnsel vm1, $0xFF800000, v7;
	v9 =	vsel vm1, v61, v9;
	v0 =	vsel vm12, v0, v2  }
0x23: {  	v5 =	vld [tilespmem:s23+$0x200];
	s0 =	sor.u32 s9, s16;
	v2 =	vsel vm12, v2, v4;
	v8 =	vsel vm12, $0x1, v34;
	vm13 =	vgt.f32 v1, v0  }
0x24: {  	s29 =	sor.u32 $0x280, s8;
	v10 =	vld [tilespmem:s0+$0x0];
	vm8 =	vgt.f32 v61, v63;
	v2 =	vmax.f32 v2, v1;
	v1 =	vsel vm13, v1, v0  }
0x25: {  	v56 =	vld [tilespmem:s29+$0x0];
	v0 =	vsel vm13, v0, v2;
	v59 =	vsel vm13, $0x2, v8;
	v8 =	vsel vm8, v61, v63  }
0x26: {  	vm2 =	vgt.f32 v3, v1;
	v0 =	vmax.f32 v0, v3;
	vm3 =	vgt.f32 v62, v8  }
0x27: {  	s10 =	sor.u32 s22, s21;
	v57 =	vsel vm2, v3, v1;
	v0 =	vsel vm2, v1, v0;
	v1 =	vsel vm2, $0x3, v59  }
0x28: {  	s12 =	sor.u32 $0x380, s10;
	v13 =	vsel vm3, v62, v8;
	vm14 =	vgt.f32 v5, v57;
	v0 =	vmax.f32 v0, v5  }
0x29: {  	s17 =	sor.u32 $0xA00, s30;
	v60 =	vld [tilespmem:s12+$0x0];
	vm9 =	vgt.f32 v10, v13;
	v5 =	vsel vm14, v5, v57;
	v0 =	vsel vm14, v57, v0  }
0x2a: {  	s0 =	sor.u32 s9, s17;
	v1 =	vsel vm14, $0x4, v1;
	vm15 =	vgt.f32 v56, v5;
	v0 =	vmax.f32 v0, v56  }
0x2b: {  	s19 =	sor.u32 $0xA80, s30;
	v12 =	vld [tilespmem:s0+$0x0];
	v4 =	vsel vm15, v56, v5;
	v0 =	vsel vm15, v5, v0;
	v1 =	vsel vm15, $0x5, v1  }
0x2c: {  	s0 =	sor.u32 s9, s19;
	v5 =	vsel vm9, v10, v13;
	vm4 =	vgt.f32 v58, v4;
	v0 =	vmax.f32 v0, v58  }
0x2d: {  	v14 =	vld [tilespmem:s0+$0x0];
	v0 =	vsel vm4, v4, v0;
	v3 =	vsel vm4, v58, v4;
	v1 =	vsel vm4, $0x6, v1  }
0x2e: {  	s20 =	sor.u32 $0xB00, s30;
	v4 =	vsel vm8, v63, v9;
	vm7 =	vgt.f32 v60, v3;
	v0 =	vmax.f32 v0, v60  }
0x2f: {  	s0 =	sor.u32 s9, s20;
	v11 =	vsel vm7, v3, v0;
	v0 =	vsel vm7, $0x7, v1;
	v1 =	vmax.f32 v4, v62  }
0x30: {  	s24 =	sor.u32 $0x1000, s30;
	v19 =	vld [tilespmem:s0+$0x0];
	v18 =	vsel vm1, $0x8, v34;
	vm10 =	vgt.f32 v12, v5;
	v1 =	vsel vm3, v8, v1  }
0x31: {  	[dreg:$0x14] =	wrdreg s31;
	s25 =	sor.u32 s9, s24;
	s31 =	sor.u32 $0x1080, s30;
	v21 =	vsel vm10, v12, v5;
	v4 =	vsel vm8, $0x9, v18;
	v1 =	vmax.f32 v1, v10  }
0x32: {  	s7 =	sor.u32 s9, s31;
	vm11 =	vgt.f32 v14, v21;
	v20 =	vsel vm3, $0xA, v4;
	v10 =	vld [tilespmem:s25+$0x0];
	v1 =	vsel vm9, v13, v1  }
0x33: {  	s26 =	sor.u32 $0xB80, s30;
	v23 =	vld [tilespmem:s7+$0x0];
	v9 =	vsel vm7, v60, v3;
	v2 =	vsel vm9, $0xB, v20;
	v1 =	vmax.f32 v1, v12  }
0x34: {  	[dreg:$0xf] =	wrdreg s29;
	s29 =	sor.u32 s9, s26;
	v3 =	vsel vm11, v14, v21;
	v2 =	vsel vm10, $0xC, v2;
	v1 =	vsel vm10, v5, v1  }
0x35: {  	s10 =	sor.u32 $0x1100, s30;
	v22 =	vld [tilespmem:s29+$0x0];
	vm12 =	vgt.f32 v19, v3;
	v2 =	vsel vm11, $0xD, v2;
	v1 =	vmax.f32 v1, v14  }
0x36: {  	s0 =	sor.u32 s9, s10;
	v17 =	vadd.f32 v11, v9;
	v2 =	vsel vm12, $0xE, v2;
	v1 =	vsel vm11, v21, v1  }
0x37: {  	[dreg:$0xc] =	wrdreg s12;
	s12 =	sor.u32 $0x1180, s30;
	v24 =	vld [tilespmem:s0+$0x0];
	vm13 =	vlt.f32 v10, $-Inf;
	vm14 =	vgt.f32 v10, $-Inf;
	v1 =	vmax.f32 v1, v19  }
0x38: {  	s0 =	sor.u32 s9, s12;
	v26 =	vmax.f32 v10, v23;
	vm1 =	vmor vm14, vm13;
	v1 =	vsel vm12, v3, v1  }
0x39: {  	[dreg:$0x1a] =	wrdreg s13;
	s13 =	sor.u32 $0x1200, s30;
	v13 =	vld [tilespmem:s0+$0x0];
	v3 =	vsel vm12, v19, v3;
	v25 =	vnsel vm1, $0xFF800000, v10;
	v14 =	vsel vm1, v23, v26  }
0x3a: {  	s0 =	sor.u32 s9, s13;
	vm15 =	vgt.f32 v22, v3;
	v1 =	vmax.f32 v1, v22;
	vm6 =	vgt.f32 v23, v25  }
0x3b: {  	[dreg:$0x17] =	wrdreg s15;
	s14 =	sor.u32 $0x1280, s30;
	v15 =	vld [tilespmem:s0+$0x0];
	v1 =	vsel vm15, v3, v1;
	v11 =	vsel vm6, v23, v25;
	v27 =	vsel vm6, v25, v14  }
0x3c: {  	[dreg:$0x13] =	wrdreg s20;
	s20 =	sor.u32 $0x1880, s30;
	s0 =	sor.u32 s9, s14;
	v8 =	vsel vm15, $0xF, v2;
	vm7 =	vgt.f32 v24, v11;
	v2 =	vmax.f32 v27, v24  }
0x3d: {  	[dreg:$0x1c] =	wrdreg s24;
	s15 =	sor.u32 $0x1300, s30;
	s24 =	sor.u32 s9, s20;
	v29 =	vld [tilespmem:s0+$0x0];
	v12 =	vsel vm15, v22, v3;
	v28 =	vsel vm7, v24, v11;
	v30 =	vsel vm7, v11, v2  }
0x3e: {  	[dreg:$0x18] =	wrdreg s16;
	s16 =	sor.u32 $0x1800, s30;
	v42 =	vld [tilespmem:s24+$0x0];
	s0 =	sor.u32 s9, s15;
	v21 =	vadd.f32 v1, v12;
	vm8 =	vgt.f32 v13, v28;
	v1 =	vmax.f32 v30, v13  }
0x3f: {  	[dreg:$0x19] =	wrdreg s17;
	s17 =	sor.u32 s9, s16;
	v33 =	vld [tilespmem:s0+$0x0];
	v31 =	vsel vm1, $0x10, v34;
	v32 =	vsel vm8, v13, v28;
	v1 =	vsel vm8, v28, v1  }
0x40: {  	[dreg:$0x15] =	wrdreg s19;
	s19 =	sor.u32 $0x1380, s30;
	v2 =	vsel vm6, $0x11, v31;
	v13 =	vld [tilespmem:s17+$0x0];
	vm9 =	vgt.f32 v15, v32;
	v1 =	vmax.f32 v1, v15  }
0x41: {  	s0 =	sor.u32 s9, s19;
	v2 =	vsel vm7, $0x12, v2;
	v35 =	vsel vm9, v15, v32;
	v1 =	vsel vm9, v32, v1  }
0x42: {  	v36 =	vld [tilespmem:s0+$0x0];
	v2 =	vsel vm8, $0x13, v2;
	vm10 =	vgt.f32 v29, v35;
	v1 =	vmax.f32 v1, v29  }
0x43: {  	s25 =	sor.u32 $0x1900, s30;
	v2 =	vsel vm9, $0x14, v2;
	v4 =	vsel vm10, v29, v35;
	v1 =	vsel vm10, v35, v1  }
0x44: {  	s0 =	sor.u32 s9, s25;
	v2 =	vsel vm10, $0x15, v2;
	vm11 =	vgt.f32 v33, v4;
	v1 =	vmax.f32 v1, v33  }
0x45: {  	[dreg:$0x12] =	wrdreg s26;
	s26 =	sor.u32 $0x1980, s30;
	v43 =	vld [tilespmem:s0+$0x0];
	vm12 =	vlt.f32 v13, $-Inf;
	vm13 =	vgt.f32 v13, $-Inf;
	v45 =	vmax.f32 v13, v42  }
0x46: {  	s0 =	sor.u32 s9, s26;
	v1 =	vsel vm11, v4, v1;
	v4 =	vsel vm11, v33, v4;
	vm1 =	vmor vm13, vm12  }
0x47: {  	s29 =	sor.u32 $0x1A00, s30;
	v16 =	vld [tilespmem:s0+$0x0];
	v2 =	vsel vm11, $0x16, v2;
	vm14 =	vgt.f32 v36, v4;
	v44 =	vnsel vm1, $0xFF800000, v13  }
0x48: {  	s0 =	sor.u32 s9, s29;
	v1 =	vmax.f32 v1, v36;
	v19 =	vsel vm1, v42, v45;
	vm15 =	vgt.f32 v42, v44  }
0x49: {  	[smem:$0x7E2] =	sst s31;
	s31 =	sor.u32 $0x1A80, s30;
	v18 =	vld [tilespmem:s0+$0x0];
	v50 =	vsel vm1, $0x18, v34;
	v1 =	vsel vm14, v4, v1;
	v5 =	vsel vm15, v42, v44  }
0x4a: {  	s0 =	sor.u32 s9, s31;
	v11 =	vsel vm14, $0x17, v2;
	v46 =	vsel vm15, v44, v19;
	vm6 =	vgt.f32 v43, v5  }
0x4b: {  	[dreg:$0xb] =	wrdreg s1;
	s1 =	sor.u32 $0x1B00, s30;
	v47 =	vld [tilespmem:s0+$0x0];
	v15 =	vsel vm14, v36, v4;
	v2 =	vmax.f32 v46, v43;
	v3 =	vsel vm6, v43, v5  }
0x4c: {  	s7 =	sor.u32 s9, s1;
	s0 =	sor.u32 $0x2000, s30;
	v4 =	vadd.f32 v1, v15;
	v48 =	vsel vm6, v5, v2;
	vm7 =	vgt.f32 v16, v3  }
0x4d: {  	[dreg:$0x1d] =	wrdreg s10;
	v49 =	vld [tilespmem:s7+$0x0];
	s7 =	sor.u32 $0x2080, s30;
	s10 =	sor.u32 s9, s0;
	v5 =	vsel vm15, $0x19, v50;
	v1 =	vmax.f32 v48, v16;
	v51 =	vsel vm7, v16, v3  }
0x4e: {  	[dreg:$0x1e] =	wrdreg s13;
	s13 =	sor.u32 s9, s7;
	v52 =	vsel vm6, $0x1A, v5;
	v16 =	vld [tilespmem:s10+$0x0];
	v1 =	vsel vm7, v3, v1;
	vm8 =	vgt.f32 v18, v51  }
0x4f: {  	[smem:$0x7E3] =	sst s12;
	s12 =	sor.u32 $0x1B80, s30;
	v55 =	vld [tilespmem:s13+$0x0];
	v48 =	vimm.s32 $0x0;
	v1 =	vmax.f32 v1, v18;
	v53 =	vsel vm8, v18, v51  }
0x50: {  	[smem:$0x7EC] =	sst s1;
	s1 =	sor.u32 s9, s12;
	v3 =	vsel vm7, $0x1B, v52;
	v1 =	vsel vm8, v51, v1;
	vm9 =	vgt.f32 v47, v53  }
0x51: {  	v54 =	vld [tilespmem:s1+$0x0];
	v3 =	vsel vm8, $0x1C, v3;
	v1 =	vmax.f32 v1, v47;
	v19 =	vsel vm9, v47, v53  }
0x52: {  	v1 =	vsel vm9, v53, v1;
	v3 =	vsel vm9, $0x1D, v3;
	v47 =	vimm.s32 $0x0  }
0x53: {  	[smem:$0x7E4] =	sst s14;
	s14 =	sor.u32 $0x2100, s30;
	vm10 =	vgt.f32 v49, v19;
	v1 =	vmax.f32 v1, v49;
	vm11 =	vlt.f32 v16, $-Inf  }
0x54: {  	[smem:$0x7E8] =	sst s26;
	s1 =	sor.u32 s9, s14;
	vm12 =	vgt.f32 v16, $-Inf;
	v20 =	vmax.f32 v16, v55;
	v1 =	vsel vm10, v19, v1  }
0x55: {  	[dreg:$0x1f] =	wrdreg s15;
	s15 =	sor.u32 $0x2180, s30;
	v56 =	vld [tilespmem:s1+$0x0];
	v2 =	vsel vm10, v49, v19;
	vm1 =	vmor vm12, vm11;
	v3 =	vsel vm10, $0x1E, v3  }
0x56: {  	[smem:$0x7E5] =	sst s16;
	s16 =	sor.u32 $0x2200, s30;
	s1 =	sor.u32 s9, s15;
	vm13 =	vgt.f32 v54, v2;
	v57 =	vnsel vm1, $0xFF800000, v16;
	v1 =	vmax.f32 v1, v54  }
0x57: {  	[smem:$0x7E7] =	sst s25;
	s25 =	sor.u32 $0x2880, s30;
	v22 =	vld [tilespmem:s1+$0x0];
	s1 =	sor.u32 s9, s16;
	v20 =	vsel vm1, v55, v20;
	v62 =	vsel vm1, $0x20, v34;
	vm14 =	vgt.f32 v55, v57  }
0x58: {  	[dreg:$0x16] =	wrdreg s19;
	s19 =	sor.u32 $0x2800, s30;
	s26 =	sor.u32 s9, s25;
	v24 =	vld [tilespmem:s1+$0x0];
	v1 =	vsel vm13, v2, v1;
	v25 =	vsel vm13, $0x1F, v3;
	v19 =	vsel vm13, v54, v2  }
0x59: {  	[smem:$0x7E6] =	sst s20;
	s20 =	sor.u32 s9, s19;
	v32 =	vld [tilespmem:s26+$0x0];
	v14 =	vsel vm14, v55, v57;
	v58 =	vsel vm14, v57, v20;
	v23 =	vadd.f32 v1, v19  }
0x5a: {  	s17 =	sor.u32 $0x2280, s30;
	v20 =	vld [tilespmem:s20+$0x0];
	v2 =	vsel vm14, $0x21, v62;
	vm15 =	vgt.f32 v56, v14;
	v59 =	vmax.f32 v58, v56  }
0x5b: {  	s1 =	sor.u32 s9, s17;
	v62 =	vimm.s32 $0x0;
	v60 =	vsel vm15, v56, v14;
	v61 =	vsel vm15, v14, v59  }
0x5c: {  	v26 =	vld [tilespmem:s1+$0x0];
	v2 =	vsel vm15, $0x22, v2;
	vm6 =	vgt.f32 v22, v60;
	v1 =	vmax.f32 v61, v22  }
0x5d: {  	s24 =	sor.u32 $0x2300, s30;
	v56 =	vimm.s32 $0x0;
	v5 =	vsel vm6, v22, v60;
	v1 =	vsel vm6, v60, v1  }
0x5e: {  	s1 =	sor.u32 s9, s24;
	v2 =	vsel vm6, $0x23, v2;
	vm7 =	vgt.f32 v24, v5;
	v1 =	vmax.f32 v1, v24  }
0x5f: {  	[smem:$0x7E9] =	sst s29;
	s29 =	sor.u32 $0x2900, s30;
	v63 =	vld [tilespmem:s1+$0x0];
	vm9 =	vlt.f32 v20, $-Inf;
	vm10 =	vgt.f32 v20, $-Inf;
	v44 =	vmax.f32 v20, v32  }
0x60: {  	[smem:$0x7EA] =	sst s31;
	s31 =	sor.u32 $0x2380, s30;
	s1 =	sor.u32 s9, s29;
	v33 =	vsel vm7, v24, v5;
	v1 =	vsel vm7, v5, v1;
	v2 =	vsel vm7, $0x24, v2  }
0x61: {  	[smem:$0x7EB] =	sst s7;
	s7 =	sor.u32 s9, s31;
	v35 =	vld [tilespmem:s1+$0x0];
	vm0 =	vmor vm10, vm9;
	vm8 =	vgt.f32 v26, v33;
	v1 =	vmax.f32 v1, v26  }
0x62: {  	v36 =	vld [tilespmem:s7+$0x0];
	s10 =	sor.u32 $0x2980, s30;
	v43 =	vnsel vm0, $0xFF800000, v20;
	v54 =	vsel vm0, $0x28, v34;
	v1 =	vsel vm8, v33, v1  }
0x63: {  	[dreg:$0x1b] =	wrdreg s12;
	s12 =	sor.u32 s9, s10;
	v24 =	vsel vm8, $0x25, v2;
	v42 =	vsel vm8, v26, v33;
	vm11 =	vgt.f32 v32, v43  }
0x64: {  	s13 =	sor.u32 $0x2A00, s30;
	v27 =	vld [tilespmem:s12+$0x0];
	v26 =	vsel vm0, v32, v44;
	vm14 =	vgt.f32 v63, v42;
	v1 =	vmax.f32 v1, v63  }
0x65: {  	s1 =	sor.u32 s9, s13;
	v3 =	vsel vm11, v32, v43;
	v18 =	vsel vm11, v43, v26;
	v1 =	vsel vm14, v42, v1  }
0x66: {  	[smem:$0x7ED] =	sst s14;
	s14 =	sor.u32 $0x2A80, s30;
	v28 =	vld [tilespmem:s1+$0x0];
	vm8 =	vgt.f32 v35, v3;
	v14 =	vsel vm14, v63, v42;
	v46 =	vmax.f32 v18, v35  }
0x67: {  	[smem:$0x7EF] =	sst s16;
	s1 =	sor.u32 s9, s14;
	v24 =	vsel vm14, $0x26, v24;
	v5 =	vsel vm8, v35, v3;
	vm9 =	vgt.f32 v36, v14  }
0x68: {  	[smem:$0x7F1] =	sst s19;
	s19 =	sor.u32 $0x3000, s30;
	v45 =	vld [tilespmem:s1+$0x0];
	v2 =	vsel vm8, v3, v46;
	v1 =	vmax.f32 v1, v36;
	v18 =	vsel vm9, $0xFFFFFFFF, v47  }
0x69: {  	[smem:$0x7F2] =	sst s24;
	s16 =	sor.u32 s9, s19;
	s20 =	sor.u32 $0x3080, s30;
	vm4 =	vgt.f32 v27, v5;
	v49 =	vmax.f32 v2, v27;
	v1 =	vsel vm9, v14, v1  }
0x6a: {  	[smem:$0x7EE] =	sst s15;
	s15 =	sor.u32 $0x2B00, s30;
	s24 =	sor.u32 s9, s20;
	v2 =	vld [tilespmem:s16+$0x0];
	v3 =	vsel vm4, $0xFFFFFFFF, v48;
	v27 =	vsel vm4, v27, v5;
	v5 =	vsel vm4, v5, v49  }
0x6b: {  	s1 =	sor.u32 s9, s15;
	v51 =	vld [tilespmem:s24+$0x0];
	[tilespmem:$0x1FA40] =	vst v3;
	vm12 =	vgt.f32 v28, v27;
	v3 =	vsel vm9, v36, v14;
	v5 =	vmax.f32 v5, v28  }
0x6c: {  	v29 =	vld [tilespmem:s1+$0x0];
	[tilespmem:$0x1FA50] =	vst v18;
	v50 =	vsel vm12, v28, v27;
	v18 =	vadd.f32 v1, v3;
	v52 =	vsel vm12, v27, v5  }
0x6d: {  	[smem:$0x7F0] =	sst s17;
	s17 =	sor.u32 $0x2B80, s30;
	v5 =	vsel vm11, $0x29, v54;
	v54 =	vimm.s32 $0x0;
	vm2 =	vgt.f32 v45, v50  }
0x6e: {  	[smem:$0x7F3] =	sst s25;
	s25 =	sor.u32 s9, s17;
	v1 =	vmax.f32 v52, v45;
	v26 =	vsel vm8, $0x2A, v5;
	v52 =	vimm.s32 $0x0  }
0x6f: {  	v53 =	vld [tilespmem:s25+$0x0];
	s16 =	sor.u32 $0x3100, s30;
	v28 =	vsel vm2, v45, v50;
	v1 =	vsel vm2, v50, v1;
	vm10 =	vlt.f32 v2, $-Inf  }
0x70: {  	s26 =	sor.u32 s9, s16;
	vm11 =	vgt.f32 v2, $-Inf;
	v31 =	vmax.f32 v2, v51;
	v45 =	vimm.s32 $0x0  }
0x71: {  	s25 =	sor.u32 $0x3180, s30;
	v55 =	vld [tilespmem:s26+$0x0];
	vm4 =	vgt.f32 v29, v28;
	v1 =	vmax.f32 v1, v29;
	vm1 =	vmor vm11, vm10  }
0x72: {  	[smem:$0x7F4] =	sst s29;
	s7 =	sor.u32 $0x3800, s30;
	s29 =	sor.u32 s9, s25;
	v1 =	vsel vm4, v28, v1;
	v5 =	vsel vm1, $0xFFFFFFFF, v56;
	v57 =	vnsel vm1, $0xFF800000, v2  }
0x73: {  	[smem:$0x7F5] =	sst s31;
	s1 =	sor.u32 $0x3880, s30;
	s31 =	sor.u32 s9, s7;
	v30 =	vld [tilespmem:s29+$0x0];
	v28 =	vsel vm4, v29, v28;
	v31 =	vsel vm1, v51, v31;
	vm7 =	vgt.f32 v51, v57  }
0x74: {  	[smem:$0x7F6] =	sst s10;
	s10 =	sor.u32 $0x3200, s30;
	s12 =	sor.u32 s9, s1;
	[tilespmem:$0x1FA60] =	vst v5;
	v5 =	vld [tilespmem:s31+$0x0];
	vm0 =	vgt.f32 v53, v28;
	v1 =	vmax.f32 v1, v53;
	v31 =	vsel vm7, v57, v31  }
0x75: {  	[smem:$0x7FB] =	sst s10;
	s10 =	sor.u32 s9, s10;
	v33 =	vld [tilespmem:s12+$0x0];
	v29 =	vsel vm7, v51, v57;
	v1 =	vsel vm0, v28, v1;
	v22 =	vsel vm0, v53, v28  }
0x76: {  	v32 =	vld [tilespmem:s10+$0x0];
	v53 =	vimm.s32 $0x0;
	vm15 =	vgt.f32 v55, v29;
	v31 =	vmax.f32 v31, v55  }
0x77: {  	s12 =	sor.u32 $0x3280, s30;
	v57 =	vimm.s32 $0x0;
	v58 =	vsel vm15, v29, v31;
	v14 =	vsel vm15, v55, v29  }
0x78: {  	[smem:$0x7F7] =	sst s13;
	s13 =	sor.u32 s9, s12;
	s31 =	sor.u32 $0x3900, s30;
	v29 =	vadd.f32 v1, v22;
	v55 =	vimm.s32 $0x0;
	vm5 =	vgt.f32 v30, v14  }
0x79: {  	[smem:$0x7F8] =	sst s14;
	v59 =	vld [tilespmem:s13+$0x0];
	s14 =	sor.u32 s9, s31;
	v60 =	vmax.f32 v58, v30;
	v30 =	vsel vm5, v30, v14;
	vm1 =	vlt.f32 v5, $-Inf  }
0x7a: {  	v61 =	vld [tilespmem:s14+$0x0];
	s14 =	sor.u32 $0x3300, s30;
	vm13 =	vgt.f32 v5, $-Inf;
	v1 =	vsel vm5, v14, v60;
	v43 =	vmax.f32 v5, v33  }
0x7b: {  	[smem:$0x7FA] =	sst s17;
	s17 =	sor.u32 s9, s14;
	vm8 =	vgt.f32 v32, v30;
	vm6 =	vmor vm13, vm1;
	v1 =	vmax.f32 v1, v32  }
0x7c: {  	[smem:$0x7F9] =	sst s15;
	s15 =	sor.u32 $0x3980, s30;
	v35 =	vld [tilespmem:s17+$0x0];
	v14 =	vsel vm8, $0xFFFFFFFF, v62;
	v42 =	vnsel vm6, $0xFF800000, v5;
	v1 =	vsel vm8, v30, v1  }
0x7d: {  	s10 =	sor.u32 s9, s15;
	s13 =	sor.u32 $0x3380, s30;
	v34 =	vsel vm6, v33, v43;
	v30 =	vsel vm8, v32, v30;
	vm10 =	vgt.f32 v33, v42  }
0x7e: {  	[smem:$0x7FC] =	sst s15;
	v63 =	vld [tilespmem:s10+$0x0];
	s15 =	sor.u32 s9, s13;
	vm13 =	vgt.f32 v59, v30;
	v1 =	vmax.f32 v1, v59;
	v44 =	vsel vm10, v42, v34  }
0x7f: {  	v47 =	vld [tilespmem:s15+$0x0];
	s26 =	sor.u32 $0x3A00, s30;
	v31 =	vsel vm10, v33, v42;
	v33 =	vsel vm13, $0xFFFFFFFF, v45;
	v1 =	vsel vm13, v30, v1  }
0x80: {  	s24 =	sor.u32 s9, s26;
	v28 =	vsel vm13, v59, v30;
	v59 =	vimm.s32 $0x0;
	vm9 =	vgt.f32 v61, v31  }
0x81: {  	v36 =	vld [tilespmem:s24+$0x0];
	s24 =	sor.u32 $0x3A80, s30;
	v32 =	vmax.f32 v44, v61;
	v1 =	vmax.f32 v1, v35;
	vm13 =	vgt.f32 v35, v28  }
0x82: {  	s29 =	sor.u32 s9, s24;
	v32 =	vsel vm9, v31, v32;
	v27 =	vsel vm9, v61, v31;
	v1 =	vsel vm13, v28, v1  }
0x83: {  	v46 =	vld [tilespmem:s29+$0x0];
	s17 =	sor.u32 $0x3B00, s30;
	v28 =	vsel vm13, v35, v28;
	v32 =	vmax.f32 v32, v63;
	vm3 =	vgt.f32 v63, v27  }
0x84: {  	s29 =	sor.u32 s9, s17;
	v1 =	vmax.f32 v1, v47;
	vm8 =	vgt.f32 v47, v28;
	v49 =	vsel vm3, v27, v32  }
0x85: {  	v48 =	vld [tilespmem:s29+$0x0];
	[tilespmem:$0x1FA70] =	vst v14;
	v14 =	vsel vm3, v63, v27;
	v32 =	vsel vm13, $0xFFFFFFFF, v52;
	v56 =	vsel vm8, v28, v1  }
0x86: {  	v1 =	vsel vm8, v47, v28;
	v50 =	vmax.f32 v49, v36;
	vm1 =	vgt.f32 v36, v14  }
0x87: {  	s15 =	sor.u32 $0x3B80, s30;
	v49 =	vimm.s32 $0x0;
	v27 =	vsel vm1, v14, v50;
	v14 =	vsel vm1, v36, v14  }
0x88: {  	s9 =	sor.u32 s9, s15;
	v36 =	vmul.f32 $0.0e+00, v20;
	v27 =	vmax.f32 v27, v46;
	vm11 =	vgt.f32 v46, v14  }
0x89: {  	v51 =	vld [tilespmem:s9+$0x0];
	[tilespmem:$0x1FA90] =	vst v32;
	v32 =	vsel vm11, $0xFFFFFFFF, v53;
	v27 =	vsel vm11, v14, v27;
	v14 =	vsel vm11, v46, v14  }
0x8a: {  	vm11 =	vgt.f32 v29, v18;
	v53 =	vimm.s32 $0x0;
	v27 =	vmax.f32 v27, v48  }
0x8b: {  	vm13 =	vgt.f32 v48, v14;
	v62 =	vsel vm11, v29, v18;
	v42 =	vsel vm11, $0x5, v38  }
0x8c: {  	[tilespmem:$0x1FAA0] =	vst v32;
	v32 =	vsel vm13, $0xFFFFFFFF, v54;
	v27 =	vsel vm13, v14, v27;
	v14 =	vsel vm13, v48, v14  }
0x8d: {  	v48 =	vimm.s32 $0x0;
	v54 =	vimm.s32 $0x0;
	[tilespmem:$0x1FAC0] =	vst v32;
	v32 =	vsel vm8, $0xFFFFFFFF, v55  }
0x8e: {  	[tilespmem:$0x1FA80] =	vst v33;
	v27 =	vmax.f32 v27, v51;
	vm13 =	vgt.f32 v51, v14;
	vm8 =	vgt.f32 v23, v4  }
0x8f: {  	[dreg:$0xe] =	wrdreg s3;
	v55 =	vimm.s32 $0x0;
	[tilespmem:$0x1FAB0] =	vst v32;
	v28 =	vsel vm13, $0xFFFFFFFF, v57;
	v27 =	vsel vm13, v14, v27  }
0x90: {  	[dreg:$0x10] =	wrdreg s11;
	v14 =	vsel vm13, v51, v14;
	vm13 =	vgt.f32 v21, v17;
	v60 =	vsel vm8, v23, v4;
	[tilespmem:$0x1FAD0] =	vst v28  }
0x91: {  	v61 =	vsel vm8, $0x3, v37;
	v28 =	vadd.f32 v56, v1;
	v27 =	vadd.f32 v27, v14;
	v46 =	vld [tilespmem:$0x1FA40]  }
0x92: {  	v58 =	vsel vm13, v21, v17;
	v31 =	vsel vm13, $0x1, v59;
	v56 =	vimm.s32 $0x0  }
0x93: {  	v59 =	vimm.s32 $0x0;
	vm8 =	vgt.f32 v60, v58;
	vm13 =	vgt.f32 v27, v28  }
0x94: {  	v30 =	vsel vm8, v60, v58;
	v31 =	vsel vm8, v61, v31;
	v63 =	vsel vm13, v27, v28  }
0x95: {  	v58 =	vimm.s32 $0x0;
	v60 =	vimm.s32 $0x0;
	vm11 =	vgt.f32 v63, v62  }
0x96: {  	v43 =	vsel vm13, $0x7, v39;
	v44 =	vsel vm11, v63, v62;
	vm13 =	vnez.u8 v46  }
0x97: {  	v45 =	vsel vm11, v43, v42;
	vm8 =	vgt.f32 v44, v30;
	v26 =	vsel vm13, $0x2B, v26  }
0x98: {  	v62 =	vimm.s32 $0x2;
	v47 =	vsel vm8, v45, v31;
	v26 =	vsel vm12, $0x2C, v26  }
0x99: {  	vm14 =	veq.s32 v47, $0x0;
	vm8 =	veq.s32 v47, $0x1;
	vm12 =	veq.s32 v47, $0x2  }
0x9a: {  	v50 =	vld [tilespmem:$0x1FA50];
	vm13 =	veq.s32 v47, $0x3;
	v31 =	vsel vm14, $0xFFFFFFFF, v48;
	v26 =	vsel vm2, $0x2D, v26  }
0x9b: {  	v17 =	vsel vm14, $0xFF800000, v17;
	v33 =	vsel vm12, $0xFFFFFFFF, v54;
	v4 =	vsel vm12, $0xFF800000, v4  }
0x9c: {  	vm14 =	veq.s32 v47, $0x4;
	v23 =	vsel vm13, $0xFF800000, v23;
	v54 =	vimm.s32 $0x0;
	[tilespmem:$0x1FAE0] =	vst v31  }
0x9d: {  	v31 =	vsel vm8, $0xFFFFFFFF, v49;
	v51 =	vsel vm4, $0x2E, v26;
	[tilespmem:$0x1FB10] =	vst v33;
	v33 =	vsel vm13, $0xFFFFFFFF, v55  }
0x9e: {  	v57 =	vsel vm14, $0xFF800000, v18;
	vm4 =	veq.s32 v47, $0x5;
	vm12 =	vgt.f32 v23, v4  }
0x9f: {  	v55 =	vimm.s32 $0x0;
	[tilespmem:$0x1FB00] =	vst v31;
	v31 =	vsel vm8, $0xFF800000, v21;
	vm8 =	vnez.u8 v50  }
0xa0: {  	[tilespmem:$0x1FB20] =	vst v33;
	v33 =	vsel vm14, $0xFFFFFFFF, v56;
	v18 =	vsel vm4, $0xFFFFFFFF, v58;
	v29 =	vsel vm4, $0xFF800000, v29  }
0xa1: {  	v61 =	vsel vm12, v23, v4;
	v30 =	vsel vm12, $0x3, v62;
	v50 =	vimm.s32 $0x0  }
0xa2: {  	v56 =	vimm.s32 $0x0;
	v62 =	vimm.s32 $0x4;
	v21 =	vsel vm8, $0x27, v24  }
0xa3: {  	vm11 =	vgt.f32 v31, v17;
	vm8 =	veq.s32 v47, $0x6;
	vm13 =	vgt.f32 v29, v57  }
0xa4: {  	[tilespmem:$0x1FB40] =	vst v18;
	v52 =	vsel vm11, v31, v17;
	v32 =	vsel vm11, $0x1, v53;
	v18 =	vsel vm8, $0xFFFFFFFF, v59  }
0xa5: {  	v48 =	vld [tilespmem:$0x1FA60];
	vm11 =	veq.s32 v47, $0x7;
	v28 =	vsel vm8, $0xFF800000, v28;
	v63 =	vsel vm13, v29, v57  }
0xa6: {  	v43 =	vsel vm13, $0x5, v38;
	v47 =	vimm.s32 $0x0;
	v59 =	vimm.s32 $0x2  }
0xa7: {  	[tilespmem:$0x1FB60] =	vst v18;
	v18 =	vsel vm11, $0xFFFFFFFF, v60;
	v27 =	vsel vm11, $0xFF800000, v27;
	vm11 =	vgt.f32 v61, v52  }
0xa8: {  	[tilespmem:$0x1FB80] =	vst v18;
	vm14 =	vgt.f32 v27, v28;
	v18 =	vsel vm11, v61, v52;
	v30 =	vsel vm11, v30, v32  }
0xa9: {  	v52 =	vimm.s32 $0x0;
	v42 =	vsel vm14, v27, v28;
	v44 =	vsel vm14, $0x7, v39  }
0xaa: {  	vm14 =	vnez.u8 v48;
	v48 =	vimm.s32 $0x4;
	vm12 =	vgt.f32 v42, v63  }
0xab: {  	v24 =	vsel vm14, $0x30, v47;
	v47 =	vimm.s32 $0x2;
	v45 =	vsel vm12, v42, v63  }
0xac: {  	v46 =	vsel vm12, v44, v43;
	v24 =	vsel vm7, $0x31, v24;
	v63 =	vimm.s32 $0x6  }
0xad: {  	vm13 =	vgt.f32 v45, v18;
	v18 =	vsel vm0, $0x2F, v51;
	v24 =	vsel vm15, $0x32, v24  }
0xae: {  	v45 =	vimm.s32 $0x0;
	v49 =	vsel vm13, v46, v30;
	v24 =	vsel vm5, $0x33, v24  }
0xaf: {  	vm8 =	veq.s32 v49, $0x0;
	vm4 =	veq.s32 v49, $0x1;
	vm7 =	veq.s32 v49, $0x2  }
0xb0: {  	vm13 =	veq.s32 v49, $0x3;
	vm14 =	veq.s32 v49, $0x4;
	vm15 =	veq.s32 v49, $0x5  }
0xb1: {  	vm2 =	veq.s32 v49, $0x6;
	v30 =	vsel vm4, $0xFFFFFFFF, v50;
	v17 =	vsel vm8, $0xFF800000, v17  }
0xb2: {  	v44 =	vld [tilespmem:$0x1FA80];
	v51 =	vsel vm4, $0xFF800000, v31;
	v31 =	vsel vm6, $0x38, v52;
	v4 =	vsel vm7, $0xFF800000, v4  }
0xb3: {  	[tilespmem:$0x1FB30] =	vst v33;
	v23 =	vsel vm13, $0xFF800000, v23;
	v33 =	vsel vm14, $0xFF800000, v57;
	v29 =	vsel vm15, $0xFF800000, v29  }
0xb4: {  	v35 =	vsel vm2, $0xFFFFFFFF, v55;
	vm6 =	veq.s32 v49, $0x7;
	v57 =	vsel vm2, $0xFF800000, v28  }
0xb5: {  	v49 =	vimm.s32 $0x6;
	vm0 =	vgt.f32 v51, v17;
	v26 =	vsel vm6, $0xFFFFFFFF, v56  }
0xb6: {  	v27 =	vsel vm6, $0xFF800000, v27;
	vm11 =	vgt.f32 v29, v33;
	v42 =	vsel vm10, $0x39, v31  }
0xb7: {  	vm5 =	vnez.u8 v44;
	v53 =	vsel vm0, v51, v17;
	v34 =	vsel vm0, $0x1, v54  }
0xb8: {  	vm0 =	vgt.f32 v23, v4;
	vm12 =	vgt.f32 v27, v57;
	v60 =	vsel vm11, v29, v33  }
0xb9: {  	v38 =	vsel vm11, $0x5, v62;
	v58 =	vsel vm0, v23, v4;
	v61 =	vsel vm12, v27, v57  }
0xba: {  	[tilespmem:$0x1FB50] =	vst v35;
	v35 =	vsel vm0, $0x3, v59;
	vm6 =	vgt.f32 v58, v53;
	vm11 =	vgt.f32 v61, v60  }
0xbb: {  	v39 =	vsel vm12, $0x7, v63;
	v28 =	vsel vm6, v58, v53;
	v37 =	vsel vm11, v61, v60  }
0xbc: {  	v34 =	vsel vm6, v35, v34;
	v38 =	vsel vm11, v39, v38;
	v35 =	vmul.f32 $0.0e+00, v16  }
0xbd: {  	vm12 =	vgt.f32 v37, v28;
	v28 =	vsel vm9, $0x3A, v42;
	v37 =	vmul.f32 $0.0e+00, v2  }
0xbe: {  	v39 =	vld [tilespmem:$0x1FA70];
	v43 =	vsel vm12, v38, v34;
	v28 =	vsel vm3, $0x3B, v28;
	v34 =	vmul.f32 $0.0e+00, v13  }
0xbf: {  	v38 =	vmul.f32 $0.0e+00, v5;
	vm10 =	veq.s32 v43, $0x0;
	vm6 =	veq.s32 v43, $0x1  }
0xc0: {  	v28 =	vsel vm1, $0x3C, v28;
	vm3 =	veq.s32 v43, $0x2;
	vm11 =	veq.s32 v43, $0x6  }
0xc1: {  	[tilespmem:$0x1FAF0] =	vst v30;
	vm12 =	veq.s32 v43, $0x7;
	v17 =	vsel vm10, $0xFF800000, v17;
	v30 =	vsel vm6, $0xFF800000, v51  }
0xc2: {  	[tilespmem:$0x1FB70] =	vst v26;
	v4 =	vsel vm3, $0xFF800000, v4;
	v26 =	vsel vm11, $0xFF800000, v57;
	v27 =	vsel vm12, $0xFF800000, v27  }
0xc3: {  	vm4 =	vnez.u8 v39;
	vm9 =	vgt.f32 v30, v17;
	vm2 =	vgt.f32 v27, v26  }
0xc4: {  	v24 =	vsel vm4, $0x34, v24;
	v17 =	vsel vm9, v30, v17;
	v30 =	vsel vm9, $0x1, v45  }
0xc5: {  	vm4 =	veq.s32 v43, $0x3;
	vm9 =	veq.s32 v43, $0x5;
	v26 =	vsel vm2, v27, v26  }
0xc6: {  	v31 =	vsel vm2, $0x7, v49;
	v24 =	vsel vm5, $0x35, v24;
	vm5 =	veq.s32 v43, $0x4  }
0xc7: {  	v52 =	vld [tilespmem:$0x1FA90];
	v23 =	vsel vm4, $0xFF800000, v23;
	v29 =	vsel vm9, $0xFF800000, v29;
	v46 =	vsel vm5, $0xFF800000, v33  }
0xc8: {  	v53 =	vld [tilespmem:$0x1FAA0];
	vm0 =	vgt.f32 v23, v4;
	v33 =	vmul.f32 $0.0e+00, v10;
	vm1 =	vgt.f32 v29, v46  }
0xc9: {  	v56 =	vld [tilespmem:$0x1FAD0];
	v4 =	vsel vm0, v23, v4;
	v23 =	vsel vm0, $0x3, v47;
	v29 =	vsel vm1, v29, v46  }
0xca: {  	v54 =	vld [tilespmem:$0x1FAB0];
	v27 =	vsel vm1, $0x5, v48;
	vm0 =	vgt.f32 v4, v17;
	vm1 =	vgt.f32 v26, v29  }
0xcb: {  	v55 =	vld [tilespmem:$0x1FAC0];
	v4 =	vsel vm0, v4, v17;
	v23 =	vsel vm0, v23, v30;
	v50 =	vsel vm1, v26, v29  }
0xcc: {  	v51 =	vsel vm1, v31, v27;
	vm1 =	vnez.u8 v52;
	v31 =	vmul.f32 $0.0e+00, v7  }
0xcd: {  	vm0 =	vgt.f32 v50, v4;
	v4 =	vsel vm1, $0x36, v24;
	vm1 =	vnez.u8 v53  }
0xce: {  	v58 =	vld [tilespmem:$0x1FAE0];
	v52 =	vmov s22;
	v53 =	vor.u32 s22, v40;
	v17 =	vsel vm1, $0x3D, v28  }
0xcf: {  	v59 =	vld [tilespmem:$0x1FAF0];
	v23 =	vsel vm0, v51, v23;
	vm0 =	vnez.u8 v54;
	vm1 =	vnez.u8 v56  }
0xd0: {  	v60 =	vld [tilespmem:$0x1FB00];
	v28 =	vmul.f32 $0.0e+00, v6;
	v24 =	vsel vm0, $0x37, v4;
	vm0 =	vnez.u8 v55  }
0xd1: {  	vm2 =	veq.s32 v23, $0x2;
	v4 =	vsel vm0, $0x3E, v17;
	vm0 =	veq.s32 v23, $0x0  }
0xd2: {  	v61 =	vld [tilespmem:$0x1FB10];
	v57 =	vsel vm1, $0x3F, v4;
	vm0 =	vmor vm0, vm10;
	vm10 =	veq.s32 v23, $0x1  }
0xd3: {  	vm0 =	vmor vm0, vm8;
	vm1 =	vmor vm10, vm6;
	vm10 =	vnez.u8 v58  }
0xd4: {  	v62 =	vld [tilespmem:$0x1FB20];
	vm6 =	vnez.u8 v59;
	vm8 =	vmor vm2, vm3;
	vm3 =	veq.s32 v23, $0x5  }
0xd5: {  	vm10 =	vmor vm0, vm10;
	vm0 =	vmor vm1, vm6;
	vm6 =	vnez.u8 v60  }
0xd6: {  	v63 =	vld [tilespmem:$0x1FB30];
	vm8 =	vmor vm8, vm7;
	vm1 =	veq.s32 v23, $0x3;
	vm2 =	vmor vm0, vm6  }
0xd7: {  	v17 =	vld [tilespmem:$0x1FB40];
	vm6 =	vnez.u8 v61;
	vm7 =	vmor vm1, vm4;
	v4 =	vsel vm10, v9, v28  }
0xd8: {  	v54 =	vsel vm10, $0x3F800000, v41;
	vm6 =	vmor vm8, vm6;
	vm8 =	veq.s32 v23, $0x4  }
0xd9: {  	vm0 =	vmor vm7, vm13;
	vm13 =	vnez.u8 v62;
	v9 =	vsel vm2, v12, v31  }
0xda: {  	v27 =	vld [tilespmem:$0x1FB50];
	v12 =	vnsel vm2, $0x8, v8;
	vm1 =	vmor vm8, vm5;
	vm7 =	vmor vm0, vm13  }
0xdb: {  	v29 =	vld [tilespmem:$0x1FB60];
	vm13 =	vnez.u8 v63;
	v8 =	vsel vm6, v15, v33;
	v13 =	vnsel vm6, $0x10, v11  }
0xdc: {  	v32 =	vld [tilespmem:$0x1FB80];
	vm8 =	vmor vm1, vm14;
	vm14 =	vmor vm3, vm9;
	vm9 =	vnez.u8 v17  }
0xdd: {  	v30 =	vld [tilespmem:$0x1FB70];
	v17 =	vnsel vm10, $0x0, v0;
	v10 =	vsel vm7, v19, v34;
	v15 =	vnsel vm7, $0x18, v25  }
0xde: {  	vm8 =	vmor vm8, vm13;
	vm14 =	vmor vm14, vm15;
	vm15 =	veq.s32 v23, $0x6  }
0xdf: {  	vm9 =	vmor vm14, vm9;
	vm13 =	vmor vm15, vm11;
	vm14 =	veq.s32 v23, $0x7  }
0xe0: {  	vm15 =	vnez.u8 v27;
	vm11 =	vnez.u8 v29;
	v3 =	vsel vm8, v3, v35  }
0xe1: {  	v16 =	vnsel vm8, $0x20, v21;
	vm0 =	vmor vm13, vm15;
	vm1 =	vmor vm14, vm12  }
0xe2: {  	vm12 =	vnez.u8 v30;
	vm13 =	vnez.u8 v32;
	v2 =	vsel vm9, v22, v36  }
0xe3: {  	v19 =	vnsel vm9, $0x28, v18;
	vm14 =	vgt.f32 v9, v4;
	vm15 =	vgt.f32 v10, v8  }
0xe4: {  	vm0 =	vmor vm0, vm11;
	vm1 =	vmor vm1, vm12;
	v39 =	vsel vm14, v9, v4  }
0xe5: {  	v42 =	vsel vm14, v12, v17;
	v43 =	vsel vm15, v10, v8;
	vm1 =	vmor vm1, vm13  }
0xe6: {  	vm11 =	vgt.f32 v2, v3;
	v5 =	vsel vm0, v1, v37;
	v0 =	vsel vm1, v14, v38  }
0xe7: {  	v44 =	vsel vm15, v15, v13;
	v11 =	vnsel vm0, $0x30, v24;
	vm12 =	vgt.f32 v0, v5  }
0xe8: {  	v45 =	vsel vm11, v2, v3;
	v47 =	vsel vm11, v19, v16;
	v46 =	vsel vm12, v0, v5  }
0xe9: {  	vm13 =	vgt.f32 v43, v39;
	v1 =	vnsel vm1, $0x38, v57;
	vm14 =	vgt.f32 v46, v45  }
0xea: {  	v49 =	vsel vm13, v43, v39;
	v48 =	vsel vm12, v1, v11;
	v21 =	vsel vm14, v46, v45  }
0xeb: {  	v50 =	vsel vm13, v44, v42;
	v51 =	vsel vm14, v48, v47;
	vm15 =	vgt.f32 v21, v49  }
0xec: {  	v55 =	vsel vm2, $0x3F800000, v41;
	[tilespmem:s18+$0xFFFFFF80] =	vst v54;
	v56 =	vsel vm6, $0x3F800000, v41;
	v22 =	vsel vm15, v51, v50  }
0xed: {  	[tilespmem:s18+$0xFFFFFF90] =	vst v55;
	v63 =	vshll.u32 v52, $0x3;
	v59 =	vsel vm8, $0x3F800000, v41;
	v62 =	vshll.u32 v22, $0x8  }
0xee: {  	[tilespmem:s18+$0xFFFFFFA0] =	vst v56;
	v60 =	vsel vm9, $0x3F800000, v41;
	v42 =	vand.u32 $0x400, v63;
	v14 =	vand.u32 $0x7FFFF800, v62  }
0xef: {  	[tilespmem:s18+$0xFFFFFFC0] =	vst v59;
	v59 =	vand.u32 $0x6F, v53;
	v20 =	vshrl.u32 v22, $0x3;
	v33 =	vor.u32 v42, v14  }
0xf0: {  	[tilespmem:s18+$0xFFFFFFD0] =	vst v60;
	v34 =	vsel vm0, $0x3F800000, v41;
	v58 =	vshll.u32 v20, $0x4;
	v23 =	vor.u32 v59, v33  }
0xf1: {  	v57 =	vsel vm7, $0x3F800000, v41;
	[tilespmem:s18+$0xFFFFFFE0] =	vst v34;
	v61 =	vadd.s32 s21, v58;
	v36 =	vor.u32 $0x80, v23  }
0xf2: {  	v35 =	vsel vm1, $0x3F800000, v41;
	[tilespmem:s18+$0xFFFFFFB0] =	vst v57;
	v7 =	vand.u32 $0xFFFFFF80, v61;
	v37 =	vor.u32 $0x100, v23  }
0xf3: {  	[tilespmem:s18+$0xFFFFFFF0] =	vst v35;
	v31 =	vor.u32 v7, v58;
	v38 =	vor.u32 $0x180, v23  }
0xf4: {  	[tilespmem:s23+$0x7000] =	vst v22;
	v32 =	vor.u32 v40, v31  }
0xf5: {  	v39 =	vor.u32 $0x200, v23;
	v27 =	vld.idx.msk [tilespmem:v23+s2+$0x0], $0xffff  }
0xf6: {  	v43 =	vor.u32 $0x280, v23;
	v25 =	vld.idx.msk [tilespmem:v36+s2+$0x0], $0xffff  }
0xf7: {  	v45 =	vor.u32 $0x300, v23;
	v26 =	vld.idx.msk [tilespmem:v37+s2+$0x0], $0xffff  }
0xf8: {  	v28 =	vld.idx.msk [tilespmem:v38+s2+$0x0], $0xffff  }
0xf9: {  	v18 =	vld.idx.msk [tilespmem:v32+s5+$0x0], $0xffff  }
0xfa: {  	v52 =	vimm.s32 $0x0;
	v24 =	vsel vm15, v21, v49;
	v41 =	vand.u32 $0xFFFFFFF8, v22;
	v29 =	vld.idx.msk [tilespmem:v39+s2+$0x0], $0xffff  }
0xfb: {  	v21 =	vshll.u32 v22, $0x7;
	v50 =	vor.u32 $0x7, v22;
	vm8 =	veq.s32 v41, v22;
	v31 =	vld.idx.msk [tilespmem:v43+s2+$0x0], $0xffff  }
0xfc: {  	v44 =	vor.u32 $0x2, v41;
	v46 =	vor.u32 $0x3, v41;
	v23 =	vor.u32 $0x380, v23;
	v33 =	vld.idx.msk [tilespmem:v45+s2+$0x0], $0xffff  }
0xfd: {  	v47 =	vor.u32 $0x4, v41;
	v48 =	vor.u32 $0x5, v41;
	v49 =	vor.u32 $0x6, v41  }
0xfe: {  	vm12 =	vgt.u32 v44, v22;
	v27 =	vmul.f32 v27, v18;
	v25 =	vmul.f32 v25, v18  }
0xff: {  	vm14 =	vgt.u32 v46, v22;
	v26 =	vmul.f32 v26, v18;
	v28 =	vmul.f32 v28, v18  }
0x100: {  	v36 =	vand.u32 $0x380, v21;
	v29 =	vmul.f32 v29, v18;
	v31 =	vmul.f32 v31, v18  }
0x101: {  	v23 =	vld.idx.msk [tilespmem:v23+s2+$0x0], $0xffff;
	v33 =	vmul.f32 v33, v18;
	vm6 =	vlt.f32 v27, v24;
	vm7 =	veq.f32 v25, v24  }
0x102: {  	vm3 =	vlt.f32 v25, v24;
	vm10 =	vlt.f32 v26, v24;
	vm11 =	veq.f32 v26, v24  }
0x103: {  	vm13 =	veq.f32 v28, v24;
	vm15 =	vlt.f32 v28, v24;
	vm1 =	vmand vm7, vm8  }
0x104: {  	v27 =	vnsel vm6, $0xFF800000, v27;
	vm2 =	vmand vm11, vm12;
	vm4 =	vmand vm13, vm14  }
0x105: {  	vm8 =	vlt.f32 v29, v24;
	vm11 =	veq.f32 v31, v24;
	vm12 =	vgt.u32 v48, v22  }
0x106: {  	vm13 =	vlt.f32 v31, v24;
	v18 =	vmul.f32 v23, v18;
	vm9 =	vmor vm3, vm1  }
0x107: {  	vm1 =	vmor vm10, vm2;
	vm7 =	vmor vm15, vm4;
	vm10 =	vgt.u32 v47, v22  }
0x108: {  	vm2 =	vmand vm11, vm12;
	vm15 =	vlt.f32 v33, v24;
	vm11 =	vne.s32 v50, v22  }
0x109: {  	v25 =	vnsel vm9, $0xFF800000, v25;
	v26 =	vnsel vm1, $0xFF800000, v26;
	v28 =	vnsel vm7, $0xFF800000, v28  }
0x10a: {  	vm9 =	veq.f32 v29, v24;
	vm14 =	vmor vm13, vm2;
	vm12 =	vlt.f32 v18, v24  }
0x10b: {  	vm1 =	vmand vm9, vm10;
	v31 =	vnsel vm14, $0xFF800000, v31;
	vm9 =	vgt.u32 v49, v22  }
0x10c: {  	vm10 =	veq.f32 v18, v24;
	vm14 =	vgt.f32 v25, v27;
	vm0 =	vmor vm8, vm1  }
0x10d: {  	vm8 =	veq.f32 v33, v24;
	vm3 =	vmand vm10, vm11;
	v53 =	vsel vm14, $0x1, v52  }
0x10e: {  	v25 =	vsel vm14, v25, v27;
	vm10 =	veq.s32 v20, $0x1;
	vm11 =	veq.s32 v20, $0x2  }
0x10f: {  	vm14 =	veq.s32 v20, $0x5;
	v29 =	vnsel vm0, $0xFF800000, v29;
	vm1 =	vmand vm8, vm9  }
0x110: {  	vm13 =	vmor vm12, vm3;
	v24 =	vor.u32 v53, v41;
	vm9 =	veq.s32 v20, $0x0  }
0x111: {  	vm12 =	veq.s32 v20, $0x3;
	vm0 =	vmor vm15, vm1;
	v18 =	vnsel vm13, $0xFF800000, v18  }
0x112: {  	vm15 =	vgt.f32 v28, v26;
	vm4 =	vgt.f32 v31, v29;
	v51 =	vnsel vm0, $0xFF800000, v33  }
0x113: {  	vm13 =	veq.s32 v20, $0x4;
	v26 =	vsel vm15, v28, v26;
	vm5 =	vgt.f32 v18, v51  }
0x114: {  	v54 =	vsel vm15, v46, v44;
	v55 =	vsel vm4, v31, v29;
	v18 =	vsel vm5, v18, v51  }
0x115: {  	v56 =	vsel vm4, v48, v47;
	vm6 =	vgt.f32 v26, v25;
	vm7 =	vgt.f32 v18, v55  }
0x116: {  	v23 =	vsel vm5, v50, v49;
	v25 =	vsel vm6, v26, v25;
	v18 =	vsel vm7, v18, v55  }
0x117: {  	v24 =	vsel vm6, v54, v24;
	v22 =	vsel vm7, v23, v56;
	vm8 =	vgt.f32 v18, v25  }
0x118: {  	vm15 =	veq.s32 v20, $0x6;
	v57 =	vsel vm8, v18, v25;
	v22 =	vsel vm8, v22, v24  }
0x119: {  	vm4 =	veq.s32 v20, $0x7;
	v4 =	vsel vm9, v57, v4;
	v17 =	vsel vm9, v22, v17  }
0x11a: {  	v9 =	vsel vm10, v57, v9;
	v12 =	vsel vm10, v22, v12;
	v8 =	vsel vm11, v57, v8  }
0x11b: {  	v13 =	vsel vm11, v22, v13;
	v10 =	vsel vm12, v57, v10;
	v15 =	vsel vm12, v22, v15  }
0x11c: {  	v3 =	vsel vm13, v57, v3;
	v16 =	vsel vm13, v22, v16;
	v2 =	vsel vm14, v57, v2  }
0x11d: {  	v18 =	vsel vm14, v22, v19;
	v5 =	vsel vm15, v57, v5;
	v11 =	vsel vm15, v22, v11  }
0x11e: {  	v0 =	vsel vm4, v57, v0;
	v1 =	vsel vm4, v22, v1;
	vm5 =	vgt.f32 v9, v4  }
0x11f: {  	vm6 =	vgt.f32 v10, v8;
	vm7 =	vgt.f32 v2, v3;
	vm8 =	vgt.f32 v0, v5  }
0x120: {  	v58 =	vsel vm5, v9, v4;
	v60 =	vsel vm5, v12, v17;
	v61 =	vsel vm6, v10, v8  }
0x121: {  	v62 =	vsel vm6, v15, v13;
	v63 =	vsel vm7, v2, v3;
	v6 =	vsel vm8, v0, v5  }
0x122: {  	v7 =	vsel vm7, v18, v16;
	vm9 =	vgt.f32 v61, v58;
	vm10 =	vgt.f32 v6, v63  }
0x123: {  	v32 =	vsel vm8, v1, v11;
	v33 =	vsel vm9, v61, v58;
	v24 =	vsel vm10, v6, v63  }
0x124: {  	v34 =	vsel vm9, v62, v60;
	v35 =	vsel vm10, v32, v7;
	vm11 =	vgt.f32 v24, v33  }
0x125: {  	v37 =	vor.u32 v36, v42;
	v23 =	vsel vm11, v35, v34  }
0x126: {  	v19 =	vor.u32 v59, v37;
	v41 =	vshll.u32 v23, $0x8  }
0x127: {  	v21 =	vor.u32 v40, v21;
	v14 =	vor.u32 v14, v19;
	v19 =	vand.u32 $0x7FFFF800, v41  }
0x128: {  	v22 =	vshrl.u32 v23, $0x3;
	v25 =	vor.u32 v42, v19  }
0x129: {  	v38 =	vshll.u32 v22, $0x4;
	v25 =	vor.u32 v59, v25  }
0x12a: {  	v39 =	vadd.s32 s21, v38;
	v45 =	vor.u32 $0x80, v25  }
0x12b: {  	v43 =	vand.u32 $0xFFFFFF80, v39;
	v48 =	vor.u32 $0x100, v25  }
0x12c: {  	v46 =	vld.idx.msk [tilespmem:v21+s28+$0x0], $0xffff;
	v20 =	vor.u32 v43, v38;
	v50 =	vor.u32 $0x180, v25  }
0x12d: {  	v44 =	vld.idx.msk [tilespmem:v14+s2+$0x0], $0xffff;
	[tilespmem:s3+$0x7000] =	vst v23;
	v20 =	vor.u32 v40, v20  }
0x12e: {  	v52 =	vor.u32 $0x200, v25;
	v49 =	vld.idx.msk [tilespmem:v25+s2+$0x0], $0xffff  }
0x12f: {  	v54 =	vor.u32 $0x280, v25;
	v14 =	vld.idx.msk [tilespmem:v45+s2+$0x0], $0xffff  }
0x130: {  	v56 =	vor.u32 $0x300, v25;
	v51 =	vld.idx.msk [tilespmem:v48+s2+$0x0], $0xffff  }
0x131: {  	v27 =	vld.idx.msk [tilespmem:v50+s2+$0x0], $0xffff  }
0x132: {  	v47 =	vld.idx.msk [tilespmem:v20+s5+$0x0], $0xffff  }
0x133: {  	v30 =	vld.idx.msk [tilespmem:v52+s2+$0x0], $0xffff  }
0x134: {  	v24 =	vsel vm11, v24, v33;
	v53 =	vand.u32 $0xFFFFFFF8, v23;
	v31 =	vld.idx.msk [tilespmem:v54+s2+$0x0], $0xffff  }
0x135: {  	v62 =	vor.u32 $0x7, v23;
	vm13 =	veq.s32 v53, v23;
	v25 =	vor.u32 $0x380, v25;
	v33 =	vld.idx.msk [tilespmem:v56+s2+$0x0], $0xffff  }
0x136: {  	v55 =	vor.u32 $0x2, v53;
	v57 =	vor.u32 $0x3, v53;
	v58 =	vor.u32 $0x4, v53  }
0x137: {  	v60 =	vor.u32 $0x5, v53;
	v61 =	vor.u32 $0x6, v53;
	v26 =	vmul.f32 v49, v47  }
0x138: {  	vm10 =	vgt.u32 v55, v23;
	v14 =	vmul.f32 v14, v47;
	v29 =	vmul.f32 v51, v47  }
0x139: {  	vm6 =	vgt.u32 v58, v23;
	v27 =	vmul.f32 v27, v47;
	v30 =	vmul.f32 v30, v47  }
0x13a: {  	v20 =	vshll.u32 v23, $0x7;
	v25 =	vld.idx.msk [tilespmem:v25+s2+$0x0], $0xffff;
	v31 =	vmul.f32 v31, v47;
	v33 =	vmul.f32 v33, v47  }
0x13b: {  	vm0 =	vlt.f32 v26, v24;
	vm12 =	veq.f32 v14, v24;
	vm14 =	vlt.f32 v14, v24  }
0x13c: {  	vm8 =	vlt.f32 v29, v24;
	vm9 =	veq.f32 v29, v24;
	vm11 =	veq.f32 v27, v24  }
0x13d: {  	vm5 =	veq.f32 v30, v24;
	vm7 =	veq.f32 v31, v24;
	vm1 =	vmand vm12, vm13  }
0x13e: {  	v26 =	vnsel vm0, $0xFF800000, v26;
	vm12 =	vgt.u32 v57, v23;
	vm2 =	vmand vm9, vm10  }
0x13f: {  	vm13 =	vlt.f32 v27, v24;
	vm9 =	vlt.f32 v31, v24;
	v21 =	vmul.f32 v25, v47  }
0x140: {  	vm15 =	vmor vm14, vm1;
	vm4 =	vmand vm11, vm12;
	vm1 =	vmor vm8, vm2  }
0x141: {  	vm8 =	vgt.u32 v60, v23;
	vm11 =	vlt.f32 v33, v24;
	vm12 =	veq.f32 v33, v24  }
0x142: {  	vm14 =	vmor vm13, vm4;
	v14 =	vnsel vm15, $0xFF800000, v14;
	v29 =	vnsel vm1, $0xFF800000, v29  }
0x143: {  	vm15 =	vlt.f32 v30, v24;
	vm1 =	vmand vm5, vm6;
	vm2 =	vmand vm7, vm8  }
0x144: {  	vm13 =	vgt.u32 v61, v23;
	vm6 =	vlt.f32 v21, v24;
	vm4 =	veq.s32 v22, $0x1  }
0x145: {  	vm5 =	veq.s32 v22, $0x2;
	v27 =	vnsel vm14, $0xFF800000, v27;
	vm0 =	vmor vm15, vm1  }
0x146: {  	vm10 =	vmor vm9, vm2;
	vm14 =	veq.f32 v21, v24;
	vm15 =	vne.s32 v62, v23  }
0x147: {  	vm1 =	vmand vm12, vm13;
	vm8 =	vgt.f32 v14, v26;
	v24 =	vimm.s32 $0x0  }
0x148: {  	v30 =	vnsel vm0, $0xFF800000, v30;
	v31 =	vnsel vm10, $0xFF800000, v31;
	vm3 =	vmand vm14, vm15  }
0x149: {  	vm0 =	vmor vm11, vm1;
	v14 =	vsel vm8, v14, v26;
	vm9 =	vgt.f32 v27, v29  }
0x14a: {  	vm15 =	veq.s32 v22, $0x0;
	vm7 =	vmor vm6, vm3;
	v63 =	vnsel vm0, $0xFF800000, v33  }
0x14b: {  	v33 =	vsel vm8, $0x1, v24;
	v38 =	vsel vm9, v27, v29;
	vm10 =	vgt.f32 v31, v30  }
0x14c: {  	v39 =	vsel vm9, v57, v55;
	vm6 =	veq.s32 v22, $0x3;
	v21 =	vnsel vm7, $0xFF800000, v21  }
0x14d: {  	vm8 =	veq.s32 v22, $0x5;
	vm9 =	veq.s32 v22, $0x6;
	vm11 =	vgt.f32 v21, v63  }
0x14e: {  	v24 =	vor.u32 v33, v53;
	v41 =	vsel vm10, v31, v30;
	v21 =	vsel vm11, v21, v63  }
0x14f: {  	v43 =	vsel vm10, v60, v58;
	vm12 =	vgt.f32 v38, v14;
	vm13 =	vgt.f32 v21, v41  }
0x150: {  	v14 =	vsel vm12, v38, v14;
	v25 =	vsel vm11, v62, v61;
	v21 =	vsel vm13, v21, v41  }
0x151: {  	v24 =	vsel vm12, v39, v24;
	v23 =	vsel vm13, v25, v43;
	vm14 =	vgt.f32 v21, v14  }
0x152: {  	vm7 =	veq.s32 v22, $0x4;
	v21 =	vsel vm14, v21, v14;
	v23 =	vsel vm14, v23, v24  }
0x153: {  	vm10 =	veq.s32 v22, $0x7;
	v4 =	vsel vm15, v21, v4;
	v14 =	vsel vm15, v23, v17  }
0x154: {  	v9 =	vsel vm4, v21, v9;
	v12 =	vsel vm4, v23, v12;
	v8 =	vsel vm5, v21, v8  }
0x155: {  	v13 =	vsel vm5, v23, v13;
	v10 =	vsel vm6, v21, v10;
	v15 =	vsel vm6, v23, v15  }
0x156: {  	v3 =	vsel vm7, v21, v3;
	v16 =	vsel vm7, v23, v16;
	v2 =	vsel vm8, v21, v2  }
0x157: {  	v17 =	vsel vm8, v23, v18;
	v5 =	vsel vm9, v21, v5;
	v11 =	vsel vm9, v23, v11  }
0x158: {  	v0 =	vsel vm10, v21, v0;
	v1 =	vsel vm10, v23, v1;
	vm11 =	vgt.f32 v9, v4  }
0x159: {  	[tilespmem:$0x1FEB0] =	vst v46;
	vm12 =	vgt.f32 v10, v8;
	vm13 =	vgt.f32 v2, v3;
	vm14 =	vgt.f32 v0, v5  }
0x15a: {  	[tilespmem:$0x1FEA0] =	vst v44;
	v44 =	vsel vm11, v9, v4;
	v45 =	vsel vm11, v12, v14;
	v46 =	vsel vm12, v10, v8  }
0x15b: {  	v47 =	vsel vm12, v15, v13;
	v48 =	vsel vm13, v2, v3;
	v49 =	vsel vm14, v0, v5  }
0x15c: {  	v50 =	vsel vm13, v17, v16;
	vm15 =	vgt.f32 v46, v44;
	vm4 =	vgt.f32 v49, v48  }
0x15d: {  	v51 =	vsel vm14, v1, v11;
	v18 =	vsel vm15, v46, v44;
	v24 =	vsel vm4, v49, v48  }
0x15e: {  	v21 =	vsel vm15, v47, v45;
	v52 =	vsel vm4, v51, v50;
	vm5 =	vgt.f32 v24, v18  }
0x15f: {  	v53 =	vand.u32 $0x380, v20;
	v25 =	vsel vm5, v52, v21  }
0x160: {  	v54 =	vor.u32 v53, v42;
	v58 =	vshll.u32 v25, $0x8  }
0x161: {  	v57 =	vor.u32 v40, v20;
	v21 =	vor.u32 v59, v54;
	v20 =	vand.u32 $0x7FFFF800, v58  }
0x162: {  	v22 =	vshrl.u32 v25, $0x3;
	v19 =	vor.u32 v19, v21;
	v60 =	vor.u32 v42, v20  }
0x163: {  	v55 =	vshll.u32 v22, $0x4;
	v23 =	vor.u32 v59, v60  }
0x164: {  	v56 =	vadd.s32 s21, v55;
	v62 =	vor.u32 $0x80, v23  }
0x165: {  	v21 =	vand.u32 $0xFFFFFF80, v56;
	v36 =	vor.u32 $0x100, v23  }
0x166: {  	v63 =	vld.idx.msk [tilespmem:v57+s28+$0x0], $0xffff;
	v21 =	vor.u32 v21, v55;
	v38 =	vor.u32 $0x180, v23  }
0x167: {  	v21 =	vor.u32 v40, v21;
	v61 =	vld.idx.msk [tilespmem:v19+s2+$0x0], $0xffff;
	[tilespmem:s23+$0x7100] =	vst v25  }
0x168: {  	v41 =	vor.u32 $0x200, v23;
	v37 =	vld.idx.msk [tilespmem:v23+s2+$0x0], $0xffff  }
0x169: {  	v47 =	vor.u32 $0x280, v23;
	v19 =	vld.idx.msk [tilespmem:v62+s2+$0x0], $0xffff  }
0x16a: {  	v49 =	vor.u32 $0x300, v23;
	v39 =	vld.idx.msk [tilespmem:v36+s2+$0x0], $0xffff  }
0x16b: {  	v44 =	vld.idx.msk [tilespmem:v38+s2+$0x0], $0xffff  }
0x16c: {  	v7 =	vld.idx.msk [tilespmem:v21+s5+$0x0], $0xffff  }
0x16d: {  	v30 =	vld.idx.msk [tilespmem:v41+s2+$0x0], $0xffff  }
0x16e: {  	v18 =	vsel vm5, v24, v18;
	v45 =	vshll.u32 v25, $0x7;
	v46 =	vand.u32 $0xFFFFFFF8, v25;
	v31 =	vld.idx.msk [tilespmem:v47+s2+$0x0], $0xffff  }
0x16f: {  	v54 =	vor.u32 $0x7, v25;
	vm7 =	veq.s32 v46, v25;
	v48 =	vor.u32 $0x2, v46;
	v33 =	vld.idx.msk [tilespmem:v49+s2+$0x0], $0xffff  }
0x170: {  	v50 =	vor.u32 $0x3, v46;
	v51 =	vor.u32 $0x4, v46;
	v23 =	vor.u32 $0x380, v23  }
0x171: {  	v52 =	vor.u32 $0x5, v46;
	v53 =	vor.u32 $0x6, v46;
	v43 =	vmul.f32 v37, v7  }
0x172: {  	vm12 =	vgt.u32 v48, v25;
	v19 =	vmul.f32 v19, v7;
	v29 =	vmul.f32 v39, v7  }
0x173: {  	vm14 =	vgt.u32 v50, v25;
	v27 =	vmul.f32 v44, v7;
	v30 =	vmul.f32 v30, v7  }
0x174: {  	v56 =	vimm.s32 $0x0;
	v31 =	vmul.f32 v31, v7;
	v33 =	vmul.f32 v33, v7  }
0x175: {  	v23 =	vld.idx.msk [tilespmem:v23+s2+$0x0], $0xffff;
	v37 =	vand.u32 $0x380, v45;
	vm0 =	vlt.f32 v43, v18;
	vm6 =	veq.f32 v19, v18  }
0x176: {  	vm8 =	vlt.f32 v19, v18;
	vm10 =	vlt.f32 v29, v18;
	vm11 =	veq.f32 v29, v18  }
0x177: {  	vm13 =	veq.f32 v27, v18;
	vm15 =	vlt.f32 v27, v18;
	vm1 =	vmand vm6, vm7  }
0x178: {  	v24 =	vnsel vm0, $0xFF800000, v43;
	vm2 =	vmand vm11, vm12;
	vm4 =	vmand vm13, vm14  }
0x179: {  	vm11 =	veq.f32 v31, v18;
	vm12 =	vgt.u32 v52, v25;
	vm13 =	vlt.f32 v31, v18  }
0x17a: {  	v23 =	vmul.f32 v23, v7;
	vm9 =	vmor vm8, vm1;
	vm1 =	vmor vm10, vm2  }
0x17b: {  	vm7 =	vmor vm15, vm4;
	vm8 =	vlt.f32 v30, v18;
	vm10 =	vgt.u32 v51, v25  }
0x17c: {  	vm2 =	vmand vm11, vm12;
	vm15 =	vlt.f32 v33, v18;
	vm11 =	vne.s32 v54, v25  }
0x17d: {  	v19 =	vnsel vm9, $0xFF800000, v19;
	v29 =	vnsel vm1, $0xFF800000, v29;
	v27 =	vnsel vm7, $0xFF800000, v27  }
0x17e: {  	vm9 =	veq.f32 v30, v18;
	vm14 =	vmor vm13, vm2;
	vm12 =	vlt.f32 v23, v18  }
0x17f: {  	vm1 =	vmand vm9, vm10;
	v31 =	vnsel vm14, $0xFF800000, v31;
	vm9 =	vgt.u32 v53, v25  }
0x180: {  	vm10 =	veq.f32 v23, v18;
	vm14 =	vgt.f32 v19, v24;
	vm0 =	vmor vm8, vm1  }
0x181: {  	vm8 =	veq.f32 v33, v18;
	vm3 =	vmand vm10, vm11;
	v57 =	vsel vm14, $0x1, v56  }
0x182: {  	v19 =	vsel vm14, v19, v24;
	vm10 =	veq.s32 v22, $0x1;
	vm11 =	veq.s32 v22, $0x2  }
0x183: {  	vm14 =	veq.s32 v22, $0x5;
	v30 =	vnsel vm0, $0xFF800000, v30;
	vm1 =	vmand vm8, vm9  }
0x184: {  	vm13 =	vmor vm12, vm3;
	v58 =	vor.u32 v57, v46;
	vm9 =	veq.s32 v22, $0x0  }
0x185: {  	vm12 =	veq.s32 v22, $0x3;
	vm0 =	vmor vm15, vm1;
	v23 =	vnsel vm13, $0xFF800000, v23  }
0x186: {  	vm15 =	vgt.f32 v27, v29;
	vm4 =	vgt.f32 v31, v30;
	v55 =	vnsel vm0, $0xFF800000, v33  }
0x187: {  	vm13 =	veq.s32 v22, $0x4;
	v60 =	vsel vm15, v27, v29;
	vm5 =	vgt.f32 v23, v55  }
0x188: {  	[tilespmem:$0x1FEC0] =	vst v61;
	v61 =	vsel vm15, v50, v48;
	v62 =	vsel vm4, v31, v30;
	v18 =	vsel vm5, v23, v55  }
0x189: {  	[tilespmem:$0x1FED0] =	vst v63;
	v63 =	vsel vm4, v52, v51;
	vm6 =	vgt.f32 v60, v19;
	vm7 =	vgt.f32 v18, v62  }
0x18a: {  	v26 =	vsel vm5, v54, v53;
	v19 =	vsel vm6, v60, v19;
	v18 =	vsel vm7, v18, v62  }
0x18b: {  	v24 =	vsel vm6, v61, v58;
	v23 =	vsel vm7, v26, v63;
	vm8 =	vgt.f32 v18, v19  }
0x18c: {  	vm15 =	veq.s32 v22, $0x6;
	v19 =	vsel vm8, v18, v19;
	v23 =	vsel vm8, v23, v24  }
0x18d: {  	vm4 =	veq.s32 v22, $0x7;
	v4 =	vsel vm9, v19, v4;
	v14 =	vsel vm9, v23, v14  }
0x18e: {  	v9 =	vsel vm10, v19, v9;
	v12 =	vsel vm10, v23, v12;
	v8 =	vsel vm11, v19, v8  }
0x18f: {  	v18 =	vsel vm11, v23, v13;
	v10 =	vsel vm12, v19, v10;
	v15 =	vsel vm12, v23, v15  }
0x190: {  	v3 =	vsel vm13, v19, v3;
	v16 =	vsel vm13, v23, v16;
	v2 =	vsel vm14, v19, v2  }
0x191: {  	v17 =	vsel vm14, v23, v17;
	v5 =	vsel vm15, v19, v5;
	v11 =	vsel vm15, v23, v11  }
0x192: {  	v0 =	vsel vm4, v19, v0;
	v19 =	vsel vm4, v23, v1;
	vm5 =	vgt.f32 v9, v4  }
0x193: {  	vm6 =	vgt.f32 v10, v8;
	vm7 =	vgt.f32 v2, v3;
	vm8 =	vgt.f32 v0, v5  }
0x194: {  	v6 =	vsel vm5, v9, v4;
	v7 =	vsel vm5, v12, v14;
	v30 =	vsel vm6, v10, v8  }
0x195: {  	v31 =	vsel vm6, v15, v18;
	v32 =	vsel vm7, v2, v3;
	v33 =	vsel vm8, v0, v5  }
0x196: {  	v34 =	vsel vm7, v17, v16;
	vm9 =	vgt.f32 v30, v6;
	vm10 =	vgt.f32 v33, v32  }
0x197: {  	v35 =	vsel vm8, v19, v11;
	v1 =	vsel vm9, v30, v6;
	v24 =	vsel vm10, v33, v32  }
0x198: {  	v13 =	vsel vm9, v31, v7;
	v36 =	vsel vm10, v35, v34;
	vm11 =	vgt.f32 v24, v1  }
0x199: {  	v23 =	vor.u32 v37, v42;
	v13 =	vsel vm11, v36, v13  }
0x19a: {  	v23 =	vor.u32 v59, v23;
	v41 =	vshll.u32 v13, $0x8  }
0x19b: {  	v21 =	vor.u32 v40, v45;
	v23 =	vor.u32 v20, v23;
	v20 =	vand.u32 $0x7FFFF800, v41  }
0x19c: {  	v22 =	vshrl.u32 v13, $0x3;
	v26 =	vor.u32 v42, v20  }
0x19d: {  	v38 =	vshll.u32 v22, $0x4;
	v26 =	vor.u32 v59, v26  }
0x19e: {  	v39 =	vadd.s32 s21, v38;
	v45 =	vor.u32 $0x80, v26  }
0x19f: {  	v43 =	vand.u32 $0xFFFFFF80, v39;
	v50 =	vor.u32 $0x180, v26  }
0x1a0: {  	v46 =	vld.idx.msk [tilespmem:v21+s28+$0x0], $0xffff;
	v25 =	vor.u32 v43, v38;
	v51 =	vor.u32 $0x200, v26  }
0x1a1: {  	v44 =	vld.idx.msk [tilespmem:v23+s2+$0x0], $0xffff;
	[tilespmem:s11+$0x7000] =	vst v13;
	v25 =	vor.u32 v40, v25  }
0x1a2: {  	v48 =	vor.u32 $0x100, v26;
	v49 =	vld.idx.msk [tilespmem:v26+s2+$0x0], $0xffff  }
0x1a3: {  	v55 =	vor.u32 $0x280, v26;
	v23 =	vld.idx.msk [tilespmem:v45+s2+$0x0], $0xffff  }
0x1a4: {  	v57 =	vor.u32 $0x300, v26;
	v53 =	vld.idx.msk [tilespmem:v50+s2+$0x0], $0xffff  }
0x1a5: {  	v30 =	vld.idx.msk [tilespmem:v51+s2+$0x0], $0xffff  }
0x1a6: {  	v47 =	vld.idx.msk [tilespmem:v25+s5+$0x0], $0xffff  }
0x1a7: {  	v1 =	vsel vm11, v24, v1;
	v54 =	vand.u32 $0xFFFFFFF8, v13;
	v25 =	vld.idx.msk [tilespmem:v48+s2+$0x0], $0xffff  }
0x1a8: {  	v29 =	vshll.u32 v13, $0x7;
	v63 =	vor.u32 $0x7, v13;
	vm13 =	veq.s32 v54, v13;
	v31 =	vld.idx.msk [tilespmem:v55+s2+$0x0], $0xffff  }
0x1a9: {  	v56 =	vor.u32 $0x2, v54;
	v58 =	vor.u32 $0x3, v54;
	v26 =	vor.u32 $0x380, v26;
	v33 =	vld.idx.msk [tilespmem:v57+s2+$0x0], $0xffff  }
0x1aa: {  	v60 =	vor.u32 $0x4, v54;
	v61 =	vor.u32 $0x5, v54;
	v62 =	vor.u32 $0x6, v54  }
0x1ab: {  	v41 =	vimm.s32 $0x0;
	v52 =	vmul.f32 v49, v47;
	v23 =	vmul.f32 v23, v47  }
0x1ac: {  	vm10 =	vgt.u32 v56, v13;
	v25 =	vmul.f32 v25, v47;
	v27 =	vmul.f32 v53, v47  }
0x1ad: {  	vm6 =	vgt.u32 v60, v13;
	v30 =	vmul.f32 v30, v47;
	v31 =	vmul.f32 v31, v47  }
0x1ae: {  	v26 =	vld.idx.msk [tilespmem:v26+s2+$0x0], $0xffff;
	v33 =	vmul.f32 v33, v47;
	vm0 =	vlt.f32 v52, v1;
	vm12 =	veq.f32 v23, v1  }
0x1af: {  	vm14 =	vlt.f32 v23, v1;
	vm8 =	vlt.f32 v25, v1;
	vm9 =	veq.f32 v25, v1  }
0x1b0: {  	vm11 =	veq.f32 v27, v1;
	vm5 =	veq.f32 v30, v1;
	vm7 =	veq.f32 v31, v1  }
0x1b1: {  	vm1 =	vmand vm12, vm13;
	v24 =	vnsel vm0, $0xFF800000, v52;
	vm12 =	vgt.u32 v58, v13  }
0x1b2: {  	vm2 =	vmand vm9, vm10;
	vm13 =	vlt.f32 v27, v1;
	vm9 =	vlt.f32 v31, v1  }
0x1b3: {  	v21 =	vmul.f32 v26, v47;
	vm15 =	vmor vm14, vm1;
	vm4 =	vmand vm11, vm12  }
0x1b4: {  	vm1 =	vmor vm8, vm2;
	vm8 =	vgt.u32 v61, v13;
	vm11 =	vlt.f32 v33, v1  }
0x1b5: {  	vm12 =	veq.f32 v33, v1;
	vm14 =	vmor vm13, vm4;
	v23 =	vnsel vm15, $0xFF800000, v23  }
0x1b6: {  	v25 =	vnsel vm1, $0xFF800000, v25;
	vm15 =	vlt.f32 v30, v1;
	vm1 =	vmand vm5, vm6  }
0x1b7: {  	vm2 =	vmand vm7, vm8;
	vm13 =	vgt.u32 v62, v13;
	vm8 =	vlt.f32 v21, v1  }
0x1b8: {  	vm5 =	veq.s32 v22, $0x0;
	vm6 =	veq.s32 v22, $0x1;
	vm7 =	veq.s32 v22, $0x2  }
0x1b9: {  	v27 =	vnsel vm14, $0xFF800000, v27;
	vm0 =	vmor vm15, vm1;
	vm10 =	vmor vm9, vm2  }
0x1ba: {  	vm14 =	veq.f32 v21, v1;
	vm15 =	vne.s32 v63, v13;
	vm1 =	vmand vm12, vm13  }
0x1bb: {  	v30 =	vnsel vm0, $0xFF800000, v30;
	v31 =	vnsel vm10, $0xFF800000, v31;
	vm3 =	vmand vm14, vm15  }
0x1bc: {  	vm0 =	vmor vm11, vm1;
	vm10 =	vgt.f32 v23, v24;
	vm11 =	vgt.f32 v27, v25  }
0x1bd: {  	vm9 =	vmor vm8, vm3;
	v38 =	vnsel vm0, $0xFF800000, v33;
	v43 =	vsel vm10, $0x1, v41  }
0x1be: {  	[tilespmem:$0x1FEE0] =	vst v44;
	v23 =	vsel vm10, v23, v24;
	v44 =	vsel vm11, v27, v25;
	vm12 =	vgt.f32 v31, v30  }
0x1bf: {  	v45 =	vsel vm11, v58, v56;
	vm8 =	veq.s32 v22, $0x3;
	v39 =	vnsel vm9, $0xFF800000, v21  }
0x1c0: {  	vm10 =	veq.s32 v22, $0x5;
	vm11 =	veq.s32 v22, $0x6;
	vm13 =	vgt.f32 v39, v38  }
0x1c1: {  	[tilespmem:$0x1FEF0] =	vst v46;
	v21 =	vor.u32 v43, v54;
	v46 =	vsel vm12, v31, v30;
	v1 =	vsel vm13, v39, v38  }
0x1c2: {  	v47 =	vsel vm12, v61, v60;
	vm14 =	vgt.f32 v44, v23;
	vm15 =	vgt.f32 v1, v46  }
0x1c3: {  	v23 =	vsel vm14, v44, v23;
	v26 =	vsel vm13, v63, v62;
	v1 =	vsel vm15, v1, v46  }
0x1c4: {  	v21 =	vsel vm14, v45, v21;
	v13 =	vsel vm15, v26, v47;
	vm4 =	vgt.f32 v1, v23  }
0x1c5: {  	vm9 =	veq.s32 v22, $0x4;
	v27 =	vsel vm4, v1, v23;
	v21 =	vsel vm4, v13, v21  }
0x1c6: {  	vm12 =	veq.s32 v22, $0x7;
	v24 =	vsel vm5, v27, v4;
	v48 =	vsel vm5, v21, v14  }
0x1c7: {  	v28 =	vsel vm6, v27, v9;
	v49 =	vsel vm6, v21, v12;
	v34 =	vsel vm7, v27, v8  }
0x1c8: {  	v50 =	vsel vm7, v21, v18;
	v41 =	vsel vm8, v27, v10;
	v13 =	vsel vm8, v21, v15  }
0x1c9: {  	v33 =	vsel vm9, v27, v3;
	v51 =	vsel vm9, v21, v16;
	v52 =	vsel vm10, v27, v2  }
0x1ca: {  	v53 =	vsel vm10, v21, v17;
	v54 =	vsel vm11, v27, v5;
	v55 =	vsel vm11, v21, v11  }
0x1cb: {  	v56 =	vsel vm12, v27, v0;
	v57 =	vsel vm12, v21, v19;
	vm13 =	vgt.f32 v28, v24  }
0x1cc: {  	vm14 =	vgt.f32 v41, v34;
	vm15 =	vgt.f32 v52, v33;
	vm4 =	vgt.f32 v56, v54  }
0x1cd: {  	v58 =	vsel vm13, v28, v24;
	v60 =	vsel vm13, v49, v48;
	v61 =	vsel vm14, v41, v34  }
0x1ce: {  	[tilespmem:$0x1FD80] =	vst v13;
	v62 =	vsel vm14, v13, v50;
	v63 =	vsel vm15, v52, v33;
	v13 =	vsel vm4, v56, v54  }
0x1cf: {  	v14 =	vsel vm15, v53, v51;
	vm5 =	vgt.f32 v61, v58;
	vm6 =	vgt.f32 v13, v63  }
0x1d0: {  	v15 =	vsel vm4, v57, v55;
	v0 =	vsel vm5, v61, v58;
	v16 =	vsel vm6, v13, v63  }
0x1d1: {  	v2 =	vsel vm5, v62, v60;
	v17 =	vsel vm6, v15, v14;
	vm7 =	vgt.f32 v16, v0  }
0x1d2: {  	v18 =	vand.u32 $0x380, v29;
	v21 =	vsel vm7, v17, v2  }
0x1d3: {  	v19 =	vor.u32 v18, v42;
	v25 =	vshll.u32 v21, $0x8  }
0x1d4: {  	v29 =	vor.u32 v40, v29;
	v2 =	vor.u32 v59, v19;
	v30 =	vand.u32 $0x7FFFF800, v25  }
0x1d5: {  	v27 =	vshrl.u32 v21, $0x3;
	v2 =	vor.u32 v20, v2;
	v32 =	vor.u32 v42, v30  }
0x1d6: {  	[tilespmem:$0x1FD70] =	vst v50;
	v22 =	vshll.u32 v27, $0x4;
	v50 =	vor.u32 v59, v32  }
0x1d7: {  	v26 =	vadd.s32 s21, v22;
	v5 =	vor.u32 $0x80, v50  }
0x1d8: {  	v31 =	vand.u32 $0xFFFFFF80, v26;
	v37 =	vor.u32 $0x100, v50  }
0x1d9: {  	v36 =	vld.idx.msk [tilespmem:v29+s28+$0x0], $0xffff;
	v4 =	vor.u32 v31, v22;
	v43 =	vor.u32 $0x200, v50  }
0x1da: {  	v4 =	vor.u32 v40, v4;
	v35 =	vld.idx.msk [tilespmem:v2+s2+$0x0], $0xffff;
	[tilespmem:s23+$0x7200] =	vst v21  }
0x1db: {  	v40 =	vor.u32 $0x180, v50;
	v39 =	vld.idx.msk [tilespmem:v50+s2+$0x0], $0xffff  }
0x1dc: {  	[tilespmem:$0x1FDB0] =	vst v53;
	v53 =	vor.u32 $0x280, v50;
	v38 =	vld.idx.msk [tilespmem:v5+s2+$0x0], $0xffff  }
0x1dd: {  	[tilespmem:$0x1FDE0] =	vst v56;
	v56 =	vor.u32 $0x300, v50;
	v2 =	vld.idx.msk [tilespmem:v37+s2+$0x0], $0xffff  }
0x1de: {  	[tilespmem:$0x1FDC0] =	vst v54;
	v54 =	vld.idx.msk [tilespmem:v43+s2+$0x0], $0xffff  }
0x1df: {  	v46 =	vld.idx.msk [tilespmem:v4+s5+$0x0], $0xffff  }
0x1e0: {  	[tilespmem:$0x1FDA0] =	vst v52;
	v52 =	vld.idx.msk [tilespmem:v40+s2+$0x0], $0xffff  }
0x1e1: {  	[tilespmem:$0x1FDD0] =	vst v55;
	v17 =	vand.u32 $0xFFFFFFF8, v21;
	v55 =	vld.idx.msk [tilespmem:v53+s2+$0x0], $0xffff  }
0x1e2: {  	v45 =	vsel vm7, v16, v0;
	[tilespmem:$0x1FF10] =	vst v36;
	v36 =	vor.u32 $0x2, v17;
	v58 =	vld.idx.msk [tilespmem:v56+s2+$0x0], $0xffff  }
0x1e3: {  	v19 =	vimm.s32 $0x0;
	vm8 =	veq.s32 v17, v21;
	vm13 =	vgt.u32 v36, v21  }
0x1e4: {  	[tilespmem:$0x1FD90] =	vst v51;
	v37 =	vor.u32 $0x4, v17;
	v4 =	vmul.f32 v38, v46;
	v51 =	vmul.f32 v39, v46  }
0x1e5: {  	s8 =	sadd.s32 $0x10, s8;
	v40 =	vor.u32 $0x6, v17;
	v2 =	vmul.f32 v2, v46;
	v3 =	vmul.f32 v52, v46  }
0x1e6: {  	s11 =	sor.u32 $0x180, s8;
	[tilespmem:$0x1FDF0] =	vst v57;
	v39 =	vor.u32 $0x3, v17;
	v0 =	vmul.f32 v54, v46;
	v57 =	vmul.f32 v55, v46  }
0x1e7: {  	s29 =	sor.u32 $0x80, s8;
	s3 =	sand.u32 $0x7, s6;
	[smem:$0x7FD] =	sst s11;
	[tilespmem:$0x1FD60] =	vst v49;
	v38 =	vor.u32 $0x5, v17;
	v49 =	vmul.f32 v58, v46;
	vm15 =	vgt.u32 v39, v21  }
0x1e8: {  	v63 =	vld [tilespmem:s11+$0x0];
	s11 =	sor.u32 $0x280, s8;
	s8 =	rddreg [dreg:$0x14];
	s5 =	sshll.u32 s3, $0x4;
	vm0 =	veq.f32 v4, v45;
	vm9 =	vlt.f32 v4, v45;
	vm10 =	vlt.f32 v51, v45  }
0x1e9: {  	s9 =	sadd.s32 $0x10, s22;
	[dreg:$0x11] =	wrdreg s11;
	s5 =	sadd.s32 s5, s4;
	vm11 =	vlt.f32 v2, v45;
	vm12 =	veq.f32 v2, v45;
	vm14 =	veq.f32 v3, v45  }
0x1ea: {  	s10 =	sand.u32 $0x70, s9;
	v15 =	vld [tilespmem:s11+$0x0];
	s11 =	sor.u32 $0x300, s5;
	s5 =	rddreg [dreg:$0x1a];
	vm6 =	vlt.f32 v3, v45;
	vm0 =	vmand vm0, vm8;
	v47 =	vnsel vm10, $0xFF800000, v51  }
0x1eb: {  	s3 =	sor.u32 s10, s8;
	s8 =	sor.u32 s10, s5;
	vm1 =	vmand vm12, vm13;
	vm3 =	vmand vm14, vm15;
	vm8 =	veq.f32 v0, v45  }
0x1ec: {  	s30 =	sor.u32 s30, s10;
	v22 =	vld [tilespmem:s8+$0x0];
	vm10 =	vlt.f32 v0, v45;
	vm12 =	veq.f32 v57, v45;
	vm13 =	vgt.u32 v38, v21  }
0x1ed: {  	v51 =	vld [tilespmem:s30+$0x0];
	vm0 =	vmor vm9, vm0;
	vm7 =	vmor vm6, vm3;
	vm9 =	vgt.u32 v37, v21  }
0x1ee: {  	[tilespmem:$0x1FD50] =	vst v48;
	v52 =	vld [tilespmem:s3+$0x0];
	vm3 =	vmand vm12, vm13;
	vm12 =	vgt.u32 v40, v21;
	v48 =	vnsel vm0, $0xFF800000, v4  }
0x1ef: {  	v60 =	vld [tilespmem:s29+$0x0];
	[tilespmem:$0x1FE00] =	vst v30;
	vm0 =	vmor vm11, vm1;
	v30 =	vnsel vm7, $0xFF800000, v3;
	vm11 =	vlt.f32 v57, v45  }
0x1f0: {  	v31 =	vnsel vm0, $0xFF800000, v2;
	vm0 =	vmand vm8, vm9;
	vm1 =	vmor vm11, vm3  }
0x1f1: {  	vm9 =	vlt.f32 v49, v45;
	vm11 =	veq.f32 v49, v45;
	vm0 =	vmor vm10, vm0  }
0x1f2: {  	v61 =	vld [tilespmem:s30+$0x100];
	v44 =	vnsel vm1, $0xFF800000, v57;
	vm14 =	vlt.f32 v51, $-Inf;
	vm15 =	vgt.f32 v51, $-Inf  }
0x1f3: {  	vm3 =	vmand vm11, vm12;
	v57 =	vmax.f32 v52, v22;
	vm7 =	vmor vm15, vm14  }
0x1f4: {  	v43 =	vnsel vm0, $0xFF800000, v0;
	v12 =	vmax.f32 v51, v60;
	v62 =	vnsel vm7, $0xFF800000, v51  }
0x1f5: {  	vm1 =	vmor vm9, vm3;
	v3 =	vsel vm7, v60, v12;
	vm8 =	vgt.f32 v60, v62  }
0x1f6: {  	vm7 =	vlt.f32 v52, $-Inf;
	v4 =	vsel vm8, v60, v62;
	v0 =	vsel vm8, v62, v3  }
0x1f7: {  	v13 =	vld [tilespmem:s30+$0x200];
	s5 =	rddreg [dreg:$0x17];
	s3 =	sor.u32 s9, s21;
	v20 =	vsel vm8, $0x1, v19;
	vm8 =	vgt.f32 v52, $-Inf;
	vm10 =	vgt.f32 v61, v4  }
0x1f8: {  	v16 =	vld [tilespmem:s11+$0x0];
	s8 =	sor.u32 $0x380, s3;
	s3 =	sor.u32 s10, s5;
	s5 =	rddreg [dreg:$0x18];
	v0 =	vmax.f32 v0, v61;
	vm9 =	vmor vm8, vm7;
	v14 =	vsel vm10, v61, v4  }
0x1f9: {  	v32 =	vld [tilespmem:s3+$0x0];
	s3 =	sor.u32 s10, s5;
	s5 =	rddreg [dreg:$0x19];
	v0 =	vsel vm10, v4, v0;
	v3 =	vsel vm10, $0x2, v20;
	v56 =	vnsel vm9, $0xFF800000, v52  }
0x1fa: {  	[tilespmem:$0x1FF00] =	vst v35;
	v35 =	vld [tilespmem:s3+$0x0];
	s3 =	sor.u32 s10, s5;
	s5 =	rddreg [dreg:$0x1c];
	v58 =	vsel vm9, v22, v57;
	vm13 =	vgt.f32 v63, v14;
	v0 =	vmax.f32 v0, v63  }
0x1fb: {  	v60 =	vld [tilespmem:s3+$0x0];
	s3 =	sor.u32 s10, s5;
	s5 =	rddreg [dreg:$0x15];
	vm10 =	vgt.f32 v22, v56;
	v2 =	vsel vm13, v63, v14;
	v0 =	vsel vm13, v14, v0  }
0x1fc: {  	v54 =	vld [tilespmem:s3+$0x0];
	s3 =	sor.u32 s10, s5;
	s5 =	sld [smem:$0x7E2];
	v25 =	vsel vm13, $0x3, v3;
	vm14 =	vgt.f32 v13, v2;
	v0 =	vmax.f32 v0, v13  }
0x1fd: {  	v3 =	vsel vm10, v56, v58;
	v8 =	vsel vm14, v13, v2;
	v0 =	vsel vm14, v2, v0  }
0x1fe: {  	v29 =	vld [tilespmem:s8+$0x0];
	v9 =	vsel vm10, v22, v56;
	vm15 =	vgt.f32 v15, v8;
	v0 =	vmax.f32 v0, v15  }
0x1ff: {  	v63 =	vld [tilespmem:s3+$0x0];
	s3 =	sor.u32 s10, s5;
	s5 =	rddreg [dreg:$0x13];
	vm12 =	vgt.f32 v32, v9;
	v26 =	vsel vm15, v15, v8;
	v0 =	vsel vm15, v8, v0  }
0x200: {  	v2 =	vsel vm14, $0x4, v25;
	v25 =	vld [tilespmem:s3+$0x0];
	s3 =	sor.u32 s10, s5;
	s5 =	rddreg [dreg:$0x1d];
	vm6 =	vgt.f32 v16, v26;
	v0 =	vmax.f32 v0, v16  }
0x201: {  	v61 =	vmax.f32 v3, v32;
	v0 =	vsel vm6, v26, v0;
	v4 =	vsel vm6, v16, v26;
	v26 =	vld [tilespmem:s3+$0x0];
	s3 =	sor.u32 s10, s5;
	s5 =	sld [smem:$0x7E3]  }
0x202: {  	v62 =	vsel vm12, v9, v61  }
0x203: {  	v8 =	vsel vm12, v32, v9;
	vm11 =	vgt.f32 v29, v4;
	v0 =	vmax.f32 v0, v29  }
0x204: {  	vm13 =	vgt.f32 v35, v8;
	v32 =	vld [tilespmem:s3+$0x0];
	v19 =	vsel vm11, v4, v0;
	v0 =	vmax.f32 v62, v35;
	s3 =	sor.u32 s10, s5;
	s5 =	rddreg [dreg:$0x12]  }
0x205: {  	v0 =	vsel vm13, v8, v0;
	v8 =	vsel vm13, v35, v8;
	v53 =	vld [tilespmem:s3+$0x0];
	s3 =	sor.u32 s10, s5;
	s5 =	rddreg [dreg:$0x1e]  }
0x206: {  	vm0 =	vgt.f32 v60, v8;
	v61 =	vld [tilespmem:s3+$0x0];
	s3 =	sor.u32 s10, s5;
	s5 =	sld [smem:$0x7E4]  }
0x207: {  	v2 =	vsel vm15, $0x5, v2;
	v0 =	vmax.f32 v0, v60;
	v35 =	vsel vm0, v60, v8  }
0x208: {  	v2 =	vsel vm6, $0x6, v2;
	v0 =	vsel vm0, v8, v0;
	vm6 =	vgt.f32 v63, v35  }
0x209: {  	v0 =	vmax.f32 v0, v63;
	v5 =	vsel vm6, v63, v35;
	v63 =	vld [tilespmem:s3+$0x0];
	s3 =	sor.u32 s10, s5;
	s5 =	sld [smem:$0x7E5]  }
0x20a: {  	v18 =	vimm.s32 $0x0;
	vm14 =	vlt.f32 v54, $-Inf;
	vm15 =	vgt.f32 v54, $-Inf  }
0x20b: {  	v1 =	vsel vm1, $0xFFFFFFFF, v18;
	v20 =	vimm.s32 $0x0;
	vm1 =	vmor vm15, vm14  }
0x20c: {  	v22 =	vsel vm9, $0x8, v20;
	v62 =	vmax.f32 v54, v25;
	v60 =	vnsel vm1, $0xFF800000, v54;
	v20 =	vld [tilespmem:s3+$0x0];
	s3 =	sor.u32 s10, s5;
	s5 =	rddreg [dreg:$0x1f]  }
0x20d: {  	v11 =	vsel vm1, v25, v62;
	vm4 =	vgt.f32 v25, v60;
	v56 =	vld [tilespmem:s3+$0x0];
	s3 =	sor.u32 s10, s5;
	s5 =	sld [smem:$0x7E6]  }
0x20e: {  	v10 =	vsel vm4, v25, v60;
	v11 =	vsel vm4, v60, v11  }
0x20f: {  	vm8 =	vgt.f32 v32, v10;
	v11 =	vmax.f32 v11, v32  }
0x210: {  	v55 =	vsel vm11, v29, v4;
	v4 =	vsel vm8, v32, v10;
	v10 =	vsel vm8, v10, v11;
	v11 =	vld [tilespmem:s3+$0x0];
	s3 =	sor.u32 s10, s5;
	s5 =	sld [smem:$0x7E7];
	_ =	sdelay $0x2  }
0x211: {  	v25 =	vld [tilespmem:s3+$0x0];
	s3 =	sor.u32 s10, s5;
	s5 =	sld [smem:$0x7E8];
	_ =	sdelay $0x1  }
0x212: {  	v18 =	vsel vm11, $0x7, v2;
	v2 =	vsel vm10, $0x9, v22  }
0x213: {  	v2 =	vsel vm12, $0xA, v2;
	v32 =	vld [tilespmem:s3+$0x0];
	s3 =	sor.u32 s10, s5;
	s5 =	sld [smem:$0x7E9]  }
0x214: {  	v2 =	vsel vm13, $0xB, v2  }
0x215: {  	v0 =	vsel vm6, v35, v0;
	vm9 =	vgt.f32 v26, v5;
	vm5 =	vgt.f32 v53, v4  }
0x216: {  	v0 =	vmax.f32 v0, v26;
	v10 =	vmax.f32 v10, v53;
	v22 =	vsel vm5, v53, v4;
	v53 =	vld [tilespmem:s3+$0x0];
	s3 =	sor.u32 s10, s5;
	s5 =	rddreg [dreg:$0x16]  }
0x217: {  	v0 =	vsel vm9, v5, v0;
	v4 =	vsel vm5, v4, v10;
	vm11 =	vgt.f32 v63, v22;
	v62 =	vld [tilespmem:s3+$0x0];
	s3 =	sor.u32 s10, s5  }
0x218: {  	v5 =	vsel vm9, v26, v5;
	v26 =	vmax.f32 v4, v63;
	v29 =	vsel vm11, v63, v22;
	v63 =	vld [tilespmem:s3+$0x0];
	s3 =	sld [smem:$0x7EA]  }
0x219: {  	v2 =	vsel vm0, $0xC, v2;
	vm10 =	vgt.f32 v61, v5;
	v0 =	vmax.f32 v0, v61  }
0x21a: {  	s0 =	sor.u32 s10, s0;
	v15 =	vsel vm10, v5, v0;
	v0 =	vsel vm11, v22, v26;
	vm13 =	vgt.f32 v20, v29  }
0x21b: {  	v58 =	vld [tilespmem:s0+$0x0];
	v0 =	vmax.f32 v0, v20;
	vm7 =	vlt.f32 v56, $-Inf;
	vm12 =	vgt.f32 v56, $-Inf;
	s0 =	sor.u32 s10, s3;
	s3 =	sld [smem:$0x7EB]  }
0x21c: {  	v57 =	vsel vm10, v61, v5;
	v0 =	vsel vm13, v29, v0;
	vm3 =	vmor vm12, vm7  }
0x21d: {  	v4 =	vsel vm13, v20, v29;
	v60 =	vnsel vm3, $0xFF800000, v56;
	v61 =	vmax.f32 v56, v25  }
0x21e: {  	vm12 =	vgt.f32 v11, v4;
	vm7 =	vgt.f32 v25, v60;
	v14 =	vsel vm3, v25, v61;
	v22 =	vld [tilespmem:s0+$0x0];
	s0 =	sor.u32 s10, s3;
	s3 =	sld [smem:$0x7EC]  }
0x21f: {  	v0 =	vmax.f32 v0, v11;
	v12 =	vsel vm7, v25, v60;
	v14 =	vsel vm7, v60, v14  }
0x220: {  	v0 =	vsel vm12, v4, v0;
	vm2 =	vgt.f32 v32, v12;
	v20 =	vmax.f32 v14, v32  }
0x221: {  	v4 =	vsel vm12, v11, v4;
	v11 =	vsel vm2, v12, v20;
	v5 =	vsel vm2, v32, v12;
	v32 =	vld [tilespmem:s0+$0x0];
	s0 =	sor.u32 s10, s3;
	s3 =	sld [smem:$0x7ED]  }
0x222: {  	v2 =	vsel vm6, $0xD, v2;
	vm6 =	vgt.f32 v53, v5;
	v11 =	vmax.f32 v11, v53  }
0x223: {  	v11 =	vsel vm6, v5, v11  }
0x224: {  	v35 =	vmax.f32 v11, v62;
	v11 =	vld [tilespmem:s0+$0x0];
	s0 =	sor.u32 s10, s3;
	s3 =	sld [smem:$0x7EE];
	_ =	sdelay $0x2  }
0x225: {  	vm14 =	vgt.f32 v58, $-Inf;
	vm0 =	vlt.f32 v58, $-Inf;
	v5 =	vsel vm6, v53, v5;
	v53 =	vld [tilespmem:s0+$0x0];
	s0 =	sor.u32 s10, s3;
	s3 =	rddreg [dreg:$0x1b]  }
0x226: {  	v6 =	vimm.s32 $0x0;
	v13 =	vimm.s32 $0x0;
	vm0 =	vmor vm14, vm0;
	v16 =	vld [tilespmem:s0+$0x0];
	s0 =	sor.u32 s10, s3;
	s3 =	sld [smem:$0x7EF]  }
0x227: {  	v8 =	vnsel vm0, $0xFF800000, v58;
	v2 =	vsel vm9, $0xE, v2;
	v7 =	vsel vm3, $0x18, v6  }
0x228: {  	v25 =	vsel vm10, $0xF, v2;
	v20 =	vimm.s32 $0x0;
	vm10 =	vgt.f32 v62, v5  }
0x229: {  	vm15 =	vgt.f32 v63, v4;
	v0 =	vmax.f32 v0, v63;
	v2 =	vsel vm10, v5, v35;
	v29 =	vld [tilespmem:s0+$0x0];
	s0 =	sor.u32 s10, s3;
	s3 =	sld [smem:$0x7F0]  }
0x22a: {  	v5 =	vsel vm10, v62, v5;
	v14 =	vsel vm15, v4, v0;
	v60 =	vsel vm15, v63, v4  }
0x22b: {  	v14 =	vadd.f32 v14, v60;
	vm9 =	vgt.f32 v22, v5;
	v2 =	vmax.f32 v2, v22  }
0x22c: {  	v62 =	vsel vm9, v5, v2;
	v63 =	vsel vm9, v22, v5;
	v22 =	vsel vm1, $0x10, v20;
	v35 =	vld [tilespmem:s0+$0x0];
	s0 =	sor.u32 s10, s3;
	s3 =	sld [smem:$0x7F1]  }
0x22d: {  	v20 =	vimm.s32 $0x0;
	v26 =	vsel vm4, $0x11, v22;
	v9 =	vmax.f32 v58, v32  }
0x22e: {  	vm1 =	vgt.f32 v32, v8;
	v10 =	vsel vm8, $0x12, v26;
	v5 =	vsel vm0, v32, v9  }
0x22f: {  	v4 =	vsel vm1, v32, v8;
	v10 =	vsel vm5, $0x13, v10;
	v5 =	vsel vm1, v8, v5;
	v32 =	vld [tilespmem:s0+$0x0];
	s0 =	sor.u32 s10, s3;
	s3 =	sld [smem:$0x7F2]  }
0x230: {  	v10 =	vsel vm11, $0x14, v10;
	v8 =	vimm.s32 $0x0;
	vm14 =	vgt.f32 v11, v63  }
0x231: {  	v0 =	vmax.f32 v62, v11;
	v2 =	vsel vm14, v11, v63;
	v11 =	vsel vm7, $0x19, v7  }
0x232: {  	v0 =	vsel vm14, v63, v0;
	v63 =	vimm.s32 $0x0;
	v11 =	vsel vm2, $0x1A, v11;
	v61 =	vld [tilespmem:s0+$0x0];
	s0 =	sor.u32 s10, s3;
	s3 =	sld [smem:$0x7F3]  }
0x233: {  	vm4 =	vgt.f32 v53, v4;
	v5 =	vmax.f32 v5, v53;
	v12 =	vsel vm6, $0x1B, v11  }
0x234: {  	v5 =	vsel vm4, v4, v5;
	v4 =	vsel vm4, v53, v4;
	v53 =	vsel vm13, $0x15, v10  }
0x235: {  	[tilespmem:$0x1FD30] =	vst v18;
	v11 =	vsel vm10, $0x1C, v12;
	vm5 =	vgt.f32 v16, v4;
	v5 =	vmax.f32 v5, v16;
	v18 =	vld [tilespmem:s0+$0x0];
	s0 =	sor.u32 s10, s3;
	s3 =	sld [smem:$0x7F4]  }
0x236: {  	v53 =	vsel vm12, $0x16, v53;
	v5 =	vsel vm5, v4, v5;
	v4 =	vsel vm5, v16, v4  }
0x237: {  	vm11 =	vgt.f32 v29, v2;
	v0 =	vmax.f32 v0, v29;
	vm13 =	vgt.f32 v35, v4  }
0x238: {  	v10 =	vsel vm11, v2, v0;
	v22 =	vmax.f32 v5, v35;
	v0 =	vsel vm13, $0xFFFFFFFF, v20;
	v26 =	vld [tilespmem:s0+$0x0];
	s0 =	sor.u32 s10, s3;
	s3 =	sld [smem:$0x7F5]  }
0x239: {  	v11 =	vsel vm9, $0x1D, v11;
	v35 =	vsel vm13, v35, v4;
	[tilespmem:$0x1FB90] =	vst v0;
	v0 =	vsel vm13, v4, v22  }
0x23a: {  	v16 =	vsel vm14, $0x1E, v11;
	vm8 =	vgt.f32 v32, v35;
	v0 =	vmax.f32 v0, v32  }
0x23b: {  	[tilespmem:$0x1FD40] =	vst v1;
	v62 =	vsel vm11, v29, v2;
	v1 =	vsel vm8, $0xFFFFFFFF, v63;
	v0 =	vsel vm8, v35, v0;
	v4 =	vld [tilespmem:s0+$0x0];
	s0 =	sor.u32 s10, s3;
	s3 =	sld [smem:$0x7F6]  }
0x23c: {  	v2 =	vsel vm8, v32, v35;
	vm8 =	vlt.f32 v61, $-Inf;
	vm3 =	vgt.f32 v61, $-Inf  }
0x23d: {  	v10 =	vadd.f32 v10, v62;
	v63 =	vsel vm15, $0x17, v53;
	vm7 =	vmor vm3, vm8  }
0x23e: {  	v9 =	vnsel vm7, $0xFF800000, v61;
	vm12 =	vgt.f32 v18, v2;
	v0 =	vmax.f32 v0, v18;
	v29 =	vld [tilespmem:s0+$0x0];
	s0 =	sor.u32 s10, s3;
	s3 =	sld [smem:$0x7F7]  }
0x23f: {  	[tilespmem:$0x1FBA0] =	vst v1;
	v1 =	vsel vm12, $0xFFFFFFFF, v8;
	v18 =	vsel vm12, v18, v2;
	v20 =	vmax.f32 v61, v26  }
0x240: {  	v8 =	vimm.s32 $0x0;
	vm13 =	vgt.f32 v26, v9;
	v35 =	vsel vm7, v26, v20  }
0x241: {  	[tilespmem:$0x1FBB0] =	vst v1;
	v1 =	vsel vm12, v2, v0;
	v5 =	vsel vm13, v26, v9;
	v22 =	vsel vm13, v9, v35;
	v53 =	vld [tilespmem:s0+$0x0];
	s0 =	sor.u32 s10, s3  }
0x242: {  	vm8 =	vgt.f32 v4, v5;
	v2 =	vmax.f32 v22, v4;
	v22 =	vsel vm11, $0x1F, v16;
	s3 =	sor.u32 s10, s19;
	v26 =	vld [tilespmem:s0+$0x0]  }
0x243: {  	v32 =	vsel vm8, v5, v2;
	vm12 =	vgt.f32 v29, v18;
	v1 =	vmax.f32 v1, v29;
	s19 =	sld [smem:$0x7F8];
	v9 =	vld [tilespmem:s3+$0x0]  }
0x244: {  	v5 =	vsel vm8, v4, v5;
	v2 =	vsel vm12, $0xFFFFFFFF, v13;
	v12 =	vsel vm12, v18, v1;
	s3 =	sor.u32 s10, s20  }
0x245: {  	v20 =	vsel vm12, v29, v18;
	v18 =	vimm.s32 $0x0;
	v13 =	vimm.s32 $0x0;
	v1 =	vld [tilespmem:s3+$0x0]  }
0x246: {  	v16 =	vsel vm0, $0x20, v13;
	s0 =	sor.u32 s10, s19;
	vm6 =	vgt.f32 v53, v5;
	v0 =	vmax.f32 v32, v53  }
0x247: {  	v12 =	vadd.f32 v12, v20;
	s19 =	sor.u32 s10, s7;
	v4 =	vld [tilespmem:s0+$0x0];
	v0 =	vsel vm6, v5, v0;
	v5 =	vsel vm6, v53, v5  }
0x248: {  	s20 =	sld [smem:$0x7F9];
	v7 =	vld [tilespmem:s19+$0x0];
	vm3 =	vgt.f32 v26, v5;
	v0 =	vmax.f32 v0, v26;
	vm14 =	vlt.f32 v9, $-Inf  }
0x249: {  	vm15 =	vgt.f32 v9, $-Inf;
	v0 =	vsel vm3, v5, v0;
	v29 =	vsel vm3, v26, v5  }
0x24a: {  	s16 =	sor.u32 s10, s16;
	vm9 =	vmor vm15, vm14;
	v32 =	vmax.f32 v9, v1;
	v5 =	vsel vm1, $0x21, v16  }
0x24b: {  	v11 =	vld [tilespmem:s16+$0x0];
	s0 =	sor.u32 s10, s20;
	v16 =	vimm.s32 $0x0;
	v53 =	vnsel vm9, $0xFF800000, v9;
	v5 =	vsel vm4, $0x22, v5  }
0x24c: {  	v6 =	vld [tilespmem:s0+$0x0];
	vm12 =	vgt.f32 v4, v29;
	v26 =	vmax.f32 v0, v4;
	vm11 =	vgt.f32 v1, v53  }
0x24d: {  	v13 =	vsel vm5, $0x23, v5;
	vm15 =	vlt.f32 v7, $-Inf;
	vm4 =	vgt.f32 v7, $-Inf  }
0x24e: {  	s16 =	sld [smem:$0x7FB];
	[tilespmem:$0x1FBD0] =	vst v2;
	v2 =	vsel vm12, $0xFFFFFFFF, v18;
	v35 =	vsel vm12, v29, v26;
	v18 =	vsel vm9, v1, v32  }
0x24f: {  	s3 =	sor.u32 s10, s25;
	s7 =	sld [smem:$0x7FA];
	v4 =	vsel vm12, v4, v29;
	v1 =	vsel vm11, v1, v53;
	vm5 =	vmor vm4, vm15  }
0x250: {  	v26 =	vld [tilespmem:s3+$0x0];
	v3 =	vsel vm11, v53, v18;
	vm14 =	vgt.f32 v11, v1;
	v53 =	vimm.s32 $0x0  }
0x251: {  	s3 =	sor.u32 s10, s16;
	vm0 =	vgt.f32 v6, v4;
	v35 =	vmax.f32 v35, v6;
	v18 =	vimm.s32 $0x0  }
0x252: {  	s0 =	sor.u32 s10, s7;
	v29 =	vld [tilespmem:s3+$0x0];
	v32 =	vnsel vm5, $0xFF800000, v7;
	v0 =	vsel vm14, $0xFFFFFFFF, v53;
	v3 =	vmax.f32 v3, v11  }
0x253: {  	v35 =	vsel vm0, v4, v35;
	v3 =	vsel vm14, v1, v3;
	v1 =	vsel vm14, v11, v1;
	v11 =	vld [tilespmem:s0+$0x0]  }
0x254: {  	s19 =	sor.u32 s10, s12;
	v4 =	vsel vm0, v6, v4;
	[tilespmem:$0x1FBE0] =	vst v0;
	v0 =	vsel vm5, $0xFFFFFFFF, v8;
	v8 =	vsel vm7, $0x28, v16  }
0x255: {  	[tilespmem:$0x1FBC0] =	vst v2;
	v53 =	vld [tilespmem:s19+$0x0];
	v16 =	vimm.s32 $0x0;
	v8 =	vsel vm13, $0x29, v8;
	vm12 =	vgt.f32 v26, v1  }
0x256: {  	s1 =	sor.u32 s10, s1;
	[tilespmem:$0x1FC00] =	vst v0;
	v3 =	vmax.f32 v3, v26;
	v8 =	vsel vm8, $0x2A, v8;
	v0 =	vsel vm12, $0xFFFFFFFF, v18  }
0x257: {  	v3 =	vsel vm12, v1, v3;
	v2 =	vsel vm12, v26, v1;
	v8 =	vsel vm6, $0x2B, v8;
	[tilespmem:$0x1FBF0] =	vst v0;
	v0 =	vld [tilespmem:s1+$0x0]  }
0x258: {  	s20 =	sor.u32 s10, s31;
	v3 =	vmax.f32 v3, v29;
	vm1 =	vgt.f32 v29, v2;
	v26 =	vmax.f32 v35, v11  }
0x259: {  	s25 =	sor.u32 s10, s14;
	vm10 =	vgt.f32 v11, v4;
	v35 =	vld [tilespmem:s20+$0x0];
	v3 =	vsel vm1, v2, v3;
	v2 =	vsel vm1, v29, v2  }
0x25a: {  	s31 =	sld [smem:$0x7FC];
	v6 =	vsel vm10, v4, v26;
	v18 =	vsel vm10, v11, v4;
	v4 =	vld [tilespmem:s25+$0x0];
	vm14 =	vgt.f32 v53, v2  }
0x25b: {  	v3 =	vmax.f32 v3, v53;
	v1 =	vsel vm14, $0xFFFFFFFF, v16;
	v6 =	vadd.f32 v6, v18  }
0x25c: {  	s7 =	sor.u32 s10, s13;
	v3 =	vsel vm14, v2, v3;
	v2 =	vsel vm14, v53, v2;
	v5 =	vmax.f32 v7, v0  }
0x25d: {  	s0 =	sor.u32 s10, s31;
	v53 =	vld [tilespmem:s7+$0x0];
	vm7 =	vgt.f32 v0, v32;
	vm4 =	vgt.f32 v6, v12;
	v26 =	vsel vm5, v0, v5  }
0x25e: {  	v11 =	vld [tilespmem:s0+$0x0];
	v0 =	vsel vm7, v0, v32;
	v5 =	vimm.s32 $0x0;
	v26 =	vsel vm7, v32, v26  }
0x25f: {  	s3 =	sor.u32 s10, s26;
	vm14 =	vgt.f32 v35, v0;
	vm2 =	vgt.f32 v4, v2;
	v32 =	vimm.s32 $0x0  }
0x260: {  	v29 =	vld [tilespmem:s3+$0x0];
	[tilespmem:$0x1FC20] =	vst v1;
	v3 =	vmax.f32 v3, v4;
	v26 =	vmax.f32 v26, v35;
	v1 =	vsel vm2, $0xFFFFFFFF, v32  }
0x261: {  	v3 =	vsel vm2, v2, v3;
	v2 =	vsel vm2, v4, v2;
	v32 =	vimm.s32 $0x0  }
0x262: {  	s12 =	sor.u32 s10, s24;
	v26 =	vsel vm14, v0, v26;
	v0 =	vsel vm14, v35, v0;
	v3 =	vmax.f32 v3, v53  }
0x263: {  	v35 =	vld [tilespmem:s12+$0x0];
	vm12 =	vgt.f32 v53, v2;
	v26 =	vmax.f32 v26, v11;
	vm15 =	vgt.f32 v11, v0  }
0x264: {  	[tilespmem:$0x1FC40] =	vst v1;
	v1 =	vsel vm15, $0xFFFFFFFF, v5;
	v26 =	vsel vm15, v0, v26;
	v0 =	vsel vm15, v11, v0  }
0x265: {  	s13 =	sor.u32 s10, s17;
	v16 =	vmax.f32 v26, v29;
	vm5 =	vgt.f32 v29, v0;
	v26 =	vimm.s32 $0x0  }
0x266: {  	vm2 =	vgt.f32 v10, v14;
	v3 =	vsel vm12, v2, v3;
	[tilespmem:$0x1FC10] =	vst v1;
	v1 =	vld [tilespmem:s13+$0x0];
	v5 =	vsel vm5, $0xFFFFFFFF, v26  }
0x267: {  	s14 =	sor.u32 s10, s15;
	v4 =	vsel vm5, v0, v16;
	v0 =	vsel vm5, v29, v0;
	v29 =	vimm.s32 $0x0  }
0x268: {  	v26 =	vld [tilespmem:s14+$0x0];
	v16 =	vsel vm12, v53, v2;
	[tilespmem:$0x1FC30] =	vst v5;
	v4 =	vmax.f32 v4, v35;
	v5 =	vsel vm12, $0xFFFFFFFF, v29  }
0x269: {  	vm15 =	vgt.f32 v35, v0;
	v3 =	vadd.f32 v3, v16;
	v29 =	vimm.s32 $0x2  }
0x26a: {  	[tilespmem:$0x1FC60] =	vst v5;
	v5 =	vsel vm15, $0xFFFFFFFF, v32;
	v4 =	vsel vm15, v0, v4;
	v0 =	vsel vm15, v35, v0  }
0x26b: {  	v29 =	vsel vm2, $0x3, v29;
	v11 =	vmax.f32 v4, v1;
	vm15 =	vgt.f32 v1, v0  }
0x26c: {  	v4 =	vadd.f32 v15, v57;
	v2 =	vsel vm15, v0, v11;
	v0 =	vsel vm15, v1, v0  }
0x26d: {  	v1 =	vadd.f32 v19, v55;
	v2 =	vmax.f32 v2, v26;
	vm12 =	vgt.f32 v26, v0  }
0x26e: {  	v35 =	vsel vm4, v6, v12;
	v2 =	vsel vm12, v0, v2;
	v11 =	vsel vm12, v26, v0  }
0x26f: {  	[tilespmem:$0x1FC50] =	vst v5;
	vm5 =	vgt.f32 v4, v1;
	v26 =	vimm.s32 $0x0;
	v5 =	vadd.f32 v2, v11  }
0x270: {  	v15 =	vsel vm5, v4, v1;
	v19 =	vsel vm5, $0x1, v26;
	v26 =	vsel vm2, v10, v14  }
0x271: {  	v32 =	vimm.s32 $0x4;
	vm2 =	vgt.f32 v26, v15;
	vm5 =	vgt.f32 v5, v3  }
0x272: {  	v2 =	vsel vm4, $0x5, v32;
	v15 =	vsel vm2, v26, v15;
	v26 =	vld [tilespmem:$0x1FBA0];
	v53 =	vsel vm5, v5, v3  }
0x273: {  	v32 =	vimm.s32 $0x6;
	v19 =	vsel vm2, v29, v19;
	vm4 =	vgt.f32 v53, v35  }
0x274: {  	v29 =	vimm.s32 $0x0;
	v0 =	vsel vm5, $0x7, v32;
	v32 =	vsel vm4, v53, v35;
	v35 =	vld [tilespmem:$0x1FB90]  }
0x275: {  	v0 =	vsel vm4, v0, v2;
	v53 =	vimm.s32 $0x0;
	vm2 =	vgt.f32 v32, v15  }
0x276: {  	v32 =	vimm.s32 $0x0;
	v0 =	vsel vm2, v0, v19;
	v19 =	vimm.s32 $0x0  }
0x277: {  	vm5 =	vnez.u8 v26;
	v26 =	vimm.s32 $0x0;
	vm13 =	veq.s32 v0, $0x0  }
0x278: {  	vm2 =	veq.s32 v0, $0x1;
	vm8 =	veq.s32 v0, $0x2;
	v1 =	vsel vm13, $0xFF800000, v1  }
0x279: {  	v4 =	vsel vm2, $0xFF800000, v4;
	v14 =	vsel vm8, $0xFF800000, v14;
	vm4 =	vnez.u8 v35  }
0x27a: {  	vm6 =	vgt.f32 v4, v1;
	v35 =	vimm.s32 $0x0;
	v2 =	vsel vm4, $0x24, v13  }
0x27b: {  	v13 =	vsel vm13, $0xFFFFFFFF, v53;
	v15 =	vsel vm6, $0x1, v29;
	vm13 =	veq.s32 v0, $0x3  }
0x27c: {  	v53 =	vimm.s32 $0x0;
	v29 =	vimm.s32 $0x0;
	[tilespmem:$0x1FC70] =	vst v13;
	v13 =	vsel vm2, $0xFFFFFFFF, v19  }
0x27d: {  	v19 =	vsel vm8, $0xFFFFFFFF, v32;
	vm8 =	veq.s32 v0, $0x5;
	v32 =	vimm.s32 $0x0;
	[tilespmem:$0x1FC80] =	vst v13  }
0x27e: {  	v13 =	vsel vm6, v4, v1;
	[tilespmem:$0x1FCA0] =	vst v19;
	v19 =	vsel vm13, $0xFFFFFFFF, v35;
	vm6 =	veq.s32 v0, $0x4  }
0x27f: {  	v6 =	vsel vm8, $0xFF800000, v6;
	[tilespmem:$0x1FCC0] =	vst v19;
	v19 =	vsel vm6, $0xFFFFFFFF, v53;
	v12 =	vsel vm6, $0xFF800000, v12  }
0x280: {  	vm6 =	veq.s32 v0, $0x7;
	[tilespmem:$0x1FCD0] =	vst v19;
	v19 =	vsel vm13, $0xFF800000, v10;
	v10 =	vsel vm8, $0xFFFFFFFF, v26  }
0x281: {  	v35 =	vimm.s32 $0x2;
	vm13 =	veq.s32 v0, $0x6;
	v0 =	vsel vm6, $0xFFFFFFFF, v32;
	[tilespmem:$0x1FCF0] =	vst v10  }
0x282: {  	v53 =	vimm.s32 $0x4;
	v10 =	vsel vm13, $0xFFFFFFFF, v29;
	[tilespmem:$0x1FD20] =	vst v0;
	v0 =	vsel vm13, $0xFF800000, v3  }
0x283: {  	v3 =	vsel vm6, $0xFF800000, v5;
	vm8 =	vgt.f32 v19, v14;
	vm13 =	vgt.f32 v6, v12  }
0x284: {  	[tilespmem:$0x1FD00] =	vst v10;
	v5 =	vsel vm8, v19, v14;
	vm4 =	vgt.f32 v3, v0;
	v10 =	vsel vm8, $0x3, v35  }
0x285: {  	v26 =	vsel vm13, v6, v12;
	v35 =	vsel vm13, $0x5, v53;
	v53 =	vimm.s32 $0x6  }
0x286: {  	v29 =	vsel vm4, v3, v0;
	vm8 =	vgt.f32 v5, v13;
	v32 =	vsel vm4, $0x7, v53;
	v53 =	vld [tilespmem:$0x1FBC0]  }
0x287: {  	vm13 =	vgt.f32 v29, v26;
	v5 =	vsel vm8, v5, v13;
	v13 =	vld [tilespmem:$0x1FBD0]  }
0x288: {  	v32 =	vsel vm13, v32, v35;
	v35 =	vld [tilespmem:$0x1FBB0]  }
0x289: {  	v8 =	vsel vm3, $0x2C, v8;
	v2 =	vsel vm5, $0x25, v2;
	v10 =	vsel vm8, v10, v15  }
0x28a: {  	v15 =	vimm.s32 $0x0;
	v29 =	vsel vm13, v29, v26;
	v26 =	vimm.s32 $0x0  }
0x28b: {  	vm6 =	vgt.f32 v29, v5;
	v29 =	vimm.s32 $0x0;
	vm13 =	vnez.u8 v53  }
0x28c: {  	v53 =	vimm.s32 $0x0;
	v5 =	vsel vm13, $0x2D, v8;
	v8 =	vsel vm6, v32, v10  }
0x28d: {  	vm4 =	vnez.u8 v13;
	v32 =	vimm.s32 $0x0;
	vm8 =	vnez.u8 v35  }
0x28e: {  	vm5 =	veq.s32 v8, $0x2;
	vm6 =	veq.s32 v8, $0x3;
	v35 =	vimm.s32 $0x2  }
0x28f: {  	v2 =	vsel vm8, $0x26, v2;
	vm8 =	veq.s32 v8, $0x0;
	v13 =	vsel vm5, $0xFFFFFFFF, v26  }
0x290: {  	v10 =	vsel vm4, $0x27, v2;
	v2 =	vsel vm0, $0x2E, v5;
	v5 =	vsel vm9, $0x30, v15  }
0x291: {  	v1 =	vsel vm8, $0xFF800000, v1;
	vm9 =	veq.s32 v8, $0x1;
	[tilespmem:$0x1FC90] =	vst v13;
	v13 =	vsel vm6, $0xFFFFFFFF, v29  }
0x292: {  	vm4 =	veq.s32 v8, $0x6;
	v4 =	vsel vm9, $0xFF800000, v4;
	[tilespmem:$0x1FCB0] =	vst v13;
	v13 =	vsel vm5, $0xFF800000, v14  }
0x293: {  	v14 =	vsel vm6, $0xFF800000, v19;
	v5 =	vsel vm11, $0x31, v5;
	vm11 =	veq.s32 v8, $0x4  }
0x294: {  	vm5 =	veq.s32 v8, $0x7;
	v0 =	vsel vm4, $0xFF800000, v0;
	vm13 =	vgt.f32 v4, v1  }
0x295: {  	vm2 =	vgt.f32 v14, v13;
	v12 =	vsel vm11, $0xFF800000, v12;
	v3 =	vsel vm5, $0xFF800000, v3  }
0x296: {  	v15 =	vsel vm13, v4, v1;
	v19 =	vsel vm13, $0x1, v32;
	v26 =	vsel vm2, v14, v13  }
0x297: {  	v29 =	vsel vm2, $0x3, v35;
	vm13 =	veq.s32 v8, $0x5;
	v32 =	vsel vm4, $0xFFFFFFFF, v53  }
0x298: {  	v53 =	vimm.s32 $0x0;
	vm3 =	vgt.f32 v3, v0;
	v35 =	vimm.s32 $0x4  }
0x299: {  	v6 =	vsel vm13, $0xFF800000, v6;
	[tilespmem:$0x1FCE0] =	vst v32;
	v8 =	vsel vm5, $0xFFFFFFFF, v53;
	vm6 =	vgt.f32 v26, v15  }
0x29a: {  	v32 =	vld [tilespmem:$0x1FBE0];
	v53 =	vimm.s32 $0x6;
	[tilespmem:$0x1FD10] =	vst v8;
	v8 =	vsel vm6, v26, v15;
	vm2 =	vgt.f32 v6, v12  }
0x29b: {  	v15 =	vsel vm6, v29, v19;
	v29 =	vsel vm2, $0x5, v35;
	v35 =	vsel vm3, $0x7, v53;
	v53 =	vld [tilespmem:$0x1FBF0];
	_ =	sdelay $0x1  }
0x29c: {  	v26 =	vsel vm3, v3, v0;
	v19 =	vsel vm2, v6, v12  }
0x29d: {  	v23 =	vimm.f32 $0.0e+00;
	v51 =	vmul.f32 $0.0e+00, v51;
	vm6 =	vgt.f32 v26, v19  }
0x29e: {  	v2 =	vsel vm10, $0x2F, v2;
	v19 =	vsel vm6, v26, v19;
	vm5 =	vnez.u8 v32  }
0x29f: {  	v32 =	vsel vm6, v35, v29;
	vm4 =	vgt.f32 v19, v8;
	vm10 =	vnez.u8 v53;
	v53 =	vld [tilespmem:$0x1FC00]  }
0x2a0: {  	v35 =	vimm.s32 $0x0;
	v19 =	vimm.s32 $0x6;
	v15 =	vsel vm4, v32, v15  }
0x2a1: {  	v5 =	vsel vm5, $0x32, v5;
	v32 =	vimm.s32 $0x0;
	vm2 =	veq.s32 v15, $0x0  }
0x2a2: {  	vm4 =	veq.s32 v15, $0x2;
	vm3 =	veq.s32 v15, $0x5;
	v5 =	vsel vm10, $0x33, v5  }
0x2a3: {  	v1 =	vsel vm2, $0xFF800000, v1;
	v26 =	vsel vm4, $0xFF800000, v13;
	v6 =	vsel vm3, $0xFF800000, v6  }
0x2a4: {  	vm10 =	veq.s32 v15, $0x6;
	v5 =	vsel vm1, $0x34, v5;
	vm5 =	vnez.u8 v53  }
0x2a5: {  	v0 =	vsel vm10, $0xFF800000, v0;
	v53 =	vimm.s32 $0x4;
	v8 =	vsel vm5, $0x38, v35  }
0x2a6: {  	vm5 =	veq.s32 v15, $0x1;
	v35 =	vimm.s32 $0x2;
	v8 =	vsel vm7, $0x39, v8  }
0x2a7: {  	v4 =	vsel vm5, $0xFF800000, v4;
	vm7 =	veq.s32 v15, $0x3;
	v8 =	vsel vm14, $0x3A, v8  }
0x2a8: {  	vm6 =	vgt.f32 v4, v1;
	v29 =	vsel vm7, $0xFF800000, v14;
	vm14 =	veq.s32 v15, $0x7  }
0x2a9: {  	v1 =	vsel vm6, v4, v1;
	v14 =	vsel vm6, $0x1, v32;
	vm1 =	vgt.f32 v29, v26  }
0x2aa: {  	vm6 =	veq.s32 v15, $0x4;
	v3 =	vsel vm14, $0xFF800000, v3;
	v4 =	vsel vm1, v29, v26;
	v29 =	vld [tilespmem:$0x1FC10]  }
0x2ab: {  	v12 =	vsel vm6, $0xFF800000, v12;
	v13 =	vsel vm1, $0x3, v35;
	vm1 =	vgt.f32 v3, v0;
	v35 =	vld [tilespmem:$0x1FC20]  }
0x2ac: {  	v32 =	vor.u32 $0x380, v50;
	v50 =	vld [tilespmem:$0x1FC30];
	vm0 =	vgt.f32 v6, v12;
	v0 =	vsel vm1, v3, v0  }
0x2ad: {  	v6 =	vsel vm0, v6, v12;
	v12 =	vsel vm0, $0x5, v53;
	vm0 =	vgt.f32 v4, v1;
	v53 =	vld [tilespmem:$0x1FC40]  }
0x2ae: {  	v3 =	vsel vm1, $0x7, v19;
	vm1 =	vgt.f32 v0, v6;
	v26 =	vsel vm0, v13, v14;
	v13 =	vld [tilespmem:$0x1FC60]  }
0x2af: {  	v1 =	vsel vm0, v4, v1;
	v3 =	vsel vm1, v3, v12;
	v12 =	vld [tilespmem:$0x1FC50];
	vm0 =	vnez.u8 v29  }
0x2b0: {  	v0 =	vsel vm1, v0, v6;
	vm1 =	vnez.u8 v35;
	v6 =	vsel vm0, $0x3B, v8  }
0x2b1: {  	v15 =	vld.idx.msk [tilespmem:v32+s2+$0x0], $0xffff;
	vm0 =	vgt.f32 v0, v1;
	v0 =	vsel vm1, $0x35, v5;
	vm1 =	vnez.u8 v50  }
0x2b2: {  	v54 =	vmul.f32 $0.0e+00, v54;
	v9 =	vmul.f32 $0.0e+00, v9;
	v14 =	vld [tilespmem:$0x1FC70];
	v1 =	vsel vm1, $0x3C, v6  }
0x2b3: {  	v3 =	vsel vm0, v3, v26;
	vm0 =	vnez.u8 v53;
	v53 =	vmul.f32 $0.0e+00, v52  }
0x2b4: {  	v19 =	vld [tilespmem:$0x1FC80];
	v0 =	vsel vm0, $0x36, v0;
	vm1 =	vnez.u8 v13;
	vm0 =	vnez.u8 v12  }
0x2b5: {  	v29 =	vld [tilespmem:$0x1FCA0];
	v0 =	vsel vm1, $0x37, v0;
	v1 =	vsel vm0, $0x3D, v1;
	vm0 =	veq.s32 v3, $0x0  }
0x2b6: {  	v26 =	vld [tilespmem:$0x1FC90];
	v6 =	vmul.f32 v15, v46;
	v1 =	vsel vm15, $0x3E, v1;
	vm0 =	vmor vm0, vm2  }
0x2b7: {  	vm15 =	vnez.u8 v14;
	vm0 =	vmor vm0, vm8;
	vm8 =	veq.s32 v3, $0x1  }
0x2b8: {  	v32 =	vld [tilespmem:$0x1FCB0];
	v1 =	vsel vm12, $0x3F, v1;
	vm12 =	vmor vm0, vm15;
	vm5 =	vmor vm8, vm5  }
0x2b9: {  	v35 =	vld [tilespmem:$0x1FCC0];
	vm8 =	veq.s32 v3, $0x2;
	vm15 =	vnez.u8 v19;
	v19 =	vmul.f32 $0.0e+00, v56  }
0x2ba: {  	vm0 =	vmor vm5, vm9;
	vm1 =	vmor vm8, vm4;
	vm9 =	veq.s32 v3, $0x3  }
0x2bb: {  	v46 =	vld [tilespmem:$0x1FCD0];
	vm5 =	vnez.u8 v26;
	vm8 =	vnez.u8 v29;
	vm4 =	veq.s32 v3, $0x4  }
0x2bc: {  	v26 =	vmul.f32 $0.0e+00, v58;
	v29 =	vmul.f32 $0.0e+00, v61;
	vm15 =	vmor vm0, vm15  }
0x2bd: {  	vm0 =	vmor vm1, vm5;
	vm1 =	vmor vm9, vm7;
	vm9 =	vnez.u8 v32  }
0x2be: {  	vm5 =	vnez.u8 v35;
	v32 =	vmul.f32 $0.0e+00, v7;
	vm7 =	vmor vm0, vm8  }
0x2bf: {  	vm0 =	vmor vm1, vm9;
	vm1 =	vmor vm4, vm6;
	vm8 =	veq.s32 v3, $0x5  }
0x2c0: {  	v50 =	vld [tilespmem:$0x1FCE0];
	vm9 =	vnez.u8 v46;
	vm4 =	veq.s32 v3, $0x7;
	vm6 =	vgt.f32 v48, v47  }
0x2c1: {  	v14 =	vsel vm15, v57, v53;
	vm0 =	vmor vm0, vm5;
	vm1 =	vmor vm1, vm11  }
0x2c2: {  	v12 =	vld [tilespmem:$0x1FD20];
	vm2 =	vmor vm8, vm3;
	vm11 =	veq.s32 v3, $0x6;
	vm4 =	vmor vm4, vm14  }
0x2c3: {  	v15 =	vld [tilespmem:$0x1FD30];
	v13 =	vsel vm6, v48, v47;
	v8 =	vsel vm7, v60, v54;
	v3 =	vor.u32 $0x7, v21  }
0x2c4: {  	v57 =	vld [tilespmem:$0x1FD00];
	v4 =	vnsel vm7, $0x10, v63;
	vm3 =	vmor vm1, vm9;
	vm1 =	vmor vm2, vm13  }
0x2c5: {  	v60 =	vld [tilespmem:$0x1FD10];
	vm2 =	vmor vm11, vm10;
	vm10 =	vlt.f32 v6, v45;
	vm13 =	vnez.u8 v50  }
0x2c6: {  	vm11 =	veq.f32 v6, v45;
	v45 =	vsel vm12, v55, v51;
	v55 =	vld [tilespmem:$0x1FCF0];
	v50 =	vnsel vm15, $0x8, v25  }
0x2c7: {  	v46 =	vsel vm0, v62, v19;
	v5 =	vnsel vm0, $0x18, v22;
	v22 =	vimm.s32 $0x0  }
0x2c8: {  	v25 =	vmov s9;
	vm2 =	vmor vm2, vm13;
	vm13 =	vnez.u8 v12  }
0x2c9: {  	v47 =	vsel vm3, v20, v26;
	v48 =	vnsel vm3, $0x20, v10;
	vm5 =	vnez.u8 v57  }
0x2ca: {  	v26 =	vlaneseq.u32;
	vm5 =	vmor vm2, vm5;
	vm8 =	vnez.u8 v60  }
0x2cb: {  	vm14 =	vnez.u8 v55;
	v55 =	vnsel vm12, $0x0, v15;
	v53 =	vsel vm5, v16, v9  }
0x2cc: {  	v54 =	vnsel vm5, $0x30, v0;
	v16 =	vor.u32 s9, v26;
	vm9 =	vmor vm1, vm14  }
0x2cd: {  	vm1 =	vmor vm4, vm8;
	vm14 =	vgt.f32 v14, v45;
	vm8 =	vgt.f32 v46, v8  }
0x2ce: {  	vm4 =	vmor vm1, vm13;
	v51 =	vsel vm9, v18, v29;
	v52 =	vnsel vm9, $0x28, v2  }
0x2cf: {  	v20 =	vld [tilespmem:$0x1FD40];
	v35 =	vsel vm14, v14, v45;
	v56 =	vsel vm14, v50, v55;
	v58 =	vsel vm8, v46, v8  }
0x2d0: {  	v60 =	vsel vm8, v5, v4;
	v2 =	vsel vm6, $0x1, v22;
	v57 =	vsel vm4, v11, v32  }
0x2d1: {  	vm1 =	vgt.f32 v51, v47;
	vm13 =	vgt.f32 v58, v35;
	v10 =	vnsel vm4, $0x38, v1  }
0x2d2: {  	v32 =	vsel vm12, $0x3F800000, v23;
	vm2 =	vgt.f32 v57, v53;
	v61 =	vsel vm1, v51, v47  }
0x2d3: {  	v7 =	vsel vm13, v58, v35;
	v63 =	vsel vm13, v60, v56;
	v18 =	vsel vm1, v52, v48  }
0x2d4: {  	vm13 =	vnez.u8 v20;
	v35 =	vsel vm15, $0x3F800000, v23;
	v58 =	vlaneseq.u32  }
0x2d5: {  	v60 =	vsel vm9, $0x3F800000, v23;
	v62 =	vsel vm2, v57, v53;
	v19 =	vsel vm2, v10, v54  }
0x2d6: {  	v11 =	vnsel vm13, $0xFF800000, v49;
	vm2 =	vne.s32 v3, v21;
	vm13 =	vgt.f32 v44, v43  }
0x2d7: {  	v49 =	vsel vm3, $0x3F800000, v23;
	vm14 =	vgt.f32 v62, v61;
	vm2 =	vmand vm11, vm2  }
0x2d8: {  	v9 =	vsel vm14, v62, v61;
	v0 =	vsel vm14, v19, v18;
	vm14 =	vgt.f32 v30, v31  }
0x2d9: {  	v18 =	vsel vm13, v44, v43;
	vm2 =	vmor vm10, vm2;
	v44 =	vsel vm0, $0x3F800000, v23  }
0x2da: {  	v61 =	vsel vm5, $0x3F800000, v23;
	vm6 =	vgt.f32 v9, v7;
	v15 =	vsel vm14, v30, v31  }
0x2db: {  	v1 =	vsel vm14, v39, v36;
	v6 =	vnsel vm2, $0xFF800000, v6;
	v0 =	vsel vm6, v0, v63  }
0x2dc: {  	v36 =	vsel vm7, $0x3F800000, v23;
	v39 =	vshll.u32 v25, $0x3;
	v29 =	vshrl.u32 v0, $0x3  }
0x2dd: {  	s15 =	sadd.s32 $0x80, s21;
	[tilespmem:s18+$0x0] =	vst v32;
	v23 =	vsel vm4, $0x3F800000, v23;
	v32 =	vand.u32 $0x400, v39;
	v30 =	vshll.u32 v29, $0x4  }
0x2de: {  	[tilespmem:s18+$0x10] =	vst v35;
	vm14 =	vgt.f32 v6, v11;
	vm15 =	vgt.f32 v15, v13;
	v31 =	vadd.s32 s15, v30  }
0x2df: {  	[tilespmem:s18+$0x50] =	vst v60;
	v43 =	vshll.u32 v0, $0x8;
	v6 =	vsel vm14, v6, v11;
	v19 =	vand.u32 $0xFFFFFF80, v31  }
0x2e0: {  	[tilespmem:s18+$0x40] =	vst v49;
	v12 =	vand.u32 $0x7FFFF800, v43;
	vm4 =	vgt.f32 v6, v18;
	v19 =	vor.u32 v19, v30  }
0x2e1: {  	[tilespmem:s18+$0x30] =	vst v44;
	v56 =	vor.u32 v32, v12;
	v30 =	vand.u32 $0x7F, v16;
	v19 =	vor.u32 v58, v19  }
0x2e2: {  	[tilespmem:s18+$0x60] =	vst v61;
	v6 =	vsel vm4, v6, v18;
	v31 =	vsel vm15, v15, v13;
	v20 =	vor.u32 v30, v56  }
0x2e3: {  	v60 =	vld [tilespmem:$0x1FD50];
	vm10 =	veq.s32 v27, $0x3;
	[tilespmem:s18+$0x20] =	vst v36;
	vm5 =	vgt.f32 v6, v31;
	v62 =	vor.u32 $0x80, v20  }
0x2e4: {  	v63 =	vsel vm13, v38, v37;
	[tilespmem:s18+$0x70] =	vst v23;
	v38 =	vld [tilespmem:$0x1FD70];
	v39 =	vsel vm5, v6, v31;
	v35 =	vor.u32 $0x100, v20  }
0x2e5: {  	s5 =	simm.s32 $0x6000;
	v2 =	vor.u32 v2, v17;
	[tilespmem:s30+$0x7000] =	vst v0;
	v31 =	vsel vm10, v39, v41;
	v41 =	vld [tilespmem:$0x1FD80]  }
0x2e6: {  	v1 =	vsel vm15, v1, v2;
	v43 =	vor.u32 $0x180, v20;
	v2 =	vld.idx.msk [tilespmem:v19+s5+$0x0], $0xffff  }
0x2e7: {  	vm8 =	veq.s32 v27, $0x1;
	v56 =	vor.u32 $0x200, v20;
	v61 =	vld.idx.msk [tilespmem:v20+s2+$0x0], $0xffff  }
0x2e8: {  	vm9 =	veq.s32 v27, $0x2;
	v3 =	vsel vm14, v3, v40;
	v58 =	vor.u32 $0x280, v20;
	v44 =	vld.idx.msk [tilespmem:v62+s2+$0x0], $0xffff  }
0x2e9: {  	v21 =	vshll.u32 v21, $0x7;
	vm0 =	veq.s32 v27, $0x4;
	v3 =	vsel vm4, v3, v63;
	v63 =	vld.idx.msk [tilespmem:v35+s2+$0x0], $0xffff  }
0x2ea: {  	vm7 =	veq.s32 v27, $0x0;
	v7 =	vsel vm6, v9, v7;
	v40 =	vand.u32 $0xFFFFFFF8, v0;
	v35 =	vld [tilespmem:$0x1FD60]  }
0x2eb: {  	vm12 =	veq.s32 v40, v0;
	v9 =	vor.u32 $0x6, v40;
	v49 =	vsel vm5, v3, v1;
	v15 =	vld.idx.msk [tilespmem:v43+s2+$0x0], $0xffff  }
0x2ec: {  	v37 =	vsel vm7, v39, v24;
	v16 =	vsel vm7, v49, v60;
	v36 =	vsel vm8, v39, v28;
	v11 =	vld.idx.msk [tilespmem:v56+s2+$0x0], $0xffff  }
0x2ed: {  	v26 =	vsel vm9, v39, v34;
	v17 =	vsel vm9, v49, v38;
	v34 =	vsel vm0, v39, v33;
	v3 =	vld.idx.msk [tilespmem:v58+s2+$0x0], $0xffff  }
0x2ee: {  	v62 =	vor.u32 $0x300, v20;
	v20 =	vor.u32 $0x380, v20;
	v18 =	vsel vm10, v49, v41  }
0x2ef: {  	v43 =	vor.u32 $0x2, v40;
	v56 =	vor.u32 $0x4, v40;
	v58 =	vimm.s32 $0x0  }
0x2f0: {  	vm5 =	vgt.u32 v43, v0;
	v19 =	vmul.f32 v61, v2;
	v6 =	vmul.f32 v44, v2  }
0x2f1: {  	v61 =	vor.u32 $0x5, v40;
	v23 =	vmul.f32 v63, v2;
	v15 =	vmul.f32 v15, v2  }
0x2f2: {  	v13 =	vsel vm8, v49, v35;
	v11 =	vmul.f32 v11, v2;
	v3 =	vmul.f32 v3, v2  }
0x2f3: {  	v22 =	vld.idx.msk [tilespmem:v62+s2+$0x0], $0xffff;
	v44 =	vor.u32 $0x3, v40;
	v62 =	vor.u32 $0x7, v0;
	v35 =	vshll.u32 v0, $0x7  }
0x2f4: {  	vm14 =	vlt.f32 v19, v7;
	vm11 =	veq.f32 v6, v7;
	vm13 =	vlt.f32 v6, v7  }
0x2f5: {  	v19 =	vnsel vm14, $0xFF800000, v19;
	vm3 =	vlt.f32 v23, v7;
	vm4 =	veq.f32 v23, v7  }
0x2f6: {  	v20 =	vld.idx.msk [tilespmem:v20+s2+$0x0], $0xffff;
	vm6 =	vlt.f32 v15, v7;
	vm7 =	veq.f32 v15, v7;
	vm8 =	vlt.f32 v11, v7  }
0x2f7: {  	vm9 =	veq.f32 v11, v7;
	vm10 =	veq.f32 v3, v7;
	vm14 =	vgt.u32 v56, v0  }
0x2f8: {  	vm1 =	vmand vm11, vm12;
	vm4 =	vmand vm4, vm5;
	vm5 =	vgt.u32 v44, v0  }
0x2f9: {  	vm9 =	vmand vm9, vm14;
	vm1 =	vmor vm13, vm1;
	vm3 =	vmor vm3, vm4  }
0x2fa: {  	vm15 =	vmand vm7, vm5;
	v6 =	vnsel vm1, $0xFF800000, v6;
	v22 =	vmul.f32 v22, v2  }
0x2fb: {  	v2 =	vmul.f32 v20, v2;
	vm1 =	vlt.f32 v3, v7;
	v23 =	vnsel vm3, $0xFF800000, v23  }
0x2fc: {  	vm14 =	vmor vm6, vm15;
	vm15 =	vmor vm8, vm9;
	vm9 =	vgt.u32 v61, v0  }
0x2fd: {  	v15 =	vnsel vm14, $0xFF800000, v15;
	v11 =	vnsel vm15, $0xFF800000, v11;
	vm7 =	vgt.f32 v6, v19  }
0x2fe: {  	vm14 =	vgt.u32 v9, v0;
	vm15 =	vne.s32 v62, v0;
	vm3 =	vmand vm10, vm9  }
0x2ff: {  	vm10 =	veq.s32 v29, $0x0;
	vm2 =	vlt.f32 v22, v7;
	vm11 =	veq.f32 v22, v7  }
0x300: {  	vm12 =	vlt.f32 v2, v7;
	vm13 =	veq.f32 v2, v7;
	v6 =	vsel vm7, v6, v19  }
0x301: {  	v60 =	vsel vm7, $0x1, v58;
	vm8 =	vgt.f32 v15, v23;
	vm1 =	vmor vm1, vm3  }
0x302: {  	v15 =	vsel vm8, v15, v23;
	v19 =	vor.u32 v60, v40;
	v20 =	vsel vm8, v44, v43  }
0x303: {  	vm4 =	vmand vm11, vm14;
	vm5 =	vmand vm13, vm15;
	v3 =	vnsel vm1, $0xFF800000, v3  }
0x304: {  	vm11 =	veq.s32 v29, $0x1;
	vm13 =	veq.s32 v29, $0x3;
	vm14 =	veq.s32 v29, $0x4  }
0x305: {  	vm15 =	veq.s32 v29, $0x5;
	vm2 =	vmor vm2, vm4;
	vm6 =	vmor vm12, vm5  }
0x306: {  	vm1 =	vgt.f32 v3, v11;
	v22 =	vnsel vm2, $0xFF800000, v22;
	v2 =	vnsel vm6, $0xFF800000, v2  }
0x307: {  	vm7 =	vgt.f32 v15, v6;
	vm12 =	veq.s32 v29, $0x2;
	vm2 =	vgt.f32 v2, v22  }
0x308: {  	vm4 =	veq.s32 v29, $0x6;
	v63 =	vsel vm1, v3, v11;
	v2 =	vsel vm2, v2, v22  }
0x309: {  	vm5 =	veq.s32 v29, $0x7;
	v11 =	vsel vm1, v61, v56;
	vm8 =	vgt.f32 v2, v63  }
0x30a: {  	v6 =	vsel vm7, v15, v6;
	v22 =	vsel vm2, v62, v9;
	v0 =	vsel vm8, v2, v63  }
0x30b: {  	v23 =	vsel vm7, v20, v19;
	v3 =	vsel vm8, v22, v11;
	vm9 =	vgt.f32 v0, v6  }
0x30c: {  	v15 =	vlaneseq.u32;
	v6 =	vsel vm9, v0, v6;
	v7 =	vsel vm9, v3, v23  }
0x30d: {  	v20 =	vor.u32 v15, v35;
	v0 =	vsel vm10, v6, v45;
	v41 =	vsel vm10, v7, v55  }
0x30e: {  	v2 =	vsel vm11, v6, v14;
	v43 =	vsel vm11, v7, v50;
	v3 =	vsel vm12, v6, v8  }
0x30f: {  	v44 =	vsel vm12, v7, v4;
	v4 =	vsel vm13, v6, v46;
	v50 =	vsel vm13, v7, v5  }
0x310: {  	v14 =	vsel vm14, v6, v47;
	v11 =	vsel vm14, v7, v48;
	v51 =	vsel vm15, v6, v51  }
0x311: {  	v55 =	vsel vm15, v7, v52;
	v52 =	vsel vm4, v6, v53;
	v56 =	vsel vm4, v7, v54  }
0x312: {  	v53 =	vsel vm5, v6, v57;
	v57 =	vsel vm5, v7, v10;
	v54 =	vand.u32 $0x380, v35  }
0x313: {  	vm12 =	veq.s32 v27, $0x5;
	vm13 =	veq.s32 v27, $0x6;
	vm14 =	veq.s32 v27, $0x7  }
0x314: {  	vm15 =	vgt.f32 v36, v37;
	vm6 =	vgt.f32 v2, v0;
	vm7 =	vgt.f32 v4, v3  }
0x315: {  	vm8 =	vgt.f32 v51, v14;
	vm9 =	vgt.f32 v53, v52;
	v58 =	vor.u32 v54, v32  }
0x316: {  	v15 =	vsel vm15, v36, v37;
	v24 =	vsel vm6, v2, v0;
	v25 =	vsel vm6, v43, v41  }
0x317: {  	v60 =	vld [tilespmem:$0x1FDA0];
	v28 =	vsel vm7, v4, v3;
	v29 =	vsel vm7, v50, v44;
	v33 =	vsel vm8, v51, v14  }
0x318: {  	v23 =	vld [tilespmem:$0x1FDB0];
	v38 =	vsel vm9, v53, v52;
	v40 =	vsel vm8, v55, v11;
	v45 =	vsel vm9, v57, v56  }
0x319: {  	v48 =	vld [tilespmem:$0x1FD90];
	v6 =	vor.u32 v30, v58;
	vm10 =	vgt.f32 v28, v24;
	vm11 =	vgt.f32 v38, v33  }
0x31a: {  	vm9 =	vgt.f32 v31, v26;
	v7 =	vsel vm10, v28, v24;
	v9 =	vsel vm11, v38, v33  }
0x31b: {  	v46 =	vsel vm10, v29, v25;
	v47 =	vsel vm11, v45, v40;
	vm1 =	vgt.f32 v9, v7  }
0x31c: {  	v6 =	vor.u32 v12, v6;
	v25 =	vsel vm12, v39, v60;
	v33 =	vld [tilespmem:$0x1FDC0];
	v28 =	vsel vm1, v47, v46  }
0x31d: {  	v54 =	vsel vm12, v49, v23;
	v29 =	vlaneseq.u32;
	v62 =	vshll.u32 v28, $0x8  }
0x31e: {  	v19 =	vsel vm0, v49, v48;
	vm10 =	vgt.f32 v25, v34;
	v46 =	vld [tilespmem:$0x1FDD0];
	v45 =	vand.u32 $0x7FFFF800, v62  }
0x31f: {  	v47 =	vld [tilespmem:$0x1FDE0];
	v7 =	vsel vm1, v9, v7;
	v5 =	vshrl.u32 v28, $0x3;
	v24 =	vor.u32 v32, v45  }
0x320: {  	v60 =	vld [tilespmem:$0x1FDF0];
	v61 =	vshll.u32 v5, $0x4;
	v62 =	vsel vm9, v31, v26;
	v10 =	vor.u32 v30, v24  }
0x321: {  	v63 =	vadd.s32 s15, v61;
	v38 =	vsel vm13, v39, v33;
	v35 =	vor.u32 $0x80, v10  }
0x322: {  	v48 =	vld.idx.msk [tilespmem:v6+s2+$0x0], $0xffff;
	vm12 =	vgt.f32 v62, v15;
	v22 =	vand.u32 $0xFFFFFF80, v63;
	v58 =	vor.u32 $0x100, v10  }
0x323: {  	[tilespmem:$0x1FE10] =	vst v16;
	v24 =	vsel vm10, v25, v34;
	v15 =	vsel vm12, v62, v15;
	v8 =	vor.u32 v22, v61  }
0x324: {  	v46 =	vsel vm13, v49, v46;
	v40 =	vsel vm14, v39, v47;
	v61 =	vld.idx.msk [tilespmem:v20+s28+$0x0], $0xffff;
	v8 =	vor.u32 v29, v8  }
0x325: {  	v47 =	vsel vm14, v49, v60;
	[tilespmem:s29+$0x7000] =	vst v28;
	v22 =	vor.u32 $0x180, v10;
	vm11 =	vgt.f32 v40, v38  }
0x326: {  	[tilespmem:$0x1FE40] =	vst v18;
	v23 =	vor.u32 $0x200, v10;
	v1 =	vor.u32 $0x280, v10;
	v63 =	vsel vm11, v40, v38;
	v12 =	vld.idx.msk [tilespmem:v35+s2+$0x0], $0xffff  }
0x327: {  	v60 =	vsel vm15, v13, v16;
	[tilespmem:$0x1FF80] =	vst v48;
	v48 =	vand.u32 $0x380, v21;
	vm13 =	vgt.f32 v63, v24;
	v6 =	vld.idx.msk [tilespmem:v58+s2+$0x0], $0xffff  }
0x328: {  	[tilespmem:$0x1FE50] =	vst v19;
	v16 =	vand.u32 $0xFFFFFFF8, v28;
	v49 =	vor.u32 v48, v42;
	v27 =	vsel vm13, v63, v24;
	v35 =	vld.idx.msk [tilespmem:v10+s2+$0x0], $0xffff  }
0x329: {  	v20 =	vor.u32 v59, v49;
	[tilespmem:$0x1FF90] =	vst v61;
	v58 =	vor.u32 $0x300, v10;
	v10 =	vor.u32 $0x380, v10;
	v8 =	vld.idx.msk [tilespmem:v8+s5+$0x0], $0xffff  }
0x32a: {  	v61 =	vsel vm9, v18, v17;
	v63 =	vld.idx.msk [tilespmem:v22+s2+$0x0], $0xffff;
	v18 =	vsel vm10, v54, v19;
	v19 =	vsel vm11, v47, v46  }
0x32b: {  	v23 =	vld.idx.msk [tilespmem:v23+s2+$0x0], $0xffff;
	vm14 =	vgt.f32 v27, v15;
	v62 =	vsel vm12, v61, v60;
	v22 =	vsel vm13, v19, v18  }
0x32c: {  	v29 =	vld.idx.msk [tilespmem:v1+s2+$0x0], $0xffff;
	v18 =	vor.u32 $0x2, v16;
	v19 =	vor.u32 $0x3, v16;
	v22 =	vsel vm14, v22, v62  }
0x32d: {  	vm15 =	vgt.u32 v18, v28;
	v24 =	vshrl.u32 v22, $0x3;
	v49 =	vshll.u32 v22, $0x7  }
0x32e: {  	[tilespmem:$0x1FE60] =	vst v54;
	v60 =	vshll.u32 v24, $0x4;
	v54 =	vld.idx.msk [tilespmem:v10+s2+$0x0], $0xffff;
	v10 =	vsel vm14, v27, v15;
	v61 =	vmul.f32 v35, v8  }
0x32f: {  	v62 =	vadd.s32 s21, v60;
	v12 =	vmul.f32 v12, v8;
	v6 =	vmul.f32 v6, v8  }
0x330: {  	v33 =	vld.idx.msk [tilespmem:v58+s2+$0x0], $0xffff;
	v35 =	vand.u32 $0xFFFFFF80, v62;
	v39 =	vmul.f32 v63, v8;
	v23 =	vmul.f32 v23, v8  }
0x331: {  	v58 =	vld [tilespmem:$0x1FE00];
	v29 =	vmul.f32 v29, v8;
	v62 =	vor.u32 $0x7, v28;
	v15 =	vor.u32 v35, v60  }
0x332: {  	v60 =	vimm.s32 $0x0;
	vm7 =	vlt.f32 v61, v7;
	vm8 =	vlt.f32 v12, v7  }
0x333: {  	vm9 =	veq.f32 v12, v7;
	vm10 =	vlt.f32 v6, v7;
	vm11 =	veq.f32 v6, v7  }
0x334: {  	vm12 =	vlt.f32 v39, v7;
	vm13 =	veq.f32 v39, v7;
	vm5 =	vlt.f32 v23, v7  }
0x335: {  	vm14 =	veq.f32 v23, v7;
	vm3 =	vlt.f32 v29, v7;
	vm6 =	veq.f32 v29, v7  }
0x336: {  	[tilespmem:$0x1FE30] =	vst v17;
	v17 =	vnsel vm7, $0xFF800000, v61;
	vm7 =	veq.s32 v16, v28;
	v20 =	vor.u32 v58, v20  }
0x337: {  	v63 =	vmul.f32 v33, v8;
	v8 =	vmul.f32 v54, v8;
	vm7 =	vmand vm9, vm7  }
0x338: {  	vm9 =	vmand vm11, vm15;
	vm15 =	vgt.u32 v19, v28;
	v54 =	vor.u32 $0x4, v16  }
0x339: {  	v58 =	vor.u32 $0x5, v16;
	v33 =	vor.u32 $0x6, v16;
	vm7 =	vmor vm8, vm7  }
0x33a: {  	vm8 =	vmor vm10, vm9;
	vm15 =	vmand vm13, vm15;
	vm13 =	vgt.u32 v54, v28  }
0x33b: {  	vm0 =	vlt.f32 v63, v7;
	vm2 =	veq.f32 v63, v7;
	vm1 =	vlt.f32 v8, v7  }
0x33c: {  	vm4 =	veq.f32 v8, v7;
	v12 =	vnsel vm7, $0xFF800000, v12;
	v6 =	vnsel vm8, $0xFF800000, v6  }
0x33d: {  	vm12 =	vmor vm12, vm15;
	vm8 =	vmand vm14, vm13;
	vm14 =	vgt.u32 v33, v28  }
0x33e: {  	v39 =	vnsel vm12, $0xFF800000, v39;
	vm7 =	vgt.f32 v12, v17;
	vm5 =	vmor vm5, vm8  }
0x33f: {  	vm12 =	vgt.u32 v58, v28;
	vm2 =	vmand vm2, vm14;
	vm14 =	veq.s32 v5, $0x1  }
0x340: {  	v7 =	vsel vm7, v12, v17;
	vm15 =	vgt.f32 v39, v6;
	v23 =	vnsel vm5, $0xFF800000, v23  }
0x341: {  	vm13 =	vmand vm6, vm12;
	v61 =	vsel vm7, $0x1, v60;
	vm0 =	vmor vm0, vm2  }
0x342: {  	v6 =	vsel vm15, v39, v6;
	v27 =	vsel vm15, v19, v18;
	v35 =	vor.u32 v61, v16  }
0x343: {  	vm3 =	vmor vm3, vm13;
	vm15 =	vne.s32 v62, v28;
	v9 =	vnsel vm0, $0xFF800000, v63  }
0x344: {  	v18 =	vand.u32 $0x380, v49;
	v19 =	vshll.u32 v22, $0x8;
	v60 =	vld.idx.msk [tilespmem:v20+s2+$0x0], $0xffff;
	v20 =	vlaneseq.u32  }
0x345: {  	v29 =	vnsel vm3, $0xFF800000, v29;
	vm9 =	vmand vm4, vm15;
	vm11 =	vgt.f32 v6, v7  }
0x346: {  	vm15 =	veq.s32 v5, $0x2;
	vm1 =	vmor vm1, vm9;
	vm10 =	vgt.f32 v29, v23  }
0x347: {  	v6 =	vsel vm11, v6, v7;
	v27 =	vsel vm11, v27, v35;
	vm9 =	veq.s32 v5, $0x3  }
0x348: {  	vm11 =	veq.s32 v5, $0x5;
	v23 =	vsel vm10, v29, v23;
	v8 =	vnsel vm1, $0xFF800000, v8  }
0x349: {  	v12 =	vsel vm10, v58, v54;
	v29 =	vor.u32 v18, v42;
	v54 =	vlaneseq.u32  }
0x34a: {  	vm10 =	veq.s32 v5, $0x4;
	vm0 =	vgt.f32 v8, v9;
	v29 =	vor.u32 v59, v29  }
0x34b: {  	v15 =	vor.u32 v54, v15;
	v63 =	vsel vm0, v62, v33;
	v33 =	vand.u32 $0x7FFFF800, v19  }
0x34c: {  	v8 =	vsel vm0, v8, v9;
	vm0 =	veq.s32 v5, $0x0;
	v39 =	vor.u32 v33, v29  }
0x34d: {  	[tilespmem:$0x1FF20] =	vst v42;
	v48 =	vmovc v42;
	v7 =	vor.u32 v42, v33;
	v42 =	vlaneseq.u32;
	vm12 =	vgt.f32 v8, v23  }
0x34e: {  	v29 =	vand.u32 $0xFFFFFFF8, v22;
	v21 =	vor.u32 v42, v21;
	v7 =	vor.u32 v59, v7  }
0x34f: {  	v8 =	vsel vm12, v8, v23;
	v9 =	vsel vm12, v63, v12;
	vm12 =	veq.s32 v5, $0x6  }
0x350: {  	v23 =	vor.u32 $0x80, v7;
	v12 =	vor.u32 $0x100, v7;
	vm13 =	vgt.f32 v8, v6  }
0x351: {  	[tilespmem:$0x1FF30] =	vst v59;
	v58 =	vor.u32 $0x180, v7;
	v62 =	vor.u32 $0x280, v7;
	v63 =	vor.u32 $0x300, v7  }
0x352: {  	[tilespmem:$0x1FE20] =	vst v13;
	v42 =	vmovc v59;
	v6 =	vsel vm13, v8, v6;
	v27 =	vsel vm13, v9, v27;
	v59 =	vor.u32 $0x200, v7  }
0x353: {  	s16 =	rddreg [dreg:$0xf];
	[tilespmem:$0x1FE70] =	vst v39;
	v39 =	vsel vm0, v6, v0;
	v9 =	vsel vm14, v6, v2;
	v8 =	vsel vm15, v6, v3  }
0x354: {  	vm13 =	veq.s32 v5, $0x7;
	v13 =	vsel vm9, v6, v4;
	v16 =	vsel vm10, v6, v14;
	v61 =	vld.idx.msk [tilespmem:v21+s28+$0x0], $0xffff;
	[tilespmem:s16+$0x7000] =	vst v22  }
0x355: {  	v17 =	vsel vm11, v6, v51;
	v18 =	vsel vm12, v6, v52;
	v19 =	vsel vm13, v6, v53;
	v15 =	vld.idx.msk [tilespmem:v15+s5+$0x0], $0xffff  }
0x356: {  	v54 =	vsel vm0, v27, v41;
	v53 =	vsel vm14, v27, v43;
	v52 =	vsel vm15, v27, v44;
	v6 =	vld.idx.msk [tilespmem:v7+s2+$0x0], $0xffff  }
0x357: {  	v51 =	vsel vm9, v27, v50;
	v50 =	vsel vm10, v27, v11;
	v44 =	vsel vm11, v27, v55;
	v23 =	vld.idx.msk [tilespmem:v23+s2+$0x0], $0xffff  }
0x358: {  	v43 =	vsel vm12, v27, v56;
	v41 =	vsel vm13, v27, v57;
	vm14 =	vgt.f32 v9, v39;
	v12 =	vld.idx.msk [tilespmem:v12+s2+$0x0], $0xffff  }
0x359: {  	vm15 =	vgt.f32 v13, v8;
	vm8 =	vgt.f32 v17, v16;
	vm9 =	vgt.f32 v19, v18;
	v11 =	vld.idx.msk [tilespmem:v58+s2+$0x0], $0xffff  }
0x35a: {  	v0 =	vsel vm14, v9, v39;
	v1 =	vsel vm15, v13, v8;
	v2 =	vsel vm14, v53, v54;
	v35 =	vld.idx.msk [tilespmem:v62+s2+$0x0], $0xffff  }
0x35b: {  	[tilespmem:$0x1FF50] =	vst v60;
	v21 =	vsel vm15, v51, v52;
	v60 =	vsel vm8, v17, v16;
	v7 =	vor.u32 $0x380, v7;
	v3 =	vld.idx.msk [tilespmem:v63+s2+$0x0], $0xffff  }
0x35c: {  	vm10 =	vgt.f32 v1, v0;
	v63 =	vsel vm8, v44, v50;
	v58 =	vor.u32 $0x2, v29;
	v27 =	vld.idx.msk [tilespmem:v59+s2+$0x0], $0xffff  }
0x35d: {  	v14 =	vsel vm10, v1, v0;
	v62 =	vsel vm10, v21, v2;
	v0 =	vsel vm9, v41, v43  }
0x35e: {  	v59 =	vor.u32 $0x3, v29;
	v6 =	vmul.f32 v6, v15;
	v23 =	vmul.f32 v23, v15  }
0x35f: {  	[tilespmem:$0x1FF60] =	vst v61;
	v61 =	vsel vm9, v19, v18;
	v55 =	vmul.f32 v12, v15;
	v57 =	vmul.f32 v11, v15  }
0x360: {  	vm11 =	vgt.f32 v61, v60;
	v35 =	vmul.f32 v35, v15;
	v56 =	vmul.f32 v3, v15  }
0x361: {  	v33 =	vsel vm11, v61, v60;
	v12 =	vsel vm11, v0, v63;
	v27 =	vmul.f32 v27, v15  }
0x362: {  	v60 =	vor.u32 $0x4, v29;
	v61 =	vor.u32 $0x5, v29;
	v63 =	vor.u32 $0x7, v22  }
0x363: {  	vm0 =	vgt.f32 v33, v14;
	vm10 =	vlt.f32 v6, v10;
	vm11 =	vlt.f32 v23, v10  }
0x364: {  	vm12 =	veq.f32 v23, v10;
	vm13 =	vlt.f32 v55, v10;
	vm14 =	veq.f32 v55, v10  }
0x365: {  	v7 =	vld.idx.msk [tilespmem:v7+s2+$0x0], $0xffff;
	vm9 =	vlt.f32 v57, v10;
	vm15 =	veq.f32 v57, v10;
	vm5 =	vlt.f32 v35, v10  }
0x366: {  	vm8 =	veq.f32 v35, v10;
	vm1 =	vlt.f32 v56, v10;
	vm3 =	veq.f32 v56, v10  }
0x367: {  	v11 =	vsel vm0, v12, v62;
	vm4 =	vlt.f32 v27, v10;
	vm7 =	veq.f32 v27, v10  }
0x368: {  	v6 =	vnsel vm10, $0xFF800000, v6;
	vm10 =	veq.s32 v29, v22;
	v62 =	vor.u32 $0x6, v29  }
0x369: {  	v14 =	vsel vm0, v33, v14;
	vm10 =	vmand vm12, vm10;
	vm12 =	vgt.u32 v58, v22  }
0x36a: {  	v5 =	vshll.u32 v11, $0x8;
	v7 =	vmul.f32 v7, v15;
	v15 =	vshll.u32 v28, $0x7  }
0x36b: {  	vm10 =	vmor vm11, vm10;
	vm12 =	vmand vm14, vm12;
	vm14 =	vgt.u32 v59, v22  }
0x36c: {  	v1 =	vand.u32 $0x380, v15;
	v23 =	vnsel vm10, $0xFF800000, v23;
	vm10 =	vmor vm13, vm12  }
0x36d: {  	vm11 =	vmand vm15, vm14;
	vm12 =	vgt.u32 v60, v22;
	vm13 =	vgt.u32 v61, v22  }
0x36e: {  	v15 =	vor.u32 v20, v15;
	vm14 =	vgt.u32 v62, v22;
	vm15 =	vne.s32 v63, v22  }
0x36f: {  	v22 =	vlaneseq.u32;
	v12 =	vor.u32 v1, v32;
	vm2 =	vlt.f32 v7, v10  }
0x370: {  	vm6 =	veq.f32 v7, v10;
	v10 =	vand.u32 $0x7FFFF800, v5;
	vm9 =	vmor vm9, vm11  }
0x371: {  	vm11 =	vgt.f32 v23, v6;
	v55 =	vnsel vm10, $0xFF800000, v55;
	vm7 =	vmand vm7, vm12  }
0x372: {  	vm8 =	vmand vm8, vm13;
	vm3 =	vmand vm3, vm14;
	v2 =	vor.u32 v30, v12  }
0x373: {  	v12 =	vshrl.u32 v11, $0x3;
	v21 =	vor.u32 v32, v10;
	v57 =	vnsel vm9, $0xFF800000, v57  }
0x374: {  	vm4 =	vmor vm4, vm7;
	vm5 =	vmor vm5, vm8;
	vm8 =	vmand vm6, vm15  }
0x375: {  	vm1 =	vmor vm1, vm3;
	v28 =	vor.u32 v45, v2;
	v3 =	vshll.u32 v12, $0x4  }
0x376: {  	v0 =	vor.u32 v30, v21;
	v27 =	vnsel vm4, $0xFF800000, v27;
	v35 =	vnsel vm5, $0xFF800000, v35  }
0x377: {  	vm2 =	vmor vm2, vm8;
	v4 =	vadd.s32 s15, v3;
	v1 =	vor.u32 $0x200, v0  }
0x378: {  	v45 =	vand.u32 $0xFFFFFF80, v4;
	v4 =	vsel vm11, v23, v6;
	v6 =	vor.u32 $0x100, v0  }
0x379: {  	v56 =	vnsel vm1, $0xFF800000, v56;
	vm9 =	vgt.f32 v57, v55;
	v45 =	vor.u32 v45, v3  }
0x37a: {  	v2 =	vor.u32 $0x280, v0;
	v20 =	vor.u32 $0x300, v0;
	v15 =	vld.idx.msk [tilespmem:v15+s28+$0x0], $0xffff;
	v45 =	vor.u32 v22, v45  }
0x37b: {  	v7 =	vnsel vm2, $0xFF800000, v7;
	vm10 =	vgt.f32 v35, v27;
	v22 =	vor.u32 $0x80, v0;
	v23 =	vld.idx.msk [tilespmem:v28+s2+$0x0], $0xffff;
	[tilespmem:s30+$0x7100] =	vst v11  }
0x37c: {  	v21 =	vsel vm9, v57, v55;
	v27 =	vsel vm10, v35, v27;
	v28 =	vimm.s32 $0x0;
	v1 =	vld.idx.msk [tilespmem:v1+s2+$0x0], $0xffff  }
0x37d: {  	v61 =	vsel vm10, v61, v60;
	vm12 =	vgt.f32 v21, v4;
	v5 =	vsel vm11, $0x1, v28;
	v28 =	vld.idx.msk [tilespmem:v6+s2+$0x0], $0xffff  }
0x37e: {  	v4 =	vsel vm12, v21, v4;
	vm11 =	vgt.f32 v7, v56;
	v29 =	vor.u32 v5, v29;
	v6 =	vld.idx.msk [tilespmem:v0+s2+$0x0], $0xffff  }
0x37f: {  	[tilespmem:$0x1FFB0] =	vst v15;
	v15 =	vor.u32 $0x180, v0;
	v0 =	vor.u32 $0x380, v0;
	v7 =	vsel vm11, v7, v56;
	v45 =	vld.idx.msk [tilespmem:v45+s5+$0x0], $0xffff  }
0x380: {  	v63 =	vsel vm11, v63, v62;
	v56 =	vand.u32 $0xFFFFFFF8, v11;
	v62 =	vor.u32 $0x7, v11;
	v22 =	vld.idx.msk [tilespmem:v22+s2+$0x0], $0xffff  }
0x381: {  	v2 =	vld.idx.msk [tilespmem:v2+s2+$0x0], $0xffff;
	vm13 =	vgt.f32 v7, v27;
	vm15 =	veq.s32 v56, v11;
	v57 =	vor.u32 $0x2, v56  }
0x382: {  	v3 =	vld.idx.msk [tilespmem:v20+s2+$0x0], $0xffff;
	v60 =	vor.u32 $0x5, v56;
	v7 =	vsel vm13, v7, v27;
	v21 =	vsel vm13, v63, v61  }
0x383: {  	v61 =	vimm.s32 $0x0;
	[tilespmem:$0x1FFA0] =	vst v23;
	v23 =	vsel vm9, v59, v58;
	vm14 =	vgt.f32 v7, v4  }
0x384: {  	v58 =	vor.u32 $0x3, v56;
	v59 =	vor.u32 $0x4, v56;
	v20 =	vsel vm12, v23, v29  }
0x385: {  	v5 =	vld.idx.msk [tilespmem:v15+s2+$0x0], $0xffff;
	v15 =	vsel vm14, v7, v4;
	v23 =	vmul.f32 v6, v45;
	v35 =	vmul.f32 v22, v45  }
0x386: {  	v0 =	vld.idx.msk [tilespmem:v0+s2+$0x0], $0xffff;
	v29 =	vsel vm14, v21, v20;
	v55 =	vmul.f32 v28, v45;
	v1 =	vmul.f32 v1, v45  }
0x387: {  	v2 =	vmul.f32 v2, v45;
	v3 =	vmul.f32 v3, v45;
	vm6 =	vlt.f32 v23, v14  }
0x388: {  	vm7 =	vlt.f32 v35, v14;
	vm8 =	veq.f32 v35, v14;
	vm9 =	vlt.f32 v55, v14  }
0x389: {  	vm10 =	veq.f32 v55, v14;
	vm13 =	vlt.f32 v1, v14;
	vm14 =	veq.f32 v1, v14  }
0x38a: {  	vm2 =	vlt.f32 v2, v14;
	vm5 =	veq.f32 v2, v14;
	vm0 =	vlt.f32 v3, v14  }
0x38b: {  	vm3 =	veq.f32 v3, v14;
	v5 =	vmul.f32 v5, v45;
	v0 =	vmul.f32 v0, v45  }
0x38c: {  	v4 =	vnsel vm6, $0xFF800000, v23;
	vm6 =	vmand vm8, vm15;
	vm15 =	vgt.u32 v57, v11  }
0x38d: {  	v23 =	vshll.u32 v11, $0x7;
	vm6 =	vmor vm7, vm6;
	vm7 =	vmand vm10, vm15  }
0x38e: {  	vm15 =	vgt.u32 v58, v11;
	v45 =	vand.u32 $0x380, v23;
	vm11 =	vlt.f32 v5, v14  }
0x38f: {  	vm12 =	veq.f32 v5, v14;
	vm1 =	vlt.f32 v0, v14;
	vm4 =	veq.f32 v0, v14  }
0x390: {  	v6 =	vnsel vm6, $0xFF800000, v35;
	vm9 =	vmor vm9, vm7;
	v14 =	vor.u32 $0x6, v56  }
0x391: {  	vm10 =	vmand vm12, vm15;
	v7 =	vnsel vm9, $0xFF800000, v55;
	vm15 =	vgt.f32 v6, v4  }
0x392: {  	vm12 =	vgt.u32 v59, v11;
	vm11 =	vmor vm11, vm10;
	v4 =	vsel vm15, v6, v4  }
0x393: {  	vm6 =	vmand vm14, vm12;
	vm14 =	vgt.u32 v14, v11;
	v5 =	vnsel vm11, $0xFF800000, v5  }
0x394: {  	vm6 =	vmor vm13, vm6;
	vm13 =	vgt.u32 v60, v11;
	vm3 =	vmand vm3, vm14  }
0x395: {  	vm14 =	veq.s32 v12, $0x2;
	vm12 =	vgt.f32 v5, v7;
	v1 =	vnsel vm6, $0xFF800000, v1  }
0x396: {  	vm5 =	vmand vm5, vm13;
	vm0 =	vmor vm0, vm3;
	vm13 =	veq.s32 v12, $0x1  }
0x397: {  	vm6 =	veq.s32 v12, $0x6;
	vm3 =	veq.s32 v24, $0x2;
	v5 =	vsel vm12, v5, v7  }
0x398: {  	v7 =	vsel vm15, $0x1, v61;
	vm15 =	vne.s32 v62, v11;
	vm2 =	vmor vm2, vm5  }
0x399: {  	v3 =	vnsel vm0, $0xFF800000, v3;
	v22 =	vsel vm12, v58, v57;
	vm0 =	veq.s32 v24, $0x0  }
0x39a: {  	vm12 =	veq.s32 v12, $0x0;
	vm5 =	veq.s32 v12, $0x5;
	v7 =	vor.u32 v7, v56  }
0x39b: {  	vm4 =	vmand vm4, vm15;
	v2 =	vnsel vm2, $0xFF800000, v2;
	vm9 =	vgt.f32 v5, v4  }
0x39c: {  	v20 =	vsel vm0, v15, v37;
	vm15 =	veq.s32 v12, $0x3;
	vm1 =	vmor vm1, vm4  }
0x39d: {  	vm7 =	vgt.f32 v2, v1;
	v4 =	vsel vm9, v5, v4;
	v0 =	vnsel vm1, $0xFF800000, v0  }
0x39e: {  	v27 =	vsel vm9, v22, v7;
	vm4 =	veq.s32 v12, $0x4;
	vm1 =	vgt.f32 v0, v3  }
0x39f: {  	v22 =	vlaneseq.u32;
	v1 =	vsel vm7, v2, v1;
	v0 =	vsel vm1, v0, v3  }
0x3a0: {  	v63 =	vsel vm7, v60, v59;
	vm7 =	veq.s32 v12, $0x7;
	vm10 =	vgt.f32 v0, v1  }
0x3a1: {  	v14 =	vsel vm1, v62, v14;
	vm1 =	veq.s32 v24, $0x1;
	v0 =	vsel vm10, v0, v1  }
0x3a2: {  	v28 =	vsel vm1, v15, v36;
	v2 =	vsel vm10, v14, v63;
	vm11 =	vgt.f32 v0, v4  }
0x3a3: {  	v63 =	vlaneseq.u32;
	v0 =	vsel vm11, v0, v4;
	v2 =	vsel vm11, v2, v27  }
0x3a4: {  	v1 =	vor.u32 v63, v23;
	v11 =	vsel vm12, v0, v39;
	v14 =	vsel vm12, v2, v54  }
0x3a5: {  	v9 =	vsel vm13, v0, v9;
	v53 =	vsel vm13, v2, v53;
	v8 =	vsel vm14, v0, v8  }
0x3a6: {  	v52 =	vsel vm14, v2, v52;
	v54 =	vsel vm15, v0, v13;
	v51 =	vsel vm15, v2, v51  }
0x3a7: {  	v55 =	vsel vm4, v0, v16;
	v56 =	vsel vm4, v2, v50;
	v57 =	vsel vm5, v0, v17  }
0x3a8: {  	v3 =	vsel vm5, v2, v44;
	v58 =	vsel vm6, v0, v18;
	v4 =	vsel vm6, v2, v43  }
0x3a9: {  	v59 =	vsel vm7, v0, v19;
	v5 =	vsel vm7, v2, v41;
	v50 =	vor.u32 v45, v32  }
0x3aa: {  	vm4 =	veq.s32 v24, $0x3;
	vm15 =	veq.s32 v24, $0x5;
	vm8 =	vgt.f32 v9, v11  }
0x3ab: {  	vm9 =	vgt.f32 v54, v8;
	vm10 =	vgt.f32 v57, v55;
	vm11 =	vgt.f32 v59, v58  }
0x3ac: {  	v33 =	vsel vm8, v9, v11;
	v35 =	vsel vm8, v53, v14;
	v36 =	vsel vm9, v54, v8  }
0x3ad: {  	v37 =	vsel vm9, v51, v52;
	v39 =	vsel vm10, v57, v55;
	v41 =	vsel vm11, v59, v58  }
0x3ae: {  	v43 =	vsel vm10, v3, v56;
	vm12 =	vgt.f32 v36, v33;
	vm13 =	vgt.f32 v41, v39  }
0x3af: {  	v44 =	vsel vm11, v5, v4;
	v6 =	vsel vm12, v36, v33;
	v13 =	vsel vm13, v41, v39  }
0x3b0: {  	v2 =	vsel vm12, v37, v35;
	v0 =	vsel vm13, v44, v43;
	vm2 =	vgt.f32 v13, v6  }
0x3b1: {  	v63 =	vld [tilespmem:$0x1FE60];
	vm14 =	veq.s32 v24, $0x4;
	v45 =	vsel vm15, v15, v25;
	v2 =	vsel vm2, v0, v2  }
0x3b2: {  	vm12 =	veq.s32 v24, $0x6;
	v39 =	vsel vm14, v15, v34;
	v33 =	vld [tilespmem:$0x1FE10];
	v12 =	vshrl.u32 v2, $0x3  }
0x3b3: {  	v34 =	vld [tilespmem:$0x1FE20];
	v0 =	vor.u32 v30, v50;
	v61 =	vshll.u32 v2, $0x8;
	v60 =	vshll.u32 v12, $0x4  }
0x3b4: {  	v41 =	vld [tilespmem:$0x1FE30];
	v10 =	vor.u32 v10, v0;
	v0 =	vand.u32 $0x7FFFF800, v61;
	v62 =	vadd.s32 s15, v60  }
0x3b5: {  	vm13 =	veq.s32 v24, $0x7;
	v50 =	vld [tilespmem:$0x1FE40];
	v21 =	vor.u32 v32, v0;
	v17 =	vand.u32 $0xFFFFFF80, v62  }
0x3b6: {  	v44 =	vsel vm4, v15, v31;
	v62 =	vld [tilespmem:$0x1FE50];
	v7 =	vor.u32 v17, v60;
	v17 =	vor.u32 v30, v21  }
0x3b7: {  	s17 =	sld [smem:$0x7FD];
	v36 =	vsel vm15, v29, v63;
	v43 =	vsel vm12, v15, v38;
	v7 =	vor.u32 v22, v7  }
0x3b8: {  	v37 =	vsel vm13, v15, v40;
	v46 =	vsel vm12, v29, v46;
	v23 =	vor.u32 $0x80, v17  }
0x3b9: {  	v47 =	vsel vm13, v29, v47;
	v38 =	vsel vm0, v29, v33;
	v10 =	vld.idx.msk [tilespmem:v10+s2+$0x0], $0xffff;
	v31 =	vor.u32 $0x100, v17  }
0x3ba: {  	v1 =	vld.idx.msk [tilespmem:v1+s28+$0x0], $0xffff;
	v25 =	vsel vm1, v29, v34;
	v40 =	vsel vm3, v29, v41;
	[tilespmem:s17+$0x7000] =	vst v2;
	v35 =	vor.u32 $0x180, v17  }
0x3bb: {  	v60 =	vsel vm4, v29, v50;
	v61 =	vor.u32 $0x200, v17;
	v41 =	vsel vm14, v29, v62;
	v29 =	vld.idx.msk [tilespmem:v17+s2+$0x0], $0xffff  }
0x3bc: {  	v27 =	vsel vm3, v15, v26;
	v26 =	vor.u32 $0x300, v17;
	v7 =	vld.idx.msk [tilespmem:v7+s5+$0x0], $0xffff  }
0x3bd: {  	vm15 =	vgt.f32 v44, v27;
	vm8 =	vgt.f32 v45, v39;
	v18 =	vld.idx.msk [tilespmem:v23+s2+$0x0], $0xffff  }
0x3be: {  	vm9 =	vgt.f32 v37, v43;
	vm14 =	vgt.f32 v28, v20;
	[tilespmem:$0x1FFC0] =	vst v10;
	v10 =	vor.u32 $0x280, v17;
	v19 =	vld.idx.msk [tilespmem:v31+s2+$0x0], $0xffff  }
0x3bf: {  	[tilespmem:$0x1FFD0] =	vst v1;
	v33 =	vsel vm15, v44, v27;
	v1 =	vsel vm14, v28, v20;
	v31 =	vld.idx.msk [tilespmem:v35+s2+$0x0], $0xffff  }
0x3c0: {  	v24 =	vsel vm15, v60, v40;
	v34 =	vsel vm14, v25, v38;
	vm10 =	vgt.f32 v33, v1;
	v15 =	vld.idx.msk [tilespmem:v61+s2+$0x0], $0xffff  }
0x3c1: {  	v6 =	vsel vm2, v13, v6;
	v17 =	vor.u32 $0x380, v17;
	v21 =	vsel vm10, v24, v34;
	v34 =	vld.idx.msk [tilespmem:v26+s2+$0x0], $0xffff  }
0x3c2: {  	v16 =	vsel vm9, v37, v43;
	v63 =	vsel vm8, v36, v41;
	v23 =	vsel vm10, v33, v1  }
0x3c3: {  	v1 =	vsel vm9, v47, v46;
	v22 =	vld.idx.msk [tilespmem:v10+s2+$0x0], $0xffff;
	v10 =	vsel vm8, v45, v39;
	v29 =	vmul.f32 v29, v7  }
0x3c4: {  	v18 =	vmul.f32 v18, v7;
	v19 =	vmul.f32 v19, v7;
	vm11 =	vgt.f32 v16, v10  }
0x3c5: {  	[tilespmem:$0x1FE90] =	vst v60;
	v15 =	vmul.f32 v15, v7;
	v60 =	vsel vm11, v16, v10;
	v26 =	vsel vm11, v1, v63  }
0x3c6: {  	v17 =	vld.idx.msk [tilespmem:v17+s2+$0x0], $0xffff;
	v10 =	vmul.f32 v31, v7;
	v31 =	vmul.f32 v34, v7;
	vm12 =	veq.f32 v18, v6  }
0x3c7: {  	vm6 =	vlt.f32 v29, v6;
	vm14 =	vlt.f32 v18, v6;
	vm8 =	vlt.f32 v19, v6  }
0x3c8: {  	vm9 =	veq.f32 v19, v6;
	v63 =	vimm.s32 $0x0;
	vm0 =	vgt.f32 v60, v23  }
0x3c9: {  	v35 =	vnsel vm6, $0xFF800000, v29;
	v26 =	vsel vm0, v26, v21;
	v21 =	vand.u32 $0xFFFFFFF8, v2  }
0x3ca: {  	vm10 =	vlt.f32 v10, v6;
	vm11 =	veq.f32 v10, v6;
	vm2 =	vlt.f32 v31, v6  }
0x3cb: {  	vm5 =	veq.f32 v31, v6;
	v22 =	vmul.f32 v22, v7;
	v7 =	vmul.f32 v17, v7  }
0x3cc: {  	vm13 =	veq.s32 v21, v2;
	v61 =	vor.u32 $0x3, v21;
	v62 =	vor.u32 $0x4, v21  }
0x3cd: {  	v24 =	vor.u32 $0x5, v21;
	v33 =	vor.u32 $0x6, v21;
	vm1 =	vmand vm12, vm13  }
0x3ce: {  	vm12 =	vlt.f32 v15, v6;
	vm13 =	veq.f32 v15, v6;
	vm15 =	vgt.u32 v61, v2  }
0x3cf: {  	vm7 =	vmor vm14, vm1;
	vm1 =	vlt.f32 v22, v6;
	vm4 =	veq.f32 v22, v6  }
0x3d0: {  	vm3 =	vlt.f32 v7, v6;
	v50 =	vnsel vm7, $0xFF800000, v18;
	v18 =	vor.u32 $0x2, v21  }
0x3d1: {  	vm14 =	veq.f32 v7, v6;
	vm6 =	vgt.f32 v50, v35;
	vm7 =	vgt.u32 v18, v2  }
0x3d2: {  	vm15 =	vmand vm11, vm15;
	v6 =	vsel vm6, v50, v35;
	vm7 =	vmand vm9, vm7  }
0x3d3: {  	v1 =	vsel vm6, $0x1, v63;
	v50 =	vor.u32 $0x7, v2;
	vm7 =	vmor vm8, vm7  }
0x3d4: {  	vm8 =	vmor vm10, vm15;
	vm15 =	vgt.u32 v62, v2;
	v19 =	vnsel vm7, $0xFF800000, v19  }
0x3d5: {  	v13 =	vnsel vm8, $0xFF800000, v10;
	vm13 =	vmand vm13, vm15;
	v10 =	vor.u32 v1, v21  }
0x3d6: {  	vm15 =	vgt.u32 v24, v2;
	v1 =	vshll.u32 v26, $0x8;
	vm7 =	vmor vm12, vm13  }
0x3d7: {  	vm8 =	vgt.f32 v13, v19;
	vm12 =	vgt.u32 v33, v2;
	vm13 =	vne.s32 v50, v2  }
0x3d8: {  	vm4 =	vmand vm4, vm15;
	v13 =	vsel vm8, v13, v19;
	v15 =	vnsel vm7, $0xFF800000, v15  }
0x3d9: {  	vm5 =	vmand vm5, vm12;
	vm15 =	vmand vm14, vm13;
	vm1 =	vmor vm1, vm4  }
0x3da: {  	v18 =	vsel vm8, v61, v18;
	vm4 =	veq.s32 v12, $0x3;
	vm12 =	veq.s32 v12, $0x4  }
0x3db: {  	vm13 =	veq.s32 v12, $0x5;
	vm14 =	veq.s32 v12, $0x6;
	vm2 =	vmor vm2, vm5  }
0x3dc: {  	vm3 =	vmor vm3, vm15;
	v22 =	vnsel vm1, $0xFF800000, v22;
	vm9 =	vgt.f32 v13, v6  }
0x3dd: {  	vm15 =	veq.s32 v12, $0x7;
	v31 =	vnsel vm2, $0xFF800000, v31;
	v7 =	vnsel vm3, $0xFF800000, v7  }
0x3de: {  	vm1 =	vgt.f32 v22, v15;
	v6 =	vsel vm9, v13, v6;
	v18 =	vsel vm9, v18, v10  }
0x3df: {  	vm3 =	veq.s32 v12, $0x2;
	v10 =	vand.u32 $0x7FFFF800, v1;
	vm2 =	vgt.f32 v7, v31  }
0x3e0: {  	v15 =	vsel vm1, v22, v15;
	v17 =	vsel vm1, v24, v62;
	vm1 =	veq.s32 v12, $0x0  }
0x3e1: {  	v35 =	vor.u32 v48, v10;
	v48 =	vlaneseq.u32;
	v7 =	vsel vm2, v7, v31  }
0x3e2: {  	v61 =	vsel vm2, v50, v33;
	v50 =	vshrl.u32 v26, $0x3;
	vm10 =	vgt.f32 v7, v15  }
0x3e3: {  	vm2 =	veq.s32 v12, $0x1;
	v62 =	vshll.u32 v50, $0x4;
	v7 =	vsel vm10, v7, v15  }
0x3e4: {  	v63 =	vadd.s32 s21, v62;
	v17 =	vsel vm10, v61, v17;
	vm11 =	vgt.f32 v7, v6  }
0x3e5: {  	v61 =	vlaneseq.u32;
	v15 =	vand.u32 $0xFFFFFF80, v63;
	v6 =	vsel vm11, v7, v6  }
0x3e6: {  	v13 =	vor.u32 v15, v62;
	v7 =	vsel vm11, v17, v18;
	v62 =	vsel vm1, v6, v11  }
0x3e7: {  	v21 =	vsel vm1, v7, v14;
	v16 =	vsel vm2, v6, v9;
	v31 =	vsel vm2, v7, v53  }
0x3e8: {  	[tilespmem:$0x1FE80] =	vst v20;
	v53 =	vsel vm3, v6, v8;
	v20 =	vsel vm3, v7, v52;
	v54 =	vsel vm4, v6, v54  }
0x3e9: {  	v22 =	vld [tilespmem:$0x1FE70];
	v52 =	vsel vm4, v7, v51;
	v51 =	vsel vm12, v6, v55;
	v56 =	vsel vm12, v7, v56  }
0x3ea: {  	v55 =	vsel vm13, v6, v57;
	v33 =	vsel vm14, v6, v58;
	v29 =	vsel vm15, v6, v59  }
0x3eb: {  	v63 =	vsel vm13, v7, v3;
	v57 =	vsel vm14, v7, v4;
	v58 =	vsel vm15, v7, v5  }
0x3ec: {  	v59 =	vor.u32 v48, v49;
	v6 =	vor.u32 v61, v13;
	v3 =	vor.u32 v42, v35  }
0x3ed: {  	vm11 =	vgt.f32 v16, v62;
	vm12 =	vgt.f32 v54, v53;
	vm14 =	vgt.f32 v55, v51  }
0x3ee: {  	vm15 =	vgt.f32 v29, v33;
	v11 =	vor.u32 $0x80, v3;
	v61 =	vor.u32 $0x180, v3  }
0x3ef: {  	v24 =	vsel vm11, v16, v62;
	v34 =	vsel vm12, v54, v53;
	v1 =	vsel vm11, v31, v21  }
0x3f0: {  	[tilespmem:$0x1FF40] =	vst v10;
	v8 =	vsel vm12, v52, v20;
	v9 =	vsel vm14, v55, v51;
	v10 =	vsel vm15, v29, v33  }
0x3f1: {  	v42 =	vld.idx.msk [tilespmem:v22+s2+$0x0], $0xffff;
	v35 =	vsel vm14, v63, v56;
	v48 =	vsel vm15, v58, v57;
	v22 =	vshll.u32 v2, $0x7  }
0x3f2: {  	vm13 =	vgt.f32 v34, v24;
	vm8 =	vgt.f32 v10, v9;
	v2 =	vand.u32 $0x380, v22  }
0x3f3: {  	s19 =	rddreg [dreg:$0xd];
	v15 =	vsel vm13, v34, v24;
	v13 =	vsel vm13, v8, v1;
	v24 =	vor.u32 $0x100, v3  }
0x3f4: {  	v17 =	vsel vm8, v10, v9;
	v49 =	vsel vm8, v48, v35;
	v9 =	vor.u32 $0x200, v3;
	v59 =	vld.idx.msk [tilespmem:v59+s28+$0x0], $0xffff;
	[tilespmem:s19+$0x7000] =	vst v26  }
0x3f5: {  	v10 =	vor.u32 v2, v32;
	v8 =	vlaneseq.u32;
	vm9 =	vgt.f32 v17, v15;
	v6 =	vld.idx.msk [tilespmem:v6+s5+$0x0], $0xffff  }
0x3f6: {  	v14 =	vsel vm9, v49, v13;
	v18 =	vld.idx.msk [tilespmem:v11+s2+$0x0], $0xffff;
	v11 =	vor.u32 $0x280, v3;
	v13 =	vor.u32 v30, v10  }
0x3f7: {  	v61 =	vld.idx.msk [tilespmem:v61+s2+$0x0], $0xffff;
	v2 =	vshrl.u32 v14, $0x3;
	v0 =	vor.u32 v0, v13;
	v48 =	vshll.u32 v14, $0x8  }
0x3f8: {  	v22 =	vor.u32 v8, v22;
	v48 =	vand.u32 $0x7FFFF800, v48;
	v19 =	vld.idx.msk [tilespmem:v24+s2+$0x0], $0xffff;
	v24 =	vshll.u32 v2, $0x4  }
0x3f9: {  	v49 =	vor.u32 $0x300, v3;
	v34 =	vld.idx.msk [tilespmem:v9+s2+$0x0], $0xffff;
	v10 =	vor.u32 v32, v48;
	v7 =	vadd.s32 s15, v24  }
0x3fa: {  	[tilespmem:$0x1FF70] =	vst v59;
	v59 =	vld.idx.msk [tilespmem:v3+s2+$0x0], $0xffff;
	v35 =	vor.u32 v30, v10;
	v9 =	vand.u32 $0xFFFFFF80, v7  }
0x3fb: {  	v12 =	vld.idx.msk [tilespmem:v11+s2+$0x0], $0xffff;
	v11 =	vlaneseq.u32;
	v4 =	vor.u32 v9, v24;
	v24 =	vor.u32 $0x80, v35  }
0x3fc: {  	v0 =	vld.idx.msk [tilespmem:v0+s2+$0x0], $0xffff;
	v4 =	vor.u32 v11, v4  }
0x3fd: {  	v3 =	vor.u32 $0x380, v3;
	v11 =	vld.idx.msk [tilespmem:v22+s28+$0x0], $0xffff  }
0x3fe: {  	v49 =	vld.idx.msk [tilespmem:v49+s2+$0x0], $0xffff;
	v13 =	vor.u32 $0x100, v35;
	[tilespmem:s30+$0x7200] =	vst v14  }
0x3ff: {  	v8 =	vor.u32 $0x300, v35;
	v22 =	vld.idx.msk [tilespmem:v35+s2+$0x0], $0xffff  }
0x400: {  	v9 =	vld.idx.msk [tilespmem:v24+s2+$0x0], $0xffff  }
0x401: {  	[tilespmem:$0x1FFE0] =	vst v0;
	v0 =	vld.idx.msk [tilespmem:v4+s5+$0x0], $0xffff  }
0x402: {  	v5 =	vor.u32 $0x380, v35;
	[tilespmem:$0x1FFF0] =	vst v11;
	v11 =	vld.idx.msk [tilespmem:v3+s2+$0x0], $0xffff  }
0x403: {  	v10 =	vld.idx.msk [tilespmem:v13+s2+$0x0], $0xffff;
	v13 =	vmul.f32 v59, v6;
	v59 =	vmul.f32 v18, v6;
	v24 =	vor.u32 $0x280, v35  }
0x404: {  	v18 =	vmul.f32 v61, v6;
	v61 =	vmul.f32 v12, v6;
	v8 =	vld.idx.msk [tilespmem:v8+s2+$0x0], $0xffff;
	v3 =	vor.u32 $0x180, v35  }
0x405: {  	v1 =	vmul.f32 v49, v6;
	v4 =	vor.u32 $0x200, v35;
	v35 =	vmul.f32 v19, v6  }
0x406: {  	v60 =	vsel vm0, v60, v23;
	v19 =	vmul.f32 v34, v6;
	v34 =	vmul.f32 v22, v0  }
0x407: {  	v5 =	vld.idx.msk [tilespmem:v5+s2+$0x0], $0xffff;
	v49 =	vimm.s32 $0x0;
	v9 =	vmul.f32 v9, v0;
	v7 =	vmul.f32 v11, v6  }
0x408: {  	v24 =	vld.idx.msk [tilespmem:v24+s2+$0x0], $0xffff;
	v22 =	vsel vm9, v17, v15;
	v11 =	vand.u32 $0xFFFFFFF8, v14;
	v10 =	vmul.f32 v10, v0  }
0x409: {  	v3 =	vld.idx.msk [tilespmem:v3+s2+$0x0], $0xffff;
	v8 =	vmul.f32 v8, v0;
	vm12 =	veq.s32 v11, v14;
	v6 =	vor.u32 $0x2, v11  }
0x40a: {  	v4 =	vld.idx.msk [tilespmem:v4+s2+$0x0], $0xffff;
	v15 =	vor.u32 $0x4, v11;
	v17 =	vor.u32 $0x5, v11;
	vm10 =	vlt.f32 v34, v22  }
0x40b: {  	vm1 =	vlt.f32 v9, v22;
	vm11 =	veq.f32 v9, v22;
	vm9 =	vlt.f32 v8, v22  }
0x40c: {  	vm13 =	vgt.u32 v6, v14;
	vm14 =	vgt.u32 v15, v14;
	vm2 =	vmand vm11, vm12  }
0x40d: {  	v23 =	vnsel vm10, $0xFF800000, v34;
	vm10 =	veq.f32 v8, v22;
	vm1 =	vmor vm1, vm2  }
0x40e: {  	v12 =	vmul.f32 v24, v0;
	vm2 =	veq.f32 v10, v22;
	v3 =	vmul.f32 v3, v0  }
0x40f: {  	v24 =	vor.u32 $0x7, v14;
	v4 =	vmul.f32 v4, v0;
	v0 =	vmul.f32 v5, v0  }
0x410: {  	v9 =	vnsel vm1, $0xFF800000, v9;
	vm1 =	vlt.f32 v10, v22;
	vm2 =	vmand vm2, vm13  }
0x411: {  	vm7 =	vlt.f32 v12, v22;
	vm8 =	veq.f32 v12, v22;
	vm0 =	vgt.f32 v9, v23  }
0x412: {  	vm1 =	vmor vm1, vm2;
	vm3 =	vlt.f32 v3, v22;
	vm4 =	veq.f32 v3, v22  }
0x413: {  	vm5 =	vlt.f32 v4, v22;
	vm6 =	veq.f32 v4, v22;
	vm11 =	vlt.f32 v0, v22  }
0x414: {  	vm12 =	veq.f32 v0, v22;
	v5 =	vsel vm0, v9, v23;
	v9 =	vor.u32 $0x3, v11  }
0x415: {  	v10 =	vnsel vm1, $0xFF800000, v10;
	v23 =	vor.u32 $0x6, v11;
	vm13 =	vgt.u32 v9, v14  }
0x416: {  	vm14 =	vmand vm6, vm14;
	vm6 =	vgt.u32 v23, v14;
	vm13 =	vmand vm4, vm13  }
0x417: {  	vm4 =	vmor vm5, vm14;
	vm5 =	vgt.u32 v17, v14;
	vm2 =	vmand vm10, vm6  }
0x418: {  	vm6 =	vlt.f32 v61, v60;
	vm15 =	vmor vm3, vm13;
	v4 =	vnsel vm4, $0xFF800000, v4  }
0x419: {  	vm1 =	vmand vm8, vm5;
	vm8 =	vne.s32 v24, v14;
	vm13 =	vmor vm9, vm2  }
0x41a: {  	vm2 =	vlt.f32 v7, v60;
	vm4 =	veq.f32 v7, v60;
	v3 =	vnsel vm15, $0xFF800000, v3  }
0x41b: {  	vm1 =	vmor vm7, vm1;
	vm3 =	vmand vm12, vm8;
	v8 =	vnsel vm13, $0xFF800000, v8  }
0x41c: {  	vm13 =	veq.s32 v2, $0x1;
	vm7 =	vlt.f32 v35, v60;
	v12 =	vnsel vm1, $0xFF800000, v12  }
0x41d: {  	vm14 =	vmor vm11, vm3;
	vm15 =	vgt.f32 v3, v10;
	vm1 =	vlt.f32 v1, v60  }
0x41e: {  	vm3 =	veq.f32 v1, v60;
	v0 =	vnsel vm14, $0xFF800000, v0;
	v3 =	vsel vm15, v3, v10  }
0x41f: {  	vm8 =	vgt.f32 v12, v4;
	v6 =	vsel vm15, v9, v6;
	vm14 =	veq.s32 v2, $0x2  }
0x420: {  	vm15 =	veq.s32 v2, $0x3;
	vm9 =	vgt.f32 v0, v8;
	v4 =	vsel vm8, v12, v4  }
0x421: {  	vm10 =	vgt.f32 v3, v5;
	v0 =	vsel vm9, v0, v8;
	v8 =	vsel vm0, $0x1, v49  }
0x422: {  	v3 =	vsel vm10, v3, v5;
	v12 =	vsel vm9, v24, v23;
	vm0 =	veq.s32 v2, $0x0  }
0x423: {  	vm9 =	veq.s32 v2, $0x4;
	v8 =	vor.u32 v8, v11;
	vm11 =	vgt.f32 v0, v4  }
0x424: {  	v11 =	vsel vm8, v17, v15;
	v0 =	vsel vm11, v0, v4;
	v6 =	vsel vm10, v6, v8  }
0x425: {  	v4 =	vsel vm11, v12, v11;
	vm10 =	veq.s32 v2, $0x5;
	vm12 =	vgt.f32 v0, v3  }
0x426: {  	vm11 =	veq.s32 v2, $0x6;
	v3 =	vsel vm12, v0, v3;
	v4 =	vsel vm12, v4, v6  }
0x427: {  	vm12 =	veq.s32 v2, $0x7;
	v6 =	vsel vm0, v3, v62;
	v11 =	vsel vm13, v3, v16  }
0x428: {  	v8 =	vsel vm14, v3, v53;
	v9 =	vsel vm15, v3, v54;
	v51 =	vsel vm9, v3, v51  }
0x429: {  	v53 =	vsel vm10, v3, v55;
	v54 =	vsel vm11, v3, v33;
	v55 =	vsel vm12, v3, v29  }
0x42a: {  	v29 =	vsel vm0, v4, v21;
	v33 =	vsel vm13, v4, v31;
	v22 =	vsel vm14, v4, v20  }
0x42b: {  	v24 =	vsel vm15, v4, v52;
	v52 =	vsel vm9, v4, v56;
	v56 =	vsel vm10, v4, v63  }
0x42c: {  	v57 =	vsel vm11, v4, v57;
	v58 =	vsel vm12, v4, v58;
	vm9 =	vlt.f32 v13, v60  }
0x42d: {  	v3 =	vand.u32 $0xFFFFFFF8, v26;
	vm10 =	vlt.f32 v59, v60;
	vm11 =	veq.f32 v59, v60  }
0x42e: {  	vm0 =	veq.f32 v35, v60;
	v63 =	vshll.u32 v14, $0x7;
	vm13 =	vgt.f32 v11, v6  }
0x42f: {  	vm14 =	vgt.f32 v9, v8;
	vm12 =	veq.s32 v3, v26;
	v21 =	vnsel vm9, $0xFF800000, v13  }
0x430: {  	vm9 =	veq.f32 v61, v60;
	v15 =	vsel vm13, v11, v6;
	v16 =	vsel vm14, v9, v8  }
0x431: {  	vm5 =	vmand vm11, vm12;
	v17 =	vsel vm13, v33, v29;
	v20 =	vsel vm14, v24, v22  }
0x432: {  	vm11 =	vlt.f32 v18, v60;
	vm12 =	veq.f32 v18, v60;
	vm14 =	vgt.f32 v55, v54  }
0x433: {  	vm15 =	vgt.f32 v16, v15;
	vm13 =	vmor vm10, vm5;
	vm5 =	vlt.f32 v19, v60  }
0x434: {  	vm10 =	veq.f32 v19, v60;
	v34 =	vsel vm14, v55, v54;
	v4 =	vsel vm15, v16, v15  }
0x435: {  	v5 =	vsel vm15, v20, v17;
	v23 =	vnsel vm13, $0xFF800000, v59;
	vm13 =	vgt.f32 v53, v51  }
0x436: {  	v15 =	vor.u32 $0x2, v3;
	v59 =	vsel vm14, v58, v57;
	v16 =	vor.u32 $0x3, v3  }
0x437: {  	v20 =	vor.u32 $0x5, v3;
	v31 =	vsel vm13, v53, v51;
	vm8 =	vgt.f32 v23, v21  }
0x438: {  	v49 =	vsel vm13, v56, v52;
	vm13 =	vgt.u32 v15, v26;
	vm14 =	vgt.u32 v16, v26  }
0x439: {  	vm15 =	vgt.f32 v34, v31;
	v10 =	vsel vm8, v23, v21;
	vm13 =	vmand vm0, vm13  }
0x43a: {  	vm12 =	vmand vm12, vm14;
	v23 =	vand.u32 $0x380, v63;
	v21 =	vor.u32 $0x4, v3  }
0x43b: {  	v12 =	vsel vm15, v34, v31;
	v13 =	vsel vm15, v59, v49;
	vm7 =	vmor vm7, vm13  }
0x43c: {  	vm14 =	vmor vm11, vm12;
	vm15 =	vgt.u32 v21, v26;
	v49 =	vlaneseq.u32  }
0x43d: {  	vm12 =	vgt.u32 v20, v26;
	vm0 =	vgt.f32 v12, v4;
	v60 =	vnsel vm7, $0xFF800000, v35  }
0x43e: {  	v2 =	vnsel vm14, $0xFF800000, v18;
	v18 =	vor.u32 v23, v32;
	v62 =	vsel vm0, v13, v5  }
0x43f: {  	vm10 =	vmand vm10, vm15;
	vm9 =	vmand vm9, vm12;
	v14 =	vshrl.u32 v62, $0x3  }
0x440: {  	vm7 =	vgt.f32 v2, v60;
	v34 =	vor.u32 v30, v18;
	v31 =	vshll.u32 v14, $0x4  }
0x441: {  	v13 =	vor.u32 v49, v63;
	v5 =	vsel vm7, v2, v60;
	v35 =	vadd.s32 s15, v31  }
0x442: {  	v17 =	vor.u32 v48, v34;
	v48 =	vshll.u32 v62, $0x8;
	v18 =	vand.u32 $0xFFFFFF80, v35  }
0x443: {  	v60 =	vlaneseq.u32;
	v18 =	vor.u32 v18, v31;
	v31 =	vand.u32 $0x7FFFF800, v48  }
0x444: {  	vm5 =	vmor vm5, vm10;
	v59 =	vor.u32 v32, v31;
	v18 =	vor.u32 v60, v18  }
0x445: {  	vm6 =	vmor vm6, vm9;
	v63 =	vimm.s32 $0x0;
	v23 =	vor.u32 v30, v59  }
0x446: {  	v19 =	vnsel vm5, $0xFF800000, v19;
	v2 =	vsel vm8, $0x1, v63;
	v49 =	vld.idx.msk [tilespmem:v13+s28+$0x0], $0xffff;
	v34 =	vor.u32 $0x80, v23  }
0x447: {  	s20 =	rddreg [dreg:$0x11];
	v35 =	vnsel vm6, $0xFF800000, v61;
	v48 =	vld.idx.msk [tilespmem:v17+s2+$0x0], $0xffff;
	v17 =	vor.u32 v2, v3;
	v13 =	vor.u32 $0x100, v23  }
0x448: {  	v3 =	vor.u32 $0x6, v3;
	[tilespmem:s20+$0x7000] =	vst v62;
	v59 =	vor.u32 $0x7, v26;
	v60 =	vor.u32 $0x180, v23  }
0x449: {  	vm13 =	vgt.u32 v3, v26;
	vm14 =	vne.s32 v59, v26;
	v63 =	vor.u32 $0x280, v23;
	v61 =	vld.idx.msk [tilespmem:v18+s5+$0x0], $0xffff  }
0x44a: {  	vm3 =	vmand vm3, vm13;
	v2 =	vor.u32 $0x300, v23;
	vm15 =	vmand vm4, vm14;
	v0 =	vld.idx.msk [tilespmem:v23+s2+$0x0], $0xffff  }
0x44b: {  	vm1 =	vmor vm1, vm3;
	vm5 =	vmor vm2, vm15;
	v18 =	vor.u32 $0x200, v23;
	v34 =	vld.idx.msk [tilespmem:v34+s2+$0x0], $0xffff  }
0x44c: {  	vm6 =	vgt.f32 v35, v19;
	v1 =	vnsel vm1, $0xFF800000, v1;
	v7 =	vnsel vm5, $0xFF800000, v7;
	v13 =	vld.idx.msk [tilespmem:v13+s2+$0x0], $0xffff  }
0x44d: {  	v15 =	vsel vm7, v16, v15;
	v16 =	vsel vm6, v35, v19;
	vm7 =	vgt.f32 v7, v1;
	v19 =	vld.idx.msk [tilespmem:v60+s2+$0x0], $0xffff  }
0x44e: {  	vm8 =	vgt.f32 v5, v10;
	v23 =	vor.u32 $0x380, v23;
	v1 =	vsel vm7, v7, v1;
	v60 =	vld.idx.msk [tilespmem:v63+s2+$0x0], $0xffff  }
0x44f: {  	v20 =	vsel vm6, v20, v21;
	v59 =	vsel vm7, v59, v3;
	v2 =	vld.idx.msk [tilespmem:v2+s2+$0x0], $0xffff;
	vm9 =	vgt.f32 v1, v16  }
0x450: {  	v3 =	vsel vm8, v5, v10;
	v35 =	vld.idx.msk [tilespmem:v18+s2+$0x0], $0xffff;
	v18 =	vsel vm8, v15, v17;
	v15 =	vsel vm9, v1, v16  }
0x451: {  	v16 =	vsel vm9, v59, v20;
	v20 =	vsel vm0, v12, v4;
	v12 =	vand.u32 $0xFFFFFFF8, v62  }
0x452: {  	v0 =	vmul.f32 v0, v61;
	vm12 =	veq.s32 v12, v62;
	v63 =	vmul.f32 v34, v61  }
0x453: {  	v21 =	vld.idx.msk [tilespmem:v23+s2+$0x0], $0xffff;
	v59 =	vor.u32 $0x4, v12;
	v13 =	vmul.f32 v13, v61;
	v23 =	vmul.f32 v19, v61  }
0x454: {  	v5 =	vmul.f32 v60, v61;
	v2 =	vmul.f32 v2, v61;
	v34 =	vor.u32 $0x2, v12  }
0x455: {  	vm14 =	vgt.u32 v59, v62;
	v60 =	vor.u32 $0x5, v12;
	vm0 =	vlt.f32 v0, v20  }
0x456: {  	vm13 =	vgt.u32 v34, v62;
	vm10 =	vlt.f32 v63, v20;
	vm11 =	veq.f32 v63, v20  }
0x457: {  	v0 =	vnsel vm0, $0xFF800000, v0;
	vm3 =	vlt.f32 v23, v20;
	vm4 =	veq.f32 v23, v20  }
0x458: {  	vm7 =	vlt.f32 v5, v20;
	vm8 =	veq.f32 v5, v20;
	vm9 =	vlt.f32 v2, v20  }
0x459: {  	vm2 =	vmand vm11, vm12;
	v7 =	vmul.f32 v35, v61;
	v35 =	vor.u32 $0x3, v12  }
0x45a: {  	vm1 =	vmor vm10, vm2;
	v4 =	vmul.f32 v21, v61;
	vm2 =	veq.f32 v13, v20  }
0x45b: {  	vm10 =	veq.f32 v2, v20;
	v61 =	vor.u32 $0x6, v12;
	v10 =	vnsel vm1, $0xFF800000, v63  }
0x45c: {  	vm1 =	vlt.f32 v13, v20;
	vm5 =	vlt.f32 v7, v20;
	vm6 =	veq.f32 v7, v20  }
0x45d: {  	vm2 =	vmand vm2, vm13;
	vm13 =	vgt.u32 v35, v62;
	v63 =	vor.u32 $0x7, v62  }
0x45e: {  	vm11 =	vlt.f32 v4, v20;
	vm0 =	vgt.f32 v10, v0;
	vm12 =	veq.f32 v4, v20  }
0x45f: {  	vm1 =	vmor vm1, vm2;
	vm13 =	vmand vm4, vm13;
	vm14 =	vmand vm6, vm14  }
0x460: {  	vm6 =	vgt.u32 v61, v62;
	v0 =	vsel vm0, v10, v0;
	v13 =	vnsel vm1, $0xFF800000, v13  }
0x461: {  	vm15 =	vmor vm3, vm13;
	vm4 =	vmor vm5, vm14;
	vm5 =	vgt.u32 v60, v62  }
0x462: {  	vm2 =	vmand vm10, vm6;
	v17 =	vnsel vm15, $0xFF800000, v23;
	v7 =	vnsel vm4, $0xFF800000, v7  }
0x463: {  	vm1 =	vmand vm8, vm5;
	vm8 =	vne.s32 v63, v62;
	vm13 =	vmor vm9, vm2  }
0x464: {  	vm2 =	veq.s32 v50, $0x0;
	vm4 =	veq.s32 v50, $0x2;
	vm1 =	vmor vm7, vm1  }
0x465: {  	vm3 =	vmand vm12, vm8;
	v2 =	vnsel vm13, $0xFF800000, v2;
	vm15 =	vgt.f32 v17, v13  }
0x466: {  	vm13 =	veq.s32 v14, $0x1;
	v5 =	vnsel vm1, $0xFF800000, v5;
	vm14 =	vmor vm11, vm3  }
0x467: {  	v13 =	vsel vm15, v17, v13;
	v17 =	vimm.s32 $0x0;
	v1 =	vsel vm15, v35, v34  }
0x468: {  	vm15 =	veq.s32 v14, $0x3;
	vm3 =	veq.s32 v50, $0x1;
	vm1 =	veq.s32 v50, $0x3  }
0x469: {  	v4 =	vnsel vm14, $0xFF800000, v4;
	vm8 =	vgt.f32 v5, v7;
	vm10 =	vgt.f32 v13, v0  }
0x46a: {  	vm14 =	veq.s32 v14, $0x2;
	vm9 =	vgt.f32 v4, v2;
	v5 =	vsel vm8, v5, v7  }
0x46b: {  	v0 =	vsel vm10, v13, v0;
	v20 =	vsel vm8, v60, v59;
	v2 =	vsel vm9, v4, v2  }
0x46c: {  	v4 =	vsel vm0, $0x1, v17;
	v21 =	vsel vm9, v63, v61;
	vm0 =	veq.s32 v14, $0x0  }
0x46d: {  	vm9 =	veq.s32 v14, $0x4;
	v4 =	vor.u32 v4, v12;
	vm11 =	vgt.f32 v2, v5  }
0x46e: {  	v2 =	vsel vm11, v2, v5;
	v1 =	vsel vm10, v1, v4;
	v23 =	vsel vm11, v21, v20  }
0x46f: {  	vm10 =	veq.s32 v14, $0x5;
	vm11 =	veq.s32 v14, $0x6;
	vm12 =	vgt.f32 v2, v0  }
0x470: {  	v0 =	vsel vm12, v2, v0;
	v4 =	vsel vm12, v23, v1;
	vm12 =	veq.s32 v14, $0x7  }
0x471: {  	v61 =	vsel vm0, v0, v6;
	v60 =	vsel vm13, v0, v11;
	v59 =	vsel vm14, v0, v8  }
0x472: {  	v14 =	vsel vm15, v0, v9;
	v51 =	vsel vm9, v0, v51;
	v9 =	vsel vm10, v0, v53  }
0x473: {  	v5 =	vsel vm11, v0, v54;
	v2 =	vsel vm12, v0, v55;
	v1 =	vsel vm0, v4, v29  }
0x474: {  	v63 =	vsel vm13, v4, v33;
	v55 =	vsel vm14, v4, v22;
	v54 =	vsel vm15, v4, v24  }
0x475: {  	v53 =	vsel vm9, v4, v52;
	v52 =	vsel vm10, v4, v56;
	v11 =	vsel vm11, v4, v57  }
0x476: {  	v4 =	vsel vm12, v4, v58;
	vm11 =	vgt.f32 v15, v3;
	v22 =	vshll.u32 v62, $0x7  }
0x477: {  	vm12 =	veq.s32 v50, $0x4;
	v33 =	vlaneseq.u32;
	vm13 =	vgt.f32 v60, v61  }
0x478: {  	vm14 =	vgt.f32 v14, v59;
	vm15 =	vgt.f32 v9, v51;
	vm8 =	vgt.f32 v2, v5  }
0x479: {  	v3 =	vsel vm11, v15, v3;
	v10 =	vsel vm11, v16, v18;
	v23 =	vand.u32 $0x380, v22  }
0x47a: {  	v34 =	vsel vm13, v60, v61;
	v35 =	vsel vm14, v14, v59;
	v56 =	vsel vm13, v63, v1  }
0x47b: {  	v57 =	vsel vm14, v54, v55;
	v58 =	vsel vm15, v9, v51;
	v17 =	vsel vm8, v2, v5  }
0x47c: {  	v20 =	vsel vm15, v52, v53;
	v21 =	vsel vm8, v4, v11;
	vm13 =	veq.s32 v50, $0x5  }
0x47d: {  	v12 =	vor.u32 v23, v32;
	vm14 =	veq.s32 v50, $0x6;
	vm15 =	veq.s32 v50, $0x7  }
0x47e: {  	v16 =	vsel vm3, v3, v28;
	v18 =	vsel vm1, v3, v44;
	v44 =	vsel vm2, v10, v38  }
0x47f: {  	v25 =	vsel vm3, v10, v25;
	vm9 =	vgt.f32 v35, v34;
	vm10 =	vgt.f32 v17, v58  }
0x480: {  	v12 =	vor.u32 v30, v12;
	v23 =	vsel vm15, v3, v37;
	v62 =	vsel vm13, v10, v36  }
0x481: {  	v36 =	vsel vm14, v10, v46;
	v6 =	vsel vm9, v35, v34;
	v19 =	vsel vm9, v57, v56  }
0x482: {  	v50 =	vld [tilespmem:$0x1FE90];
	v7 =	vsel vm10, v17, v58;
	v8 =	vsel vm10, v21, v20;
	v12 =	vor.u32 v31, v12  }
0x483: {  	v17 =	vsel vm4, v3, v27;
	v20 =	vsel vm12, v3, v39;
	v21 =	vsel vm13, v3, v45  }
0x484: {  	v35 =	vlaneseq.u32;
	v45 =	vsel vm4, v10, v40;
	vm0 =	vgt.f32 v7, v6  }
0x485: {  	v58 =	vsel vm12, v10, v41;
	vm6 =	vgt.f32 v21, v20;
	v8 =	vsel vm0, v8, v19  }
0x486: {  	v19 =	vor.u32 v33, v22;
	v22 =	vsel vm14, v3, v43;
	v20 =	vsel vm6, v21, v20  }
0x487: {  	v56 =	vshrl.u32 v8, $0x3;
	v34 =	vshll.u32 v8, $0x8;
	v57 =	vsel vm1, v10, v50  }
0x488: {  	v31 =	vld [tilespmem:$0x1FE80];
	v10 =	vsel vm15, v10, v47;
	vm7 =	vgt.f32 v23, v22;
	v27 =	vand.u32 $0x7FFFF800, v34  }
0x489: {  	v47 =	vsel vm6, v62, v58;
	v24 =	vshll.u32 v56, $0x4;
	v43 =	vor.u32 v32, v27  }
0x48a: {  	v22 =	vsel vm7, v23, v22;
	v10 =	vsel vm7, v10, v36;
	v28 =	vor.u32 v30, v43  }
0x48b: {  	v29 =	vadd.s32 s15, v24;
	v0 =	vld.idx.msk [tilespmem:v12+s2+$0x0], $0xffff;
	vm9 =	vgt.f32 v22, v20;
	v12 =	vor.u32 $0x80, v28  }
0x48c: {  	v15 =	vand.u32 $0xFFFFFF80, v29;
	v10 =	vsel vm9, v10, v47;
	v43 =	vor.u32 $0x100, v28  }
0x48d: {  	v47 =	vld [tilespmem:$0x1FEA0];
	v13 =	vor.u32 v15, v24;
	v15 =	vsel vm2, v3, v31;
	v46 =	vor.u32 $0x180, v28  }
0x48e: {  	vm5 =	vgt.f32 v18, v17;
	v3 =	vld.idx.msk [tilespmem:v19+s28+$0x0], $0xffff;
	[tilespmem:s11+$0x7000] =	vst v8;
	v62 =	vor.u32 $0x200, v28;
	vm4 =	vgt.f32 v16, v15  }
0x48f: {  	v13 =	vor.u32 v35, v13;
	v24 =	vsel vm4, v25, v44;
	v44 =	vsel vm5, v57, v45;
	v45 =	vld.idx.msk [tilespmem:v28+s2+$0x0], $0xffff  }
0x490: {  	v29 =	vor.u32 $0x280, v28;
	v12 =	vld.idx.msk [tilespmem:v12+s2+$0x0], $0xffff  }
0x491: {  	v33 =	vor.u32 $0x300, v28;
	v15 =	vsel vm4, v16, v15;
	v16 =	vld.idx.msk [tilespmem:v43+s2+$0x0], $0xffff  }
0x492: {  	v36 =	vor.u32 $0x380, v28;
	v25 =	vld.idx.msk [tilespmem:v46+s2+$0x0], $0xffff  }
0x493: {  	v17 =	vsel vm5, v18, v17;
	v57 =	vsel vm9, v22, v20;
	v20 =	vld.idx.msk [tilespmem:v62+s2+$0x0], $0xffff  }
0x494: {  	vm8 =	vgt.f32 v17, v15;
	v13 =	vld.idx.msk [tilespmem:v13+s5+$0x0], $0xffff  }
0x495: {  	v40 =	vlaneseq.u32;
	v6 =	vsel vm0, v7, v6;
	v15 =	vsel vm8, v17, v15;
	v17 =	vld.idx.msk [tilespmem:v29+s2+$0x0], $0xffff  }
0x496: {  	v34 =	vimm.s32 $0x0;
	v50 =	vsel vm8, v44, v24;
	vm10 =	vgt.f32 v57, v15;
	v21 =	vld.idx.msk [tilespmem:v33+s2+$0x0], $0xffff  }
0x497: {  	v15 =	vand.u32 $0xFFFFFFF8, v8;
	v23 =	vld.idx.msk [tilespmem:v36+s2+$0x0], $0xffff;
	v46 =	vor.u32 $0x7, v8;
	v10 =	vsel vm10, v10, v50  }
0x498: {  	vm12 =	veq.s32 v15, v8;
	v31 =	vor.u32 $0x2, v15;
	v35 =	vor.u32 $0x3, v15;
	v50 =	vld [tilespmem:$0x1FEB0]  }
0x499: {  	v43 =	vor.u32 $0x4, v15;
	v44 =	vor.u32 $0x5, v15;
	v58 =	vmul.f32 v45, v13  }
0x49a: {  	vm9 =	vgt.u32 v31, v8;
	v24 =	vmul.f32 v12, v13;
	v16 =	vmul.f32 v16, v13  }
0x49b: {  	vm6 =	vgt.u32 v43, v8;
	v12 =	vmul.f32 v25, v13;
	v20 =	vmul.f32 v20, v13  }
0x49c: {  	v17 =	vmul.f32 v17, v13;
	v21 =	vmul.f32 v21, v13;
	v45 =	vor.u32 $0x6, v15  }
0x49d: {  	v13 =	vmul.f32 v23, v13;
	v18 =	vsub.f32 v47, v50;
	vm0 =	vlt.f32 v58, v6  }
0x49e: {  	vm11 =	veq.f32 v24, v6;
	vm13 =	vlt.f32 v24, v6;
	vm15 =	vlt.f32 v16, v6  }
0x49f: {  	vm8 =	veq.f32 v16, v6;
	vm10 =	veq.f32 v12, v6;
	vm5 =	veq.f32 v13, v6  }
0x4a0: {  	vm1 =	vmand vm11, vm12;
	v19 =	vnsel vm0, $0xFF800000, v58;
	vm2 =	vmand vm8, vm9  }
0x4a1: {  	vm11 =	vgt.u32 v35, v8;
	vm8 =	veq.f32 v17, v6;
	vm9 =	vgt.u32 v44, v8  }
0x4a2: {  	vm14 =	vmor vm13, vm1;
	vm1 =	vmor vm15, vm2;
	vm12 =	vmand vm10, vm11  }
0x4a3: {  	vm13 =	vlt.f32 v12, v6;
	vm15 =	veq.f32 v20, v6;
	vm10 =	vmand vm8, vm9  }
0x4a4: {  	vm11 =	vlt.f32 v17, v6;
	vm2 =	vmor vm13, vm12;
	v7 =	vnsel vm14, $0xFF800000, v24  }
0x4a5: {  	v16 =	vnsel vm1, $0xFF800000, v16;
	vm14 =	vlt.f32 v20, v6;
	vm1 =	vmand vm15, vm6  }
0x4a6: {  	vm12 =	veq.f32 v21, v6;
	vm13 =	vgt.u32 v45, v8;
	vm15 =	vlt.f32 v21, v6  }
0x4a7: {  	v57 =	vld [tilespmem:$0x1FEC0];
	vm6 =	vne.s32 v46, v8;
	v8 =	vshll.u32 v8, $0x7;
	v12 =	vnsel vm2, $0xFF800000, v12  }
0x4a8: {  	v58 =	vld [tilespmem:$0x1FED0];
	vm0 =	vmor vm14, vm1;
	vm14 =	vmand vm12, vm13;
	vm8 =	vgt.f32 v7, v19  }
0x4a9: {  	vm13 =	veq.s32 v56, $0x0;
	vm7 =	vgt.f32 v12, v16;
	v20 =	vnsel vm0, $0xFF800000, v20  }
0x4aa: {  	vm0 =	vmor vm11, vm10;
	v7 =	vsel vm8, v7, v19;
	v36 =	vsel vm8, $0x1, v34  }
0x4ab: {  	v62 =	vld [tilespmem:$0x1FEE0];
	vm8 =	veq.s32 v56, $0x7;
	v12 =	vsel vm7, v12, v16;
	v22 =	vsel vm7, v35, v31  }
0x4ac: {  	v24 =	vld [tilespmem:$0x1FEF0];
	v17 =	vnsel vm0, $0xFF800000, v17;
	vm0 =	vmor vm15, vm14;
	vm7 =	vlt.f32 v13, v6  }
0x4ad: {  	v31 =	vsub.f32 v57, v58;
	vm14 =	veq.s32 v56, $0x1;
	vm15 =	veq.s32 v56, $0x2  }
0x4ae: {  	vm4 =	vgt.f32 v17, v20;
	v21 =	vnsel vm0, $0xFF800000, v21;
	vm0 =	vmand vm5, vm6  }
0x4af: {  	vm10 =	vgt.f32 v12, v7;
	vm5 =	veq.s32 v56, $0x4;
	vm6 =	veq.s32 v56, $0x5  }
0x4b0: {  	v17 =	vsel vm4, v17, v20;
	v16 =	vsel vm4, v44, v43;
	vm0 =	vmor vm7, vm0  }
0x4b1: {  	v29 =	vsub.f32 v62, v24;
	v44 =	vshll.u32 v10, $0x8;
	v7 =	vsel vm10, v12, v7  }
0x4b2: {  	v12 =	vshll.u32 v10, $0x7;
	vm4 =	veq.s32 v56, $0x3;
	vm7 =	veq.s32 v56, $0x6  }
0x4b3: {  	v47 =	vld [tilespmem:$0x1FF20];
	v35 =	vnsel vm0, $0xFF800000, v13;
	v13 =	vor.u32 v36, v15;
	v15 =	vshll.u32 v26, $0x7  }
0x4b4: {  	v50 =	vld [tilespmem:$0x1FF30];
	v20 =	vand.u32 $0x7FFFF800, v44;
	vm9 =	vgt.f32 v35, v21;
	v13 =	vsel vm10, v22, v13  }
0x4b5: {  	v6 =	vsel vm9, v35, v21;
	v43 =	vsel vm9, v46, v45;
	v45 =	vand.u32 $0x380, v12  }
0x4b6: {  	v46 =	vand.u32 $0x380, v15;
	v12 =	vor.u32 v40, v12;
	vm11 =	vgt.f32 v6, v17  }
0x4b7: {  	v20 =	vor.u32 v20, v45;
	v6 =	vsel vm11, v6, v17;
	v16 =	vsel vm11, v43, v16  }
0x4b8: {  	v17 =	vor.u32 v46, v47;
	v19 =	vor.u32 v47, v20;
	vm12 =	vgt.f32 v6, v7  }
0x4b9: {  	v57 =	vor.u32 v50, v17;
	v19 =	vor.u32 v50, v19;
	v6 =	vsel vm12, v6, v7  }
0x4ba: {  	v7 =	vsel vm12, v16, v13;
	v13 =	vadd.f32 v31, v18;
	v58 =	vsel vm13, v6, v61  }
0x4bb: {  	v28 =	vld [tilespmem:$0x1FF00];
	v1 =	vsel vm13, v7, v1;
	v60 =	vsel vm14, v6, v60;
	v61 =	vsel vm14, v7, v63  }
0x4bc: {  	v47 =	vld [tilespmem:$0x1FF40];
	v62 =	vsel vm15, v6, v59;
	v63 =	vsel vm15, v7, v55;
	v14 =	vsel vm4, v6, v14  }
0x4bd: {  	v33 =	vld [tilespmem:$0x1FF10];
	v43 =	vsel vm4, v7, v54;
	v44 =	vsel vm5, v6, v51;
	v45 =	vsel vm5, v7, v53  }
0x4be: {  	v23 =	vld [tilespmem:$0x1FF70];
	v9 =	vsel vm6, v6, v9;
	v46 =	vsel vm6, v7, v52;
	v5 =	vsel vm7, v6, v5  }
0x4bf: {  	v25 =	vld [tilespmem:$0x1FF90];
	v11 =	vsel vm7, v7, v11;
	v2 =	vsel vm8, v6, v2;
	v4 =	vsel vm8, v7, v4  }
0x4c0: {  	v56 =	vld [tilespmem:$0x1FF50];
	v52 =	vor.u32 v40, v15;
	vm9 =	vgt.f32 v60, v58;
	vm10 =	vgt.f32 v14, v62  }
0x4c1: {  	v24 =	vld [tilespmem:$0x1FF80];
	vm11 =	vgt.f32 v9, v44;
	vm12 =	vgt.f32 v2, v5;
	v16 =	vor.u32 v47, v57  }
0x4c2: {  	v26 =	vld [tilespmem:$0x1FFA0];
	v50 =	vsel vm9, v60, v58;
	v1 =	vsel vm9, v61, v1;
	v14 =	vsel vm10, v14, v62  }
0x4c3: {  	v36 =	vld [tilespmem:$0x1FFD0];
	v53 =	vsel vm10, v43, v63;
	v9 =	vsel vm11, v9, v44;
	v54 =	vsel vm11, v46, v45  }
0x4c4: {  	v35 =	vld [tilespmem:$0x1FFC0];
	v2 =	vsel vm12, v2, v5;
	v4 =	vsel vm12, v4, v11;
	v60 =	vand.u32 $0x380, v8  }
0x4c5: {  	v57 =	vld [tilespmem:$0x1FF60];
	vm13 =	vgt.f32 v14, v50;
	vm14 =	vgt.f32 v2, v9;
	v62 =	vor.u32 v60, v32  }
0x4c6: {  	v43 =	vld [tilespmem:$0x1FFF0];
	v55 =	vsel vm13, v14, v50;
	v1 =	vsel vm13, v53, v1;
	v2 =	vsel vm14, v2, v9  }
0x4c7: {  	v4 =	vsel vm14, v4, v54;
	v14 =	vsub.f32 v42, v23;
	v42 =	vld [tilespmem:$0x1FFE0];
	vm15 =	vgt.f32 v2, v55  }
0x4c8: {  	v59 =	vld.idx.msk [tilespmem:v52+s28+$0x0], $0xffff;
	v1 =	vsel vm15, v4, v1;
	v4 =	vor.u32 v30, v62  }
0x4c9: {  	s25 =	rddreg [dreg:$0xc];
	v28 =	vsub.f32 v28, v33;
	v13 =	vadd.f32 v29, v13;
	v4 =	vor.u32 v27, v4;
	v27 =	vld [tilespmem:$0x1FFB0]  }
0x4ca: {  	v58 =	vld.idx.msk [tilespmem:v16+s2+$0x0], $0xffff;
	[tilespmem:s25+$0x7000] =	vst v10  }
0x4cb: {  	v8 =	vor.u32 v40, v8;
	v51 =	vadd.f32 v28, v13;
	v6 =	vsub.f32 v56, v57;
	v63 =	vld.idx.msk [tilespmem:v19+s2+$0x0], $0xffff  }
0x4cc: {  	v13 =	vsub.f32 v24, v25;
	v20 =	vshll.u32 v1, $0x8;
	v21 =	vshll.u32 v1, $0x7;
	v12 =	vld.idx.msk [tilespmem:v12+s28+$0x0], $0xffff  }
0x4cd: {  	v7 =	vand.u32 $0x7FFFF800, v20;
	v22 =	vand.u32 $0x380, v21;
	v61 =	vadd.f32 v6, v51  }
0x4ce: {  	v16 =	vsub.f32 v35, v36;
	v7 =	vor.u32 v7, v22;
	v15 =	vsub.f32 v26, v27  }
0x4cf: {  	v10 =	vor.u32 v40, v21;
	v7 =	vor.u32 v32, v7;
	v2 =	vadd.f32 v14, v61  }
0x4d0: {  	v7 =	vor.u32 v30, v7;
	v9 =	vsub.f32 v58, v59;
	v33 =	vadd.f32 v15, v13  }
0x4d1: {  	v5 =	vsub.f32 v63, v12;
	v12 =	vsub.f32 v42, v43  }
0x4d2: {  	v8 =	vld.idx.msk [tilespmem:v8+s28+$0x0], $0xffff;
	v2 =	vadd.f32 v9, v2;
	v11 =	vadd.f32 v16, v33  }
0x4d3: {  	v45 =	vsub.f32 v48, v49;
	v4 =	vld.idx.msk [tilespmem:v4+s2+$0x0], $0xffff;
	[tilespmem:s8+$0x7000] =	vst v1  }
0x4d4: {  	v10 =	vld.idx.msk [tilespmem:v10+s28+$0x0], $0xffff;
	v2 =	vadd.f32 v5, v2;
	v44 =	vadd.f32 v12, v11  }
0x4d5: {  	v0 =	vsub.f32 v0, v3;
	v7 =	vld.idx.msk [tilespmem:v7+s2+$0x0], $0xffff  }
0x4d6: {  	v2 =	vadd.f32 $9.999999680e-21, v2;
	v1 =	vadd.f32 v45, v44;
	_ =	sdelay $0x1  }
0x4d7: {  	v46 =	vsub.f32 v4, v8;
	(erf) = vrcp.f32 v2;
	v1 =	vadd.f32 v0, v1;
	_ =	sdelay $0x1  }
0x4d8: {  	v47 =	vsub.f32 v7, v10;
	v1 =	vadd.f32 v46, v1;
	_ =	sdelay $0x1  }
0x4d9: {  	v1 =	vadd.f32 v47, v1;
	_ =	sdelay $0x1  }
0x4da: {  	v1 =	vadd.f32 $9.999999680e-21, v1;
	_ =	sdelay $0x1  }
0x4db: {  	(erf) = vrcp.f32 v1  }
0x4dc: {  	v48 =	vpop (erf)  }
0x4dd: {  	v1 =	vmul.f32 $2.500000000e+00, v48;
	_ =	sdelay $0x1  }
0x4de: {  	v49 =	vmul.f32 v1, v18  }
0x4df: {  	v50 =	vmul.f32 v1, v31  }
0x4e0: {  	s26 =	rddreg [dreg:$0xe];
	v51 =	vmul.f32 v1, v29;
	[tilespmem:s23+$0x6800] =	vst v49  }
0x4e1: {  	v52 =	vmul.f32 v1, v28;
	[tilespmem:s26+$0x6800] =	vst v50  }
0x4e2: {  	s31 =	rddreg [dreg:$0x10];
	v53 =	vmul.f32 v1, v6;
	[tilespmem:s23+$0x6900] =	vst v51  }
0x4e3: {  	v54 =	vmul.f32 v1, v14;
	[tilespmem:s31+$0x6800] =	vst v52;
	v55 =	vpop (erf)  }
0x4e4: {  	v56 =	vmul.f32 v1, v9;
	[tilespmem:s23+$0x6A00] =	vst v53;
	v7 =	vmul.f32 $2.500000000e+00, v55  }
0x4e5: {  	v1 =	vmul.f32 v1, v5;
	[tilespmem:s16+$0x6800] =	vst v54  }
0x4e6: {  	[tilespmem:s19+$0x6800] =	vst v56;
	v57 =	vmul.f32 v7, v13  }
0x4e7: {  	[tilespmem:s25+$0x6800] =	vst v1;
	v58 =	vmul.f32 v7, v15  }
0x4e8: {  	s24 =	rddreg [dreg:$0xa];
	v59 =	vmul.f32 v7, v16;
	[tilespmem:s30+$0x6800] =	vst v57  }
0x4e9: {  	s0 =	sadd.s32 $0x2, s24;
	v60 =	vmul.f32 v7, v12;
	[tilespmem:s29+$0x6800] =	vst v58  }
0x4ea: {  	p0 =	slt.u32 s0, $0xE;
	v61 =	vmul.f32 v7, v45;
	[tilespmem:s30+$0x6900] =	vst v59  }
.Ltmp0:
0x4eb: {  	v0 =	vmul.f32 v7, v0;
	[tilespmem:s17+$0x6800] =	vst v60;
	(pc) =	sbr.rel @p0 .LBB2_2-.Ltmp0, $4  }
0x4ec: {  	v62 =	vmul.f32 v7, v46;
	[tilespmem:s30+$0x6A00] =	vst v61  }
0x4ed: {  	s22 =	sadd.s32 $0x20, s22;
	v63 =	vmul.f32 v7, v47;
	[tilespmem:s20+$0x6800] =	vst v0  }
0x4ee: {  	s6 =	sadd.s32 $0x2, s6;
	s4 =	sadd.s32 $0x100, s4;
	s1 =	rddreg [dreg:$0xb];
	v38 =	vimm.s32 $0x4;
	[tilespmem:s11+$0x6800] =	vst v62  }
0x4ef: {  	s1 =	sadd.s32 $0x1, s1;
	s18 =	sadd.s32 $0x100, s18;
	s21 =	sadd.s32 $0x100, s21;
	v37 =	vimm.s32 $0x2;
	v39 =	vimm.s32 $0x6;
	v41 =	vimm.f32 $0.0e+00;
	[tilespmem:s8+$0x6800] =	vst v63  }
0x4f0: {  	s0 =	rddreg [dreg:$0x6];
	s1 =	simm.s32 $0x6800;
	s5 =	simm.s32 $0x1  }
0x4f1: {  	[hbm4b:s0+s2] =	stream.linear.scatter [tilespmem:s1], [sflag:$0x1], $0x800, $0x38;
	[tilespmem:$0x7800] =	vst v63  }
0x4f2: {  	_ =	swait.ge [sflag:s5], $0x800  }
0x4f3: {  	[sflag:s5] =	ssyncset.done $0x0  }
0x4f4: {  	s29 =	simm.s32 $0x7000;
	s26 =	rddreg [dreg:$0x7];
	[sflag:s5] =	ssyncadd.s32 $0xFFFFF800  }
0x4f5: {  	[hbm4b:s26+s2] =	stream.linear.scatter [tilespmem:s29], [sflag:$0x1], $0x800, $0x38;
	[tilespmem:$0x7800] =	vst v63  }
0x4f6: {  	_ =	swait.ge [sflag:s5], $0x800  }
0x4f7: {  	s30 =	rddreg [dreg:$0x9]  }
0x4f8: {  	s31 =	rddreg [dreg:$0x8];
	s1 =	sadd.s32 $0x1, s30  }
0x4f9: {  	p0 =	sne.s32 s1, s31  }
.Ltmp1:
0x4fa: {  	_ = 	snop;
	(pc) =	sbr.rel @p0 .LBB2_1-.Ltmp1, $3  }
0x4fb: {  	_ =	sdelay $0x1  }
0x4fc: {  	[sflag:s5] =	ssyncset.done $0x0  }
0x4fd: {  	s4 =	simm.s32 $0x4000;
	[sflag:s5] =	ssyncadd.s32 $0xFFFFF800  }
0x4fe: {  	_ =	sfence.sel $0x180000  }
0x4ff: {  	[bflag:$0x0] =	sbarrier.arrive $0xFFFF  }
0x500: {  	_ =	strace $0x90000047  }
0x501: {  	s0 =	stileid.u32;
	[bflag:$0x2] =	sbarrier.arrive $0xFFFF  }
0x502: {  	p0 =	sne.s32 s0, $0x0;
	s0 =	rddreg [dreg:$0x3]  }
0x503: {  	s0 =	sadd.s32 @!p0 $0x100000, s0  }
0x504: {  	[sflag:s0] =	ssyncadd.tile.s32 @!p0 $0x1;
	_ =	shalt  }
.Lfunc_end2:
_tile_overlayer_lowered:
.L_overlay_start_2:
0x505: {  	(tag) =	ssettag $0x2  }
0x506: {  	s0 =	rddreg [dreg:$0x0];
	s2 =	stileid.u32  }
0x507: {  	s1 =	rddreg [dreg:$0x1];
	p0 =	sne.s32 s2, $0x0  }
0x508: {  	s3 =	rddreg [dreg:$0x2];
	[bflag:$0x3] =	sbarrier.arrive $0xFFFF;
	s2 =	simm.s32 @!p0 $0x1C01  }
0x509: {  	[timem:s3], [sflag:s2] =	dma.local @!p0 [hbm:s0], s1  }
0x50a: {  	s0 =	simm.s32 @!p0 $0x1  }
0x50b: {  	_ =	swait.ge @!p0 [sflag:s0], s1  }
0x50c: {  	s1 =	ssub.s32 @!p0 $0x0, s1;
	[sflag:s0] =	ssyncset.done @!p0 $0x0  }
0x50d: {  	[sflag:s0] =	ssyncadd.s32 @!p0 s1  }
0x50e: {  	[bflag:$0x3] =	sbarrier.arrive $0xFFFF  }
0x50f: {  	_ =	shalt  }

</sc_bundles>
